<compile_context>
chip_gen: v7x
topology: tpu7x:2x2x1
jax: 0.10.2.dev20260603
libtpu: 0.0.44.dev20260713+nightly
codegen_flags: <defaults>
</compile_context>

<pallas_src>
import functools

import jax
import jax.numpy as jnp
from jax import lax
from jax.experimental import pallas as pl
from jax.experimental.pallas import tpu as pltpu
from jax.experimental.pallas import tpu_sc as plsc

B = 16384
EMBED = 64
NC = 2
NS = 16
NW = NC * NS
BPW = B // NW
LANES = 16
UNROLL = 4

_mesh = plsc.VectorSubcoreMesh(core_axis_name="c", subcore_axis_name="s")


@functools.partial(
    pl.kernel,
    out_type=(
        jax.ShapeDtypeStruct((NW, LANES), jnp.float32),
        jax.ShapeDtypeStruct((B,), jnp.float32),
    ),
    mesh=_mesh,
    scratch_types=[
        pltpu.VMEM((BPW,), jnp.int32),
        pltpu.VMEM((BPW,), jnp.int32),
        pltpu.VMEM((BPW // 4, EMBED), jnp.float32),
        pltpu.VMEM((BPW // 4, EMBED), jnp.float32),
        pltpu.VMEM((BPW // 4, EMBED), jnp.float32),
        pltpu.VMEM((BPW // 4, EMBED), jnp.float32),
        pltpu.VMEM((BPW,), jnp.float32),
        pltpu.VMEM((BPW,), jnp.float32),
        pltpu.VMEM((BPW,), jnp.float32),
        pltpu.VMEM((LANES,), jnp.float32),
        pltpu.SemaphoreType.DMA,
        pltpu.SemaphoreType.DMA,
    ],
)
def _gather_partials(idx_u_hbm, idx_b_hbm, uemb_hbm, bemb_hbm, ubias_hbm,
                     bbias_hbm, part_out, bsum_out,
                     idx_u_v, idx_b_v, urows, brows, urows2, brows2,
                     ubias_v, bbias_v, bsum_v, acc_v, sem, rsem):
    wid = lax.axis_index("s") * NC + lax.axis_index("c")
    base = wid * BPW

    pltpu.sync_copy(idx_u_hbm.at[pl.ds(base, BPW)], idx_u_v)
    pltpu.sync_copy(idx_b_hbm.at[pl.ds(base, BPW)], idx_b_v)

    cub = pltpu.async_copy(ubias_hbm.at[idx_u_v], ubias_v, sem)
    cbb = pltpu.async_copy(bbias_hbm.at[idx_b_v], bbias_v, sem)


    CHUNK = BPW // 4
    NCHUNK = 4

    def issue_chunk(c, urows, brows):
        def issue_body(w, carry):
            rbase = w * LANES
            vu = idx_u_v[pl.ds(c * CHUNK + rbase, LANES)]
            vb = idx_b_v[pl.ds(c * CHUNK + rbase, LANES)]
            for k in range(LANES):
                pltpu.async_copy(uemb_hbm.at[vu[k]], urows.at[rbase + k],
                                 rsem)
                pltpu.async_copy(bemb_hbm.at[vb[k]], brows.at[rbase + k],
                                 rsem)
            return carry

        lax.fori_loop(0, CHUNK // LANES, issue_body, 0)

    def drain_chunk(urows, brows):
        pltpu.make_async_copy(uemb_hbm.at[pl.ds(0, CHUNK), :], urows,
                              rsem).wait()
        pltpu.make_async_copy(bemb_hbm.at[pl.ds(0, CHUNK), :], brows,
                              rsem).wait()

    def compute_chunk(acc, urows, brows):
        def row_body(r, acc):
            for j in range(EMBED // LANES):
                s = pl.ds(j * LANES, LANES)
                acc = acc + urows[r, s] * brows[r, s]
            return acc

        return lax.fori_loop(0, CHUNK, row_body, acc)

    bufs = [(urows, brows), (urows2, brows2)]
    acc = jnp.zeros((LANES,), jnp.float32)
    issue_chunk(0, *bufs[0])
    for c in range(NCHUNK):
        cur = bufs[c % 2]
        drain_chunk(*cur)
        if c + 1 < NCHUNK:
            issue_chunk(c + 1, *bufs[(c + 1) % 2])
        acc = compute_chunk(acc, *cur)
    acc_v[...] = acc
    pltpu.sync_copy(acc_v, part_out.at[wid])

    cub.wait()
    cbb.wait()

    def bias_body(i, carry):
        s = pl.ds(pl.multiple_of(i * LANES, LANES), LANES)
        bsum_v[s] = ubias_v[s] + bbias_v[s]
        return carry

    lax.fori_loop(0, BPW // LANES, bias_body, 0)
    pltpu.sync_copy(bsum_v, bsum_out.at[pl.ds(base, BPW)])


def _finalize_body(p_ref, b_ref, o_ref):
    s = jnp.sum(p_ref[...])
    x = b_ref[...] + s
    o_ref[...] = 1.0 / (1.0 + jnp.exp(-x))


_finalize = pl.pallas_call(
    _finalize_body,
    out_shape=jax.ShapeDtypeStruct((128, 128), jnp.float32),
)


def kernel(inputs, user_embedding, user_bias, book_embedding, book_bias):
    idx_u = inputs[:, 0].astype(jnp.int32)
    idx_b = inputs[:, 1].astype(jnp.int32)
    ub_flat = user_bias.reshape(-1)
    bb_flat = book_bias.reshape(-1)
    partials, bsum = _gather_partials(idx_u, idx_b, user_embedding,
                                      book_embedding, ub_flat, bb_flat)
    out = _finalize(partials, bsum.reshape(128, 128))
    return out.reshape(B, 1)

# --- scband reference (transcript-rebuilt; emitter-appended) ---
"""Pipeline reference for scband-recommender-net-16080357556780 (READ-ONLY COPY).

The authoritative reference and input builder live on the scoring server;
editing this copy changes nothing except your own understanding.
"""

import jax, jax.numpy as jnp
import numpy as np

NUM_USERS = 100000
NUM_BOOKS = 100000
EMBED = 64
BATCH = 16384


def setup_inputs(seed: int = 0) -> dict:
    key = jax.random.key(seed)
    k1, k2, k3, k4, k5 = jax.random.split(key, 5)
    inputs = jax.random.randint(k1, (BATCH, 2), 0, NUM_USERS, dtype=jnp.int64 if jax.config.jax_enable_x64 else jnp.int32)
    # he_normal init: stddev = sqrt(2 / fan_in); Keras treats fan_in = num_embeddings for Embedding
    user_embedding = jax.random.normal(k2, (NUM_USERS, EMBED), dtype=jnp.float32) * np.sqrt(2.0 / NUM_USERS)
    user_bias = jnp.zeros((NUM_USERS, 1), dtype=jnp.float32) + jax.random.uniform(k3, (NUM_USERS, 1), minval=-0.05, maxval=0.05)
    book_embedding = jax.random.normal(k4, (NUM_BOOKS, EMBED), dtype=jnp.float32) * np.sqrt(2.0 / NUM_BOOKS)
    book_bias = jnp.zeros((NUM_BOOKS, 1), dtype=jnp.float32) + jax.random.uniform(k5, (NUM_BOOKS, 1), minval=-0.05, maxval=0.05)
    return {
        "inputs": inputs,
        "user_embedding": user_embedding,
        "user_bias": user_bias,
        "book_embedding": book_embedding,
        "book_bias": book_bias,
    }


def reference(inputs, user_embedding, user_bias, book_embedding, book_bias):
    # Embedding lookups (gather -> SparseCore friendly)
    user_vector = jnp.take(user_embedding, inputs[:, 0], axis=0)   # [B, E]
    ub = jnp.take(user_bias, inputs[:, 0], axis=0)                 # [B, 1]
    book_vector = jnp.take(book_embedding, inputs[:, 1], axis=0)   # [B, E]
    bb = jnp.take(book_bias, inputs[:, 1], axis=0)                 # [B, 1]
    # Faithful to tf.tensordot(user_vector, book_vector, 2): contracts BOTH axes -> scalar
    dot_user_book = jnp.tensordot(user_vector, book_vector, 2)     # scalar
    x = dot_user_book + ub + bb                                    # [B, 1] via broadcast
    return jax.nn.sigmoid(x)

if __name__ == "__main__":
    import jax
    _d = setup_inputs()
    print(jax.jit(kernel)(*tuple(_d.values())))

</pallas_src>

<mosaic_0001>
#map = affine_map<(d0, d1) -> (0)>
#map1 = affine_map<(d0, d1) -> (0, 0)>
module attributes {stable_mosaic.version = 14 : i64} {
  func.func @_gather_partials(%arg0: i32, %arg1: i32, %arg2: memref<16384xi32, #tpu.memory_space<hbm>>, %arg3: memref<16384xi32, #tpu.memory_space<hbm>>, %arg4: memref<100000x64xf32, #tpu.memory_space<hbm>>, %arg5: memref<100000x64xf32, #tpu.memory_space<hbm>>, %arg6: memref<100000xf32, #tpu.memory_space<hbm>>, %arg7: memref<100000xf32, #tpu.memory_space<hbm>>, %arg8: memref<32x16xf32, #tpu.memory_space<hbm>>, %arg9: memref<16384xf32, #tpu.memory_space<hbm>>, %arg10: memref<512xi32, #tpu.memory_space<vmem>>, %arg11: memref<512xi32, #tpu.memory_space<vmem>>, %arg12: memref<128x64xf32, #tpu.memory_space<vmem>>, %arg13: memref<128x64xf32, #tpu.memory_space<vmem>>, %arg14: memref<128x64xf32, #tpu.memory_space<vmem>>, %arg15: memref<128x64xf32, #tpu.memory_space<vmem>>, %arg16: memref<512xf32, #tpu.memory_space<vmem>>, %arg17: memref<512xf32, #tpu.memory_space<vmem>>, %arg18: memref<512xf32, #tpu.memory_space<vmem>>, %arg19: memref<16xf32, #tpu.memory_space<vmem>>, %arg20: memref<!tpu.dma_semaphore, #tpu.memory_space<semaphore_mem>>, %arg21: memref<!tpu.dma_semaphore, #tpu.memory_space<semaphore_mem>>) attributes {dimension_semantics = [#tpu.dimension_semantics<core_parallel>, #tpu.dimension_semantics<subcore_parallel>], iteration_bounds = array<i64: 2, 16>, scalar_prefetch = 0 : i64, scratch_operands = 12 : i64, tpu.core_type = #tpu.core_type<sc_vector_subcore>, window_params = [{transform_indices = #map}, {transform_indices = #map}, {transform_indices = #map1}, {transform_indices = #map1}, {transform_indices = #map}, {transform_indices = #map}, {transform_indices = #map1}, {transform_indices = #map}]} {
    %mul3A = arith.constant 2 : i32
    %mul3A_0 = arith.muli %arg1, %mul3A : i32
    %add3A = arith.addi %mul3A_0, %arg0 : i32
    %mul3A_1 = arith.constant 512 : i32
    %mul3A_2 = arith.muli %add3A, %mul3A_1 : i32
    "tpu.region"() ({
      %run_scoped3A = tpu.sem_alloc : memref<!tpu.dma_semaphore, #tpu.memory_space<semaphore_mem>>
      %dma_start3A_114 = tpu.memref_slice %arg2[%mul3A_2] : memref<16384xi32, #tpu.memory_space<hbm>> -> memref<512xi32, #tpu.memory_space<hbm>>
      %dma_start3A_115 = tpu.memref_slice %arg2[%mul3A_2] : memref<16384xi32, #tpu.memory_space<hbm>> -> memref<512xi32, #tpu.memory_space<hbm>>
      tpu.enqueue_dma source(%dma_start3A_115 : memref<512xi32, #tpu.memory_space<hbm>>) target(%arg10 : memref<512xi32, #tpu.memory_space<vmem>>) target_semaphore(%run_scoped3A : memref<!tpu.dma_semaphore, #tpu.memory_space<semaphore_mem>>)
      %dma_wait3A_116 = tpu.memref_slice %arg2[%mul3A_2] : memref<16384xi32, #tpu.memory_space<hbm>> -> memref<512xi32, #tpu.memory_space<hbm>>
      %dma_wait3A_117 = tpu.memref_slice %arg2[%mul3A_2] : memref<16384xi32, #tpu.memory_space<hbm>> -> memref<512xi32, #tpu.memory_space<hbm>>
      tpu.wait_dma2 semaphore(%run_scoped3A : memref<!tpu.dma_semaphore, #tpu.memory_space<semaphore_mem>>) src(%dma_wait3A_117 : memref<512xi32, #tpu.memory_space<hbm>>) dst(%arg10 : memref<512xi32, #tpu.memory_space<vmem>>)
      tpu.yield
    }) : () -> ()
    "tpu.region"() ({
      %run_scoped3A = tpu.sem_alloc : memref<!tpu.dma_semaphore, #tpu.memory_space<semaphore_mem>>
      %dma_start3A_114 = tpu.memref_slice %arg3[%mul3A_2] : memref<16384xi32, #tpu.memory_space<hbm>> -> memref<512xi32, #tpu.memory_space<hbm>>
      %dma_start3A_115 = tpu.memref_slice %arg3[%mul3A_2] : memref<16384xi32, #tpu.memory_space<hbm>> -> memref<512xi32, #tpu.memory_space<hbm>>
      tpu.enqueue_dma source(%dma_start3A_115 : memref<512xi32, #tpu.memory_space<hbm>>) target(%arg11 : memref<512xi32, #tpu.memory_space<vmem>>) target_semaphore(%run_scoped3A : memref<!tpu.dma_semaphore, #tpu.memory_space<semaphore_mem>>)
      %dma_wait3A_116 = tpu.memref_slice %arg3[%mul3A_2] : memref<16384xi32, #tpu.memory_space<hbm>> -> memref<512xi32, #tpu.memory_space<hbm>>
      %dma_wait3A_117 = tpu.memref_slice %arg3[%mul3A_2] : memref<16384xi32, #tpu.memory_space<hbm>> -> memref<512xi32, #tpu.memory_space<hbm>>
      tpu.wait_dma2 semaphore(%run_scoped3A : memref<!tpu.dma_semaphore, #tpu.memory_space<semaphore_mem>>) src(%dma_wait3A_117 : memref<512xi32, #tpu.memory_space<hbm>>) dst(%arg11 : memref<512xi32, #tpu.memory_space<vmem>>)
      tpu.yield
    }) : () -> ()
    %dma_start3A = arith.constant 0 : i32
    %dma_start3A_3 = tpu.memref_slice %arg6[%dma_start3A] : memref<100000xf32, #tpu.memory_space<hbm>> -> memref<100000xf32, #tpu.memory_space<hbm>>
    tpu.enqueue_indirect_dma source(%dma_start3A_3 : memref<100000xf32, #tpu.memory_space<hbm>>) target(%arg16 : memref<512xf32, #tpu.memory_space<vmem>>) offsets(%arg10 : memref<512xi32, #tpu.memory_space<vmem>>) semaphore(%arg20 : memref<!tpu.dma_semaphore, #tpu.memory_space<semaphore_mem>>)
    %dma_start3A_4 = arith.constant 0 : i32
    %dma_start3A_5 = tpu.memref_slice %arg7[%dma_start3A_4] : memref<100000xf32, #tpu.memory_space<hbm>> -> memref<100000xf32, #tpu.memory_space<hbm>>
    tpu.enqueue_indirect_dma source(%dma_start3A_5 : memref<100000xf32, #tpu.memory_space<hbm>>) target(%arg17 : memref<512xf32, #tpu.memory_space<vmem>>) offsets(%arg11 : memref<512xi32, #tpu.memory_space<vmem>>) semaphore(%arg20 : memref<!tpu.dma_semaphore, #tpu.memory_space<semaphore_mem>>)
    %broadcast_in_dim3A = arith.constant 0.000000e+00 : f32
    %broadcast_in_dim3A_6 = vector.broadcast %broadcast_in_dim3A : f32 to vector<16xf32>
    %scan3A = arith.constant 0 : i32
    %scan3A_7 = arith.constant 0 : i32
    %scan3A_8 = arith.constant 8 : i32
    %scan3A_9 = arith.addi %scan3A_7, %scan3A_8 : i32
    %scan3A_10 = arith.constant 1 : i32
    scf.for %scan3A_114 = %scan3A_7 to %scan3A_9 step %scan3A_10  : i32 {
      %mul3A_115 = arith.constant 16 : i32
      %mul3A_116 = arith.muli %scan3A_114, %mul3A_115 : i32
      %add3A_117 = arith.constant 0 : i32
      %add3A_118 = arith.addi %add3A_117, %mul3A_116 : i32
      %get3A = arith.index_cast %add3A_118 : i32 to index
      %get3A_119 = tpu.vector_load %arg10[%get3A] {strides = array<i32>} : memref<512xi32, #tpu.memory_space<vmem>>, vector<16xi32>,
      %get3A_120 = vector.shape_cast %get3A_119 : vector<16xi32> to vector<16xi32>
      %add3A_121 = arith.constant 0 : i32
      %add3A_122 = arith.addi %add3A_121, %mul3A_116 : i32
      %get3A_123 = arith.index_cast %add3A_122 : i32 to index
      %get3A_124 = tpu.vector_load %arg11[%get3A_123] {strides = array<i32>} : memref<512xi32, #tpu.memory_space<vmem>>, vector<16xi32>,
      %get3A_125 = vector.shape_cast %get3A_124 : vector<16xi32> to vector<16xi32>
      %slice3A = vector.extract_strided_slice %get3A_120 {offsets = [0], sizes = [1], strides = [1]} : vector<16xi32> to vector<1xi32>
      %squeeze3A = vector.extract %slice3A[0] : i32 from vector<1xi32>
      %add3A_126 = arith.constant 0 : i32
      %add3A_127 = arith.addi %mul3A_116, %add3A_126 : i32
      %dma_start3A_128 = arith.constant 0 : i32
      %dma_start3A_129 = tpu.memref_slice %arg12[%add3A_127, %dma_start3A_128] : memref<128x64xf32, #tpu.memory_space<vmem>> -> memref<1x64xf32, #tpu.memory_space<vmem>>
      %dma_start3A_130 = tpu.memref_squeeze %dma_start3A_129 : memref<1x64xf32, #tpu.memory_space<vmem>> -> memref<64xf32, #tpu.memory_space<vmem>>
      %dma_start3A_131 = arith.constant 0 : i32
      %dma_start3A_132 = tpu.memref_slice %arg4[%squeeze3A, %dma_start3A_131] : memref<100000x64xf32, #tpu.memory_space<hbm>> -> memref<1x64xf32, #tpu.memory_space<hbm>>
      %dma_start3A_133 = tpu.memref_squeeze %dma_start3A_132 : memref<1x64xf32, #tpu.memory_space<hbm>> -> memref<64xf32, #tpu.memory_space<hbm>>
      %dma_start3A_134 = arith.constant 0 : i32
      %dma_start3A_135 = tpu.memref_slice %arg12[%add3A_127, %dma_start3A_134] : memref<128x64xf32, #tpu.memory_space<vmem>> -> memref<1x64xf32, #tpu.memory_space<vmem>>
      %dma_start3A_136 = tpu.memref_squeeze %dma_start3A_135 : memref<1x64xf32, #tpu.memory_space<vmem>> -> memref<64xf32, #tpu.memory_space<vmem>>
      %dma_start3A_137 = arith.constant 0 : i32
      %dma_start3A_138 = tpu.memref_slice %arg4[%squeeze3A, %dma_start3A_137] : memref<100000x64xf32, #tpu.memory_space<hbm>> -> memref<1x64xf32, #tpu.memory_space<hbm>>
      %dma_start3A_139 = tpu.memref_squeeze %dma_start3A_138 : memref<1x64xf32, #tpu.memory_space<hbm>> -> memref<64xf32, #tpu.memory_space<hbm>>
      tpu.enqueue_dma source(%dma_start3A_139 : memref<64xf32, #tpu.memory_space<hbm>>) target(%dma_start3A_136 : memref<64xf32, #tpu.memory_space<vmem>>) target_semaphore(%arg21 : memref<!tpu.dma_semaphore, #tpu.memory_space<semaphore_mem>>)
      %slice3A_140 = vector.extract_strided_slice %get3A_125 {offsets = [0], sizes = [1], strides = [1]} : vector<16xi32> to vector<1xi32>
      %squeeze3A_141 = vector.extract %slice3A_140[0] : i32 from vector<1xi32>
      %add3A_142 = arith.constant 0 : i32
      %add3A_143 = arith.addi %mul3A_116, %add3A_142 : i32
      %dma_start3A_144 = arith.constant 0 : i32
      %dma_start3A_145 = tpu.memref_slice %arg13[%add3A_143, %dma_start3A_144] : memref<128x64xf32, #tpu.memory_space<vmem>> -> memref<1x64xf32, #tpu.memory_space<vmem>>
      %dma_start3A_146 = tpu.memref_squeeze %dma_start3A_145 : memref<1x64xf32, #tpu.memory_space<vmem>> -> memref<64xf32, #tpu.memory_space<vmem>>
      %dma_start3A_147 = arith.constant 0 : i32
      %dma_start3A_148 = tpu.memref_slice %arg5[%squeeze3A_141, %dma_start3A_147] : memref<100000x64xf32, #tpu.memory_space<hbm>> -> memref<1x64xf32, #tpu.memory_space<hbm>>
      %dma_start3A_149 = tpu.memref_squeeze %dma_start3A_148 : memref<1x64xf32, #tpu.memory_space<hbm>> -> memref<64xf32, #tpu.memory_space<hbm>>
      %dma_start3A_150 = arith.constant 0 : i32
      %dma_start3A_151 = tpu.memref_slice %arg13[%add3A_143, %dma_start3A_150] : memref<128x64xf32, #tpu.memory_space<vmem>> -> memref<1x64xf32, #tpu.memory_space<vmem>>
      %dma_start3A_152 = tpu.memref_squeeze %dma_start3A_151 : memref<1x64xf32, #tpu.memory_space<vmem>> -> memref<64xf32, #tpu.memory_space<vmem>>
      %dma_start3A_153 = arith.constant 0 : i32
      %dma_start3A_154 = tpu.memref_slice %arg5[%squeeze3A_141, %dma_start3A_153] : memref<100000x64xf32, #tpu.memory_space<hbm>> -> memref<1x64xf32, #tpu.memory_space<hbm>>
      %dma_start3A_155 = tpu.memref_squeeze %dma_start3A_154 : memref<1x64xf32, #tpu.memory_space<hbm>> -> memref<64xf32, #tpu.memory_space<hbm>>
      tpu.enqueue_dma source(%dma_start3A_155 : memref<64xf32, #tpu.memory_space<hbm>>) target(%dma_start3A_152 : memref<64xf32, #tpu.memory_space<vmem>>) target_semaphore(%arg21 : memref<!tpu.dma_semaphore, #tpu.memory_space<semaphore_mem>>)
      %slice3A_156 = vector.extract_strided_slice %get3A_120 {offsets = [1], sizes = [1], strides = [1]} : vector<16xi32> to vector<1xi32>
      %squeeze3A_157 = vector.extract %slice3A_156[0] : i32 from vector<1xi32>
      %add3A_158 = arith.constant 1 : i32
      %add3A_159 = arith.addi %mul3A_116, %add3A_158 : i32
      %dma_start3A_160 = arith.constant 0 : i32
      %dma_start3A_161 = tpu.memref_slice %arg12[%add3A_159, %dma_start3A_160] : memref<128x64xf32, #tpu.memory_space<vmem>> -> memref<1x64xf32, #tpu.memory_space<vmem>>
      %dma_start3A_162 = tpu.memref_squeeze %dma_start3A_161 : memref<1x64xf32, #tpu.memory_space<vmem>> -> memref<64xf32, #tpu.memory_space<vmem>>
      %dma_start3A_163 = arith.constant 0 : i32
      %dma_start3A_164 = tpu.memref_slice %arg4[%squeeze3A_157, %dma_start3A_163] : memref<100000x64xf32, #tpu.memory_space<hbm>> -> memref<1x64xf32, #tpu.memory_space<hbm>>
      %dma_start3A_165 = tpu.memref_squeeze %dma_start3A_164 : memref<1x64xf32, #tpu.memory_space<hbm>> -> memref<64xf32, #tpu.memory_space<hbm>>
      %dma_start3A_166 = arith.constant 0 : i32
      %dma_start3A_167 = tpu.memref_slice %arg12[%add3A_159, %dma_start3A_166] : memref<128x64xf32, #tpu.memory_space<vmem>> -> memref<1x64xf32, #tpu.memory_space<vmem>>
      %dma_start3A_168 = tpu.memref_squeeze %dma_start3A_167 : memref<1x64xf32, #tpu.memory_space<vmem>> -> memref<64xf32, #tpu.memory_space<vmem>>
      %dma_start3A_169 = arith.constant 0 : i32
      %dma_start3A_170 = tpu.memref_slice %arg4[%squeeze3A_157, %dma_start3A_169] : memref<100000x64xf32, #tpu.memory_space<hbm>> -> memref<1x64xf32, #tpu.memory_space<hbm>>
      %dma_start3A_171 = tpu.memref_squeeze %dma_start3A_170 : memref<1x64xf32, #tpu.memory_space<hbm>> -> memref<64xf32, #tpu.memory_space<hbm>>
      tpu.enqueue_dma source(%dma_start3A_171 : memref<64xf32, #tpu.memory_space<hbm>>) target(%dma_start3A_168 : memref<64xf32, #tpu.memory_space<vmem>>) target_semaphore(%arg21 : memref<!tpu.dma_semaphore, #tpu.memory_space<semaphore_mem>>)
      %slice3A_172 = vector.extract_strided_slice %get3A_125 {offsets = [1], sizes = [1], strides = [1]} : vector<16xi32> to vector<1xi32>
      %squeeze3A_173 = vector.extract %slice3A_172[0] : i32 from vector<1xi32>
      %add3A_174 = arith.constant 1 : i32
      %add3A_175 = arith.addi %mul3A_116, %add3A_174 : i32
      %dma_start3A_176 = arith.constant 0 : i32
      %dma_start3A_177 = tpu.memref_slice %arg13[%add3A_175, %dma_start3A_176] : memref<128x64xf32, #tpu.memory_space<vmem>> -> memref<1x64xf32, #tpu.memory_space<vmem>>
      %dma_start3A_178 = tpu.memref_squeeze %dma_start3A_177 : memref<1x64xf32, #tpu.memory_space<vmem>> -> memref<64xf32, #tpu.memory_space<vmem>>
      %dma_start3A_179 = arith.constant 0 : i32
      %dma_start3A_180 = tpu.memref_slice %arg5[%squeeze3A_173, %dma_start3A_179] : memref<100000x64xf32, #tpu.memory_space<hbm>> -> memref<1x64xf32, #tpu.memory_space<hbm>>
      %dma_start3A_181 = tpu.memref_squeeze %dma_start3A_180 : memref<1x64xf32, #tpu.memory_space<hbm>> -> memref<64xf32, #tpu.memory_space<hbm>>
      %dma_start3A_182 = arith.constant 0 : i32
      %dma_start3A_183 = tpu.memref_slice %arg13[%add3A_175, %dma_start3A_182] : memref<128x64xf32, #tpu.memory_space<vmem>> -> memref<1x64xf32, #tpu.memory_space<vmem>>
      %dma_start3A_184 = tpu.memref_squeeze %dma_start3A_183 : memref<1x64xf32, #tpu.memory_space<vmem>> -> memref<64xf32, #tpu.memory_space<vmem>>
      %dma_start3A_185 = arith.constant 0 : i32
      %dma_start3A_186 = tpu.memref_slice %arg5[%squeeze3A_173, %dma_start3A_185] : memref<100000x64xf32, #tpu.memory_space<hbm>> -> memref<1x64xf32, #tpu.memory_space<hbm>>
      %dma_start3A_187 = tpu.memref_squeeze %dma_start3A_186 : memref<1x64xf32, #tpu.memory_space<hbm>> -> memref<64xf32, #tpu.memory_space<hbm>>
      tpu.enqueue_dma source(%dma_start3A_187 : memref<64xf32, #tpu.memory_space<hbm>>) target(%dma_start3A_184 : memref<64xf32, #tpu.memory_space<vmem>>) target_semaphore(%arg21 : memref<!tpu.dma_semaphore, #tpu.memory_space<semaphore_mem>>)
      %slice3A_188 = vector.extract_strided_slice %get3A_120 {offsets = [2], sizes = [1], strides = [1]} : vector<16xi32> to vector<1xi32>
      %squeeze3A_189 = vector.extract %slice3A_188[0] : i32 from vector<1xi32>
      %add3A_190 = arith.constant 2 : i32
      %add3A_191 = arith.addi %mul3A_116, %add3A_190 : i32
      %dma_start3A_192 = arith.constant 0 : i32
      %dma_start3A_193 = tpu.memref_slice %arg12[%add3A_191, %dma_start3A_192] : memref<128x64xf32, #tpu.memory_space<vmem>> -> memref<1x64xf32, #tpu.memory_space<vmem>>
      %dma_start3A_194 = tpu.memref_squeeze %dma_start3A_193 : memref<1x64xf32, #tpu.memory_space<vmem>> -> memref<64xf32, #tpu.memory_space<vmem>>
      %dma_start3A_195 = arith.constant 0 : i32
      %dma_start3A_196 = tpu.memref_slice %arg4[%squeeze3A_189, %dma_start3A_195] : memref<100000x64xf32, #tpu.memory_space<hbm>> -> memref<1x64xf32, #tpu.memory_space<hbm>>
      %dma_start3A_197 = tpu.memref_squeeze %dma_start3A_196 : memref<1x64xf32, #tpu.memory_space<hbm>> -> memref<64xf32, #tpu.memory_space<hbm>>
      %dma_start3A_198 = arith.constant 0 : i32
      %dma_start3A_199 = tpu.memref_slice %arg12[%add3A_191, %dma_start3A_198] : memref<128x64xf32, #tpu.memory_space<vmem>> -> memref<1x64xf32, #tpu.memory_space<vmem>>
      %dma_start3A_200 = tpu.memref_squeeze %dma_start3A_199 : memref<1x64xf32, #tpu.memory_space<vmem>> -> memref<64xf32, #tpu.memory_space<vmem>>
      %dma_start3A_201 = arith.constant 0 : i32
      %dma_start3A_202 = tpu.memref_slice %arg4[%squeeze3A_189, %dma_start3A_201] : memref<100000x64xf32, #tpu.memory_space<hbm>> -> memref<1x64xf32, #tpu.memory_space<hbm>>
      %dma_start3A_203 = tpu.memref_squeeze %dma_start3A_202 : memref<1x64xf32, #tpu.memory_space<hbm>> -> memref<64xf32, #tpu.memory_space<hbm>>
      tpu.enqueue_dma source(%dma_start3A_203 : memref<64xf32, #tpu.memory_space<hbm>>) target(%dma_start3A_200 : memref<64xf32, #tpu.memory_space<vmem>>) target_semaphore(%arg21 : memref<!tpu.dma_semaphore, #tpu.memory_space<semaphore_mem>>)
      %slice3A_204 = vector.extract_strided_slice %get3A_125 {offsets = [2], sizes = [1], strides = [1]} : vector<16xi32> to vector<1xi32>
      %squeeze3A_205 = vector.extract %slice3A_204[0] : i32 from vector<1xi32>
      %add3A_206 = arith.constant 2 : i32
      %add3A_207 = arith.addi %mul3A_116, %add3A_206 : i32
      %dma_start3A_208 = arith.constant 0 : i32
      %dma_start3A_209 = tpu.memref_slice %arg13[%add3A_207, %dma_start3A_208] : memref<128x64xf32, #tpu.memory_space<vmem>> -> memref<1x64xf32, #tpu.memory_space<vmem>>
      %dma_start3A_210 = tpu.memref_squeeze %dma_start3A_209 : memref<1x64xf32, #tpu.memory_space<vmem>> -> memref<64xf32, #tpu.memory_space<vmem>>
      %dma_start3A_211 = arith.constant 0 : i32
      %dma_start3A_212 = tpu.memref_slice %arg5[%squeeze3A_205, %dma_start3A_211] : memref<100000x64xf32, #tpu.memory_space<hbm>> -> memref<1x64xf32, #tpu.memory_space<hbm>>
      %dma_start3A_213 = tpu.memref_squeeze %dma_start3A_212 : memref<1x64xf32, #tpu.memory_space<hbm>> -> memref<64xf32, #tpu.memory_space<hbm>>
      %dma_start3A_214 = arith.constant 0 : i32
      %dma_start3A_215 = tpu.memref_slice %arg13[%add3A_207, %dma_start3A_214] : memref<128x64xf32, #tpu.memory_space<vmem>> -> memref<1x64xf32, #tpu.memory_space<vmem>>
      %dma_start3A_216 = tpu.memref_squeeze %dma_start3A_215 : memref<1x64xf32, #tpu.memory_space<vmem>> -> memref<64xf32, #tpu.memory_space<vmem>>
      %dma_start3A_217 = arith.constant 0 : i32
      %dma_start3A_218 = tpu.memref_slice %arg5[%squeeze3A_205, %dma_start3A_217] : memref<100000x64xf32, #tpu.memory_space<hbm>> -> memref<1x64xf32, #tpu.memory_space<hbm>>
      %dma_start3A_219 = tpu.memref_squeeze %dma_start3A_218 : memref<1x64xf32, #tpu.memory_space<hbm>> -> memref<64xf32, #tpu.memory_space<hbm>>
      tpu.enqueue_dma source(%dma_start3A_219 : memref<64xf32, #tpu.memory_space<hbm>>) target(%dma_start3A_216 : memref<64xf32, #tpu.memory_space<vmem>>) target_semaphore(%arg21 : memref<!tpu.dma_semaphore, #tpu.memory_space<semaphore_mem>>)
      %slice3A_220 = vector.extract_strided_slice %get3A_120 {offsets = [3], sizes = [1], strides = [1]} : vector<16xi32> to vector<1xi32>
      %squeeze3A_221 = vector.extract %slice3A_220[0] : i32 from vector<1xi32>
      %add3A_222 = arith.constant 3 : i32
      %add3A_223 = arith.addi %mul3A_116, %add3A_222 : i32
      %dma_start3A_224 = arith.constant 0 : i32
      %dma_start3A_225 = tpu.memref_slice %arg12[%add3A_223, %dma_start3A_224] : memref<128x64xf32, #tpu.memory_space<vmem>> -> memref<1x64xf32, #tpu.memory_space<vmem>>
      %dma_start3A_226 = tpu.memref_squeeze %dma_start3A_225 : memref<1x64xf32, #tpu.memory_space<vmem>> -> memref<64xf32, #tpu.memory_space<vmem>>
      %dma_start3A_227 = arith.constant 0 : i32
      %dma_start3A_228 = tpu.memref_slice %arg4[%squeeze3A_221, %dma_start3A_227] : memref<100000x64xf32, #tpu.memory_space<hbm>> -> memref<1x64xf32, #tpu.memory_space<hbm>>
      %dma_start3A_229 = tpu.memref_squeeze %dma_start3A_228 : memref<1x64xf32, #tpu.memory_space<hbm>> -> memref<64xf32, #tpu.memory_space<hbm>>
      %dma_start3A_230 = arith.constant 0 : i32
      %dma_start3A_231 = tpu.memref_slice %arg12[%add3A_223, %dma_start3A_230] : memref<128x64xf32, #tpu.memory_space<vmem>> -> memref<1x64xf32, #tpu.memory_space<vmem>>
      %dma_start3A_232 = tpu.memref_squeeze %dma_start3A_231 : memref<1x64xf32, #tpu.memory_space<vmem>> -> memref<64xf32, #tpu.memory_space<vmem>>
      %dma_start3A_233 = arith.constant 0 : i32
      %dma_start3A_234 = tpu.memref_slice %arg4[%squeeze3A_221, %dma_start3A_233] : memref<100000x64xf32, #tpu.memory_space<hbm>> -> memref<1x64xf32, #tpu.memory_space<hbm>>
      %dma_start3A_235 = tpu.memref_squeeze %dma_start3A_234 : memref<1x64xf32, #tpu.memory_space<hbm>> -> memref<64xf32, #tpu.memory_space<hbm>>
      tpu.enqueue_dma source(%dma_start3A_235 : memref<64xf32, #tpu.memory_space<hbm>>) target(%dma_start3A_232 : memref<64xf32, #tpu.memory_space<vmem>>) target_semaphore(%arg21 : memref<!tpu.dma_semaphore, #tpu.memory_space<semaphore_mem>>)
      %slice3A_236 = vector.extract_strided_slice %get3A_125 {offsets = [3], sizes = [1], strides = [1]} : vector<16xi32> to vector<1xi32>
      %squeeze3A_237 = vector.extract %slice3A_236[0] : i32 from vector<1xi32>
      %add3A_238 = arith.constant 3 : i32
      %add3A_239 = arith.addi %mul3A_116, %add3A_238 : i32
      %dma_start3A_240 = arith.constant 0 : i32
      %dma_start3A_241 = tpu.memref_slice %arg13[%add3A_239, %dma_start3A_240] : memref<128x64xf32, #tpu.memory_space<vmem>> -> memref<1x64xf32, #tpu.memory_space<vmem>>
      %dma_start3A_242 = tpu.memref_squeeze %dma_start3A_241 : memref<1x64xf32, #tpu.memory_space<vmem>> -> memref<64xf32, #tpu.memory_space<vmem>>
      %dma_start3A_243 = arith.constant 0 : i32
      %dma_start3A_244 = tpu.memref_slice %arg5[%squeeze3A_237, %dma_start3A_243] : memref<100000x64xf32, #tpu.memory_space<hbm>> -> memref<1x64xf32, #tpu.memory_space<hbm>>
      %dma_start3A_245 = tpu.memref_squeeze %dma_start3A_244 : memref<1x64xf32, #tpu.memory_space<hbm>> -> memref<64xf32, #tpu.memory_space<hbm>>
      %dma_start3A_246 = arith.constant 0 : i32
      %dma_start3A_247 = tpu.memref_slice %arg13[%add3A_239, %dma_start3A_246] : memref<128x64xf32, #tpu.memory_space<vmem>> -> memref<1x64xf32, #tpu.memory_space<vmem>>
      %dma_start3A_248 = tpu.memref_squeeze %dma_start3A_247 : memref<1x64xf32, #tpu.memory_space<vmem>> -> memref<64xf32, #tpu.memory_space<vmem>>
      %dma_start3A_249 = arith.constant 0 : i32
      %dma_start3A_250 = tpu.memref_slice %arg5[%squeeze3A_237, %dma_start3A_249] : memref<100000x64xf32, #tpu.memory_space<hbm>> -> memref<1x64xf32, #tpu.memory_space<hbm>>
      %dma_start3A_251 = tpu.memref_squeeze %dma_start3A_250 : memref<1x64xf32, #tpu.memory_space<hbm>> -> memref<64xf32, #tpu.memory_space<hbm>>
      tpu.enqueue_dma source(%dma_start3A_251 : memref<64xf32, #tpu.memory_space<hbm>>) target(%dma_start3A_248 : memref<64xf32, #tpu.memory_space<vmem>>) target_semaphore(%arg21 : memref<!tpu.dma_semaphore, #tpu.memory_space<semaphore_mem>>)
      %slice3A_252 = vector.extract_strided_slice %get3A_120 {offsets = [4], sizes = [1], strides = [1]} : vector<16xi32> to vector<1xi32>
      %squeeze3A_253 = vector.extract %slice3A_252[0] : i32 from vector<1xi32>
      %add3A_254 = arith.constant 4 : i32
      %add3A_255 = arith.addi %mul3A_116, %add3A_254 : i32
      %dma_start3A_256 = arith.constant 0 : i32
      %dma_start3A_257 = tpu.memref_slice %arg12[%add3A_255, %dma_start3A_256] : memref<128x64xf32, #tpu.memory_space<vmem>> -> memref<1x64xf32, #tpu.memory_space<vmem>>
      %dma_start3A_258 = tpu.memref_squeeze %dma_start3A_257 : memref<1x64xf32, #tpu.memory_space<vmem>> -> memref<64xf32, #tpu.memory_space<vmem>>
      %dma_start3A_259 = arith.constant 0 : i32
      %dma_start3A_260 = tpu.memref_slice %arg4[%squeeze3A_253, %dma_start3A_259] : memref<100000x64xf32, #tpu.memory_space<hbm>> -> memref<1x64xf32, #tpu.memory_space<hbm>>
      %dma_start3A_261 = tpu.memref_squeeze %dma_start3A_260 : memref<1x64xf32, #tpu.memory_space<hbm>> -> memref<64xf32, #tpu.memory_space<hbm>>
      %dma_start3A_262 = arith.constant 0 : i32
      %dma_start3A_263 = tpu.memref_slice %arg12[%add3A_255, %dma_start3A_262] : memref<128x64xf32, #tpu.memory_space<vmem>> -> memref<1x64xf32, #tpu.memory_space<vmem>>
      %dma_start3A_264 = tpu.memref_squeeze %dma_start3A_263 : memref<1x64xf32, #tpu.memory_space<vmem>> -> memref<64xf32, #tpu.memory_space<vmem>>
      %dma_start3A_265 = arith.constant 0 : i32
      %dma_start3A_266 = tpu.memref_slice %arg4[%squeeze3A_253, %dma_start3A_265] : memref<100000x64xf32, #tpu.memory_space<hbm>> -> memref<1x64xf32, #tpu.memory_space<hbm>>
      %dma_start3A_267 = tpu.memref_squeeze %dma_start3A_266 : memref<1x64xf32, #tpu.memory_space<hbm>> -> memref<64xf32, #tpu.memory_space<hbm>>
      tpu.enqueue_dma source(%dma_start3A_267 : memref<64xf32, #tpu.memory_space<hbm>>) target(%dma_start3A_264 : memref<64xf32, #tpu.memory_space<vmem>>) target_semaphore(%arg21 : memref<!tpu.dma_semaphore, #tpu.memory_space<semaphore_mem>>)
      %slice3A_268 = vector.extract_strided_slice %get3A_125 {offsets = [4], sizes = [1], strides = [1]} : vector<16xi32> to vector<1xi32>
      %squeeze3A_269 = vector.extract %slice3A_268[0] : i32 from vector<1xi32>
      %add3A_270 = arith.constant 4 : i32
      %add3A_271 = arith.addi %mul3A_116, %add3A_270 : i32
      %dma_start3A_272 = arith.constant 0 : i32
      %dma_start3A_273 = tpu.memref_slice %arg13[%add3A_271, %dma_start3A_272] : memref<128x64xf32, #tpu.memory_space<vmem>> -> memref<1x64xf32, #tpu.memory_space<vmem>>
      %dma_start3A_274 = tpu.memref_squeeze %dma_start3A_273 : memref<1x64xf32, #tpu.memory_space<vmem>> -> memref<64xf32, #tpu.memory_space<vmem>>
      %dma_start3A_275 = arith.constant 0 : i32
      %dma_start3A_276 = tpu.memref_slice %arg5[%squeeze3A_269, %dma_start3A_275] : memref<100000x64xf32, #tpu.memory_space<hbm>> -> memref<1x64xf32, #tpu.memory_space<hbm>>
      %dma_start3A_277 = tpu.memref_squeeze %dma_start3A_276 : memref<1x64xf32, #tpu.memory_space<hbm>> -> memref<64xf32, #tpu.memory_space<hbm>>
      %dma_start3A_278 = arith.constant 0 : i32
      %dma_start3A_279 = tpu.memref_slice %arg13[%add3A_271, %dma_start3A_278] : memref<128x64xf32, #tpu.memory_space<vmem>> -> memref<1x64xf32, #tpu.memory_space<vmem>>
      %dma_start3A_280 = tpu.memref_squeeze %dma_start3A_279 : memref<1x64xf32, #tpu.memory_space<vmem>> -> memref<64xf32, #tpu.memory_space<vmem>>
      %dma_start3A_281 = arith.constant 0 : i32
      %dma_start3A_282 = tpu.memref_slice %arg5[%squeeze3A_269, %dma_start3A_281] : memref<100000x64xf32, #tpu.memory_space<hbm>> -> memref<1x64xf32, #tpu.memory_space<hbm>>
      %dma_start3A_283 = tpu.memref_squeeze %dma_start3A_282 : memref<1x64xf32, #tpu.memory_space<hbm>> -> memref<64xf32, #tpu.memory_space<hbm>>
      tpu.enqueue_dma source(%dma_start3A_283 : memref<64xf32, #tpu.memory_space<hbm>>) target(%dma_start3A_280 : memref<64xf32, #tpu.memory_space<vmem>>) target_semaphore(%arg21 : memref<!tpu.dma_semaphore, #tpu.memory_space<semaphore_mem>>)
      %slice3A_284 = vector.extract_strided_slice %get3A_120 {offsets = [5], sizes = [1], strides = [1]} : vector<16xi32> to vector<1xi32>
      %squeeze3A_285 = vector.extract %slice3A_284[0] : i32 from vector<1xi32>
      %add3A_286 = arith.constant 5 : i32
      %add3A_287 = arith.addi %mul3A_116, %add3A_286 : i32
      %dma_start3A_288 = arith.constant 0 : i32
      %dma_start3A_289 = tpu.memref_slice %arg12[%add3A_287, %dma_start3A_288] : memref<128x64xf32, #tpu.memory_space<vmem>> -> memref<1x64xf32, #tpu.memory_space<vmem>>
      %dma_start3A_290 = tpu.memref_squeeze %dma_start3A_289 : memref<1x64xf32, #tpu.memory_space<vmem>> -> memref<64xf32, #tpu.memory_space<vmem>>
      %dma_start3A_291 = arith.constant 0 : i32
      %dma_start3A_292 = tpu.memref_slice %arg4[%squeeze3A_285, %dma_start3A_291] : memref<100000x64xf32, #tpu.memory_space<hbm>> -> memref<1x64xf32, #tpu.memory_space<hbm>>
      %dma_start3A_293 = tpu.memref_squeeze %dma_start3A_292 : memref<1x64xf32, #tpu.memory_space<hbm>> -> memref<64xf32, #tpu.memory_space<hbm>>
      %dma_start3A_294 = arith.constant 0 : i32
      %dma_start3A_295 = tpu.memref_slice %arg12[%add3A_287, %dma_start3A_294] : memref<128x64xf32, #tpu.memory_space<vmem>> -> memref<1x64xf32, #tpu.memory_space<vmem>>
      %dma_start3A_296 = tpu.memref_squeeze %dma_start3A_295 : memref<1x64xf32, #tpu.memory_space<vmem>> -> memref<64xf32, #tpu.memory_space<vmem>>
      %dma_start3A_297 = arith.constant 0 : i32
      %dma_start3A_298 = tpu.memref_slice %arg4[%squeeze3A_285, %dma_start3A_297] : memref<100000x64xf32, #tpu.memory_space<hbm>> -> memref<1x64xf32, #tpu.memory_space<hbm>>
      %dma_start3A_299 = tpu.memref_squeeze %dma_start3A_298 : memref<1x64xf32, #tpu.memory_space<hbm>> -> memref<64xf32, #tpu.memory_space<hbm>>
      tpu.enqueue_dma source(%dma_start3A_299 : memref<64xf32, #tpu.memory_space<hbm>>) target(%dma_start3A_296 : memref<64xf32, #tpu.memory_space<vmem>>) target_semaphore(%arg21 : memref<!tpu.dma_semaphore, #tpu.memory_space<semaphore_mem>>)
      %slice3A_300 = vector.extract_strided_slice %get3A_125 {offsets = [5], sizes = [1], strides = [1]} : vector<16xi32> to vector<1xi32>
      %squeeze3A_301 = vector.extract %slice3A_300[0] : i32 from vector<1xi32>
      %add3A_302 = arith.constant 5 : i32
      %add3A_303 = arith.addi %mul3A_116, %add3A_302 : i32
      %dma_start3A_304 = arith.constant 0 : i32
      %dma_start3A_305 = tpu.memref_slice %arg13[%add3A_303, %dma_start3A_304] : memref<128x64xf32, #tpu.memory_space<vmem>> -> memref<1x64xf32, #tpu.memory_space<vmem>>
      %dma_start3A_306 = tpu.memref_squeeze %dma_start3A_305 : memref<1x64xf32, #tpu.memory_space<vmem>> -> memref<64xf32, #tpu.memory_space<vmem>>
      %dma_start3A_307 = arith.constant 0 : i32
      %dma_start3A_308 = tpu.memref_slice %arg5[%squeeze3A_301, %dma_start3A_307] : memref<100000x64xf32, #tpu.memory_space<hbm>> -> memref<1x64xf32, #tpu.memory_space<hbm>>
      %dma_start3A_309 = tpu.memref_squeeze %dma_start3A_308 : memref<1x64xf32, #tpu.memory_space<hbm>> -> memref<64xf32, #tpu.memory_space<hbm>>
      %dma_start3A_310 = arith.constant 0 : i32
      %dma_start3A_311 = tpu.memref_slice %arg13[%add3A_303, %dma_start3A_310] : memref<128x64xf32, #tpu.memory_space<vmem>> -> memref<1x64xf32, #tpu.memory_space<vmem>>
      %dma_start3A_312 = tpu.memref_squeeze %dma_start3A_311 : memref<1x64xf32, #tpu.memory_space<vmem>> -> memref<64xf32, #tpu.memory_space<vmem>>
      %dma_start3A_313 = arith.constant 0 : i32
      %dma_start3A_314 = tpu.memref_slice %arg5[%squeeze3A_301, %dma_start3A_313] : memref<100000x64xf32, #tpu.memory_space<hbm>> -> memref<1x64xf32, #tpu.memory_space<hbm>>
      %dma_start3A_315 = tpu.memref_squeeze %dma_start3A_314 : memref<1x64xf32, #tpu.memory_space<hbm>> -> memref<64xf32, #tpu.memory_space<hbm>>
      tpu.enqueue_dma source(%dma_start3A_315 : memref<64xf32, #tpu.memory_space<hbm>>) target(%dma_start3A_312 : memref<64xf32, #tpu.memory_space<vmem>>) target_semaphore(%arg21 : memref<!tpu.dma_semaphore, #tpu.memory_space<semaphore_mem>>)
      %slice3A_316 = vector.extract_strided_slice %get3A_120 {offsets = [6], sizes = [1], strides = [1]} : vector<16xi32> to vector<1xi32>
      %squeeze3A_317 = vector.extract %slice3A_316[0] : i32 from vector<1xi32>
      %add3A_318 = arith.constant 6 : i32
      %add3A_319 = arith.addi %mul3A_116, %add3A_318 : i32
      %dma_start3A_320 = arith.constant 0 : i32
      %dma_start3A_321 = tpu.memref_slice %arg12[%add3A_319, %dma_start3A_320] : memref<128x64xf32, #tpu.memory_space<vmem>> -> memref<1x64xf32, #tpu.memory_space<vmem>>
      %dma_start3A_322 = tpu.memref_squeeze %dma_start3A_321 : memref<1x64xf32, #tpu.memory_space<vmem>> -> memref<64xf32, #tpu.memory_space<vmem>>
      %dma_start3A_323 = arith.constant 0 : i32
      %dma_start3A_324 = tpu.memref_slice %arg4[%squeeze3A_317, %dma_start3A_323] : memref<100000x64xf32, #tpu.memory_space<hbm>> -> memref<1x64xf32, #tpu.memory_space<hbm>>
      %dma_start3A_325 = tpu.memref_squeeze %dma_start3A_324 : memref<1x64xf32, #tpu.memory_space<hbm>> -> memref<64xf32, #tpu.memory_space<hbm>>
      %dma_start3A_326 = arith.constant 0 : i32
      %dma_start3A_327 = tpu.memref_slice %arg12[%add3A_319, %dma_start3A_326] : memref<128x64xf32, #tpu.memory_space<vmem>> -> memref<1x64xf32, #tpu.memory_space<vmem>>
      %dma_start3A_328 = tpu.memref_squeeze %dma_start3A_327 : memref<1x64xf32, #tpu.memory_space<vmem>> -> memref<64xf32, #tpu.memory_space<vmem>>
      %dma_start3A_329 = arith.constant 0 : i32
      %dma_start3A_330 = tpu.memref_slice %arg4[%squeeze3A_317, %dma_start3A_329] : memref<100000x64xf32, #tpu.memory_space<hbm>> -> memref<1x64xf32, #tpu.memory_space<hbm>>
      %dma_start3A_331 = tpu.memref_squeeze %dma_start3A_330 : memref<1x64xf32, #tpu.memory_space<hbm>> -> memref<64xf32, #tpu.memory_space<hbm>>
      tpu.enqueue_dma source(%dma_start3A_331 : memref<64xf32, #tpu.memory_space<hbm>>) target(%dma_start3A_328 : memref<64xf32, #tpu.memory_space<vmem>>) target_semaphore(%arg21 : memref<!tpu.dma_semaphore, #tpu.memory_space<semaphore_mem>>)
      %slice3A_332 = vector.extract_strided_slice %get3A_125 {offsets = [6], sizes = [1], strides = [1]} : vector<16xi32> to vector<1xi32>
      %squeeze3A_333 = vector.extract %slice3A_332[0] : i32 from vector<1xi32>
      %add3A_334 = arith.constant 6 : i32
      %add3A_335 = arith.addi %mul3A_116, %add3A_334 : i32
      %dma_start3A_336 = arith.constant 0 : i32
      %dma_start3A_337 = tpu.memref_slice %arg13[%add3A_335, %dma_start3A_336] : memref<128x64xf32, #tpu.memory_space<vmem>> -> memref<1x64xf32, #tpu.memory_space<vmem>>
      %dma_start3A_338 = tpu.memref_squeeze %dma_start3A_337 : memref<1x64xf32, #tpu.memory_space<vmem>> -> memref<64xf32, #tpu.memory_space<vmem>>
      %dma_start3A_339 = arith.constant 0 : i32
      %dma_start3A_340 = tpu.memref_slice %arg5[%squeeze3A_333, %dma_start3A_339] : memref<100000x64xf32, #tpu.memory_space<hbm>> -> memref<1x64xf32, #tpu.memory_space<hbm>>
      %dma_start3A_341 = tpu.memref_squeeze %dma_start3A_340 : memref<1x64xf32, #tpu.memory_space<hbm>> -> memref<64xf32, #tpu.memory_space<hbm>>
      %dma_start3A_342 = arith.constant 0 : i32
      %dma_start3A_343 = tpu.memref_slice %arg13[%add3A_335, %dma_start3A_342] : memref<128x64xf32, #tpu.memory_space<vmem>> -> memref<1x64xf32, #tpu.memory_space<vmem>>
      %dma_start3A_344 = tpu.memref_squeeze %dma_start3A_343 : memref<1x64xf32, #tpu.memory_space<vmem>> -> memref<64xf32, #tpu.memory_space<vmem>>
      %dma_start3A_345 = arith.constant 0 : i32
      %dma_start3A_346 = tpu.memref_slice %arg5[%squeeze3A_333, %dma_start3A_345] : memref<100000x64xf32, #tpu.memory_space<hbm>> -> memref<1x64xf32, #tpu.memory_space<hbm>>
      %dma_start3A_347 = tpu.memref_squeeze %dma_start3A_346 : memref<1x64xf32, #tpu.memory_space<hbm>> -> memref<64xf32, #tpu.memory_space<hbm>>
      tpu.enqueue_dma source(%dma_start3A_347 : memref<64xf32, #tpu.memory_space<hbm>>) target(%dma_start3A_344 : memref<64xf32, #tpu.memory_space<vmem>>) target_semaphore(%arg21 : memref<!tpu.dma_semaphore, #tpu.memory_space<semaphore_mem>>)
      %slice3A_348 = vector.extract_strided_slice %get3A_120 {offsets = [7], sizes = [1], strides = [1]} : vector<16xi32> to vector<1xi32>
      %squeeze3A_349 = vector.extract %slice3A_348[0] : i32 from vector<1xi32>
      %add3A_350 = arith.constant 7 : i32
      %add3A_351 = arith.addi %mul3A_116, %add3A_350 : i32
      %dma_start3A_352 = arith.constant 0 : i32
      %dma_start3A_353 = tpu.memref_slice %arg12[%add3A_351, %dma_start3A_352] : memref<128x64xf32, #tpu.memory_space<vmem>> -> memref<1x64xf32, #tpu.memory_space<vmem>>
      %dma_start3A_354 = tpu.memref_squeeze %dma_start3A_353 : memref<1x64xf32, #tpu.memory_space<vmem>> -> memref<64xf32, #tpu.memory_space<vmem>>
      %dma_start3A_355 = arith.constant 0 : i32
      %dma_start3A_356 = tpu.memref_slice %arg4[%squeeze3A_349, %dma_start3A_355] : memref<100000x64xf32, #tpu.memory_space<hbm>> -> memref<1x64xf32, #tpu.memory_space<hbm>>
      %dma_start3A_357 = tpu.memref_squeeze %dma_start3A_356 : memref<1x64xf32, #tpu.memory_space<hbm>> -> memref<64xf32, #tpu.memory_space<hbm>>
      %dma_start3A_358 = arith.constant 0 : i32
      %dma_start3A_359 = tpu.memref_slice %arg12[%add3A_351, %dma_start3A_358] : memref<128x64xf32, #tpu.memory_space<vmem>> -> memref<1x64xf32, #tpu.memory_space<vmem>>
      %dma_start3A_360 = tpu.memref_squeeze %dma_start3A_359 : memref<1x64xf32, #tpu.memory_space<vmem>> -> memref<64xf32, #tpu.memory_space<vmem>>
      %dma_start3A_361 = arith.constant 0 : i32
      %dma_start3A_362 = tpu.memref_slice %arg4[%squeeze3A_349, %dma_start3A_361] : memref<100000x64xf32, #tpu.memory_space<hbm>> -> memref<1x64xf32, #tpu.memory_space<hbm>>
      %dma_start3A_363 = tpu.memref_squeeze %dma_start3A_362 : memref<1x64xf32, #tpu.memory_space<hbm>> -> memref<64xf32, #tpu.memory_space<hbm>>
      tpu.enqueue_dma source(%dma_start3A_363 : memref<64xf32, #tpu.memory_space<hbm>>) target(%dma_start3A_360 : memref<64xf32, #tpu.memory_space<vmem>>) target_semaphore(%arg21 : memref<!tpu.dma_semaphore, #tpu.memory_space<semaphore_mem>>)
      %slice3A_364 = vector.extract_strided_slice %get3A_125 {offsets = [7], sizes = [1], strides = [1]} : vector<16xi32> to vector<1xi32>
      %squeeze3A_365 = vector.extract %slice3A_364[0] : i32 from vector<1xi32>
      %add3A_366 = arith.constant 7 : i32
      %add3A_367 = arith.addi %mul3A_116, %add3A_366 : i32
      %dma_start3A_368 = arith.constant 0 : i32
      %dma_start3A_369 = tpu.memref_slice %arg13[%add3A_367, %dma_start3A_368] : memref<128x64xf32, #tpu.memory_space<vmem>> -> memref<1x64xf32, #tpu.memory_space<vmem>>
      %dma_start3A_370 = tpu.memref_squeeze %dma_start3A_369 : memref<1x64xf32, #tpu.memory_space<vmem>> -> memref<64xf32, #tpu.memory_space<vmem>>
      %dma_start3A_371 = arith.constant 0 : i32
      %dma_start3A_372 = tpu.memref_slice %arg5[%squeeze3A_365, %dma_start3A_371] : memref<100000x64xf32, #tpu.memory_space<hbm>> -> memref<1x64xf32, #tpu.memory_space<hbm>>
      %dma_start3A_373 = tpu.memref_squeeze %dma_start3A_372 : memref<1x64xf32, #tpu.memory_space<hbm>> -> memref<64xf32, #tpu.memory_space<hbm>>
      %dma_start3A_374 = arith.constant 0 : i32
      %dma_start3A_375 = tpu.memref_slice %arg13[%add3A_367, %dma_start3A_374] : memref<128x64xf32, #tpu.memory_space<vmem>> -> memref<1x64xf32, #tpu.memory_space<vmem>>
      %dma_start3A_376 = tpu.memref_squeeze %dma_start3A_375 : memref<1x64xf32, #tpu.memory_space<vmem>> -> memref<64xf32, #tpu.memory_space<vmem>>
      %dma_start3A_377 = arith.constant 0 : i32
      %dma_start3A_378 = tpu.memref_slice %arg5[%squeeze3A_365, %dma_start3A_377] : memref<100000x64xf32, #tpu.memory_space<hbm>> -> memref<1x64xf32, #tpu.memory_space<hbm>>
      %dma_start3A_379 = tpu.memref_squeeze %dma_start3A_378 : memref<1x64xf32, #tpu.memory_space<hbm>> -> memref<64xf32, #tpu.memory_space<hbm>>
      tpu.enqueue_dma source(%dma_start3A_379 : memref<64xf32, #tpu.memory_space<hbm>>) target(%dma_start3A_376 : memref<64xf32, #tpu.memory_space<vmem>>) target_semaphore(%arg21 : memref<!tpu.dma_semaphore, #tpu.memory_space<semaphore_mem>>)
      %slice3A_380 = vector.extract_strided_slice %get3A_120 {offsets = [8], sizes = [1], strides = [1]} : vector<16xi32> to vector<1xi32>
      %squeeze3A_381 = vector.extract %slice3A_380[0] : i32 from vector<1xi32>
      %add3A_382 = arith.constant 8 : i32
      %add3A_383 = arith.addi %mul3A_116, %add3A_382 : i32
      %dma_start3A_384 = arith.constant 0 : i32
      %dma_start3A_385 = tpu.memref_slice %arg12[%add3A_383, %dma_start3A_384] : memref<128x64xf32, #tpu.memory_space<vmem>> -> memref<1x64xf32, #tpu.memory_space<vmem>>
      %dma_start3A_386 = tpu.memref_squeeze %dma_start3A_385 : memref<1x64xf32, #tpu.memory_space<vmem>> -> memref<64xf32, #tpu.memory_space<vmem>>
      %dma_start3A_387 = arith.constant 0 : i32
      %dma_start3A_388 = tpu.memref_slice %arg4[%squeeze3A_381, %dma_start3A_387] : memref<100000x64xf32, #tpu.memory_space<hbm>> -> memref<1x64xf32, #tpu.memory_space<hbm>>
      %dma_start3A_389 = tpu.memref_squeeze %dma_start3A_388 : memref<1x64xf32, #tpu.memory_space<hbm>> -> memref<64xf32, #tpu.memory_space<hbm>>
      %dma_start3A_390 = arith.constant 0 : i32
      %dma_start3A_391 = tpu.memref_slice %arg12[%add3A_383, %dma_start3A_390] : memref<128x64xf32, #tpu.memory_space<vmem>> -> memref<1x64xf32, #tpu.memory_space<vmem>>
      %dma_start3A_392 = tpu.memref_squeeze %dma_start3A_391 : memref<1x64xf32, #tpu.memory_space<vmem>> -> memref<64xf32, #tpu.memory_space<vmem>>
      %dma_start3A_393 = arith.constant 0 : i32
      %dma_start3A_394 = tpu.memref_slice %arg4[%squeeze3A_381, %dma_start3A_393] : memref<100000x64xf32, #tpu.memory_space<hbm>> -> memref<1x64xf32, #tpu.memory_space<hbm>>
      %dma_start3A_395 = tpu.memref_squeeze %dma_start3A_394 : memref<1x64xf32, #tpu.memory_space<hbm>> -> memref<64xf32, #tpu.memory_space<hbm>>
      tpu.enqueue_dma source(%dma_start3A_395 : memref<64xf32, #tpu.memory_space<hbm>>) target(%dma_start3A_392 : memref<64xf32, #tpu.memory_space<vmem>>) target_semaphore(%arg21 : memref<!tpu.dma_semaphore, #tpu.memory_space<semaphore_mem>>)
      %slice3A_396 = vector.extract_strided_slice %get3A_125 {offsets = [8], sizes = [1], strides = [1]} : vector<16xi32> to vector<1xi32>
      %squeeze3A_397 = vector.extract %slice3A_396[0] : i32 from vector<1xi32>
      %add3A_398 = arith.constant 8 : i32
      %add3A_399 = arith.addi %mul3A_116, %add3A_398 : i32
      %dma_start3A_400 = arith.constant 0 : i32
      %dma_start3A_401 = tpu.memref_slice %arg13[%add3A_399, %dma_start3A_400] : memref<128x64xf32, #tpu.memory_space<vmem>> -> memref<1x64xf32, #tpu.memory_space<vmem>>
      %dma_start3A_402 = tpu.memref_squeeze %dma_start3A_401 : memref<1x64xf32, #tpu.memory_space<vmem>> -> memref<64xf32, #tpu.memory_space<vmem>>
      %dma_start3A_403 = arith.constant 0 : i32
      %dma_start3A_404 = tpu.memref_slice %arg5[%squeeze3A_397, %dma_start3A_403] : memref<100000x64xf32, #tpu.memory_space<hbm>> -> memref<1x64xf32, #tpu.memory_space<hbm>>
      %dma_start3A_405 = tpu.memref_squeeze %dma_start3A_404 : memref<1x64xf32, #tpu.memory_space<hbm>> -> memref<64xf32, #tpu.memory_space<hbm>>
      %dma_start3A_406 = arith.constant 0 : i32
      %dma_start3A_407 = tpu.memref_slice %arg13[%add3A_399, %dma_start3A_406] : memref<128x64xf32, #tpu.memory_space<vmem>> -> memref<1x64xf32, #tpu.memory_space<vmem>>
      %dma_start3A_408 = tpu.memref_squeeze %dma_start3A_407 : memref<1x64xf32, #tpu.memory_space<vmem>> -> memref<64xf32, #tpu.memory_space<vmem>>
      %dma_start3A_409 = arith.constant 0 : i32
      %dma_start3A_410 = tpu.memref_slice %arg5[%squeeze3A_397, %dma_start3A_409] : memref<100000x64xf32, #tpu.memory_space<hbm>> -> memref<1x64xf32, #tpu.memory_space<hbm>>
      %dma_start3A_411 = tpu.memref_squeeze %dma_start3A_410 : memref<1x64xf32, #tpu.memory_space<hbm>> -> memref<64xf32, #tpu.memory_space<hbm>>
      tpu.enqueue_dma source(%dma_start3A_411 : memref<64xf32, #tpu.memory_space<hbm>>) target(%dma_start3A_408 : memref<64xf32, #tpu.memory_space<vmem>>) target_semaphore(%arg21 : memref<!tpu.dma_semaphore, #tpu.memory_space<semaphore_mem>>)
      %slice3A_412 = vector.extract_strided_slice %get3A_120 {offsets = [9], sizes = [1], strides = [1]} : vector<16xi32> to vector<1xi32>
      %squeeze3A_413 = vector.extract %slice3A_412[0] : i32 from vector<1xi32>
      %add3A_414 = arith.constant 9 : i32
      %add3A_415 = arith.addi %mul3A_116, %add3A_414 : i32
      %dma_start3A_416 = arith.constant 0 : i32
      %dma_start3A_417 = tpu.memref_slice %arg12[%add3A_415, %dma_start3A_416] : memref<128x64xf32, #tpu.memory_space<vmem>> -> memref<1x64xf32, #tpu.memory_space<vmem>>
      %dma_start3A_418 = tpu.memref_squeeze %dma_start3A_417 : memref<1x64xf32, #tpu.memory_space<vmem>> -> memref<64xf32, #tpu.memory_space<vmem>>
      %dma_start3A_419 = arith.constant 0 : i32
      %dma_start3A_420 = tpu.memref_slice %arg4[%squeeze3A_413, %dma_start3A_419] : memref<100000x64xf32, #tpu.memory_space<hbm>> -> memref<1x64xf32, #tpu.memory_space<hbm>>
      %dma_start3A_421 = tpu.memref_squeeze %dma_start3A_420 : memref<1x64xf32, #tpu.memory_space<hbm>> -> memref<64xf32, #tpu.memory_space<hbm>>
      %dma_start3A_422 = arith.constant 0 : i32
      %dma_start3A_423 = tpu.memref_slice %arg12[%add3A_415, %dma_start3A_422] : memref<128x64xf32, #tpu.memory_space<vmem>> -> memref<1x64xf32, #tpu.memory_space<vmem>>
      %dma_start3A_424 = tpu.memref_squeeze %dma_start3A_423 : memref<1x64xf32, #tpu.memory_space<vmem>> -> memref<64xf32, #tpu.memory_space<vmem>>
      %dma_start3A_425 = arith.constant 0 : i32
      %dma_start3A_426 = tpu.memref_slice %arg4[%squeeze3A_413, %dma_start3A_425] : memref<100000x64xf32, #tpu.memory_space<hbm>> -> memref<1x64xf32, #tpu.memory_space<hbm>>
      %dma_start3A_427 = tpu.memref_squeeze %dma_start3A_426 : memref<1x64xf32, #tpu.memory_space<hbm>> -> memref<64xf32, #tpu.memory_space<hbm>>
      tpu.enqueue_dma source(%dma_start3A_427 : memref<64xf32, #tpu.memory_space<hbm>>) target(%dma_start3A_424 : memref<64xf32, #tpu.memory_space<vmem>>) target_semaphore(%arg21 : memref<!tpu.dma_semaphore, #tpu.memory_space<semaphore_mem>>)
      %slice3A_428 = vector.extract_strided_slice %get3A_125 {offsets = [9], sizes = [1], strides = [1]} : vector<16xi32> to vector<1xi32>
      %squeeze3A_429 = vector.extract %slice3A_428[0] : i32 from vector<1xi32>
      %add3A_430 = arith.constant 9 : i32
      %add3A_431 = arith.addi %mul3A_116, %add3A_430 : i32
      %dma_start3A_432 = arith.constant 0 : i32
      %dma_start3A_433 = tpu.memref_slice %arg13[%add3A_431, %dma_start3A_432] : memref<128x64xf32, #tpu.memory_space<vmem>> -> memref<1x64xf32, #tpu.memory_space<vmem>>
      %dma_start3A_434 = tpu.memref_squeeze %dma_start3A_433 : memref<1x64xf32, #tpu.memory_space<vmem>> -> memref<64xf32, #tpu.memory_space<vmem>>
      %dma_start3A_435 = arith.constant 0 : i32
      %dma_start3A_436 = tpu.memref_slice %arg5[%squeeze3A_429, %dma_start3A_435] : memref<100000x64xf32, #tpu.memory_space<hbm>> -> memref<1x64xf32, #tpu.memory_space<hbm>>
      %dma_start3A_437 = tpu.memref_squeeze %dma_start3A_436 : memref<1x64xf32, #tpu.memory_space<hbm>> -> memref<64xf32, #tpu.memory_space<hbm>>
      %dma_start3A_438 = arith.constant 0 : i32
      %dma_start3A_439 = tpu.memref_slice %arg13[%add3A_431, %dma_start3A_438] : memref<128x64xf32, #tpu.memory_space<vmem>> -> memref<1x64xf32, #tpu.memory_space<vmem>>
      %dma_start3A_440 = tpu.memref_squeeze %dma_start3A_439 : memref<1x64xf32, #tpu.memory_space<vmem>> -> memref<64xf32, #tpu.memory_space<vmem>>
      %dma_start3A_441 = arith.constant 0 : i32
      %dma_start3A_442 = tpu.memref_slice %arg5[%squeeze3A_429, %dma_start3A_441] : memref<100000x64xf32, #tpu.memory_space<hbm>> -> memref<1x64xf32, #tpu.memory_space<hbm>>
      %dma_start3A_443 = tpu.memref_squeeze %dma_start3A_442 : memref<1x64xf32, #tpu.memory_space<hbm>> -> memref<64xf32, #tpu.memory_space<hbm>>
      tpu.enqueue_dma source(%dma_start3A_443 : memref<64xf32, #tpu.memory_space<hbm>>) target(%dma_start3A_440 : memref<64xf32, #tpu.memory_space<vmem>>) target_semaphore(%arg21 : memref<!tpu.dma_semaphore, #tpu.memory_space<semaphore_mem>>)
      %slice3A_444 = vector.extract_strided_slice %get3A_120 {offsets = [10], sizes = [1], strides = [1]} : vector<16xi32> to vector<1xi32>
      %squeeze3A_445 = vector.extract %slice3A_444[0] : i32 from vector<1xi32>
      %add3A_446 = arith.constant 10 : i32
      %add3A_447 = arith.addi %mul3A_116, %add3A_446 : i32
      %dma_start3A_448 = arith.constant 0 : i32
      %dma_start3A_449 = tpu.memref_slice %arg12[%add3A_447, %dma_start3A_448] : memref<128x64xf32, #tpu.memory_space<vmem>> -> memref<1x64xf32, #tpu.memory_space<vmem>>
      %dma_start3A_450 = tpu.memref_squeeze %dma_start3A_449 : memref<1x64xf32, #tpu.memory_space<vmem>> -> memref<64xf32, #tpu.memory_space<vmem>>
      %dma_start3A_451 = arith.constant 0 : i32
      %dma_start3A_452 = tpu.memref_slice %arg4[%squeeze3A_445, %dma_start3A_451] : memref<100000x64xf32, #tpu.memory_space<hbm>> -> memref<1x64xf32, #tpu.memory_space<hbm>>
      %dma_start3A_453 = tpu.memref_squeeze %dma_start3A_452 : memref<1x64xf32, #tpu.memory_space<hbm>> -> memref<64xf32, #tpu.memory_space<hbm>>
      %dma_start3A_454 = arith.constant 0 : i32
      %dma_start3A_455 = tpu.memref_slice %arg12[%add3A_447, %dma_start3A_454] : memref<128x64xf32, #tpu.memory_space<vmem>> -> memref<1x64xf32, #tpu.memory_space<vmem>>
      %dma_start3A_456 = tpu.memref_squeeze %dma_start3A_455 : memref<1x64xf32, #tpu.memory_space<vmem>> -> memref<64xf32, #tpu.memory_space<vmem>>
      %dma_start3A_457 = arith.constant 0 : i32
      %dma_start3A_458 = tpu.memref_slice %arg4[%squeeze3A_445, %dma_start3A_457] : memref<100000x64xf32, #tpu.memory_space<hbm>> -> memref<1x64xf32, #tpu.memory_space<hbm>>
      %dma_start3A_459 = tpu.memref_squeeze %dma_start3A_458 : memref<1x64xf32, #tpu.memory_space<hbm>> -> memref<64xf32, #tpu.memory_space<hbm>>
      tpu.enqueue_dma source(%dma_start3A_459 : memref<64xf32, #tpu.memory_space<hbm>>) target(%dma_start3A_456 : memref<64xf32, #tpu.memory_space<vmem>>) target_semaphore(%arg21 : memref<!tpu.dma_semaphore, #tpu.memory_space<semaphore_mem>>)
      %slice3A_460 = vector.extract_strided_slice %get3A_125 {offsets = [10], sizes = [1], strides = [1]} : vector<16xi32> to vector<1xi32>
      %squeeze3A_461 = vector.extract %slice3A_460[0] : i32 from vector<1xi32>
      %add3A_462 = arith.constant 10 : i32
      %add3A_463 = arith.addi %mul3A_116, %add3A_462 : i32
      %dma_start3A_464 = arith.constant 0 : i32
      %dma_start3A_465 = tpu.memref_slice %arg13[%add3A_463, %dma_start3A_464] : memref<128x64xf32, #tpu.memory_space<vmem>> -> memref<1x64xf32, #tpu.memory_space<vmem>>
      %dma_start3A_466 = tpu.memref_squeeze %dma_start3A_465 : memref<1x64xf32, #tpu.memory_space<vmem>> -> memref<64xf32, #tpu.memory_space<vmem>>
      %dma_start3A_467 = arith.constant 0 : i32
      %dma_start3A_468 = tpu.memref_slice %arg5[%squeeze3A_461, %dma_start3A_467] : memref<100000x64xf32, #tpu.memory_space<hbm>> -> memref<1x64xf32, #tpu.memory_space<hbm>>
      %dma_start3A_469 = tpu.memref_squeeze %dma_start3A_468 : memref<1x64xf32, #tpu.memory_space<hbm>> -> memref<64xf32, #tpu.memory_space<hbm>>
      %dma_start3A_470 = arith.constant 0 : i32
      %dma_start3A_471 = tpu.memref_slice %arg13[%add3A_463, %dma_start3A_470] : memref<128x64xf32, #tpu.memory_space<vmem>> -> memref<1x64xf32, #tpu.memory_space<vmem>>
      %dma_start3A_472 = tpu.memref_squeeze %dma_start3A_471 : memref<1x64xf32, #tpu.memory_space<vmem>> -> memref<64xf32, #tpu.memory_space<vmem>>
      %dma_start3A_473 = arith.constant 0 : i32
      %dma_start3A_474 = tpu.memref_slice %arg5[%squeeze3A_461, %dma_start3A_473] : memref<100000x64xf32, #tpu.memory_space<hbm>> -> memref<1x64xf32, #tpu.memory_space<hbm>>
      %dma_start3A_475 = tpu.memref_squeeze %dma_start3A_474 : memref<1x64xf32, #tpu.memory_space<hbm>> -> memref<64xf32, #tpu.memory_space<hbm>>
      tpu.enqueue_dma source(%dma_start3A_475 : memref<64xf32, #tpu.memory_space<hbm>>) target(%dma_start3A_472 : memref<64xf32, #tpu.memory_space<vmem>>) target_semaphore(%arg21 : memref<!tpu.dma_semaphore, #tpu.memory_space<semaphore_mem>>)
      %slice3A_476 = vector.extract_strided_slice %get3A_120 {offsets = [11], sizes = [1], strides = [1]} : vector<16xi32> to vector<1xi32>
      %squeeze3A_477 = vector.extract %slice3A_476[0] : i32 from vector<1xi32>
      %add3A_478 = arith.constant 11 : i32
      %add3A_479 = arith.addi %mul3A_116, %add3A_478 : i32
      %dma_start3A_480 = arith.constant 0 : i32
      %dma_start3A_481 = tpu.memref_slice %arg12[%add3A_479, %dma_start3A_480] : memref<128x64xf32, #tpu.memory_space<vmem>> -> memref<1x64xf32, #tpu.memory_space<vmem>>
      %dma_start3A_482 = tpu.memref_squeeze %dma_start3A_481 : memref<1x64xf32, #tpu.memory_space<vmem>> -> memref<64xf32, #tpu.memory_space<vmem>>
      %dma_start3A_483 = arith.constant 0 : i32
      %dma_start3A_484 = tpu.memref_slice %arg4[%squeeze3A_477, %dma_start3A_483] : memref<100000x64xf32, #tpu.memory_space<hbm>> -> memref<1x64xf32, #tpu.memory_space<hbm>>
      %dma_start3A_485 = tpu.memref_squeeze %dma_start3A_484 : memref<1x64xf32, #tpu.memory_space<hbm>> -> memref<64xf32, #tpu.memory_space<hbm>>
      %dma_start3A_486 = arith.constant 0 : i32
      %dma_start3A_487 = tpu.memref_slice %arg12[%add3A_479, %dma_start3A_486] : memref<128x64xf32, #tpu.memory_space<vmem>> -> memref<1x64xf32, #tpu.memory_space<vmem>>
      %dma_start3A_488 = tpu.memref_squeeze %dma_start3A_487 : memref<1x64xf32, #tpu.memory_space<vmem>> -> memref<64xf32, #tpu.memory_space<vmem>>
      %dma_start3A_489 = arith.constant 0 : i32
      %dma_start3A_490 = tpu.memref_slice %arg4[%squeeze3A_477, %dma_start3A_489] : memref<100000x64xf32, #tpu.memory_space<hbm>> -> memref<1x64xf32, #tpu.memory_space<hbm>>
      %dma_start3A_491 = tpu.memref_squeeze %dma_start3A_490 : memref<1x64xf32, #tpu.memory_space<hbm>> -> memref<64xf32, #tpu.memory_space<hbm>>
      tpu.enqueue_dma source(%dma_start3A_491 : memref<64xf32, #tpu.memory_space<hbm>>) target(%dma_start3A_488 : memref<64xf32, #tpu.memory_space<vmem>>) target_semaphore(%arg21 : memref<!tpu.dma_semaphore, #tpu.memory_space<semaphore_mem>>)
      %slice3A_492 = vector.extract_strided_slice %get3A_125 {offsets = [11], sizes = [1], strides = [1]} : vector<16xi32> to vector<1xi32>
      %squeeze3A_493 = vector.extract %slice3A_492[0] : i32 from vector<1xi32>
      %add3A_494 = arith.constant 11 : i32
      %add3A_495 = arith.addi %mul3A_116, %add3A_494 : i32
      %dma_start3A_496 = arith.constant 0 : i32
      %dma_start3A_497 = tpu.memref_slice %arg13[%add3A_495, %dma_start3A_496] : memref<128x64xf32, #tpu.memory_space<vmem>> -> memref<1x64xf32, #tpu.memory_space<vmem>>
      %dma_start3A_498 = tpu.memref_squeeze %dma_start3A_497 : memref<1x64xf32, #tpu.memory_space<vmem>> -> memref<64xf32, #tpu.memory_space<vmem>>
      %dma_start3A_499 = arith.constant 0 : i32
      %dma_start3A_500 = tpu.memref_slice %arg5[%squeeze3A_493, %dma_start3A_499] : memref<100000x64xf32, #tpu.memory_space<hbm>> -> memref<1x64xf32, #tpu.memory_space<hbm>>
      %dma_start3A_501 = tpu.memref_squeeze %dma_start3A_500 : memref<1x64xf32, #tpu.memory_space<hbm>> -> memref<64xf32, #tpu.memory_space<hbm>>
      %dma_start3A_502 = arith.constant 0 : i32
      %dma_start3A_503 = tpu.memref_slice %arg13[%add3A_495, %dma_start3A_502] : memref<128x64xf32, #tpu.memory_space<vmem>> -> memref<1x64xf32, #tpu.memory_space<vmem>>
      %dma_start3A_504 = tpu.memref_squeeze %dma_start3A_503 : memref<1x64xf32, #tpu.memory_space<vmem>> -> memref<64xf32, #tpu.memory_space<vmem>>
      %dma_start3A_505 = arith.constant 0 : i32
      %dma_start3A_506 = tpu.memref_slice %arg5[%squeeze3A_493, %dma_start3A_505] : memref<100000x64xf32, #tpu.memory_space<hbm>> -> memref<1x64xf32, #tpu.memory_space<hbm>>
      %dma_start3A_507 = tpu.memref_squeeze %dma_start3A_506 : memref<1x64xf32, #tpu.memory_space<hbm>> -> memref<64xf32, #tpu.memory_space<hbm>>
      tpu.enqueue_dma source(%dma_start3A_507 : memref<64xf32, #tpu.memory_space<hbm>>) target(%dma_start3A_504 : memref<64xf32, #tpu.memory_space<vmem>>) target_semaphore(%arg21 : memref<!tpu.dma_semaphore, #tpu.memory_space<semaphore_mem>>)
      %slice3A_508 = vector.extract_strided_slice %get3A_120 {offsets = [12], sizes = [1], strides = [1]} : vector<16xi32> to vector<1xi32>
      %squeeze3A_509 = vector.extract %slice3A_508[0] : i32 from vector<1xi32>
      %add3A_510 = arith.constant 12 : i32
      %add3A_511 = arith.addi %mul3A_116, %add3A_510 : i32
      %dma_start3A_512 = arith.constant 0 : i32
      %dma_start3A_513 = tpu.memref_slice %arg12[%add3A_511, %dma_start3A_512] : memref<128x64xf32, #tpu.memory_space<vmem>> -> memref<1x64xf32, #tpu.memory_space<vmem>>
      %dma_start3A_514 = tpu.memref_squeeze %dma_start3A_513 : memref<1x64xf32, #tpu.memory_space<vmem>> -> memref<64xf32, #tpu.memory_space<vmem>>
      %dma_start3A_515 = arith.constant 0 : i32
      %dma_start3A_516 = tpu.memref_slice %arg4[%squeeze3A_509, %dma_start3A_515] : memref<100000x64xf32, #tpu.memory_space<hbm>> -> memref<1x64xf32, #tpu.memory_space<hbm>>
      %dma_start3A_517 = tpu.memref_squeeze %dma_start3A_516 : memref<1x64xf32, #tpu.memory_space<hbm>> -> memref<64xf32, #tpu.memory_space<hbm>>
      %dma_start3A_518 = arith.constant 0 : i32
      %dma_start3A_519 = tpu.memref_slice %arg12[%add3A_511, %dma_start3A_518] : memref<128x64xf32, #tpu.memory_space<vmem>> -> memref<1x64xf32, #tpu.memory_space<vmem>>
      %dma_start3A_520 = tpu.memref_squeeze %dma_start3A_519 : memref<1x64xf32, #tpu.memory_space<vmem>> -> memref<64xf32, #tpu.memory_space<vmem>>
      %dma_start3A_521 = arith.constant 0 : i32
      %dma_start3A_522 = tpu.memref_slice %arg4[%squeeze3A_509, %dma_start3A_521] : memref<100000x64xf32, #tpu.memory_space<hbm>> -> memref<1x64xf32, #tpu.memory_space<hbm>>
      %dma_start3A_523 = tpu.memref_squeeze %dma_start3A_522 : memref<1x64xf32, #tpu.memory_space<hbm>> -> memref<64xf32, #tpu.memory_space<hbm>>
      tpu.enqueue_dma source(%dma_start3A_523 : memref<64xf32, #tpu.memory_space<hbm>>) target(%dma_start3A_520 : memref<64xf32, #tpu.memory_space<vmem>>) target_semaphore(%arg21 : memref<!tpu.dma_semaphore, #tpu.memory_space<semaphore_mem>>)
      %slice3A_524 = vector.extract_strided_slice %get3A_125 {offsets = [12], sizes = [1], strides = [1]} : vector<16xi32> to vector<1xi32>
      %squeeze3A_525 = vector.extract %slice3A_524[0] : i32 from vector<1xi32>
      %add3A_526 = arith.constant 12 : i32
      %add3A_527 = arith.addi %mul3A_116, %add3A_526 : i32
      %dma_start3A_528 = arith.constant 0 : i32
      %dma_start3A_529 = tpu.memref_slice %arg13[%add3A_527, %dma_start3A_528] : memref<128x64xf32, #tpu.memory_space<vmem>> -> memref<1x64xf32, #tpu.memory_space<vmem>>
      %dma_start3A_530 = tpu.memref_squeeze %dma_start3A_529 : memref<1x64xf32, #tpu.memory_space<vmem>> -> memref<64xf32, #tpu.memory_space<vmem>>
      %dma_start3A_531 = arith.constant 0 : i32
      %dma_start3A_532 = tpu.memref_slice %arg5[%squeeze3A_525, %dma_start3A_531] : memref<100000x64xf32, #tpu.memory_space<hbm>> -> memref<1x64xf32, #tpu.memory_space<hbm>>
      %dma_start3A_533 = tpu.memref_squeeze %dma_start3A_532 : memref<1x64xf32, #tpu.memory_space<hbm>> -> memref<64xf32, #tpu.memory_space<hbm>>
      %dma_start3A_534 = arith.constant 0 : i32
      %dma_start3A_535 = tpu.memref_slice %arg13[%add3A_527, %dma_start3A_534] : memref<128x64xf32, #tpu.memory_space<vmem>> -> memref<1x64xf32, #tpu.memory_space<vmem>>
      %dma_start3A_536 = tpu.memref_squeeze %dma_start3A_535 : memref<1x64xf32, #tpu.memory_space<vmem>> -> memref<64xf32, #tpu.memory_space<vmem>>
      %dma_start3A_537 = arith.constant 0 : i32
      %dma_start3A_538 = tpu.memref_slice %arg5[%squeeze3A_525, %dma_start3A_537] : memref<100000x64xf32, #tpu.memory_space<hbm>> -> memref<1x64xf32, #tpu.memory_space<hbm>>
      %dma_start3A_539 = tpu.memref_squeeze %dma_start3A_538 : memref<1x64xf32, #tpu.memory_space<hbm>> -> memref<64xf32, #tpu.memory_space<hbm>>
      tpu.enqueue_dma source(%dma_start3A_539 : memref<64xf32, #tpu.memory_space<hbm>>) target(%dma_start3A_536 : memref<64xf32, #tpu.memory_space<vmem>>) target_semaphore(%arg21 : memref<!tpu.dma_semaphore, #tpu.memory_space<semaphore_mem>>)
      %slice3A_540 = vector.extract_strided_slice %get3A_120 {offsets = [13], sizes = [1], strides = [1]} : vector<16xi32> to vector<1xi32>
      %squeeze3A_541 = vector.extract %slice3A_540[0] : i32 from vector<1xi32>
      %add3A_542 = arith.constant 13 : i32
      %add3A_543 = arith.addi %mul3A_116, %add3A_542 : i32
      %dma_start3A_544 = arith.constant 0 : i32
      %dma_start3A_545 = tpu.memref_slice %arg12[%add3A_543, %dma_start3A_544] : memref<128x64xf32, #tpu.memory_space<vmem>> -> memref<1x64xf32, #tpu.memory_space<vmem>>
      %dma_start3A_546 = tpu.memref_squeeze %dma_start3A_545 : memref<1x64xf32, #tpu.memory_space<vmem>> -> memref<64xf32, #tpu.memory_space<vmem>>
      %dma_start3A_547 = arith.constant 0 : i32
      %dma_start3A_548 = tpu.memref_slice %arg4[%squeeze3A_541, %dma_start3A_547] : memref<100000x64xf32, #tpu.memory_space<hbm>> -> memref<1x64xf32, #tpu.memory_space<hbm>>
      %dma_start3A_549 = tpu.memref_squeeze %dma_start3A_548 : memref<1x64xf32, #tpu.memory_space<hbm>> -> memref<64xf32, #tpu.memory_space<hbm>>
      %dma_start3A_550 = arith.constant 0 : i32
      %dma_start3A_551 = tpu.memref_slice %arg12[%add3A_543, %dma_start3A_550] : memref<128x64xf32, #tpu.memory_space<vmem>> -> memref<1x64xf32, #tpu.memory_space<vmem>>
      %dma_start3A_552 = tpu.memref_squeeze %dma_start3A_551 : memref<1x64xf32, #tpu.memory_space<vmem>> -> memref<64xf32, #tpu.memory_space<vmem>>
      %dma_start3A_553 = arith.constant 0 : i32
      %dma_start3A_554 = tpu.memref_slice %arg4[%squeeze3A_541, %dma_start3A_553] : memref<100000x64xf32, #tpu.memory_space<hbm>> -> memref<1x64xf32, #tpu.memory_space<hbm>>
      %dma_start3A_555 = tpu.memref_squeeze %dma_start3A_554 : memref<1x64xf32, #tpu.memory_space<hbm>> -> memref<64xf32, #tpu.memory_space<hbm>>
      tpu.enqueue_dma source(%dma_start3A_555 : memref<64xf32, #tpu.memory_space<hbm>>) target(%dma_start3A_552 : memref<64xf32, #tpu.memory_space<vmem>>) target_semaphore(%arg21 : memref<!tpu.dma_semaphore, #tpu.memory_space<semaphore_mem>>)
      %slice3A_556 = vector.extract_strided_slice %get3A_125 {offsets = [13], sizes = [1], strides = [1]} : vector<16xi32> to vector<1xi32>
      %squeeze3A_557 = vector.extract %slice3A_556[0] : i32 from vector<1xi32>
      %add3A_558 = arith.constant 13 : i32
      %add3A_559 = arith.addi %mul3A_116, %add3A_558 : i32
      %dma_start3A_560 = arith.constant 0 : i32
      %dma_start3A_561 = tpu.memref_slice %arg13[%add3A_559, %dma_start3A_560] : memref<128x64xf32, #tpu.memory_space<vmem>> -> memref<1x64xf32, #tpu.memory_space<vmem>>
      %dma_start3A_562 = tpu.memref_squeeze %dma_start3A_561 : memref<1x64xf32, #tpu.memory_space<vmem>> -> memref<64xf32, #tpu.memory_space<vmem>>
      %dma_start3A_563 = arith.constant 0 : i32
      %dma_start3A_564 = tpu.memref_slice %arg5[%squeeze3A_557, %dma_start3A_563] : memref<100000x64xf32, #tpu.memory_space<hbm>> -> memref<1x64xf32, #tpu.memory_space<hbm>>
      %dma_start3A_565 = tpu.memref_squeeze %dma_start3A_564 : memref<1x64xf32, #tpu.memory_space<hbm>> -> memref<64xf32, #tpu.memory_space<hbm>>
      %dma_start3A_566 = arith.constant 0 : i32
      %dma_start3A_567 = tpu.memref_slice %arg13[%add3A_559, %dma_start3A_566] : memref<128x64xf32, #tpu.memory_space<vmem>> -> memref<1x64xf32, #tpu.memory_space<vmem>>
      %dma_start3A_568 = tpu.memref_squeeze %dma_start3A_567 : memref<1x64xf32, #tpu.memory_space<vmem>> -> memref<64xf32, #tpu.memory_space<vmem>>
      %dma_start3A_569 = arith.constant 0 : i32
      %dma_start3A_570 = tpu.memref_slice %arg5[%squeeze3A_557, %dma_start3A_569] : memref<100000x64xf32, #tpu.memory_space<hbm>> -> memref<1x64xf32, #tpu.memory_space<hbm>>
      %dma_start3A_571 = tpu.memref_squeeze %dma_start3A_570 : memref<1x64xf32, #tpu.memory_space<hbm>> -> memref<64xf32, #tpu.memory_space<hbm>>
      tpu.enqueue_dma source(%dma_start3A_571 : memref<64xf32, #tpu.memory_space<hbm>>) target(%dma_start3A_568 : memref<64xf32, #tpu.memory_space<vmem>>) target_semaphore(%arg21 : memref<!tpu.dma_semaphore, #tpu.memory_space<semaphore_mem>>)
      %slice3A_572 = vector.extract_strided_slice %get3A_120 {offsets = [14], sizes = [1], strides = [1]} : vector<16xi32> to vector<1xi32>
      %squeeze3A_573 = vector.extract %slice3A_572[0] : i32 from vector<1xi32>
      %add3A_574 = arith.constant 14 : i32
      %add3A_575 = arith.addi %mul3A_116, %add3A_574 : i32
      %dma_start3A_576 = arith.constant 0 : i32
      %dma_start3A_577 = tpu.memref_slice %arg12[%add3A_575, %dma_start3A_576] : memref<128x64xf32, #tpu.memory_space<vmem>> -> memref<1x64xf32, #tpu.memory_space<vmem>>
      %dma_start3A_578 = tpu.memref_squeeze %dma_start3A_577 : memref<1x64xf32, #tpu.memory_space<vmem>> -> memref<64xf32, #tpu.memory_space<vmem>>
      %dma_start3A_579 = arith.constant 0 : i32
      %dma_start3A_580 = tpu.memref_slice %arg4[%squeeze3A_573, %dma_start3A_579] : memref<100000x64xf32, #tpu.memory_space<hbm>> -> memref<1x64xf32, #tpu.memory_space<hbm>>
      %dma_start3A_581 = tpu.memref_squeeze %dma_start3A_580 : memref<1x64xf32, #tpu.memory_space<hbm>> -> memref<64xf32, #tpu.memory_space<hbm>>
      %dma_start3A_582 = arith.constant 0 : i32
      %dma_start3A_583 = tpu.memref_slice %arg12[%add3A_575, %dma_start3A_582] : memref<128x64xf32, #tpu.memory_space<vmem>> -> memref<1x64xf32, #tpu.memory_space<vmem>>
      %dma_start3A_584 = tpu.memref_squeeze %dma_start3A_583 : memref<1x64xf32, #tpu.memory_space<vmem>> -> memref<64xf32, #tpu.memory_space<vmem>>
      %dma_start3A_585 = arith.constant 0 : i32
      %dma_start3A_586 = tpu.memref_slice %arg4[%squeeze3A_573, %dma_start3A_585] : memref<100000x64xf32, #tpu.memory_space<hbm>> -> memref<1x64xf32, #tpu.memory_space<hbm>>
      %dma_start3A_587 = tpu.memref_squeeze %dma_start3A_586 : memref<1x64xf32, #tpu.memory_space<hbm>> -> memref<64xf32, #tpu.memory_space<hbm>>
      tpu.enqueue_dma source(%dma_start3A_587 : memref<64xf32, #tpu.memory_space<hbm>>) target(%dma_start3A_584 : memref<64xf32, #tpu.memory_space<vmem>>) target_semaphore(%arg21 : memref<!tpu.dma_semaphore, #tpu.memory_space<semaphore_mem>>)
      %slice3A_588 = vector.extract_strided_slice %get3A_125 {offsets = [14], sizes = [1], strides = [1]} : vector<16xi32> to vector<1xi32>
      %squeeze3A_589 = vector.extract %slice3A_588[0] : i32 from vector<1xi32>
      %add3A_590 = arith.constant 14 : i32
      %add3A_591 = arith.addi %mul3A_116, %add3A_590 : i32
      %dma_start3A_592 = arith.constant 0 : i32
      %dma_start3A_593 = tpu.memref_slice %arg13[%add3A_591, %dma_start3A_592] : memref<128x64xf32, #tpu.memory_space<vmem>> -> memref<1x64xf32, #tpu.memory_space<vmem>>
      %dma_start3A_594 = tpu.memref_squeeze %dma_start3A_593 : memref<1x64xf32, #tpu.memory_space<vmem>> -> memref<64xf32, #tpu.memory_space<vmem>>
      %dma_start3A_595 = arith.constant 0 : i32
      %dma_start3A_596 = tpu.memref_slice %arg5[%squeeze3A_589, %dma_start3A_595] : memref<100000x64xf32, #tpu.memory_space<hbm>> -> memref<1x64xf32, #tpu.memory_space<hbm>>
      %dma_start3A_597 = tpu.memref_squeeze %dma_start3A_596 : memref<1x64xf32, #tpu.memory_space<hbm>> -> memref<64xf32, #tpu.memory_space<hbm>>
      %dma_start3A_598 = arith.constant 0 : i32
      %dma_start3A_599 = tpu.memref_slice %arg13[%add3A_591, %dma_start3A_598] : memref<128x64xf32, #tpu.memory_space<vmem>> -> memref<1x64xf32, #tpu.memory_space<vmem>>
      %dma_start3A_600 = tpu.memref_squeeze %dma_start3A_599 : memref<1x64xf32, #tpu.memory_space<vmem>> -> memref<64xf32, #tpu.memory_space<vmem>>
      %dma_start3A_601 = arith.constant 0 : i32
      %dma_start3A_602 = tpu.memref_slice %arg5[%squeeze3A_589, %dma_start3A_601] : memref<100000x64xf32, #tpu.memory_space<hbm>> -> memref<1x64xf32, #tpu.memory_space<hbm>>
      %dma_start3A_603 = tpu.memref_squeeze %dma_start3A_602 : memref<1x64xf32, #tpu.memory_space<hbm>> -> memref<64xf32, #tpu.memory_space<hbm>>
      tpu.enqueue_dma source(%dma_start3A_603 : memref<64xf32, #tpu.memory_space<hbm>>) target(%dma_start3A_600 : memref<64xf32, #tpu.memory_space<vmem>>) target_semaphore(%arg21 : memref<!tpu.dma_semaphore, #tpu.memory_space<semaphore_mem>>)
      %slice3A_604 = vector.extract_strided_slice %get3A_120 {offsets = [15], sizes = [1], strides = [1]} : vector<16xi32> to vector<1xi32>
      %squeeze3A_605 = vector.extract %slice3A_604[0] : i32 from vector<1xi32>
      %add3A_606 = arith.constant 15 : i32
      %add3A_607 = arith.addi %mul3A_116, %add3A_606 : i32
      %dma_start3A_608 = arith.constant 0 : i32
      %dma_start3A_609 = tpu.memref_slice %arg12[%add3A_607, %dma_start3A_608] : memref<128x64xf32, #tpu.memory_space<vmem>> -> memref<1x64xf32, #tpu.memory_space<vmem>>
      %dma_start3A_610 = tpu.memref_squeeze %dma_start3A_609 : memref<1x64xf32, #tpu.memory_space<vmem>> -> memref<64xf32, #tpu.memory_space<vmem>>
      %dma_start3A_611 = arith.constant 0 : i32
      %dma_start3A_612 = tpu.memref_slice %arg4[%squeeze3A_605, %dma_start3A_611] : memref<100000x64xf32, #tpu.memory_space<hbm>> -> memref<1x64xf32, #tpu.memory_space<hbm>>
      %dma_start3A_613 = tpu.memref_squeeze %dma_start3A_612 : memref<1x64xf32, #tpu.memory_space<hbm>> -> memref<64xf32, #tpu.memory_space<hbm>>
      %dma_start3A_614 = arith.constant 0 : i32
      %dma_start3A_615 = tpu.memref_slice %arg12[%add3A_607, %dma_start3A_614] : memref<128x64xf32, #tpu.memory_space<vmem>> -> memref<1x64xf32, #tpu.memory_space<vmem>>
      %dma_start3A_616 = tpu.memref_squeeze %dma_start3A_615 : memref<1x64xf32, #tpu.memory_space<vmem>> -> memref<64xf32, #tpu.memory_space<vmem>>
      %dma_start3A_617 = arith.constant 0 : i32
      %dma_start3A_618 = tpu.memref_slice %arg4[%squeeze3A_605, %dma_start3A_617] : memref<100000x64xf32, #tpu.memory_space<hbm>> -> memref<1x64xf32, #tpu.memory_space<hbm>>
      %dma_start3A_619 = tpu.memref_squeeze %dma_start3A_618 : memref<1x64xf32, #tpu.memory_space<hbm>> -> memref<64xf32, #tpu.memory_space<hbm>>
      tpu.enqueue_dma source(%dma_start3A_619 : memref<64xf32, #tpu.memory_space<hbm>>) target(%dma_start3A_616 : memref<64xf32, #tpu.memory_space<vmem>>) target_semaphore(%arg21 : memref<!tpu.dma_semaphore, #tpu.memory_space<semaphore_mem>>)
      %slice3A_620 = vector.extract_strided_slice %get3A_125 {offsets = [15], sizes = [1], strides = [1]} : vector<16xi32> to vector<1xi32>
      %squeeze3A_621 = vector.extract %slice3A_620[0] : i32 from vector<1xi32>
      %add3A_622 = arith.constant 15 : i32
      %add3A_623 = arith.addi %mul3A_116, %add3A_622 : i32
      %dma_start3A_624 = arith.constant 0 : i32
      %dma_start3A_625 = tpu.memref_slice %arg13[%add3A_623, %dma_start3A_624] : memref<128x64xf32, #tpu.memory_space<vmem>> -> memref<1x64xf32, #tpu.memory_space<vmem>>
      %dma_start3A_626 = tpu.memref_squeeze %dma_start3A_625 : memref<1x64xf32, #tpu.memory_space<vmem>> -> memref<64xf32, #tpu.memory_space<vmem>>
      %dma_start3A_627 = arith.constant 0 : i32
      %dma_start3A_628 = tpu.memref_slice %arg5[%squeeze3A_621, %dma_start3A_627] : memref<100000x64xf32, #tpu.memory_space<hbm>> -> memref<1x64xf32, #tpu.memory_space<hbm>>
      %dma_start3A_629 = tpu.memref_squeeze %dma_start3A_628 : memref<1x64xf32, #tpu.memory_space<hbm>> -> memref<64xf32, #tpu.memory_space<hbm>>
      %dma_start3A_630 = arith.constant 0 : i32
      %dma_start3A_631 = tpu.memref_slice %arg13[%add3A_623, %dma_start3A_630] : memref<128x64xf32, #tpu.memory_space<vmem>> -> memref<1x64xf32, #tpu.memory_space<vmem>>
      %dma_start3A_632 = tpu.memref_squeeze %dma_start3A_631 : memref<1x64xf32, #tpu.memory_space<vmem>> -> memref<64xf32, #tpu.memory_space<vmem>>
      %dma_start3A_633 = arith.constant 0 : i32
      %dma_start3A_634 = tpu.memref_slice %arg5[%squeeze3A_621, %dma_start3A_633] : memref<100000x64xf32, #tpu.memory_space<hbm>> -> memref<1x64xf32, #tpu.memory_space<hbm>>
      %dma_start3A_635 = tpu.memref_squeeze %dma_start3A_634 : memref<1x64xf32, #tpu.memory_space<hbm>> -> memref<64xf32, #tpu.memory_space<hbm>>
      tpu.enqueue_dma source(%dma_start3A_635 : memref<64xf32, #tpu.memory_space<hbm>>) target(%dma_start3A_632 : memref<64xf32, #tpu.memory_space<vmem>>) target_semaphore(%arg21 : memref<!tpu.dma_semaphore, #tpu.memory_space<semaphore_mem>>)
    }
    %scan3A_11 = arith.constant 8 : i32
    %dma_wait3A = arith.constant 0 : i32
    %dma_wait3A_12 = arith.constant 0 : i32
    %dma_wait3A_13 = tpu.memref_slice %arg4[%dma_wait3A, %dma_wait3A_12] : memref<100000x64xf32, #tpu.memory_space<hbm>> -> memref<128x64xf32, #tpu.memory_space<hbm>>
    %dma_wait3A_14 = arith.constant 0 : i32
    %dma_wait3A_15 = arith.constant 0 : i32
    %dma_wait3A_16 = tpu.memref_slice %arg4[%dma_wait3A_14, %dma_wait3A_15] : memref<100000x64xf32, #tpu.memory_space<hbm>> -> memref<128x64xf32, #tpu.memory_space<hbm>>
    tpu.wait_dma2 semaphore(%arg21 : memref<!tpu.dma_semaphore, #tpu.memory_space<semaphore_mem>>) src(%dma_wait3A_16 : memref<128x64xf32, #tpu.memory_space<hbm>>) dst(%arg12 : memref<128x64xf32, #tpu.memory_space<vmem>>)
    %dma_wait3A_17 = arith.constant 0 : i32
    %dma_wait3A_18 = arith.constant 0 : i32
    %dma_wait3A_19 = tpu.memref_slice %arg5[%dma_wait3A_17, %dma_wait3A_18] : memref<100000x64xf32, #tpu.memory_space<hbm>> -> memref<128x64xf32, #tpu.memory_space<hbm>>
    %dma_wait3A_20 = arith.constant 0 : i32
    %dma_wait3A_21 = arith.constant 0 : i32
    %dma_wait3A_22 = tpu.memref_slice %arg5[%dma_wait3A_20, %dma_wait3A_21] : memref<100000x64xf32, #tpu.memory_space<hbm>> -> memref<128x64xf32, #tpu.memory_space<hbm>>
    tpu.wait_dma2 semaphore(%arg21 : memref<!tpu.dma_semaphore, #tpu.memory_space<semaphore_mem>>) src(%dma_wait3A_22 : memref<128x64xf32, #tpu.memory_space<hbm>>) dst(%arg13 : memref<128x64xf32, #tpu.memory_space<vmem>>)
    %scan3A_23 = arith.constant 0 : i32
    %scan3A_24 = arith.constant 0 : i32
    %scan3A_25 = arith.constant 8 : i32
    %scan3A_26 = arith.addi %scan3A_24, %scan3A_25 : i32
    %scan3A_27 = arith.constant 1 : i32
    scf.for %scan3A_114 = %scan3A_24 to %scan3A_26 step %scan3A_27  : i32 {
      %mul3A_115 = arith.constant 16 : i32
      %mul3A_116 = arith.muli %scan3A_114, %mul3A_115 : i32
      %add3A_117 = arith.constant 128 : i32
      %add3A_118 = arith.addi %add3A_117, %mul3A_116 : i32
      %get3A = arith.index_cast %add3A_118 : i32 to index
      %get3A_119 = tpu.vector_load %arg10[%get3A] {strides = array<i32>} : memref<512xi32, #tpu.memory_space<vmem>>, vector<16xi32>,
      %get3A_120 = vector.shape_cast %get3A_119 : vector<16xi32> to vector<16xi32>
      %add3A_121 = arith.constant 128 : i32
      %add3A_122 = arith.addi %add3A_121, %mul3A_116 : i32
      %get3A_123 = arith.index_cast %add3A_122 : i32 to index
      %get3A_124 = tpu.vector_load %arg11[%get3A_123] {strides = array<i32>} : memref<512xi32, #tpu.memory_space<vmem>>, vector<16xi32>,
      %get3A_125 = vector.shape_cast %get3A_124 : vector<16xi32> to vector<16xi32>
      %slice3A = vector.extract_strided_slice %get3A_120 {offsets = [0], sizes = [1], strides = [1]} : vector<16xi32> to vector<1xi32>
      %squeeze3A = vector.extract %slice3A[0] : i32 from vector<1xi32>
      %add3A_126 = arith.constant 0 : i32
      %add3A_127 = arith.addi %mul3A_116, %add3A_126 : i32
      %dma_start3A_128 = arith.constant 0 : i32
      %dma_start3A_129 = tpu.memref_slice %arg14[%add3A_127, %dma_start3A_128] : memref<128x64xf32, #tpu.memory_space<vmem>> -> memref<1x64xf32, #tpu.memory_space<vmem>>
      %dma_start3A_130 = tpu.memref_squeeze %dma_start3A_129 : memref<1x64xf32, #tpu.memory_space<vmem>> -> memref<64xf32, #tpu.memory_space<vmem>>
      %dma_start3A_131 = arith.constant 0 : i32
      %dma_start3A_132 = tpu.memref_slice %arg4[%squeeze3A, %dma_start3A_131] : memref<100000x64xf32, #tpu.memory_space<hbm>> -> memref<1x64xf32, #tpu.memory_space<hbm>>
      %dma_start3A_133 = tpu.memref_squeeze %dma_start3A_132 : memref<1x64xf32, #tpu.memory_space<hbm>> -> memref<64xf32, #tpu.memory_space<hbm>>
      %dma_start3A_134 = arith.constant 0 : i32
      %dma_start3A_135 = tpu.memref_slice %arg14[%add3A_127, %dma_start3A_134] : memref<128x64xf32, #tpu.memory_space<vmem>> -> memref<1x64xf32, #tpu.memory_space<vmem>>
      %dma_start3A_136 = tpu.memref_squeeze %dma_start3A_135 : memref<1x64xf32, #tpu.memory_space<vmem>> -> memref<64xf32, #tpu.memory_space<vmem>>
      %dma_start3A_137 = arith.constant 0 : i32
      %dma_start3A_138 = tpu.memref_slice %arg4[%squeeze3A, %dma_start3A_137] : memref<100000x64xf32, #tpu.memory_space<hbm>> -> memref<1x64xf32, #tpu.memory_space<hbm>>
      %dma_start3A_139 = tpu.memref_squeeze %dma_start3A_138 : memref<1x64xf32, #tpu.memory_space<hbm>> -> memref<64xf32, #tpu.memory_space<hbm>>
      tpu.enqueue_dma source(%dma_start3A_139 : memref<64xf32, #tpu.memory_space<hbm>>) target(%dma_start3A_136 : memref<64xf32, #tpu.memory_space<vmem>>) target_semaphore(%arg21 : memref<!tpu.dma_semaphore, #tpu.memory_space<semaphore_mem>>)
      %slice3A_140 = vector.extract_strided_slice %get3A_125 {offsets = [0], sizes = [1], strides = [1]} : vector<16xi32> to vector<1xi32>
      %squeeze3A_141 = vector.extract %slice3A_140[0] : i32 from vector<1xi32>
      %add3A_142 = arith.constant 0 : i32
      %add3A_143 = arith.addi %mul3A_116, %add3A_142 : i32
      %dma_start3A_144 = arith.constant 0 : i32
      %dma_start3A_145 = tpu.memref_slice %arg15[%add3A_143, %dma_start3A_144] : memref<128x64xf32, #tpu.memory_space<vmem>> -> memref<1x64xf32, #tpu.memory_space<vmem>>
      %dma_start3A_146 = tpu.memref_squeeze %dma_start3A_145 : memref<1x64xf32, #tpu.memory_space<vmem>> -> memref<64xf32, #tpu.memory_space<vmem>>
      %dma_start3A_147 = arith.constant 0 : i32
      %dma_start3A_148 = tpu.memref_slice %arg5[%squeeze3A_141, %dma_start3A_147] : memref<100000x64xf32, #tpu.memory_space<hbm>> -> memref<1x64xf32, #tpu.memory_space<hbm>>
      %dma_start3A_149 = tpu.memref_squeeze %dma_start3A_148 : memref<1x64xf32, #tpu.memory_space<hbm>> -> memref<64xf32, #tpu.memory_space<hbm>>
      %dma_start3A_150 = arith.constant 0 : i32
      %dma_start3A_151 = tpu.memref_slice %arg15[%add3A_143, %dma_start3A_150] : memref<128x64xf32, #tpu.memory_space<vmem>> -> memref<1x64xf32, #tpu.memory_space<vmem>>
      %dma_start3A_152 = tpu.memref_squeeze %dma_start3A_151 : memref<1x64xf32, #tpu.memory_space<vmem>> -> memref<64xf32, #tpu.memory_space<vmem>>
      %dma_start3A_153 = arith.constant 0 : i32
      %dma_start3A_154 = tpu.memref_slice %arg5[%squeeze3A_141, %dma_start3A_153] : memref<100000x64xf32, #tpu.memory_space<hbm>> -> memref<1x64xf32, #tpu.memory_space<hbm>>
      %dma_start3A_155 = tpu.memref_squeeze %dma_start3A_154 : memref<1x64xf32, #tpu.memory_space<hbm>> -> memref<64xf32, #tpu.memory_space<hbm>>
      tpu.enqueue_dma source(%dma_start3A_155 : memref<64xf32, #tpu.memory_space<hbm>>) target(%dma_start3A_152 : memref<64xf32, #tpu.memory_space<vmem>>) target_semaphore(%arg21 : memref<!tpu.dma_semaphore, #tpu.memory_space<semaphore_mem>>)
      %slice3A_156 = vector.extract_strided_slice %get3A_120 {offsets = [1], sizes = [1], strides = [1]} : vector<16xi32> to vector<1xi32>
      %squeeze3A_157 = vector.extract %slice3A_156[0] : i32 from vector<1xi32>
      %add3A_158 = arith.constant 1 : i32
      %add3A_159 = arith.addi %mul3A_116, %add3A_158 : i32
      %dma_start3A_160 = arith.constant 0 : i32
      %dma_start3A_161 = tpu.memref_slice %arg14[%add3A_159, %dma_start3A_160] : memref<128x64xf32, #tpu.memory_space<vmem>> -> memref<1x64xf32, #tpu.memory_space<vmem>>
      %dma_start3A_162 = tpu.memref_squeeze %dma_start3A_161 : memref<1x64xf32, #tpu.memory_space<vmem>> -> memref<64xf32, #tpu.memory_space<vmem>>
      %dma_start3A_163 = arith.constant 0 : i32
      %dma_start3A_164 = tpu.memref_slice %arg4[%squeeze3A_157, %dma_start3A_163] : memref<100000x64xf32, #tpu.memory_space<hbm>> -> memref<1x64xf32, #tpu.memory_space<hbm>>
      %dma_start3A_165 = tpu.memref_squeeze %dma_start3A_164 : memref<1x64xf32, #tpu.memory_space<hbm>> -> memref<64xf32, #tpu.memory_space<hbm>>
      %dma_start3A_166 = arith.constant 0 : i32
      %dma_start3A_167 = tpu.memref_slice %arg14[%add3A_159, %dma_start3A_166] : memref<128x64xf32, #tpu.memory_space<vmem>> -> memref<1x64xf32, #tpu.memory_space<vmem>>
      %dma_start3A_168 = tpu.memref_squeeze %dma_start3A_167 : memref<1x64xf32, #tpu.memory_space<vmem>> -> memref<64xf32, #tpu.memory_space<vmem>>
      %dma_start3A_169 = arith.constant 0 : i32
      %dma_start3A_170 = tpu.memref_slice %arg4[%squeeze3A_157, %dma_start3A_169] : memref<100000x64xf32, #tpu.memory_space<hbm>> -> memref<1x64xf32, #tpu.memory_space<hbm>>
      %dma_start3A_171 = tpu.memref_squeeze %dma_start3A_170 : memref<1x64xf32, #tpu.memory_space<hbm>> -> memref<64xf32, #tpu.memory_space<hbm>>
      tpu.enqueue_dma source(%dma_start3A_171 : memref<64xf32, #tpu.memory_space<hbm>>) target(%dma_start3A_168 : memref<64xf32, #tpu.memory_space<vmem>>) target_semaphore(%arg21 : memref<!tpu.dma_semaphore, #tpu.memory_space<semaphore_mem>>)
      %slice3A_172 = vector.extract_strided_slice %get3A_125 {offsets = [1], sizes = [1], strides = [1]} : vector<16xi32> to vector<1xi32>
      %squeeze3A_173 = vector.extract %slice3A_172[0] : i32 from vector<1xi32>
      %add3A_174 = arith.constant 1 : i32
      %add3A_175 = arith.addi %mul3A_116, %add3A_174 : i32
      %dma_start3A_176 = arith.constant 0 : i32
      %dma_start3A_177 = tpu.memref_slice %arg15[%add3A_175, %dma_start3A_176] : memref<128x64xf32, #tpu.memory_space<vmem>> -> memref<1x64xf32, #tpu.memory_space<vmem>>
      %dma_start3A_178 = tpu.memref_squeeze %dma_start3A_177 : memref<1x64xf32, #tpu.memory_space<vmem>> -> memref<64xf32, #tpu.memory_space<vmem>>
      %dma_start3A_179 = arith.constant 0 : i32
      %dma_start3A_180 = tpu.memref_slice %arg5[%squeeze3A_173, %dma_start3A_179] : memref<100000x64xf32, #tpu.memory_space<hbm>> -> memref<1x64xf32, #tpu.memory_space<hbm>>
      %dma_start3A_181 = tpu.memref_squeeze %dma_start3A_180 : memref<1x64xf32, #tpu.memory_space<hbm>> -> memref<64xf32, #tpu.memory_space<hbm>>
      %dma_start3A_182 = arith.constant 0 : i32
      %dma_start3A_183 = tpu.memref_slice %arg15[%add3A_175, %dma_start3A_182] : memref<128x64xf32, #tpu.memory_space<vmem>> -> memref<1x64xf32, #tpu.memory_space<vmem>>
      %dma_start3A_184 = tpu.memref_squeeze %dma_start3A_183 : memref<1x64xf32, #tpu.memory_space<vmem>> -> memref<64xf32, #tpu.memory_space<vmem>>
      %dma_start3A_185 = arith.constant 0 : i32
      %dma_start3A_186 = tpu.memref_slice %arg5[%squeeze3A_173, %dma_start3A_185] : memref<100000x64xf32, #tpu.memory_space<hbm>> -> memref<1x64xf32, #tpu.memory_space<hbm>>
      %dma_start3A_187 = tpu.memref_squeeze %dma_start3A_186 : memref<1x64xf32, #tpu.memory_space<hbm>> -> memref<64xf32, #tpu.memory_space<hbm>>
      tpu.enqueue_dma source(%dma_start3A_187 : memref<64xf32, #tpu.memory_space<hbm>>) target(%dma_start3A_184 : memref<64xf32, #tpu.memory_space<vmem>>) target_semaphore(%arg21 : memref<!tpu.dma_semaphore, #tpu.memory_space<semaphore_mem>>)
      %slice3A_188 = vector.extract_strided_slice %get3A_120 {offsets = [2], sizes = [1], strides = [1]} : vector<16xi32> to vector<1xi32>
      %squeeze3A_189 = vector.extract %slice3A_188[0] : i32 from vector<1xi32>
      %add3A_190 = arith.constant 2 : i32
      %add3A_191 = arith.addi %mul3A_116, %add3A_190 : i32
      %dma_start3A_192 = arith.constant 0 : i32
      %dma_start3A_193 = tpu.memref_slice %arg14[%add3A_191, %dma_start3A_192] : memref<128x64xf32, #tpu.memory_space<vmem>> -> memref<1x64xf32, #tpu.memory_space<vmem>>
      %dma_start3A_194 = tpu.memref_squeeze %dma_start3A_193 : memref<1x64xf32, #tpu.memory_space<vmem>> -> memref<64xf32, #tpu.memory_space<vmem>>
      %dma_start3A_195 = arith.constant 0 : i32
      %dma_start3A_196 = tpu.memref_slice %arg4[%squeeze3A_189, %dma_start3A_195] : memref<100000x64xf32, #tpu.memory_space<hbm>> -> memref<1x64xf32, #tpu.memory_space<hbm>>
      %dma_start3A_197 = tpu.memref_squeeze %dma_start3A_196 : memref<1x64xf32, #tpu.memory_space<hbm>> -> memref<64xf32, #tpu.memory_space<hbm>>
      %dma_start3A_198 = arith.constant 0 : i32
      %dma_start3A_199 = tpu.memref_slice %arg14[%add3A_191, %dma_start3A_198] : memref<128x64xf32, #tpu.memory_space<vmem>> -> memref<1x64xf32, #tpu.memory_space<vmem>>
      %dma_start3A_200 = tpu.memref_squeeze %dma_start3A_199 : memref<1x64xf32, #tpu.memory_space<vmem>> -> memref<64xf32, #tpu.memory_space<vmem>>
      %dma_start3A_201 = arith.constant 0 : i32
      %dma_start3A_202 = tpu.memref_slice %arg4[%squeeze3A_189, %dma_start3A_201] : memref<100000x64xf32, #tpu.memory_space<hbm>> -> memref<1x64xf32, #tpu.memory_space<hbm>>
      %dma_start3A_203 = tpu.memref_squeeze %dma_start3A_202 : memref<1x64xf32, #tpu.memory_space<hbm>> -> memref<64xf32, #tpu.memory_space<hbm>>
      tpu.enqueue_dma source(%dma_start3A_203 : memref<64xf32, #tpu.memory_space<hbm>>) target(%dma_start3A_200 : memref<64xf32, #tpu.memory_space<vmem>>) target_semaphore(%arg21 : memref<!tpu.dma_semaphore, #tpu.memory_space<semaphore_mem>>)
      %slice3A_204 = vector.extract_strided_slice %get3A_125 {offsets = [2], sizes = [1], strides = [1]} : vector<16xi32> to vector<1xi32>
      %squeeze3A_205 = vector.extract %slice3A_204[0] : i32 from vector<1xi32>
      %add3A_206 = arith.constant 2 : i32
      %add3A_207 = arith.addi %mul3A_116, %add3A_206 : i32
      %dma_start3A_208 = arith.constant 0 : i32
      %dma_start3A_209 = tpu.memref_slice %arg15[%add3A_207, %dma_start3A_208] : memref<128x64xf32, #tpu.memory_space<vmem>> -> memref<1x64xf32, #tpu.memory_space<vmem>>
      %dma_start3A_210 = tpu.memref_squeeze %dma_start3A_209 : memref<1x64xf32, #tpu.memory_space<vmem>> -> memref<64xf32, #tpu.memory_space<vmem>>
      %dma_start3A_211 = arith.constant 0 : i32
      %dma_start3A_212 = tpu.memref_slice %arg5[%squeeze3A_205, %dma_start3A_211] : memref<100000x64xf32, #tpu.memory_space<hbm>> -> memref<1x64xf32, #tpu.memory_space<hbm>>
      %dma_start3A_213 = tpu.memref_squeeze %dma_start3A_212 : memref<1x64xf32, #tpu.memory_space<hbm>> -> memref<64xf32, #tpu.memory_space<hbm>>
      %dma_start3A_214 = arith.constant 0 : i32
      %dma_start3A_215 = tpu.memref_slice %arg15[%add3A_207, %dma_start3A_214] : memref<128x64xf32, #tpu.memory_space<vmem>> -> memref<1x64xf32, #tpu.memory_space<vmem>>
      %dma_start3A_216 = tpu.memref_squeeze %dma_start3A_215 : memref<1x64xf32, #tpu.memory_space<vmem>> -> memref<64xf32, #tpu.memory_space<vmem>>
      %dma_start3A_217 = arith.constant 0 : i32
      %dma_start3A_218 = tpu.memref_slice %arg5[%squeeze3A_205, %dma_start3A_217] : memref<100000x64xf32, #tpu.memory_space<hbm>> -> memref<1x64xf32, #tpu.memory_space<hbm>>
      %dma_start3A_219 = tpu.memref_squeeze %dma_start3A_218 : memref<1x64xf32, #tpu.memory_space<hbm>> -> memref<64xf32, #tpu.memory_space<hbm>>
      tpu.enqueue_dma source(%dma_start3A_219 : memref<64xf32, #tpu.memory_space<hbm>>) target(%dma_start3A_216 : memref<64xf32, #tpu.memory_space<vmem>>) target_semaphore(%arg21 : memref<!tpu.dma_semaphore, #tpu.memory_space<semaphore_mem>>)
      %slice3A_220 = vector.extract_strided_slice %get3A_120 {offsets = [3], sizes = [1], strides = [1]} : vector<16xi32> to vector<1xi32>
      %squeeze3A_221 = vector.extract %slice3A_220[0] : i32 from vector<1xi32>
      %add3A_222 = arith.constant 3 : i32
      %add3A_223 = arith.addi %mul3A_116, %add3A_222 : i32
      %dma_start3A_224 = arith.constant 0 : i32
      %dma_start3A_225 = tpu.memref_slice %arg14[%add3A_223, %dma_start3A_224] : memref<128x64xf32, #tpu.memory_space<vmem>> -> memref<1x64xf32, #tpu.memory_space<vmem>>
      %dma_start3A_226 = tpu.memref_squeeze %dma_start3A_225 : memref<1x64xf32, #tpu.memory_space<vmem>> -> memref<64xf32, #tpu.memory_space<vmem>>
      %dma_start3A_227 = arith.constant 0 : i32
      %dma_start3A_228 = tpu.memref_slice %arg4[%squeeze3A_221, %dma_start3A_227] : memref<100000x64xf32, #tpu.memory_space<hbm>> -> memref<1x64xf32, #tpu.memory_space<hbm>>
      %dma_start3A_229 = tpu.memref_squeeze %dma_start3A_228 : memref<1x64xf32, #tpu.memory_space<hbm>> -> memref<64xf32, #tpu.memory_space<hbm>>
      %dma_start3A_230 = arith.constant 0 : i32
      %dma_start3A_231 = tpu.memref_slice %arg14[%add3A_223, %dma_start3A_230] : memref<128x64xf32, #tpu.memory_space<vmem>> -> memref<1x64xf32, #tpu.memory_space<vmem>>
      %dma_start3A_232 = tpu.memref_squeeze %dma_start3A_231 : memref<1x64xf32, #tpu.memory_space<vmem>> -> memref<64xf32, #tpu.memory_space<vmem>>
      %dma_start3A_233 = arith.constant 0 : i32
      %dma_start3A_234 = tpu.memref_slice %arg4[%squeeze3A_221, %dma_start3A_233] : memref<100000x64xf32, #tpu.memory_space<hbm>> -> memref<1x64xf32, #tpu.memory_space<hbm>>
      %dma_start3A_235 = tpu.memref_squeeze %dma_start3A_234 : memref<1x64xf32, #tpu.memory_space<hbm>> -> memref<64xf32, #tpu.memory_space<hbm>>
      tpu.enqueue_dma source(%dma_start3A_235 : memref<64xf32, #tpu.memory_space<hbm>>) target(%dma_start3A_232 : memref<64xf32, #tpu.memory_space<vmem>>) target_semaphore(%arg21 : memref<!tpu.dma_semaphore, #tpu.memory_space<semaphore_mem>>)
      %slice3A_236 = vector.extract_strided_slice %get3A_125 {offsets = [3], sizes = [1], strides = [1]} : vector<16xi32> to vector<1xi32>
      %squeeze3A_237 = vector.extract %slice3A_236[0] : i32 from vector<1xi32>
      %add3A_238 = arith.constant 3 : i32
      %add3A_239 = arith.addi %mul3A_116, %add3A_238 : i32
      %dma_start3A_240 = arith.constant 0 : i32
      %dma_start3A_241 = tpu.memref_slice %arg15[%add3A_239, %dma_start3A_240] : memref<128x64xf32, #tpu.memory_space<vmem>> -> memref<1x64xf32, #tpu.memory_space<vmem>>
      %dma_start3A_242 = tpu.memref_squeeze %dma_start3A_241 : memref<1x64xf32, #tpu.memory_space<vmem>> -> memref<64xf32, #tpu.memory_space<vmem>>
      %dma_start3A_243 = arith.constant 0 : i32
      %dma_start3A_244 = tpu.memref_slice %arg5[%squeeze3A_237, %dma_start3A_243] : memref<100000x64xf32, #tpu.memory_space<hbm>> -> memref<1x64xf32, #tpu.memory_space<hbm>>
      %dma_start3A_245 = tpu.memref_squeeze %dma_start3A_244 : memref<1x64xf32, #tpu.memory_space<hbm>> -> memref<64xf32, #tpu.memory_space<hbm>>
      %dma_start3A_246 = arith.constant 0 : i32
      %dma_start3A_247 = tpu.memref_slice %arg15[%add3A_239, %dma_start3A_246] : memref<128x64xf32, #tpu.memory_space<vmem>> -> memref<1x64xf32, #tpu.memory_space<vmem>>
      %dma_start3A_248 = tpu.memref_squeeze %dma_start3A_247 : memref<1x64xf32, #tpu.memory_space<vmem>> -> memref<64xf32, #tpu.memory_space<vmem>>
      %dma_start3A_249 = arith.constant 0 : i32
      %dma_start3A_250 = tpu.memref_slice %arg5[%squeeze3A_237, %dma_start3A_249] : memref<100000x64xf32, #tpu.memory_space<hbm>> -> memref<1x64xf32, #tpu.memory_space<hbm>>
      %dma_start3A_251 = tpu.memref_squeeze %dma_start3A_250 : memref<1x64xf32, #tpu.memory_space<hbm>> -> memref<64xf32, #tpu.memory_space<hbm>>
      tpu.enqueue_dma source(%dma_start3A_251 : memref<64xf32, #tpu.memory_space<hbm>>) target(%dma_start3A_248 : memref<64xf32, #tpu.memory_space<vmem>>) target_semaphore(%arg21 : memref<!tpu.dma_semaphore, #tpu.memory_space<semaphore_mem>>)
      %slice3A_252 = vector.extract_strided_slice %get3A_120 {offsets = [4], sizes = [1], strides = [1]} : vector<16xi32> to vector<1xi32>
      %squeeze3A_253 = vector.extract %slice3A_252[0] : i32 from vector<1xi32>
      %add3A_254 = arith.constant 4 : i32
      %add3A_255 = arith.addi %mul3A_116, %add3A_254 : i32
      %dma_start3A_256 = arith.constant 0 : i32
      %dma_start3A_257 = tpu.memref_slice %arg14[%add3A_255, %dma_start3A_256] : memref<128x64xf32, #tpu.memory_space<vmem>> -> memref<1x64xf32, #tpu.memory_space<vmem>>
      %dma_start3A_258 = tpu.memref_squeeze %dma_start3A_257 : memref<1x64xf32, #tpu.memory_space<vmem>> -> memref<64xf32, #tpu.memory_space<vmem>>
      %dma_start3A_259 = arith.constant 0 : i32
      %dma_start3A_260 = tpu.memref_slice %arg4[%squeeze3A_253, %dma_start3A_259] : memref<100000x64xf32, #tpu.memory_space<hbm>> -> memref<1x64xf32, #tpu.memory_space<hbm>>
      %dma_start3A_261 = tpu.memref_squeeze %dma_start3A_260 : memref<1x64xf32, #tpu.memory_space<hbm>> -> memref<64xf32, #tpu.memory_space<hbm>>
      %dma_start3A_262 = arith.constant 0 : i32
      %dma_start3A_263 = tpu.memref_slice %arg14[%add3A_255, %dma_start3A_262] : memref<128x64xf32, #tpu.memory_space<vmem>> -> memref<1x64xf32, #tpu.memory_space<vmem>>
      %dma_start3A_264 = tpu.memref_squeeze %dma_start3A_263 : memref<1x64xf32, #tpu.memory_space<vmem>> -> memref<64xf32, #tpu.memory_space<vmem>>
      %dma_start3A_265 = arith.constant 0 : i32
      %dma_start3A_266 = tpu.memref_slice %arg4[%squeeze3A_253, %dma_start3A_265] : memref<100000x64xf32, #tpu.memory_space<hbm>> -> memref<1x64xf32, #tpu.memory_space<hbm>>
      %dma_start3A_267 = tpu.memref_squeeze %dma_start3A_266 : memref<1x64xf32, #tpu.memory_space<hbm>> -> memref<64xf32, #tpu.memory_space<hbm>>
      tpu.enqueue_dma source(%dma_start3A_267 : memref<64xf32, #tpu.memory_space<hbm>>) target(%dma_start3A_264 : memref<64xf32, #tpu.memory_space<vmem>>) target_semaphore(%arg21 : memref<!tpu.dma_semaphore, #tpu.memory_space<semaphore_mem>>)
      %slice3A_268 = vector.extract_strided_slice %get3A_125 {offsets = [4], sizes = [1], strides = [1]} : vector<16xi32> to vector<1xi32>
      %squeeze3A_269 = vector.extract %slice3A_268[0] : i32 from vector<1xi32>
      %add3A_270 = arith.constant 4 : i32
      %add3A_271 = arith.addi %mul3A_116, %add3A_270 : i32
      %dma_start3A_272 = arith.constant 0 : i32
      %dma_start3A_273 = tpu.memref_slice %arg15[%add3A_271, %dma_start3A_272] : memref<128x64xf32, #tpu.memory_space<vmem>> -> memref<1x64xf32, #tpu.memory_space<vmem>>
      %dma_start3A_274 = tpu.memref_squeeze %dma_start3A_273 : memref<1x64xf32, #tpu.memory_space<vmem>> -> memref<64xf32, #tpu.memory_space<vmem>>
      %dma_start3A_275 = arith.constant 0 : i32
      %dma_start3A_276 = tpu.memref_slice %arg5[%squeeze3A_269, %dma_start3A_275] : memref<100000x64xf32, #tpu.memory_space<hbm>> -> memref<1x64xf32, #tpu.memory_space<hbm>>
      %dma_start3A_277 = tpu.memref_squeeze %dma_start3A_276 : memref<1x64xf32, #tpu.memory_space<hbm>> -> memref<64xf32, #tpu.memory_space<hbm>>
      %dma_start3A_278 = arith.constant 0 : i32
      %dma_start3A_279 = tpu.memref_slice %arg15[%add3A_271, %dma_start3A_278] : memref<128x64xf32, #tpu.memory_space<vmem>> -> memref<1x64xf32, #tpu.memory_space<vmem>>
      %dma_start3A_280 = tpu.memref_squeeze %dma_start3A_279 : memref<1x64xf32, #tpu.memory_space<vmem>> -> memref<64xf32, #tpu.memory_space<vmem>>
      %dma_start3A_281 = arith.constant 0 : i32
      %dma_start3A_282 = tpu.memref_slice %arg5[%squeeze3A_269, %dma_start3A_281] : memref<100000x64xf32, #tpu.memory_space<hbm>> -> memref<1x64xf32, #tpu.memory_space<hbm>>
      %dma_start3A_283 = tpu.memref_squeeze %dma_start3A_282 : memref<1x64xf32, #tpu.memory_space<hbm>> -> memref<64xf32, #tpu.memory_space<hbm>>
      tpu.enqueue_dma source(%dma_start3A_283 : memref<64xf32, #tpu.memory_space<hbm>>) target(%dma_start3A_280 : memref<64xf32, #tpu.memory_space<vmem>>) target_semaphore(%arg21 : memref<!tpu.dma_semaphore, #tpu.memory_space<semaphore_mem>>)
      %slice3A_284 = vector.extract_strided_slice %get3A_120 {offsets = [5], sizes = [1], strides = [1]} : vector<16xi32> to vector<1xi32>
      %squeeze3A_285 = vector.extract %slice3A_284[0] : i32 from vector<1xi32>
      %add3A_286 = arith.constant 5 : i32
      %add3A_287 = arith.addi %mul3A_116, %add3A_286 : i32
      %dma_start3A_288 = arith.constant 0 : i32
      %dma_start3A_289 = tpu.memref_slice %arg14[%add3A_287, %dma_start3A_288] : memref<128x64xf32, #tpu.memory_space<vmem>> -> memref<1x64xf32, #tpu.memory_space<vmem>>
      %dma_start3A_290 = tpu.memref_squeeze %dma_start3A_289 : memref<1x64xf32, #tpu.memory_space<vmem>> -> memref<64xf32, #tpu.memory_space<vmem>>
      %dma_start3A_291 = arith.constant 0 : i32
      %dma_start3A_292 = tpu.memref_slice %arg4[%squeeze3A_285, %dma_start3A_291] : memref<100000x64xf32, #tpu.memory_space<hbm>> -> memref<1x64xf32, #tpu.memory_space<hbm>>
      %dma_start3A_293 = tpu.memref_squeeze %dma_start3A_292 : memref<1x64xf32, #tpu.memory_space<hbm>> -> memref<64xf32, #tpu.memory_space<hbm>>
      %dma_start3A_294 = arith.constant 0 : i32
      %dma_start3A_295 = tpu.memref_slice %arg14[%add3A_287, %dma_start3A_294] : memref<128x64xf32, #tpu.memory_space<vmem>> -> memref<1x64xf32, #tpu.memory_space<vmem>>
      %dma_start3A_296 = tpu.memref_squeeze %dma_start3A_295 : memref<1x64xf32, #tpu.memory_space<vmem>> -> memref<64xf32, #tpu.memory_space<vmem>>
      %dma_start3A_297 = arith.constant 0 : i32
      %dma_start3A_298 = tpu.memref_slice %arg4[%squeeze3A_285, %dma_start3A_297] : memref<100000x64xf32, #tpu.memory_space<hbm>> -> memref<1x64xf32, #tpu.memory_space<hbm>>
      %dma_start3A_299 = tpu.memref_squeeze %dma_start3A_298 : memref<1x64xf32, #tpu.memory_space<hbm>> -> memref<64xf32, #tpu.memory_space<hbm>>
      tpu.enqueue_dma source(%dma_start3A_299 : memref<64xf32, #tpu.memory_space<hbm>>) target(%dma_start3A_296 : memref<64xf32, #tpu.memory_space<vmem>>) target_semaphore(%arg21 : memref<!tpu.dma_semaphore, #tpu.memory_space<semaphore_mem>>)
      %slice3A_300 = vector.extract_strided_slice %get3A_125 {offsets = [5], sizes = [1], strides = [1]} : vector<16xi32> to vector<1xi32>
      %squeeze3A_301 = vector.extract %slice3A_300[0] : i32 from vector<1xi32>
      %add3A_302 = arith.constant 5 : i32
      %add3A_303 = arith.addi %mul3A_116, %add3A_302 : i32
      %dma_start3A_304 = arith.constant 0 : i32
      %dma_start3A_305 = tpu.memref_slice %arg15[%add3A_303, %dma_start3A_304] : memref<128x64xf32, #tpu.memory_space<vmem>> -> memref<1x64xf32, #tpu.memory_space<vmem>>
      %dma_start3A_306 = tpu.memref_squeeze %dma_start3A_305 : memref<1x64xf32, #tpu.memory_space<vmem>> -> memref<64xf32, #tpu.memory_space<vmem>>
      %dma_start3A_307 = arith.constant 0 : i32
      %dma_start3A_308 = tpu.memref_slice %arg5[%squeeze3A_301, %dma_start3A_307] : memref<100000x64xf32, #tpu.memory_space<hbm>> -> memref<1x64xf32, #tpu.memory_space<hbm>>
      %dma_start3A_309 = tpu.memref_squeeze %dma_start3A_308 : memref<1x64xf32, #tpu.memory_space<hbm>> -> memref<64xf32, #tpu.memory_space<hbm>>
      %dma_start3A_310 = arith.constant 0 : i32
      %dma_start3A_311 = tpu.memref_slice %arg15[%add3A_303, %dma_start3A_310] : memref<128x64xf32, #tpu.memory_space<vmem>> -> memref<1x64xf32, #tpu.memory_space<vmem>>
      %dma_start3A_312 = tpu.memref_squeeze %dma_start3A_311 : memref<1x64xf32, #tpu.memory_space<vmem>> -> memref<64xf32, #tpu.memory_space<vmem>>
      %dma_start3A_313 = arith.constant 0 : i32
      %dma_start3A_314 = tpu.memref_slice %arg5[%squeeze3A_301, %dma_start3A_313] : memref<100000x64xf32, #tpu.memory_space<hbm>> -> memref<1x64xf32, #tpu.memory_space<hbm>>
      %dma_start3A_315 = tpu.memref_squeeze %dma_start3A_314 : memref<1x64xf32, #tpu.memory_space<hbm>> -> memref<64xf32, #tpu.memory_space<hbm>>
      tpu.enqueue_dma source(%dma_start3A_315 : memref<64xf32, #tpu.memory_space<hbm>>) target(%dma_start3A_312 : memref<64xf32, #tpu.memory_space<vmem>>) target_semaphore(%arg21 : memref<!tpu.dma_semaphore, #tpu.memory_space<semaphore_mem>>)
      %slice3A_316 = vector.extract_strided_slice %get3A_120 {offsets = [6], sizes = [1], strides = [1]} : vector<16xi32> to vector<1xi32>
      %squeeze3A_317 = vector.extract %slice3A_316[0] : i32 from vector<1xi32>
      %add3A_318 = arith.constant 6 : i32
      %add3A_319 = arith.addi %mul3A_116, %add3A_318 : i32
      %dma_start3A_320 = arith.constant 0 : i32
      %dma_start3A_321 = tpu.memref_slice %arg14[%add3A_319, %dma_start3A_320] : memref<128x64xf32, #tpu.memory_space<vmem>> -> memref<1x64xf32, #tpu.memory_space<vmem>>
      %dma_start3A_322 = tpu.memref_squeeze %dma_start3A_321 : memref<1x64xf32, #tpu.memory_space<vmem>> -> memref<64xf32, #tpu.memory_space<vmem>>
      %dma_start3A_323 = arith.constant 0 : i32
      %dma_start3A_324 = tpu.memref_slice %arg4[%squeeze3A_317, %dma_start3A_323] : memref<100000x64xf32, #tpu.memory_space<hbm>> -> memref<1x64xf32, #tpu.memory_space<hbm>>
      %dma_start3A_325 = tpu.memref_squeeze %dma_start3A_324 : memref<1x64xf32, #tpu.memory_space<hbm>> -> memref<64xf32, #tpu.memory_space<hbm>>
      %dma_start3A_326 = arith.constant 0 : i32
      %dma_start3A_327 = tpu.memref_slice %arg14[%add3A_319, %dma_start3A_326] : memref<128x64xf32, #tpu.memory_space<vmem>> -> memref<1x64xf32, #tpu.memory_space<vmem>>
      %dma_start3A_328 = tpu.memref_squeeze %dma_start3A_327 : memref<1x64xf32, #tpu.memory_space<vmem>> -> memref<64xf32, #tpu.memory_space<vmem>>
      %dma_start3A_329 = arith.constant 0 : i32
      %dma_start3A_330 = tpu.memref_slice %arg4[%squeeze3A_317, %dma_start3A_329] : memref<100000x64xf32, #tpu.memory_space<hbm>> -> memref<1x64xf32, #tpu.memory_space<hbm>>
      %dma_start3A_331 = tpu.memref_squeeze %dma_start3A_330 : memref<1x64xf32, #tpu.memory_space<hbm>> -> memref<64xf32, #tpu.memory_space<hbm>>
      tpu.enqueue_dma source(%dma_start3A_331 : memref<64xf32, #tpu.memory_space<hbm>>) target(%dma_start3A_328 : memref<64xf32, #tpu.memory_space<vmem>>) target_semaphore(%arg21 : memref<!tpu.dma_semaphore, #tpu.memory_space<semaphore_mem>>)
      %slice3A_332 = vector.extract_strided_slice %get3A_125 {offsets = [6], sizes = [1], strides = [1]} : vector<16xi32> to vector<1xi32>
      %squeeze3A_333 = vector.extract %slice3A_332[0] : i32 from vector<1xi32>
      %add3A_334 = arith.constant 6 : i32
      %add3A_335 = arith.addi %mul3A_116, %add3A_334 : i32
      %dma_start3A_336 = arith.constant 0 : i32
      %dma_start3A_337 = tpu.memref_slice %arg15[%add3A_335, %dma_start3A_336] : memref<128x64xf32, #tpu.memory_space<vmem>> -> memref<1x64xf32, #tpu.memory_space<vmem>>
      %dma_start3A_338 = tpu.memref_squeeze %dma_start3A_337 : memref<1x64xf32, #tpu.memory_space<vmem>> -> memref<64xf32, #tpu.memory_space<vmem>>
      %dma_start3A_339 = arith.constant 0 : i32
      %dma_start3A_340 = tpu.memref_slice %arg5[%squeeze3A_333, %dma_start3A_339] : memref<100000x64xf32, #tpu.memory_space<hbm>> -> memref<1x64xf32, #tpu.memory_space<hbm>>
      %dma_start3A_341 = tpu.memref_squeeze %dma_start3A_340 : memref<1x64xf32, #tpu.memory_space<hbm>> -> memref<64xf32, #tpu.memory_space<hbm>>
      %dma_start3A_342 = arith.constant 0 : i32
      %dma_start3A_343 = tpu.memref_slice %arg15[%add3A_335, %dma_start3A_342] : memref<128x64xf32, #tpu.memory_space<vmem>> -> memref<1x64xf32, #tpu.memory_space<vmem>>
      %dma_start3A_344 = tpu.memref_squeeze %dma_start3A_343 : memref<1x64xf32, #tpu.memory_space<vmem>> -> memref<64xf32, #tpu.memory_space<vmem>>
      %dma_start3A_345 = arith.constant 0 : i32
      %dma_start3A_346 = tpu.memref_slice %arg5[%squeeze3A_333, %dma_start3A_345] : memref<100000x64xf32, #tpu.memory_space<hbm>> -> memref<1x64xf32, #tpu.memory_space<hbm>>
      %dma_start3A_347 = tpu.memref_squeeze %dma_start3A_346 : memref<1x64xf32, #tpu.memory_space<hbm>> -> memref<64xf32, #tpu.memory_space<hbm>>
      tpu.enqueue_dma source(%dma_start3A_347 : memref<64xf32, #tpu.memory_space<hbm>>) target(%dma_start3A_344 : memref<64xf32, #tpu.memory_space<vmem>>) target_semaphore(%arg21 : memref<!tpu.dma_semaphore, #tpu.memory_space<semaphore_mem>>)
      %slice3A_348 = vector.extract_strided_slice %get3A_120 {offsets = [7], sizes = [1], strides = [1]} : vector<16xi32> to vector<1xi32>
      %squeeze3A_349 = vector.extract %slice3A_348[0] : i32 from vector<1xi32>
      %add3A_350 = arith.constant 7 : i32
      %add3A_351 = arith.addi %mul3A_116, %add3A_350 : i32
      %dma_start3A_352 = arith.constant 0 : i32
      %dma_start3A_353 = tpu.memref_slice %arg14[%add3A_351, %dma_start3A_352] : memref<128x64xf32, #tpu.memory_space<vmem>> -> memref<1x64xf32, #tpu.memory_space<vmem>>
      %dma_start3A_354 = tpu.memref_squeeze %dma_start3A_353 : memref<1x64xf32, #tpu.memory_space<vmem>> -> memref<64xf32, #tpu.memory_space<vmem>>
      %dma_start3A_355 = arith.constant 0 : i32
      %dma_start3A_356 = tpu.memref_slice %arg4[%squeeze3A_349, %dma_start3A_355] : memref<100000x64xf32, #tpu.memory_space<hbm>> -> memref<1x64xf32, #tpu.memory_space<hbm>>
      %dma_start3A_357 = tpu.memref_squeeze %dma_start3A_356 : memref<1x64xf32, #tpu.memory_space<hbm>> -> memref<64xf32, #tpu.memory_space<hbm>>
      %dma_start3A_358 = arith.constant 0 : i32
      %dma_start3A_359 = tpu.memref_slice %arg14[%add3A_351, %dma_start3A_358] : memref<128x64xf32, #tpu.memory_space<vmem>> -> memref<1x64xf32, #tpu.memory_space<vmem>>
      %dma_start3A_360 = tpu.memref_squeeze %dma_start3A_359 : memref<1x64xf32, #tpu.memory_space<vmem>> -> memref<64xf32, #tpu.memory_space<vmem>>
      %dma_start3A_361 = arith.constant 0 : i32
      %dma_start3A_362 = tpu.memref_slice %arg4[%squeeze3A_349, %dma_start3A_361] : memref<100000x64xf32, #tpu.memory_space<hbm>> -> memref<1x64xf32, #tpu.memory_space<hbm>>
      %dma_start3A_363 = tpu.memref_squeeze %dma_start3A_362 : memref<1x64xf32, #tpu.memory_space<hbm>> -> memref<64xf32, #tpu.memory_space<hbm>>
      tpu.enqueue_dma source(%dma_start3A_363 : memref<64xf32, #tpu.memory_space<hbm>>) target(%dma_start3A_360 : memref<64xf32, #tpu.memory_space<vmem>>) target_semaphore(%arg21 : memref<!tpu.dma_semaphore, #tpu.memory_space<semaphore_mem>>)
      %slice3A_364 = vector.extract_strided_slice %get3A_125 {offsets = [7], sizes = [1], strides = [1]} : vector<16xi32> to vector<1xi32>
      %squeeze3A_365 = vector.extract %slice3A_364[0] : i32 from vector<1xi32>
      %add3A_366 = arith.constant 7 : i32
      %add3A_367 = arith.addi %mul3A_116, %add3A_366 : i32
      %dma_start3A_368 = arith.constant 0 : i32
      %dma_start3A_369 = tpu.memref_slice %arg15[%add3A_367, %dma_start3A_368] : memref<128x64xf32, #tpu.memory_space<vmem>> -> memref<1x64xf32, #tpu.memory_space<vmem>>
      %dma_start3A_370 = tpu.memref_squeeze %dma_start3A_369 : memref<1x64xf32, #tpu.memory_space<vmem>> -> memref<64xf32, #tpu.memory_space<vmem>>
      %dma_start3A_371 = arith.constant 0 : i32
      %dma_start3A_372 = tpu.memref_slice %arg5[%squeeze3A_365, %dma_start3A_371] : memref<100000x64xf32, #tpu.memory_space<hbm>> -> memref<1x64xf32, #tpu.memory_space<hbm>>
      %dma_start3A_373 = tpu.memref_squeeze %dma_start3A_372 : memref<1x64xf32, #tpu.memory_space<hbm>> -> memref<64xf32, #tpu.memory_space<hbm>>
      %dma_start3A_374 = arith.constant 0 : i32
      %dma_start3A_375 = tpu.memref_slice %arg15[%add3A_367, %dma_start3A_374] : memref<128x64xf32, #tpu.memory_space<vmem>> -> memref<1x64xf32, #tpu.memory_space<vmem>>
      %dma_start3A_376 = tpu.memref_squeeze %dma_start3A_375 : memref<1x64xf32, #tpu.memory_space<vmem>> -> memref<64xf32, #tpu.memory_space<vmem>>
      %dma_start3A_377 = arith.constant 0 : i32
      %dma_start3A_378 = tpu.memref_slice %arg5[%squeeze3A_365, %dma_start3A_377] : memref<100000x64xf32, #tpu.memory_space<hbm>> -> memref<1x64xf32, #tpu.memory_space<hbm>>
      %dma_start3A_379 = tpu.memref_squeeze %dma_start3A_378 : memref<1x64xf32, #tpu.memory_space<hbm>> -> memref<64xf32, #tpu.memory_space<hbm>>
      tpu.enqueue_dma source(%dma_start3A_379 : memref<64xf32, #tpu.memory_space<hbm>>) target(%dma_start3A_376 : memref<64xf32, #tpu.memory_space<vmem>>) target_semaphore(%arg21 : memref<!tpu.dma_semaphore, #tpu.memory_space<semaphore_mem>>)
      %slice3A_380 = vector.extract_strided_slice %get3A_120 {offsets = [8], sizes = [1], strides = [1]} : vector<16xi32> to vector<1xi32>
      %squeeze3A_381 = vector.extract %slice3A_380[0] : i32 from vector<1xi32>
      %add3A_382 = arith.constant 8 : i32
      %add3A_383 = arith.addi %mul3A_116, %add3A_382 : i32
      %dma_start3A_384 = arith.constant 0 : i32
      %dma_start3A_385 = tpu.memref_slice %arg14[%add3A_383, %dma_start3A_384] : memref<128x64xf32, #tpu.memory_space<vmem>> -> memref<1x64xf32, #tpu.memory_space<vmem>>
      %dma_start3A_386 = tpu.memref_squeeze %dma_start3A_385 : memref<1x64xf32, #tpu.memory_space<vmem>> -> memref<64xf32, #tpu.memory_space<vmem>>
      %dma_start3A_387 = arith.constant 0 : i32
      %dma_start3A_388 = tpu.memref_slice %arg4[%squeeze3A_381, %dma_start3A_387] : memref<100000x64xf32, #tpu.memory_space<hbm>> -> memref<1x64xf32, #tpu.memory_space<hbm>>
      %dma_start3A_389 = tpu.memref_squeeze %dma_start3A_388 : memref<1x64xf32, #tpu.memory_space<hbm>> -> memref<64xf32, #tpu.memory_space<hbm>>
      %dma_start3A_390 = arith.constant 0 : i32
      %dma_start3A_391 = tpu.memref_slice %arg14[%add3A_383, %dma_start3A_390] : memref<128x64xf32, #tpu.memory_space<vmem>> -> memref<1x64xf32, #tpu.memory_space<vmem>>
      %dma_start3A_392 = tpu.memref_squeeze %dma_start3A_391 : memref<1x64xf32, #tpu.memory_space<vmem>> -> memref<64xf32, #tpu.memory_space<vmem>>
      %dma_start3A_393 = arith.constant 0 : i32
      %dma_start3A_394 = tpu.memref_slice %arg4[%squeeze3A_381, %dma_start3A_393] : memref<100000x64xf32, #tpu.memory_space<hbm>> -> memref<1x64xf32, #tpu.memory_space<hbm>>
      %dma_start3A_395 = tpu.memref_squeeze %dma_start3A_394 : memref<1x64xf32, #tpu.memory_space<hbm>> -> memref<64xf32, #tpu.memory_space<hbm>>
      tpu.enqueue_dma source(%dma_start3A_395 : memref<64xf32, #tpu.memory_space<hbm>>) target(%dma_start3A_392 : memref<64xf32, #tpu.memory_space<vmem>>) target_semaphore(%arg21 : memref<!tpu.dma_semaphore, #tpu.memory_space<semaphore_mem>>)
      %slice3A_396 = vector.extract_strided_slice %get3A_125 {offsets = [8], sizes = [1], strides = [1]} : vector<16xi32> to vector<1xi32>
      %squeeze3A_397 = vector.extract %slice3A_396[0] : i32 from vector<1xi32>
      %add3A_398 = arith.constant 8 : i32
      %add3A_399 = arith.addi %mul3A_116, %add3A_398 : i32
      %dma_start3A_400 = arith.constant 0 : i32
      %dma_start3A_401 = tpu.memref_slice %arg15[%add3A_399, %dma_start3A_400] : memref<128x64xf32, #tpu.memory_space<vmem>> -> memref<1x64xf32, #tpu.memory_space<vmem>>
      %dma_start3A_402 = tpu.memref_squeeze %dma_start3A_401 : memref<1x64xf32, #tpu.memory_space<vmem>> -> memref<64xf32, #tpu.memory_space<vmem>>
      %dma_start3A_403 = arith.constant 0 : i32
      %dma_start3A_404 = tpu.memref_slice %arg5[%squeeze3A_397, %dma_start3A_403] : memref<100000x64xf32, #tpu.memory_space<hbm>> -> memref<1x64xf32, #tpu.memory_space<hbm>>
      %dma_start3A_405 = tpu.memref_squeeze %dma_start3A_404 : memref<1x64xf32, #tpu.memory_space<hbm>> -> memref<64xf32, #tpu.memory_space<hbm>>
      %dma_start3A_406 = arith.constant 0 : i32
      %dma_start3A_407 = tpu.memref_slice %arg15[%add3A_399, %dma_start3A_406] : memref<128x64xf32, #tpu.memory_space<vmem>> -> memref<1x64xf32, #tpu.memory_space<vmem>>
      %dma_start3A_408 = tpu.memref_squeeze %dma_start3A_407 : memref<1x64xf32, #tpu.memory_space<vmem>> -> memref<64xf32, #tpu.memory_space<vmem>>
      %dma_start3A_409 = arith.constant 0 : i32
      %dma_start3A_410 = tpu.memref_slice %arg5[%squeeze3A_397, %dma_start3A_409] : memref<100000x64xf32, #tpu.memory_space<hbm>> -> memref<1x64xf32, #tpu.memory_space<hbm>>
      %dma_start3A_411 = tpu.memref_squeeze %dma_start3A_410 : memref<1x64xf32, #tpu.memory_space<hbm>> -> memref<64xf32, #tpu.memory_space<hbm>>
      tpu.enqueue_dma source(%dma_start3A_411 : memref<64xf32, #tpu.memory_space<hbm>>) target(%dma_start3A_408 : memref<64xf32, #tpu.memory_space<vmem>>) target_semaphore(%arg21 : memref<!tpu.dma_semaphore, #tpu.memory_space<semaphore_mem>>)
      %slice3A_412 = vector.extract_strided_slice %get3A_120 {offsets = [9], sizes = [1], strides = [1]} : vector<16xi32> to vector<1xi32>
      %squeeze3A_413 = vector.extract %slice3A_412[0] : i32 from vector<1xi32>
      %add3A_414 = arith.constant 9 : i32
      %add3A_415 = arith.addi %mul3A_116, %add3A_414 : i32
      %dma_start3A_416 = arith.constant 0 : i32
      %dma_start3A_417 = tpu.memref_slice %arg14[%add3A_415, %dma_start3A_416] : memref<128x64xf32, #tpu.memory_space<vmem>> -> memref<1x64xf32, #tpu.memory_space<vmem>>
      %dma_start3A_418 = tpu.memref_squeeze %dma_start3A_417 : memref<1x64xf32, #tpu.memory_space<vmem>> -> memref<64xf32, #tpu.memory_space<vmem>>
      %dma_start3A_419 = arith.constant 0 : i32
      %dma_start3A_420 = tpu.memref_slice %arg4[%squeeze3A_413, %dma_start3A_419] : memref<100000x64xf32, #tpu.memory_space<hbm>> -> memref<1x64xf32, #tpu.memory_space<hbm>>
      %dma_start3A_421 = tpu.memref_squeeze %dma_start3A_420 : memref<1x64xf32, #tpu.memory_space<hbm>> -> memref<64xf32, #tpu.memory_space<hbm>>
      %dma_start3A_422 = arith.constant 0 : i32
      %dma_start3A_423 = tpu.memref_slice %arg14[%add3A_415, %dma_start3A_422] : memref<128x64xf32, #tpu.memory_space<vmem>> -> memref<1x64xf32, #tpu.memory_space<vmem>>
      %dma_start3A_424 = tpu.memref_squeeze %dma_start3A_423 : memref<1x64xf32, #tpu.memory_space<vmem>> -> memref<64xf32, #tpu.memory_space<vmem>>
      %dma_start3A_425 = arith.constant 0 : i32
      %dma_start3A_426 = tpu.memref_slice %arg4[%squeeze3A_413, %dma_start3A_425] : memref<100000x64xf32, #tpu.memory_space<hbm>> -> memref<1x64xf32, #tpu.memory_space<hbm>>
      %dma_start3A_427 = tpu.memref_squeeze %dma_start3A_426 : memref<1x64xf32, #tpu.memory_space<hbm>> -> memref<64xf32, #tpu.memory_space<hbm>>
      tpu.enqueue_dma source(%dma_start3A_427 : memref<64xf32, #tpu.memory_space<hbm>>) target(%dma_start3A_424 : memref<64xf32, #tpu.memory_space<vmem>>) target_semaphore(%arg21 : memref<!tpu.dma_semaphore, #tpu.memory_space<semaphore_mem>>)
      %slice3A_428 = vector.extract_strided_slice %get3A_125 {offsets = [9], sizes = [1], strides = [1]} : vector<16xi32> to vector<1xi32>
      %squeeze3A_429 = vector.extract %slice3A_428[0] : i32 from vector<1xi32>
      %add3A_430 = arith.constant 9 : i32
      %add3A_431 = arith.addi %mul3A_116, %add3A_430 : i32
      %dma_start3A_432 = arith.constant 0 : i32
      %dma_start3A_433 = tpu.memref_slice %arg15[%add3A_431, %dma_start3A_432] : memref<128x64xf32, #tpu.memory_space<vmem>> -> memref<1x64xf32, #tpu.memory_space<vmem>>
      %dma_start3A_434 = tpu.memref_squeeze %dma_start3A_433 : memref<1x64xf32, #tpu.memory_space<vmem>> -> memref<64xf32, #tpu.memory_space<vmem>>
      %dma_start3A_435 = arith.constant 0 : i32
      %dma_start3A_436 = tpu.memref_slice %arg5[%squeeze3A_429, %dma_start3A_435] : memref<100000x64xf32, #tpu.memory_space<hbm>> -> memref<1x64xf32, #tpu.memory_space<hbm>>
      %dma_start3A_437 = tpu.memref_squeeze %dma_start3A_436 : memref<1x64xf32, #tpu.memory_space<hbm>> -> memref<64xf32, #tpu.memory_space<hbm>>
      %dma_start3A_438 = arith.constant 0 : i32
      %dma_start3A_439 = tpu.memref_slice %arg15[%add3A_431, %dma_start3A_438] : memref<128x64xf32, #tpu.memory_space<vmem>> -> memref<1x64xf32, #tpu.memory_space<vmem>>
      %dma_start3A_440 = tpu.memref_squeeze %dma_start3A_439 : memref<1x64xf32, #tpu.memory_space<vmem>> -> memref<64xf32, #tpu.memory_space<vmem>>
      %dma_start3A_441 = arith.constant 0 : i32
      %dma_start3A_442 = tpu.memref_slice %arg5[%squeeze3A_429, %dma_start3A_441] : memref<100000x64xf32, #tpu.memory_space<hbm>> -> memref<1x64xf32, #tpu.memory_space<hbm>>
      %dma_start3A_443 = tpu.memref_squeeze %dma_start3A_442 : memref<1x64xf32, #tpu.memory_space<hbm>> -> memref<64xf32, #tpu.memory_space<hbm>>
      tpu.enqueue_dma source(%dma_start3A_443 : memref<64xf32, #tpu.memory_space<hbm>>) target(%dma_start3A_440 : memref<64xf32, #tpu.memory_space<vmem>>) target_semaphore(%arg21 : memref<!tpu.dma_semaphore, #tpu.memory_space<semaphore_mem>>)
      %slice3A_444 = vector.extract_strided_slice %get3A_120 {offsets = [10], sizes = [1], strides = [1]} : vector<16xi32> to vector<1xi32>
      %squeeze3A_445 = vector.extract %slice3A_444[0] : i32 from vector<1xi32>
      %add3A_446 = arith.constant 10 : i32
      %add3A_447 = arith.addi %mul3A_116, %add3A_446 : i32
      %dma_start3A_448 = arith.constant 0 : i32
      %dma_start3A_449 = tpu.memref_slice %arg14[%add3A_447, %dma_start3A_448] : memref<128x64xf32, #tpu.memory_space<vmem>> -> memref<1x64xf32, #tpu.memory_space<vmem>>
      %dma_start3A_450 = tpu.memref_squeeze %dma_start3A_449 : memref<1x64xf32, #tpu.memory_space<vmem>> -> memref<64xf32, #tpu.memory_space<vmem>>
      %dma_start3A_451 = arith.constant 0 : i32
      %dma_start3A_452 = tpu.memref_slice %arg4[%squeeze3A_445, %dma_start3A_451] : memref<100000x64xf32, #tpu.memory_space<hbm>> -> memref<1x64xf32, #tpu.memory_space<hbm>>
      %dma_start3A_453 = tpu.memref_squeeze %dma_start3A_452 : memref<1x64xf32, #tpu.memory_space<hbm>> -> memref<64xf32, #tpu.memory_space<hbm>>
      %dma_start3A_454 = arith.constant 0 : i32
      %dma_start3A_455 = tpu.memref_slice %arg14[%add3A_447, %dma_start3A_454] : memref<128x64xf32, #tpu.memory_space<vmem>> -> memref<1x64xf32, #tpu.memory_space<vmem>>
      %dma_start3A_456 = tpu.memref_squeeze %dma_start3A_455 : memref<1x64xf32, #tpu.memory_space<vmem>> -> memref<64xf32, #tpu.memory_space<vmem>>
      %dma_start3A_457 = arith.constant 0 : i32
      %dma_start3A_458 = tpu.memref_slice %arg4[%squeeze3A_445, %dma_start3A_457] : memref<100000x64xf32, #tpu.memory_space<hbm>> -> memref<1x64xf32, #tpu.memory_space<hbm>>
      %dma_start3A_459 = tpu.memref_squeeze %dma_start3A_458 : memref<1x64xf32, #tpu.memory_space<hbm>> -> memref<64xf32, #tpu.memory_space<hbm>>
      tpu.enqueue_dma source(%dma_start3A_459 : memref<64xf32, #tpu.memory_space<hbm>>) target(%dma_start3A_456 : memref<64xf32, #tpu.memory_space<vmem>>) target_semaphore(%arg21 : memref<!tpu.dma_semaphore, #tpu.memory_space<semaphore_mem>>)
      %slice3A_460 = vector.extract_strided_slice %get3A_125 {offsets = [10], sizes = [1], strides = [1]} : vector<16xi32> to vector<1xi32>
      %squeeze3A_461 = vector.extract %slice3A_460[0] : i32 from vector<1xi32>
      %add3A_462 = arith.constant 10 : i32
      %add3A_463 = arith.addi %mul3A_116, %add3A_462 : i32
      %dma_start3A_464 = arith.constant 0 : i32
      %dma_start3A_465 = tpu.memref_slice %arg15[%add3A_463, %dma_start3A_464] : memref<128x64xf32, #tpu.memory_space<vmem>> -> memref<1x64xf32, #tpu.memory_space<vmem>>
      %dma_start3A_466 = tpu.memref_squeeze %dma_start3A_465 : memref<1x64xf32, #tpu.memory_space<vmem>> -> memref<64xf32, #tpu.memory_space<vmem>>
      %dma_start3A_467 = arith.constant 0 : i32
      %dma_start3A_468 = tpu.memref_slice %arg5[%squeeze3A_461, %dma_start3A_467] : memref<100000x64xf32, #tpu.memory_space<hbm>> -> memref<1x64xf32, #tpu.memory_space<hbm>>
      %dma_start3A_469 = tpu.memref_squeeze %dma_start3A_468 : memref<1x64xf32, #tpu.memory_space<hbm>> -> memref<64xf32, #tpu.memory_space<hbm>>
      %dma_start3A_470 = arith.constant 0 : i32
      %dma_start3A_471 = tpu.memref_slice %arg15[%add3A_463, %dma_start3A_470] : memref<128x64xf32, #tpu.memory_space<vmem>> -> memref<1x64xf32, #tpu.memory_space<vmem>>
      %dma_start3A_472 = tpu.memref_squeeze %dma_start3A_471 : memref<1x64xf32, #tpu.memory_space<vmem>> -> memref<64xf32, #tpu.memory_space<vmem>>
      %dma_start3A_473 = arith.constant 0 : i32
      %dma_start3A_474 = tpu.memref_slice %arg5[%squeeze3A_461, %dma_start3A_473] : memref<100000x64xf32, #tpu.memory_space<hbm>> -> memref<1x64xf32, #tpu.memory_space<hbm>>
      %dma_start3A_475 = tpu.memref_squeeze %dma_start3A_474 : memref<1x64xf32, #tpu.memory_space<hbm>> -> memref<64xf32, #tpu.memory_space<hbm>>
      tpu.enqueue_dma source(%dma_start3A_475 : memref<64xf32, #tpu.memory_space<hbm>>) target(%dma_start3A_472 : memref<64xf32, #tpu.memory_space<vmem>>) target_semaphore(%arg21 : memref<!tpu.dma_semaphore, #tpu.memory_space<semaphore_mem>>)
      %slice3A_476 = vector.extract_strided_slice %get3A_120 {offsets = [11], sizes = [1], strides = [1]} : vector<16xi32> to vector<1xi32>
      %squeeze3A_477 = vector.extract %slice3A_476[0] : i32 from vector<1xi32>
      %add3A_478 = arith.constant 11 : i32
      %add3A_479 = arith.addi %mul3A_116, %add3A_478 : i32
      %dma_start3A_480 = arith.constant 0 : i32
      %dma_start3A_481 = tpu.memref_slice %arg14[%add3A_479, %dma_start3A_480] : memref<128x64xf32, #tpu.memory_space<vmem>> -> memref<1x64xf32, #tpu.memory_space<vmem>>
      %dma_start3A_482 = tpu.memref_squeeze %dma_start3A_481 : memref<1x64xf32, #tpu.memory_space<vmem>> -> memref<64xf32, #tpu.memory_space<vmem>>
      %dma_start3A_483 = arith.constant 0 : i32
      %dma_start3A_484 = tpu.memref_slice %arg4[%squeeze3A_477, %dma_start3A_483] : memref<100000x64xf32, #tpu.memory_space<hbm>> -> memref<1x64xf32, #tpu.memory_space<hbm>>
      %dma_start3A_485 = tpu.memref_squeeze %dma_start3A_484 : memref<1x64xf32, #tpu.memory_space<hbm>> -> memref<64xf32, #tpu.memory_space<hbm>>
      %dma_start3A_486 = arith.constant 0 : i32
      %dma_start3A_487 = tpu.memref_slice %arg14[%add3A_479, %dma_start3A_486] : memref<128x64xf32, #tpu.memory_space<vmem>> -> memref<1x64xf32, #tpu.memory_space<vmem>>
      %dma_start3A_488 = tpu.memref_squeeze %dma_start3A_487 : memref<1x64xf32, #tpu.memory_space<vmem>> -> memref<64xf32, #tpu.memory_space<vmem>>
      %dma_start3A_489 = arith.constant 0 : i32
      %dma_start3A_490 = tpu.memref_slice %arg4[%squeeze3A_477, %dma_start3A_489] : memref<100000x64xf32, #tpu.memory_space<hbm>> -> memref<1x64xf32, #tpu.memory_space<hbm>>
      %dma_start3A_491 = tpu.memref_squeeze %dma_start3A_490 : memref<1x64xf32, #tpu.memory_space<hbm>> -> memref<64xf32, #tpu.memory_space<hbm>>
      tpu.enqueue_dma source(%dma_start3A_491 : memref<64xf32, #tpu.memory_space<hbm>>) target(%dma_start3A_488 : memref<64xf32, #tpu.memory_space<vmem>>) target_semaphore(%arg21 : memref<!tpu.dma_semaphore, #tpu.memory_space<semaphore_mem>>)
      %slice3A_492 = vector.extract_strided_slice %get3A_125 {offsets = [11], sizes = [1], strides = [1]} : vector<16xi32> to vector<1xi32>
      %squeeze3A_493 = vector.extract %slice3A_492[0] : i32 from vector<1xi32>
      %add3A_494 = arith.constant 11 : i32
      %add3A_495 = arith.addi %mul3A_116, %add3A_494 : i32
      %dma_start3A_496 = arith.constant 0 : i32
      %dma_start3A_497 = tpu.memref_slice %arg15[%add3A_495, %dma_start3A_496] : memref<128x64xf32, #tpu.memory_space<vmem>> -> memref<1x64xf32, #tpu.memory_space<vmem>>
      %dma_start3A_498 = tpu.memref_squeeze %dma_start3A_497 : memref<1x64xf32, #tpu.memory_space<vmem>> -> memref<64xf32, #tpu.memory_space<vmem>>
      %dma_start3A_499 = arith.constant 0 : i32
      %dma_start3A_500 = tpu.memref_slice %arg5[%squeeze3A_493, %dma_start3A_499] : memref<100000x64xf32, #tpu.memory_space<hbm>> -> memref<1x64xf32, #tpu.memory_space<hbm>>
      %dma_start3A_501 = tpu.memref_squeeze %dma_start3A_500 : memref<1x64xf32, #tpu.memory_space<hbm>> -> memref<64xf32, #tpu.memory_space<hbm>>
      %dma_start3A_502 = arith.constant 0 : i32
      %dma_start3A_503 = tpu.memref_slice %arg15[%add3A_495, %dma_start3A_502] : memref<128x64xf32, #tpu.memory_space<vmem>> -> memref<1x64xf32, #tpu.memory_space<vmem>>
      %dma_start3A_504 = tpu.memref_squeeze %dma_start3A_503 : memref<1x64xf32, #tpu.memory_space<vmem>> -> memref<64xf32, #tpu.memory_space<vmem>>
      %dma_start3A_505 = arith.constant 0 : i32
      %dma_start3A_506 = tpu.memref_slice %arg5[%squeeze3A_493, %dma_start3A_505] : memref<100000x64xf32, #tpu.memory_space<hbm>> -> memref<1x64xf32, #tpu.memory_space<hbm>>
      %dma_start3A_507 = tpu.memref_squeeze %dma_start3A_506 : memref<1x64xf32, #tpu.memory_space<hbm>> -> memref<64xf32, #tpu.memory_space<hbm>>
      tpu.enqueue_dma source(%dma_start3A_507 : memref<64xf32, #tpu.memory_space<hbm>>) target(%dma_start3A_504 : memref<64xf32, #tpu.memory_space<vmem>>) target_semaphore(%arg21 : memref<!tpu.dma_semaphore, #tpu.memory_space<semaphore_mem>>)
      %slice3A_508 = vector.extract_strided_slice %get3A_120 {offsets = [12], sizes = [1], strides = [1]} : vector<16xi32> to vector<1xi32>
      %squeeze3A_509 = vector.extract %slice3A_508[0] : i32 from vector<1xi32>
      %add3A_510 = arith.constant 12 : i32
      %add3A_511 = arith.addi %mul3A_116, %add3A_510 : i32
      %dma_start3A_512 = arith.constant 0 : i32
      %dma_start3A_513 = tpu.memref_slice %arg14[%add3A_511, %dma_start3A_512] : memref<128x64xf32, #tpu.memory_space<vmem>> -> memref<1x64xf32, #tpu.memory_space<vmem>>
      %dma_start3A_514 = tpu.memref_squeeze %dma_start3A_513 : memref<1x64xf32, #tpu.memory_space<vmem>> -> memref<64xf32, #tpu.memory_space<vmem>>
      %dma_start3A_515 = arith.constant 0 : i32
      %dma_start3A_516 = tpu.memref_slice %arg4[%squeeze3A_509, %dma_start3A_515] : memref<100000x64xf32, #tpu.memory_space<hbm>> -> memref<1x64xf32, #tpu.memory_space<hbm>>
      %dma_start3A_517 = tpu.memref_squeeze %dma_start3A_516 : memref<1x64xf32, #tpu.memory_space<hbm>> -> memref<64xf32, #tpu.memory_space<hbm>>
      %dma_start3A_518 = arith.constant 0 : i32
      %dma_start3A_519 = tpu.memref_slice %arg14[%add3A_511, %dma_start3A_518] : memref<128x64xf32, #tpu.memory_space<vmem>> -> memref<1x64xf32, #tpu.memory_space<vmem>>
      %dma_start3A_520 = tpu.memref_squeeze %dma_start3A_519 : memref<1x64xf32, #tpu.memory_space<vmem>> -> memref<64xf32, #tpu.memory_space<vmem>>
      %dma_start3A_521 = arith.constant 0 : i32
      %dma_start3A_522 = tpu.memref_slice %arg4[%squeeze3A_509, %dma_start3A_521] : memref<100000x64xf32, #tpu.memory_space<hbm>> -> memref<1x64xf32, #tpu.memory_space<hbm>>
      %dma_start3A_523 = tpu.memref_squeeze %dma_start3A_522 : memref<1x64xf32, #tpu.memory_space<hbm>> -> memref<64xf32, #tpu.memory_space<hbm>>
      tpu.enqueue_dma source(%dma_start3A_523 : memref<64xf32, #tpu.memory_space<hbm>>) target(%dma_start3A_520 : memref<64xf32, #tpu.memory_space<vmem>>) target_semaphore(%arg21 : memref<!tpu.dma_semaphore, #tpu.memory_space<semaphore_mem>>)
      %slice3A_524 = vector.extract_strided_slice %get3A_125 {offsets = [12], sizes = [1], strides = [1]} : vector<16xi32> to vector<1xi32>
      %squeeze3A_525 = vector.extract %slice3A_524[0] : i32 from vector<1xi32>
      %add3A_526 = arith.constant 12 : i32
      %add3A_527 = arith.addi %mul3A_116, %add3A_526 : i32
      %dma_start3A_528 = arith.constant 0 : i32
      %dma_start3A_529 = tpu.memref_slice %arg15[%add3A_527, %dma_start3A_528] : memref<128x64xf32, #tpu.memory_space<vmem>> -> memref<1x64xf32, #tpu.memory_space<vmem>>
      %dma_start3A_530 = tpu.memref_squeeze %dma_start3A_529 : memref<1x64xf32, #tpu.memory_space<vmem>> -> memref<64xf32, #tpu.memory_space<vmem>>
      %dma_start3A_531 = arith.constant 0 : i32
      %dma_start3A_532 = tpu.memref_slice %arg5[%squeeze3A_525, %dma_start3A_531] : memref<100000x64xf32, #tpu.memory_space<hbm>> -> memref<1x64xf32, #tpu.memory_space<hbm>>
      %dma_start3A_533 = tpu.memref_squeeze %dma_start3A_532 : memref<1x64xf32, #tpu.memory_space<hbm>> -> memref<64xf32, #tpu.memory_space<hbm>>
      %dma_start3A_534 = arith.constant 0 : i32
      %dma_start3A_535 = tpu.memref_slice %arg15[%add3A_527, %dma_start3A_534] : memref<128x64xf32, #tpu.memory_space<vmem>> -> memref<1x64xf32, #tpu.memory_space<vmem>>
      %dma_start3A_536 = tpu.memref_squeeze %dma_start3A_535 : memref<1x64xf32, #tpu.memory_space<vmem>> -> memref<64xf32, #tpu.memory_space<vmem>>
      %dma_start3A_537 = arith.constant 0 : i32
      %dma_start3A_538 = tpu.memref_slice %arg5[%squeeze3A_525, %dma_start3A_537] : memref<100000x64xf32, #tpu.memory_space<hbm>> -> memref<1x64xf32, #tpu.memory_space<hbm>>
      %dma_start3A_539 = tpu.memref_squeeze %dma_start3A_538 : memref<1x64xf32, #tpu.memory_space<hbm>> -> memref<64xf32, #tpu.memory_space<hbm>>
      tpu.enqueue_dma source(%dma_start3A_539 : memref<64xf32, #tpu.memory_space<hbm>>) target(%dma_start3A_536 : memref<64xf32, #tpu.memory_space<vmem>>) target_semaphore(%arg21 : memref<!tpu.dma_semaphore, #tpu.memory_space<semaphore_mem>>)
      %slice3A_540 = vector.extract_strided_slice %get3A_120 {offsets = [13], sizes = [1], strides = [1]} : vector<16xi32> to vector<1xi32>
      %squeeze3A_541 = vector.extract %slice3A_540[0] : i32 from vector<1xi32>
      %add3A_542 = arith.constant 13 : i32
      %add3A_543 = arith.addi %mul3A_116, %add3A_542 : i32
      %dma_start3A_544 = arith.constant 0 : i32
      %dma_start3A_545 = tpu.memref_slice %arg14[%add3A_543, %dma_start3A_544] : memref<128x64xf32, #tpu.memory_space<vmem>> -> memref<1x64xf32, #tpu.memory_space<vmem>>
      %dma_start3A_546 = tpu.memref_squeeze %dma_start3A_545 : memref<1x64xf32, #tpu.memory_space<vmem>> -> memref<64xf32, #tpu.memory_space<vmem>>
      %dma_start3A_547 = arith.constant 0 : i32
      %dma_start3A_548 = tpu.memref_slice %arg4[%squeeze3A_541, %dma_start3A_547] : memref<100000x64xf32, #tpu.memory_space<hbm>> -> memref<1x64xf32, #tpu.memory_space<hbm>>
      %dma_start3A_549 = tpu.memref_squeeze %dma_start3A_548 : memref<1x64xf32, #tpu.memory_space<hbm>> -> memref<64xf32, #tpu.memory_space<hbm>>
      %dma_start3A_550 = arith.constant 0 : i32
      %dma_start3A_551 = tpu.memref_slice %arg14[%add3A_543, %dma_start3A_550] : memref<128x64xf32, #tpu.memory_space<vmem>> -> memref<1x64xf32, #tpu.memory_space<vmem>>
      %dma_start3A_552 = tpu.memref_squeeze %dma_start3A_551 : memref<1x64xf32, #tpu.memory_space<vmem>> -> memref<64xf32, #tpu.memory_space<vmem>>
      %dma_start3A_553 = arith.constant 0 : i32
      %dma_start3A_554 = tpu.memref_slice %arg4[%squeeze3A_541, %dma_start3A_553] : memref<100000x64xf32, #tpu.memory_space<hbm>> -> memref<1x64xf32, #tpu.memory_space<hbm>>
      %dma_start3A_555 = tpu.memref_squeeze %dma_start3A_554 : memref<1x64xf32, #tpu.memory_space<hbm>> -> memref<64xf32, #tpu.memory_space<hbm>>
      tpu.enqueue_dma source(%dma_start3A_555 : memref<64xf32, #tpu.memory_space<hbm>>) target(%dma_start3A_552 : memref<64xf32, #tpu.memory_space<vmem>>) target_semaphore(%arg21 : memref<!tpu.dma_semaphore, #tpu.memory_space<semaphore_mem>>)
      %slice3A_556 = vector.extract_strided_slice %get3A_125 {offsets = [13], sizes = [1], strides = [1]} : vector<16xi32> to vector<1xi32>
      %squeeze3A_557 = vector.extract %slice3A_556[0] : i32 from vector<1xi32>
      %add3A_558 = arith.constant 13 : i32
      %add3A_559 = arith.addi %mul3A_116, %add3A_558 : i32
      %dma_start3A_560 = arith.constant 0 : i32
      %dma_start3A_561 = tpu.memref_slice %arg15[%add3A_559, %dma_start3A_560] : memref<128x64xf32, #tpu.memory_space<vmem>> -> memref<1x64xf32, #tpu.memory_space<vmem>>
      %dma_start3A_562 = tpu.memref_squeeze %dma_start3A_561 : memref<1x64xf32, #tpu.memory_space<vmem>> -> memref<64xf32, #tpu.memory_space<vmem>>
      %dma_start3A_563 = arith.constant 0 : i32
      %dma_start3A_564 = tpu.memref_slice %arg5[%squeeze3A_557, %dma_start3A_563] : memref<100000x64xf32, #tpu.memory_space<hbm>> -> memref<1x64xf32, #tpu.memory_space<hbm>>
      %dma_start3A_565 = tpu.memref_squeeze %dma_start3A_564 : memref<1x64xf32, #tpu.memory_space<hbm>> -> memref<64xf32, #tpu.memory_space<hbm>>
      %dma_start3A_566 = arith.constant 0 : i32
      %dma_start3A_567 = tpu.memref_slice %arg15[%add3A_559, %dma_start3A_566] : memref<128x64xf32, #tpu.memory_space<vmem>> -> memref<1x64xf32, #tpu.memory_space<vmem>>
      %dma_start3A_568 = tpu.memref_squeeze %dma_start3A_567 : memref<1x64xf32, #tpu.memory_space<vmem>> -> memref<64xf32, #tpu.memory_space<vmem>>
      %dma_start3A_569 = arith.constant 0 : i32
      %dma_start3A_570 = tpu.memref_slice %arg5[%squeeze3A_557, %dma_start3A_569] : memref<100000x64xf32, #tpu.memory_space<hbm>> -> memref<1x64xf32, #tpu.memory_space<hbm>>
      %dma_start3A_571 = tpu.memref_squeeze %dma_start3A_570 : memref<1x64xf32, #tpu.memory_space<hbm>> -> memref<64xf32, #tpu.memory_space<hbm>>
      tpu.enqueue_dma source(%dma_start3A_571 : memref<64xf32, #tpu.memory_space<hbm>>) target(%dma_start3A_568 : memref<64xf32, #tpu.memory_space<vmem>>) target_semaphore(%arg21 : memref<!tpu.dma_semaphore, #tpu.memory_space<semaphore_mem>>)
      %slice3A_572 = vector.extract_strided_slice %get3A_120 {offsets = [14], sizes = [1], strides = [1]} : vector<16xi32> to vector<1xi32>
      %squeeze3A_573 = vector.extract %slice3A_572[0] : i32 from vector<1xi32>
      %add3A_574 = arith.constant 14 : i32
      %add3A_575 = arith.addi %mul3A_116, %add3A_574 : i32
      %dma_start3A_576 = arith.constant 0 : i32
      %dma_start3A_577 = tpu.memref_slice %arg14[%add3A_575, %dma_start3A_576] : memref<128x64xf32, #tpu.memory_space<vmem>> -> memref<1x64xf32, #tpu.memory_space<vmem>>
      %dma_start3A_578 = tpu.memref_squeeze %dma_start3A_577 : memref<1x64xf32, #tpu.memory_space<vmem>> -> memref<64xf32, #tpu.memory_space<vmem>>
      %dma_start3A_579 = arith.constant 0 : i32
      %dma_start3A_580 = tpu.memref_slice %arg4[%squeeze3A_573, %dma_start3A_579] : memref<100000x64xf32, #tpu.memory_space<hbm>> -> memref<1x64xf32, #tpu.memory_space<hbm>>
      %dma_start3A_581 = tpu.memref_squeeze %dma_start3A_580 : memref<1x64xf32, #tpu.memory_space<hbm>> -> memref<64xf32, #tpu.memory_space<hbm>>
      %dma_start3A_582 = arith.constant 0 : i32
      %dma_start3A_583 = tpu.memref_slice %arg14[%add3A_575, %dma_start3A_582] : memref<128x64xf32, #tpu.memory_space<vmem>> -> memref<1x64xf32, #tpu.memory_space<vmem>>
      %dma_start3A_584 = tpu.memref_squeeze %dma_start3A_583 : memref<1x64xf32, #tpu.memory_space<vmem>> -> memref<64xf32, #tpu.memory_space<vmem>>
      %dma_start3A_585 = arith.constant 0 : i32
      %dma_start3A_586 = tpu.memref_slice %arg4[%squeeze3A_573, %dma_start3A_585] : memref<100000x64xf32, #tpu.memory_space<hbm>> -> memref<1x64xf32, #tpu.memory_space<hbm>>
      %dma_start3A_587 = tpu.memref_squeeze %dma_start3A_586 : memref<1x64xf32, #tpu.memory_space<hbm>> -> memref<64xf32, #tpu.memory_space<hbm>>
      tpu.enqueue_dma source(%dma_start3A_587 : memref<64xf32, #tpu.memory_space<hbm>>) target(%dma_start3A_584 : memref<64xf32, #tpu.memory_space<vmem>>) target_semaphore(%arg21 : memref<!tpu.dma_semaphore, #tpu.memory_space<semaphore_mem>>)
      %slice3A_588 = vector.extract_strided_slice %get3A_125 {offsets = [14], sizes = [1], strides = [1]} : vector<16xi32> to vector<1xi32>
      %squeeze3A_589 = vector.extract %slice3A_588[0] : i32 from vector<1xi32>
      %add3A_590 = arith.constant 14 : i32
      %add3A_591 = arith.addi %mul3A_116, %add3A_590 : i32
      %dma_start3A_592 = arith.constant 0 : i32
      %dma_start3A_593 = tpu.memref_slice %arg15[%add3A_591, %dma_start3A_592] : memref<128x64xf32, #tpu.memory_space<vmem>> -> memref<1x64xf32, #tpu.memory_space<vmem>>
      %dma_start3A_594 = tpu.memref_squeeze %dma_start3A_593 : memref<1x64xf32, #tpu.memory_space<vmem>> -> memref<64xf32, #tpu.memory_space<vmem>>
      %dma_start3A_595 = arith.constant 0 : i32
      %dma_start3A_596 = tpu.memref_slice %arg5[%squeeze3A_589, %dma_start3A_595] : memref<100000x64xf32, #tpu.memory_space<hbm>> -> memref<1x64xf32, #tpu.memory_space<hbm>>
      %dma_start3A_597 = tpu.memref_squeeze %dma_start3A_596 : memref<1x64xf32, #tpu.memory_space<hbm>> -> memref<64xf32, #tpu.memory_space<hbm>>
      %dma_start3A_598 = arith.constant 0 : i32
      %dma_start3A_599 = tpu.memref_slice %arg15[%add3A_591, %dma_start3A_598] : memref<128x64xf32, #tpu.memory_space<vmem>> -> memref<1x64xf32, #tpu.memory_space<vmem>>
      %dma_start3A_600 = tpu.memref_squeeze %dma_start3A_599 : memref<1x64xf32, #tpu.memory_space<vmem>> -> memref<64xf32, #tpu.memory_space<vmem>>
      %dma_start3A_601 = arith.constant 0 : i32
      %dma_start3A_602 = tpu.memref_slice %arg5[%squeeze3A_589, %dma_start3A_601] : memref<100000x64xf32, #tpu.memory_space<hbm>> -> memref<1x64xf32, #tpu.memory_space<hbm>>
      %dma_start3A_603 = tpu.memref_squeeze %dma_start3A_602 : memref<1x64xf32, #tpu.memory_space<hbm>> -> memref<64xf32, #tpu.memory_space<hbm>>
      tpu.enqueue_dma source(%dma_start3A_603 : memref<64xf32, #tpu.memory_space<hbm>>) target(%dma_start3A_600 : memref<64xf32, #tpu.memory_space<vmem>>) target_semaphore(%arg21 : memref<!tpu.dma_semaphore, #tpu.memory_space<semaphore_mem>>)
      %slice3A_604 = vector.extract_strided_slice %get3A_120 {offsets = [15], sizes = [1], strides = [1]} : vector<16xi32> to vector<1xi32>
      %squeeze3A_605 = vector.extract %slice3A_604[0] : i32 from vector<1xi32>
      %add3A_606 = arith.constant 15 : i32
      %add3A_607 = arith.addi %mul3A_116, %add3A_606 : i32
      %dma_start3A_608 = arith.constant 0 : i32
      %dma_start3A_609 = tpu.memref_slice %arg14[%add3A_607, %dma_start3A_608] : memref<128x64xf32, #tpu.memory_space<vmem>> -> memref<1x64xf32, #tpu.memory_space<vmem>>
      %dma_start3A_610 = tpu.memref_squeeze %dma_start3A_609 : memref<1x64xf32, #tpu.memory_space<vmem>> -> memref<64xf32, #tpu.memory_space<vmem>>
      %dma_start3A_611 = arith.constant 0 : i32
      %dma_start3A_612 = tpu.memref_slice %arg4[%squeeze3A_605, %dma_start3A_611] : memref<100000x64xf32, #tpu.memory_space<hbm>> -> memref<1x64xf32, #tpu.memory_space<hbm>>
      %dma_start3A_613 = tpu.memref_squeeze %dma_start3A_612 : memref<1x64xf32, #tpu.memory_space<hbm>> -> memref<64xf32, #tpu.memory_space<hbm>>
      %dma_start3A_614 = arith.constant 0 : i32
      %dma_start3A_615 = tpu.memref_slice %arg14[%add3A_607, %dma_start3A_614] : memref<128x64xf32, #tpu.memory_space<vmem>> -> memref<1x64xf32, #tpu.memory_space<vmem>>
      %dma_start3A_616 = tpu.memref_squeeze %dma_start3A_615 : memref<1x64xf32, #tpu.memory_space<vmem>> -> memref<64xf32, #tpu.memory_space<vmem>>
      %dma_start3A_617 = arith.constant 0 : i32
      %dma_start3A_618 = tpu.memref_slice %arg4[%squeeze3A_605, %dma_start3A_617] : memref<100000x64xf32, #tpu.memory_space<hbm>> -> memref<1x64xf32, #tpu.memory_space<hbm>>
      %dma_start3A_619 = tpu.memref_squeeze %dma_start3A_618 : memref<1x64xf32, #tpu.memory_space<hbm>> -> memref<64xf32, #tpu.memory_space<hbm>>
      tpu.enqueue_dma source(%dma_start3A_619 : memref<64xf32, #tpu.memory_space<hbm>>) target(%dma_start3A_616 : memref<64xf32, #tpu.memory_space<vmem>>) target_semaphore(%arg21 : memref<!tpu.dma_semaphore, #tpu.memory_space<semaphore_mem>>)
      %slice3A_620 = vector.extract_strided_slice %get3A_125 {offsets = [15], sizes = [1], strides = [1]} : vector<16xi32> to vector<1xi32>
      %squeeze3A_621 = vector.extract %slice3A_620[0] : i32 from vector<1xi32>
      %add3A_622 = arith.constant 15 : i32
      %add3A_623 = arith.addi %mul3A_116, %add3A_622 : i32
      %dma_start3A_624 = arith.constant 0 : i32
      %dma_start3A_625 = tpu.memref_slice %arg15[%add3A_623, %dma_start3A_624] : memref<128x64xf32, #tpu.memory_space<vmem>> -> memref<1x64xf32, #tpu.memory_space<vmem>>
      %dma_start3A_626 = tpu.memref_squeeze %dma_start3A_625 : memref<1x64xf32, #tpu.memory_space<vmem>> -> memref<64xf32, #tpu.memory_space<vmem>>
      %dma_start3A_627 = arith.constant 0 : i32
      %dma_start3A_628 = tpu.memref_slice %arg5[%squeeze3A_621, %dma_start3A_627] : memref<100000x64xf32, #tpu.memory_space<hbm>> -> memref<1x64xf32, #tpu.memory_space<hbm>>
      %dma_start3A_629 = tpu.memref_squeeze %dma_start3A_628 : memref<1x64xf32, #tpu.memory_space<hbm>> -> memref<64xf32, #tpu.memory_space<hbm>>
      %dma_start3A_630 = arith.constant 0 : i32
      %dma_start3A_631 = tpu.memref_slice %arg15[%add3A_623, %dma_start3A_630] : memref<128x64xf32, #tpu.memory_space<vmem>> -> memref<1x64xf32, #tpu.memory_space<vmem>>
      %dma_start3A_632 = tpu.memref_squeeze %dma_start3A_631 : memref<1x64xf32, #tpu.memory_space<vmem>> -> memref<64xf32, #tpu.memory_space<vmem>>
      %dma_start3A_633 = arith.constant 0 : i32
      %dma_start3A_634 = tpu.memref_slice %arg5[%squeeze3A_621, %dma_start3A_633] : memref<100000x64xf32, #tpu.memory_space<hbm>> -> memref<1x64xf32, #tpu.memory_space<hbm>>
      %dma_start3A_635 = tpu.memref_squeeze %dma_start3A_634 : memref<1x64xf32, #tpu.memory_space<hbm>> -> memref<64xf32, #tpu.memory_space<hbm>>
      tpu.enqueue_dma source(%dma_start3A_635 : memref<64xf32, #tpu.memory_space<hbm>>) target(%dma_start3A_632 : memref<64xf32, #tpu.memory_space<vmem>>) target_semaphore(%arg21 : memref<!tpu.dma_semaphore, #tpu.memory_space<semaphore_mem>>)
    }
    %scan3A_28 = arith.constant 8 : i32
    %scan3A_29 = arith.constant 0 : i32
    %scan3A_30 = arith.constant 128 : i32
    %scan3A_31 = arith.addi %scan3A_29, %scan3A_30 : i32
    %scan3A_32 = arith.constant 1 : i32
    %scan3A_33 = scf.for %scan3A_114 = %scan3A_29 to %scan3A_31 step %scan3A_32 iter_args(%scan3A_115 = %broadcast_in_dim3A_6) -> (vector<16xf32>)  : i32 {
      %get3A = arith.index_cast %scan3A_114 : i32 to index
      %get3A_116 = arith.constant 0 : index
      %get3A_117 = tpu.vector_load %arg12[%get3A, %get3A_116] {strides = array<i32>} : memref<128x64xf32, #tpu.memory_space<vmem>>, vector<1x16xf32>,
      %get3A_118 = vector.shape_cast %get3A_117 : vector<1x16xf32> to vector<16xf32>
      %get3A_119 = arith.index_cast %scan3A_114 : i32 to index
      %get3A_120 = arith.constant 0 : index
      %get3A_121 = tpu.vector_load %arg13[%get3A_119, %get3A_120] {strides = array<i32>} : memref<128x64xf32, #tpu.memory_space<vmem>>, vector<1x16xf32>,
      %get3A_122 = vector.shape_cast %get3A_121 : vector<1x16xf32> to vector<16xf32>
      %mul3A_123 = arith.mulf %get3A_118, %get3A_122 : vector<16xf32>
      %add3A_124 = arith.addf %scan3A_115, %mul3A_123 : vector<16xf32>
      %get3A_125 = arith.index_cast %scan3A_114 : i32 to index
      %get3A_126 = arith.constant 16 : index
      %get3A_127 = tpu.vector_load %arg12[%get3A_125, %get3A_126] {strides = array<i32>} : memref<128x64xf32, #tpu.memory_space<vmem>>, vector<1x16xf32>,
      %get3A_128 = vector.shape_cast %get3A_127 : vector<1x16xf32> to vector<16xf32>
      %get3A_129 = arith.index_cast %scan3A_114 : i32 to index
      %get3A_130 = arith.constant 16 : index
      %get3A_131 = tpu.vector_load %arg13[%get3A_129, %get3A_130] {strides = array<i32>} : memref<128x64xf32, #tpu.memory_space<vmem>>, vector<1x16xf32>,
      %get3A_132 = vector.shape_cast %get3A_131 : vector<1x16xf32> to vector<16xf32>
      %mul3A_133 = arith.mulf %get3A_128, %get3A_132 : vector<16xf32>
      %add3A_134 = arith.addf %add3A_124, %mul3A_133 : vector<16xf32>
      %get3A_135 = arith.index_cast %scan3A_114 : i32 to index
      %get3A_136 = arith.constant 32 : index
      %get3A_137 = tpu.vector_load %arg12[%get3A_135, %get3A_136] {strides = array<i32>} : memref<128x64xf32, #tpu.memory_space<vmem>>, vector<1x16xf32>,
      %get3A_138 = vector.shape_cast %get3A_137 : vector<1x16xf32> to vector<16xf32>
      %get3A_139 = arith.index_cast %scan3A_114 : i32 to index
      %get3A_140 = arith.constant 32 : index
      %get3A_141 = tpu.vector_load %arg13[%get3A_139, %get3A_140] {strides = array<i32>} : memref<128x64xf32, #tpu.memory_space<vmem>>, vector<1x16xf32>,
      %get3A_142 = vector.shape_cast %get3A_141 : vector<1x16xf32> to vector<16xf32>
      %mul3A_143 = arith.mulf %get3A_138, %get3A_142 : vector<16xf32>
      %add3A_144 = arith.addf %add3A_134, %mul3A_143 : vector<16xf32>
      %get3A_145 = arith.index_cast %scan3A_114 : i32 to index
      %get3A_146 = arith.constant 48 : index
      %get3A_147 = tpu.vector_load %arg12[%get3A_145, %get3A_146] {strides = array<i32>} : memref<128x64xf32, #tpu.memory_space<vmem>>, vector<1x16xf32>,
      %get3A_148 = vector.shape_cast %get3A_147 : vector<1x16xf32> to vector<16xf32>
      %get3A_149 = arith.index_cast %scan3A_114 : i32 to index
      %get3A_150 = arith.constant 48 : index
      %get3A_151 = tpu.vector_load %arg13[%get3A_149, %get3A_150] {strides = array<i32>} : memref<128x64xf32, #tpu.memory_space<vmem>>, vector<1x16xf32>,
      %get3A_152 = vector.shape_cast %get3A_151 : vector<1x16xf32> to vector<16xf32>
      %mul3A_153 = arith.mulf %get3A_148, %get3A_152 : vector<16xf32>
      %add3A_154 = arith.addf %add3A_144, %mul3A_153 : vector<16xf32>
      scf.yield %add3A_154 : vector<16xf32>
    }
    %scan3A_34 = arith.constant 128 : i32
    %dma_wait3A_35 = arith.constant 0 : i32
    %dma_wait3A_36 = arith.constant 0 : i32
    %dma_wait3A_37 = tpu.memref_slice %arg4[%dma_wait3A_35, %dma_wait3A_36] : memref<100000x64xf32, #tpu.memory_space<hbm>> -> memref<128x64xf32, #tpu.memory_space<hbm>>
    %dma_wait3A_38 = arith.constant 0 : i32
    %dma_wait3A_39 = arith.constant 0 : i32
    %dma_wait3A_40 = tpu.memref_slice %arg4[%dma_wait3A_38, %dma_wait3A_39] : memref<100000x64xf32, #tpu.memory_space<hbm>> -> memref<128x64xf32, #tpu.memory_space<hbm>>
    tpu.wait_dma2 semaphore(%arg21 : memref<!tpu.dma_semaphore, #tpu.memory_space<semaphore_mem>>) src(%dma_wait3A_40 : memref<128x64xf32, #tpu.memory_space<hbm>>) dst(%arg14 : memref<128x64xf32, #tpu.memory_space<vmem>>)
    %dma_wait3A_41 = arith.constant 0 : i32
    %dma_wait3A_42 = arith.constant 0 : i32
    %dma_wait3A_43 = tpu.memref_slice %arg5[%dma_wait3A_41, %dma_wait3A_42] : memref<100000x64xf32, #tpu.memory_space<hbm>> -> memref<128x64xf32, #tpu.memory_space<hbm>>
    %dma_wait3A_44 = arith.constant 0 : i32
    %dma_wait3A_45 = arith.constant 0 : i32
    %dma_wait3A_46 = tpu.memref_slice %arg5[%dma_wait3A_44, %dma_wait3A_45] : memref<100000x64xf32, #tpu.memory_space<hbm>> -> memref<128x64xf32, #tpu.memory_space<hbm>>
    tpu.wait_dma2 semaphore(%arg21 : memref<!tpu.dma_semaphore, #tpu.memory_space<semaphore_mem>>) src(%dma_wait3A_46 : memref<128x64xf32, #tpu.memory_space<hbm>>) dst(%arg15 : memref<128x64xf32, #tpu.memory_space<vmem>>)
    %scan3A_47 = arith.constant 0 : i32
    %scan3A_48 = arith.constant 0 : i32
    %scan3A_49 = arith.constant 8 : i32
    %scan3A_50 = arith.addi %scan3A_48, %scan3A_49 : i32
    %scan3A_51 = arith.constant 1 : i32
    scf.for %scan3A_114 = %scan3A_48 to %scan3A_50 step %scan3A_51  : i32 {
      %mul3A_115 = arith.constant 16 : i32
      %mul3A_116 = arith.muli %scan3A_114, %mul3A_115 : i32
      %add3A_117 = arith.constant 256 : i32
      %add3A_118 = arith.addi %add3A_117, %mul3A_116 : i32
      %get3A = arith.index_cast %add3A_118 : i32 to index
      %get3A_119 = tpu.vector_load %arg10[%get3A] {strides = array<i32>} : memref<512xi32, #tpu.memory_space<vmem>>, vector<16xi32>,
      %get3A_120 = vector.shape_cast %get3A_119 : vector<16xi32> to vector<16xi32>
      %add3A_121 = arith.constant 256 : i32
      %add3A_122 = arith.addi %add3A_121, %mul3A_116 : i32
      %get3A_123 = arith.index_cast %add3A_122 : i32 to index
      %get3A_124 = tpu.vector_load %arg11[%get3A_123] {strides = array<i32>} : memref<512xi32, #tpu.memory_space<vmem>>, vector<16xi32>,
      %get3A_125 = vector.shape_cast %get3A_124 : vector<16xi32> to vector<16xi32>
      %slice3A = vector.extract_strided_slice %get3A_120 {offsets = [0], sizes = [1], strides = [1]} : vector<16xi32> to vector<1xi32>
      %squeeze3A = vector.extract %slice3A[0] : i32 from vector<1xi32>
      %add3A_126 = arith.constant 0 : i32
      %add3A_127 = arith.addi %mul3A_116, %add3A_126 : i32
      %dma_start3A_128 = arith.constant 0 : i32
      %dma_start3A_129 = tpu.memref_slice %arg12[%add3A_127, %dma_start3A_128] : memref<128x64xf32, #tpu.memory_space<vmem>> -> memref<1x64xf32, #tpu.memory_space<vmem>>
      %dma_start3A_130 = tpu.memref_squeeze %dma_start3A_129 : memref<1x64xf32, #tpu.memory_space<vmem>> -> memref<64xf32, #tpu.memory_space<vmem>>
      %dma_start3A_131 = arith.constant 0 : i32
      %dma_start3A_132 = tpu.memref_slice %arg4[%squeeze3A, %dma_start3A_131] : memref<100000x64xf32, #tpu.memory_space<hbm>> -> memref<1x64xf32, #tpu.memory_space<hbm>>
      %dma_start3A_133 = tpu.memref_squeeze %dma_start3A_132 : memref<1x64xf32, #tpu.memory_space<hbm>> -> memref<64xf32, #tpu.memory_space<hbm>>
      %dma_start3A_134 = arith.constant 0 : i32
      %dma_start3A_135 = tpu.memref_slice %arg12[%add3A_127, %dma_start3A_134] : memref<128x64xf32, #tpu.memory_space<vmem>> -> memref<1x64xf32, #tpu.memory_space<vmem>>
      %dma_start3A_136 = tpu.memref_squeeze %dma_start3A_135 : memref<1x64xf32, #tpu.memory_space<vmem>> -> memref<64xf32, #tpu.memory_space<vmem>>
      %dma_start3A_137 = arith.constant 0 : i32
      %dma_start3A_138 = tpu.memref_slice %arg4[%squeeze3A, %dma_start3A_137] : memref<100000x64xf32, #tpu.memory_space<hbm>> -> memref<1x64xf32, #tpu.memory_space<hbm>>
      %dma_start3A_139 = tpu.memref_squeeze %dma_start3A_138 : memref<1x64xf32, #tpu.memory_space<hbm>> -> memref<64xf32, #tpu.memory_space<hbm>>
      tpu.enqueue_dma source(%dma_start3A_139 : memref<64xf32, #tpu.memory_space<hbm>>) target(%dma_start3A_136 : memref<64xf32, #tpu.memory_space<vmem>>) target_semaphore(%arg21 : memref<!tpu.dma_semaphore, #tpu.memory_space<semaphore_mem>>)
      %slice3A_140 = vector.extract_strided_slice %get3A_125 {offsets = [0], sizes = [1], strides = [1]} : vector<16xi32> to vector<1xi32>
      %squeeze3A_141 = vector.extract %slice3A_140[0] : i32 from vector<1xi32>
      %add3A_142 = arith.constant 0 : i32
      %add3A_143 = arith.addi %mul3A_116, %add3A_142 : i32
      %dma_start3A_144 = arith.constant 0 : i32
      %dma_start3A_145 = tpu.memref_slice %arg13[%add3A_143, %dma_start3A_144] : memref<128x64xf32, #tpu.memory_space<vmem>> -> memref<1x64xf32, #tpu.memory_space<vmem>>
      %dma_start3A_146 = tpu.memref_squeeze %dma_start3A_145 : memref<1x64xf32, #tpu.memory_space<vmem>> -> memref<64xf32, #tpu.memory_space<vmem>>
      %dma_start3A_147 = arith.constant 0 : i32
      %dma_start3A_148 = tpu.memref_slice %arg5[%squeeze3A_141, %dma_start3A_147] : memref<100000x64xf32, #tpu.memory_space<hbm>> -> memref<1x64xf32, #tpu.memory_space<hbm>>
      %dma_start3A_149 = tpu.memref_squeeze %dma_start3A_148 : memref<1x64xf32, #tpu.memory_space<hbm>> -> memref<64xf32, #tpu.memory_space<hbm>>
      %dma_start3A_150 = arith.constant 0 : i32
      %dma_start3A_151 = tpu.memref_slice %arg13[%add3A_143, %dma_start3A_150] : memref<128x64xf32, #tpu.memory_space<vmem>> -> memref<1x64xf32, #tpu.memory_space<vmem>>
      %dma_start3A_152 = tpu.memref_squeeze %dma_start3A_151 : memref<1x64xf32, #tpu.memory_space<vmem>> -> memref<64xf32, #tpu.memory_space<vmem>>
      %dma_start3A_153 = arith.constant 0 : i32
      %dma_start3A_154 = tpu.memref_slice %arg5[%squeeze3A_141, %dma_start3A_153] : memref<100000x64xf32, #tpu.memory_space<hbm>> -> memref<1x64xf32, #tpu.memory_space<hbm>>
      %dma_start3A_155 = tpu.memref_squeeze %dma_start3A_154 : memref<1x64xf32, #tpu.memory_space<hbm>> -> memref<64xf32, #tpu.memory_space<hbm>>
      tpu.enqueue_dma source(%dma_start3A_155 : memref<64xf32, #tpu.memory_space<hbm>>) target(%dma_start3A_152 : memref<64xf32, #tpu.memory_space<vmem>>) target_semaphore(%arg21 : memref<!tpu.dma_semaphore, #tpu.memory_space<semaphore_mem>>)
      %slice3A_156 = vector.extract_strided_slice %get3A_120 {offsets = [1], sizes = [1], strides = [1]} : vector<16xi32> to vector<1xi32>
      %squeeze3A_157 = vector.extract %slice3A_156[0] : i32 from vector<1xi32>
      %add3A_158 = arith.constant 1 : i32
      %add3A_159 = arith.addi %mul3A_116, %add3A_158 : i32
      %dma_start3A_160 = arith.constant 0 : i32
      %dma_start3A_161 = tpu.memref_slice %arg12[%add3A_159, %dma_start3A_160] : memref<128x64xf32, #tpu.memory_space<vmem>> -> memref<1x64xf32, #tpu.memory_space<vmem>>
      %dma_start3A_162 = tpu.memref_squeeze %dma_start3A_161 : memref<1x64xf32, #tpu.memory_space<vmem>> -> memref<64xf32, #tpu.memory_space<vmem>>
      %dma_start3A_163 = arith.constant 0 : i32
      %dma_start3A_164 = tpu.memref_slice %arg4[%squeeze3A_157, %dma_start3A_163] : memref<100000x64xf32, #tpu.memory_space<hbm>> -> memref<1x64xf32, #tpu.memory_space<hbm>>
      %dma_start3A_165 = tpu.memref_squeeze %dma_start3A_164 : memref<1x64xf32, #tpu.memory_space<hbm>> -> memref<64xf32, #tpu.memory_space<hbm>>
      %dma_start3A_166 = arith.constant 0 : i32
      %dma_start3A_167 = tpu.memref_slice %arg12[%add3A_159, %dma_start3A_166] : memref<128x64xf32, #tpu.memory_space<vmem>> -> memref<1x64xf32, #tpu.memory_space<vmem>>
      %dma_start3A_168 = tpu.memref_squeeze %dma_start3A_167 : memref<1x64xf32, #tpu.memory_space<vmem>> -> memref<64xf32, #tpu.memory_space<vmem>>
      %dma_start3A_169 = arith.constant 0 : i32
      %dma_start3A_170 = tpu.memref_slice %arg4[%squeeze3A_157, %dma_start3A_169] : memref<100000x64xf32, #tpu.memory_space<hbm>> -> memref<1x64xf32, #tpu.memory_space<hbm>>
      %dma_start3A_171 = tpu.memref_squeeze %dma_start3A_170 : memref<1x64xf32, #tpu.memory_space<hbm>> -> memref<64xf32, #tpu.memory_space<hbm>>
      tpu.enqueue_dma source(%dma_start3A_171 : memref<64xf32, #tpu.memory_space<hbm>>) target(%dma_start3A_168 : memref<64xf32, #tpu.memory_space<vmem>>) target_semaphore(%arg21 : memref<!tpu.dma_semaphore, #tpu.memory_space<semaphore_mem>>)
      %slice3A_172 = vector.extract_strided_slice %get3A_125 {offsets = [1], sizes = [1], strides = [1]} : vector<16xi32> to vector<1xi32>
      %squeeze3A_173 = vector.extract %slice3A_172[0] : i32 from vector<1xi32>
      %add3A_174 = arith.constant 1 : i32
      %add3A_175 = arith.addi %mul3A_116, %add3A_174 : i32
      %dma_start3A_176 = arith.constant 0 : i32
      %dma_start3A_177 = tpu.memref_slice %arg13[%add3A_175, %dma_start3A_176] : memref<128x64xf32, #tpu.memory_space<vmem>> -> memref<1x64xf32, #tpu.memory_space<vmem>>
      %dma_start3A_178 = tpu.memref_squeeze %dma_start3A_177 : memref<1x64xf32, #tpu.memory_space<vmem>> -> memref<64xf32, #tpu.memory_space<vmem>>
      %dma_start3A_179 = arith.constant 0 : i32
      %dma_start3A_180 = tpu.memref_slice %arg5[%squeeze3A_173, %dma_start3A_179] : memref<100000x64xf32, #tpu.memory_space<hbm>> -> memref<1x64xf32, #tpu.memory_space<hbm>>
      %dma_start3A_181 = tpu.memref_squeeze %dma_start3A_180 : memref<1x64xf32, #tpu.memory_space<hbm>> -> memref<64xf32, #tpu.memory_space<hbm>>
      %dma_start3A_182 = arith.constant 0 : i32
      %dma_start3A_183 = tpu.memref_slice %arg13[%add3A_175, %dma_start3A_182] : memref<128x64xf32, #tpu.memory_space<vmem>> -> memref<1x64xf32, #tpu.memory_space<vmem>>
      %dma_start3A_184 = tpu.memref_squeeze %dma_start3A_183 : memref<1x64xf32, #tpu.memory_space<vmem>> -> memref<64xf32, #tpu.memory_space<vmem>>
      %dma_start3A_185 = arith.constant 0 : i32
      %dma_start3A_186 = tpu.memref_slice %arg5[%squeeze3A_173, %dma_start3A_185] : memref<100000x64xf32, #tpu.memory_space<hbm>> -> memref<1x64xf32, #tpu.memory_space<hbm>>
      %dma_start3A_187 = tpu.memref_squeeze %dma_start3A_186 : memref<1x64xf32, #tpu.memory_space<hbm>> -> memref<64xf32, #tpu.memory_space<hbm>>
      tpu.enqueue_dma source(%dma_start3A_187 : memref<64xf32, #tpu.memory_space<hbm>>) target(%dma_start3A_184 : memref<64xf32, #tpu.memory_space<vmem>>) target_semaphore(%arg21 : memref<!tpu.dma_semaphore, #tpu.memory_space<semaphore_mem>>)
      %slice3A_188 = vector.extract_strided_slice %get3A_120 {offsets = [2], sizes = [1], strides = [1]} : vector<16xi32> to vector<1xi32>
      %squeeze3A_189 = vector.extract %slice3A_188[0] : i32 from vector<1xi32>
      %add3A_190 = arith.constant 2 : i32
      %add3A_191 = arith.addi %mul3A_116, %add3A_190 : i32
      %dma_start3A_192 = arith.constant 0 : i32
      %dma_start3A_193 = tpu.memref_slice %arg12[%add3A_191, %dma_start3A_192] : memref<128x64xf32, #tpu.memory_space<vmem>> -> memref<1x64xf32, #tpu.memory_space<vmem>>
      %dma_start3A_194 = tpu.memref_squeeze %dma_start3A_193 : memref<1x64xf32, #tpu.memory_space<vmem>> -> memref<64xf32, #tpu.memory_space<vmem>>
      %dma_start3A_195 = arith.constant 0 : i32
      %dma_start3A_196 = tpu.memref_slice %arg4[%squeeze3A_189, %dma_start3A_195] : memref<100000x64xf32, #tpu.memory_space<hbm>> -> memref<1x64xf32, #tpu.memory_space<hbm>>
      %dma_start3A_197 = tpu.memref_squeeze %dma_start3A_196 : memref<1x64xf32, #tpu.memory_space<hbm>> -> memref<64xf32, #tpu.memory_space<hbm>>
      %dma_start3A_198 = arith.constant 0 : i32
      %dma_start3A_199 = tpu.memref_slice %arg12[%add3A_191, %dma_start3A_198] : memref<128x64xf32, #tpu.memory_space<vmem>> -> memref<1x64xf32, #tpu.memory_space<vmem>>
      %dma_start3A_200 = tpu.memref_squeeze %dma_start3A_199 : memref<1x64xf32, #tpu.memory_space<vmem>> -> memref<64xf32, #tpu.memory_space<vmem>>
      %dma_start3A_201 = arith.constant 0 : i32
      %dma_start3A_202 = tpu.memref_slice %arg4[%squeeze3A_189, %dma_start3A_201] : memref<100000x64xf32, #tpu.memory_space<hbm>> -> memref<1x64xf32, #tpu.memory_space<hbm>>
      %dma_start3A_203 = tpu.memref_squeeze %dma_start3A_202 : memref<1x64xf32, #tpu.memory_space<hbm>> -> memref<64xf32, #tpu.memory_space<hbm>>
      tpu.enqueue_dma source(%dma_start3A_203 : memref<64xf32, #tpu.memory_space<hbm>>) target(%dma_start3A_200 : memref<64xf32, #tpu.memory_space<vmem>>) target_semaphore(%arg21 : memref<!tpu.dma_semaphore, #tpu.memory_space<semaphore_mem>>)
      %slice3A_204 = vector.extract_strided_slice %get3A_125 {offsets = [2], sizes = [1], strides = [1]} : vector<16xi32> to vector<1xi32>
      %squeeze3A_205 = vector.extract %slice3A_204[0] : i32 from vector<1xi32>
      %add3A_206 = arith.constant 2 : i32
      %add3A_207 = arith.addi %mul3A_116, %add3A_206 : i32
      %dma_start3A_208 = arith.constant 0 : i32
      %dma_start3A_209 = tpu.memref_slice %arg13[%add3A_207, %dma_start3A_208] : memref<128x64xf32, #tpu.memory_space<vmem>> -> memref<1x64xf32, #tpu.memory_space<vmem>>
      %dma_start3A_210 = tpu.memref_squeeze %dma_start3A_209 : memref<1x64xf32, #tpu.memory_space<vmem>> -> memref<64xf32, #tpu.memory_space<vmem>>
      %dma_start3A_211 = arith.constant 0 : i32
      %dma_start3A_212 = tpu.memref_slice %arg5[%squeeze3A_205, %dma_start3A_211] : memref<100000x64xf32, #tpu.memory_space<hbm>> -> memref<1x64xf32, #tpu.memory_space<hbm>>
      %dma_start3A_213 = tpu.memref_squeeze %dma_start3A_212 : memref<1x64xf32, #tpu.memory_space<hbm>> -> memref<64xf32, #tpu.memory_space<hbm>>
      %dma_start3A_214 = arith.constant 0 : i32
      %dma_start3A_215 = tpu.memref_slice %arg13[%add3A_207, %dma_start3A_214] : memref<128x64xf32, #tpu.memory_space<vmem>> -> memref<1x64xf32, #tpu.memory_space<vmem>>
      %dma_start3A_216 = tpu.memref_squeeze %dma_start3A_215 : memref<1x64xf32, #tpu.memory_space<vmem>> -> memref<64xf32, #tpu.memory_space<vmem>>
      %dma_start3A_217 = arith.constant 0 : i32
      %dma_start3A_218 = tpu.memref_slice %arg5[%squeeze3A_205, %dma_start3A_217] : memref<100000x64xf32, #tpu.memory_space<hbm>> -> memref<1x64xf32, #tpu.memory_space<hbm>>
      %dma_start3A_219 = tpu.memref_squeeze %dma_start3A_218 : memref<1x64xf32, #tpu.memory_space<hbm>> -> memref<64xf32, #tpu.memory_space<hbm>>
      tpu.enqueue_dma source(%dma_start3A_219 : memref<64xf32, #tpu.memory_space<hbm>>) target(%dma_start3A_216 : memref<64xf32, #tpu.memory_space<vmem>>) target_semaphore(%arg21 : memref<!tpu.dma_semaphore, #tpu.memory_space<semaphore_mem>>)
      %slice3A_220 = vector.extract_strided_slice %get3A_120 {offsets = [3], sizes = [1], strides = [1]} : vector<16xi32> to vector<1xi32>
      %squeeze3A_221 = vector.extract %slice3A_220[0] : i32 from vector<1xi32>
      %add3A_222 = arith.constant 3 : i32
      %add3A_223 = arith.addi %mul3A_116, %add3A_222 : i32
      %dma_start3A_224 = arith.constant 0 : i32
      %dma_start3A_225 = tpu.memref_slice %arg12[%add3A_223, %dma_start3A_224] : memref<128x64xf32, #tpu.memory_space<vmem>> -> memref<1x64xf32, #tpu.memory_space<vmem>>
      %dma_start3A_226 = tpu.memref_squeeze %dma_start3A_225 : memref<1x64xf32, #tpu.memory_space<vmem>> -> memref<64xf32, #tpu.memory_space<vmem>>
      %dma_start3A_227 = arith.constant 0 : i32
      %dma_start3A_228 = tpu.memref_slice %arg4[%squeeze3A_221, %dma_start3A_227] : memref<100000x64xf32, #tpu.memory_space<hbm>> -> memref<1x64xf32, #tpu.memory_space<hbm>>
      %dma_start3A_229 = tpu.memref_squeeze %dma_start3A_228 : memref<1x64xf32, #tpu.memory_space<hbm>> -> memref<64xf32, #tpu.memory_space<hbm>>
      %dma_start3A_230 = arith.constant 0 : i32
      %dma_start3A_231 = tpu.memref_slice %arg12[%add3A_223, %dma_start3A_230] : memref<128x64xf32, #tpu.memory_space<vmem>> -> memref<1x64xf32, #tpu.memory_space<vmem>>
      %dma_start3A_232 = tpu.memref_squeeze %dma_start3A_231 : memref<1x64xf32, #tpu.memory_space<vmem>> -> memref<64xf32, #tpu.memory_space<vmem>>
      %dma_start3A_233 = arith.constant 0 : i32
      %dma_start3A_234 = tpu.memref_slice %arg4[%squeeze3A_221, %dma_start3A_233] : memref<100000x64xf32, #tpu.memory_space<hbm>> -> memref<1x64xf32, #tpu.memory_space<hbm>>
      %dma_start3A_235 = tpu.memref_squeeze %dma_start3A_234 : memref<1x64xf32, #tpu.memory_space<hbm>> -> memref<64xf32, #tpu.memory_space<hbm>>
      tpu.enqueue_dma source(%dma_start3A_235 : memref<64xf32, #tpu.memory_space<hbm>>) target(%dma_start3A_232 : memref<64xf32, #tpu.memory_space<vmem>>) target_semaphore(%arg21 : memref<!tpu.dma_semaphore, #tpu.memory_space<semaphore_mem>>)
      %slice3A_236 = vector.extract_strided_slice %get3A_125 {offsets = [3], sizes = [1], strides = [1]} : vector<16xi32> to vector<1xi32>
      %squeeze3A_237 = vector.extract %slice3A_236[0] : i32 from vector<1xi32>
      %add3A_238 = arith.constant 3 : i32
      %add3A_239 = arith.addi %mul3A_116, %add3A_238 : i32
      %dma_start3A_240 = arith.constant 0 : i32
      %dma_start3A_241 = tpu.memref_slice %arg13[%add3A_239, %dma_start3A_240] : memref<128x64xf32, #tpu.memory_space<vmem>> -> memref<1x64xf32, #tpu.memory_space<vmem>>
      %dma_start3A_242 = tpu.memref_squeeze %dma_start3A_241 : memref<1x64xf32, #tpu.memory_space<vmem>> -> memref<64xf32, #tpu.memory_space<vmem>>
      %dma_start3A_243 = arith.constant 0 : i32
      %dma_start3A_244 = tpu.memref_slice %arg5[%squeeze3A_237, %dma_start3A_243] : memref<100000x64xf32, #tpu.memory_space<hbm>> -> memref<1x64xf32, #tpu.memory_space<hbm>>
      %dma_start3A_245 = tpu.memref_squeeze %dma_start3A_244 : memref<1x64xf32, #tpu.memory_space<hbm>> -> memref<64xf32, #tpu.memory_space<hbm>>
      %dma_start3A_246 = arith.constant 0 : i32
      %dma_start3A_247 = tpu.memref_slice %arg13[%add3A_239, %dma_start3A_246] : memref<128x64xf32, #tpu.memory_space<vmem>> -> memref<1x64xf32, #tpu.memory_space<vmem>>
      %dma_start3A_248 = tpu.memref_squeeze %dma_start3A_247 : memref<1x64xf32, #tpu.memory_space<vmem>> -> memref<64xf32, #tpu.memory_space<vmem>>
      %dma_start3A_249 = arith.constant 0 : i32
      %dma_start3A_250 = tpu.memref_slice %arg5[%squeeze3A_237, %dma_start3A_249] : memref<100000x64xf32, #tpu.memory_space<hbm>> -> memref<1x64xf32, #tpu.memory_space<hbm>>
      %dma_start3A_251 = tpu.memref_squeeze %dma_start3A_250 : memref<1x64xf32, #tpu.memory_space<hbm>> -> memref<64xf32, #tpu.memory_space<hbm>>
      tpu.enqueue_dma source(%dma_start3A_251 : memref<64xf32, #tpu.memory_space<hbm>>) target(%dma_start3A_248 : memref<64xf32, #tpu.memory_space<vmem>>) target_semaphore(%arg21 : memref<!tpu.dma_semaphore, #tpu.memory_space<semaphore_mem>>)
      %slice3A_252 = vector.extract_strided_slice %get3A_120 {offsets = [4], sizes = [1], strides = [1]} : vector<16xi32> to vector<1xi32>
      %squeeze3A_253 = vector.extract %slice3A_252[0] : i32 from vector<1xi32>
      %add3A_254 = arith.constant 4 : i32
      %add3A_255 = arith.addi %mul3A_116, %add3A_254 : i32
      %dma_start3A_256 = arith.constant 0 : i32
      %dma_start3A_257 = tpu.memref_slice %arg12[%add3A_255, %dma_start3A_256] : memref<128x64xf32, #tpu.memory_space<vmem>> -> memref<1x64xf32, #tpu.memory_space<vmem>>
      %dma_start3A_258 = tpu.memref_squeeze %dma_start3A_257 : memref<1x64xf32, #tpu.memory_space<vmem>> -> memref<64xf32, #tpu.memory_space<vmem>>
      %dma_start3A_259 = arith.constant 0 : i32
      %dma_start3A_260 = tpu.memref_slice %arg4[%squeeze3A_253, %dma_start3A_259] : memref<100000x64xf32, #tpu.memory_space<hbm>> -> memref<1x64xf32, #tpu.memory_space<hbm>>
      %dma_start3A_261 = tpu.memref_squeeze %dma_start3A_260 : memref<1x64xf32, #tpu.memory_space<hbm>> -> memref<64xf32, #tpu.memory_space<hbm>>
      %dma_start3A_262 = arith.constant 0 : i32
      %dma_start3A_263 = tpu.memref_slice %arg12[%add3A_255, %dma_start3A_262] : memref<128x64xf32, #tpu.memory_space<vmem>> -> memref<1x64xf32, #tpu.memory_space<vmem>>
      %dma_start3A_264 = tpu.memref_squeeze %dma_start3A_263 : memref<1x64xf32, #tpu.memory_space<vmem>> -> memref<64xf32, #tpu.memory_space<vmem>>
      %dma_start3A_265 = arith.constant 0 : i32
      %dma_start3A_266 = tpu.memref_slice %arg4[%squeeze3A_253, %dma_start3A_265] : memref<100000x64xf32, #tpu.memory_space<hbm>> -> memref<1x64xf32, #tpu.memory_space<hbm>>
      %dma_start3A_267 = tpu.memref_squeeze %dma_start3A_266 : memref<1x64xf32, #tpu.memory_space<hbm>> -> memref<64xf32, #tpu.memory_space<hbm>>
      tpu.enqueue_dma source(%dma_start3A_267 : memref<64xf32, #tpu.memory_space<hbm>>) target(%dma_start3A_264 : memref<64xf32, #tpu.memory_space<vmem>>) target_semaphore(%arg21 : memref<!tpu.dma_semaphore, #tpu.memory_space<semaphore_mem>>)
      %slice3A_268 = vector.extract_strided_slice %get3A_125 {offsets = [4], sizes = [1], strides = [1]} : vector<16xi32> to vector<1xi32>
      %squeeze3A_269 = vector.extract %slice3A_268[0] : i32 from vector<1xi32>
      %add3A_270 = arith.constant 4 : i32
      %add3A_271 = arith.addi %mul3A_116, %add3A_270 : i32
      %dma_start3A_272 = arith.constant 0 : i32
      %dma_start3A_273 = tpu.memref_slice %arg13[%add3A_271, %dma_start3A_272] : memref<128x64xf32, #tpu.memory_space<vmem>> -> memref<1x64xf32, #tpu.memory_space<vmem>>
      %dma_start3A_274 = tpu.memref_squeeze %dma_start3A_273 : memref<1x64xf32, #tpu.memory_space<vmem>> -> memref<64xf32, #tpu.memory_space<vmem>>
      %dma_start3A_275 = arith.constant 0 : i32
      %dma_start3A_276 = tpu.memref_slice %arg5[%squeeze3A_269, %dma_start3A_275] : memref<100000x64xf32, #tpu.memory_space<hbm>> -> memref<1x64xf32, #tpu.memory_space<hbm>>
      %dma_start3A_277 = tpu.memref_squeeze %dma_start3A_276 : memref<1x64xf32, #tpu.memory_space<hbm>> -> memref<64xf32, #tpu.memory_space<hbm>>
      %dma_start3A_278 = arith.constant 0 : i32
      %dma_start3A_279 = tpu.memref_slice %arg13[%add3A_271, %dma_start3A_278] : memref<128x64xf32, #tpu.memory_space<vmem>> -> memref<1x64xf32, #tpu.memory_space<vmem>>
      %dma_start3A_280 = tpu.memref_squeeze %dma_start3A_279 : memref<1x64xf32, #tpu.memory_space<vmem>> -> memref<64xf32, #tpu.memory_space<vmem>>
      %dma_start3A_281 = arith.constant 0 : i32
      %dma_start3A_282 = tpu.memref_slice %arg5[%squeeze3A_269, %dma_start3A_281] : memref<100000x64xf32, #tpu.memory_space<hbm>> -> memref<1x64xf32, #tpu.memory_space<hbm>>
      %dma_start3A_283 = tpu.memref_squeeze %dma_start3A_282 : memref<1x64xf32, #tpu.memory_space<hbm>> -> memref<64xf32, #tpu.memory_space<hbm>>
      tpu.enqueue_dma source(%dma_start3A_283 : memref<64xf32, #tpu.memory_space<hbm>>) target(%dma_start3A_280 : memref<64xf32, #tpu.memory_space<vmem>>) target_semaphore(%arg21 : memref<!tpu.dma_semaphore, #tpu.memory_space<semaphore_mem>>)
      %slice3A_284 = vector.extract_strided_slice %get3A_120 {offsets = [5], sizes = [1], strides = [1]} : vector<16xi32> to vector<1xi32>
      %squeeze3A_285 = vector.extract %slice3A_284[0] : i32 from vector<1xi32>
      %add3A_286 = arith.constant 5 : i32
      %add3A_287 = arith.addi %mul3A_116, %add3A_286 : i32
      %dma_start3A_288 = arith.constant 0 : i32
      %dma_start3A_289 = tpu.memref_slice %arg12[%add3A_287, %dma_start3A_288] : memref<128x64xf32, #tpu.memory_space<vmem>> -> memref<1x64xf32, #tpu.memory_space<vmem>>
      %dma_start3A_290 = tpu.memref_squeeze %dma_start3A_289 : memref<1x64xf32, #tpu.memory_space<vmem>> -> memref<64xf32, #tpu.memory_space<vmem>>
      %dma_start3A_291 = arith.constant 0 : i32
      %dma_start3A_292 = tpu.memref_slice %arg4[%squeeze3A_285, %dma_start3A_291] : memref<100000x64xf32, #tpu.memory_space<hbm>> -> memref<1x64xf32, #tpu.memory_space<hbm>>
      %dma_start3A_293 = tpu.memref_squeeze %dma_start3A_292 : memref<1x64xf32, #tpu.memory_space<hbm>> -> memref<64xf32, #tpu.memory_space<hbm>>
      %dma_start3A_294 = arith.constant 0 : i32
      %dma_start3A_295 = tpu.memref_slice %arg12[%add3A_287, %dma_start3A_294] : memref<128x64xf32, #tpu.memory_space<vmem>> -> memref<1x64xf32, #tpu.memory_space<vmem>>
      %dma_start3A_296 = tpu.memref_squeeze %dma_start3A_295 : memref<1x64xf32, #tpu.memory_space<vmem>> -> memref<64xf32, #tpu.memory_space<vmem>>
      %dma_start3A_297 = arith.constant 0 : i32
      %dma_start3A_298 = tpu.memref_slice %arg4[%squeeze3A_285, %dma_start3A_297] : memref<100000x64xf32, #tpu.memory_space<hbm>> -> memref<1x64xf32, #tpu.memory_space<hbm>>
      %dma_start3A_299 = tpu.memref_squeeze %dma_start3A_298 : memref<1x64xf32, #tpu.memory_space<hbm>> -> memref<64xf32, #tpu.memory_space<hbm>>
      tpu.enqueue_dma source(%dma_start3A_299 : memref<64xf32, #tpu.memory_space<hbm>>) target(%dma_start3A_296 : memref<64xf32, #tpu.memory_space<vmem>>) target_semaphore(%arg21 : memref<!tpu.dma_semaphore, #tpu.memory_space<semaphore_mem>>)
      %slice3A_300 = vector.extract_strided_slice %get3A_125 {offsets = [5], sizes = [1], strides = [1]} : vector<16xi32> to vector<1xi32>
      %squeeze3A_301 = vector.extract %slice3A_300[0] : i32 from vector<1xi32>
      %add3A_302 = arith.constant 5 : i32
      %add3A_303 = arith.addi %mul3A_116, %add3A_302 : i32
      %dma_start3A_304 = arith.constant 0 : i32
      %dma_start3A_305 = tpu.memref_slice %arg13[%add3A_303, %dma_start3A_304] : memref<128x64xf32, #tpu.memory_space<vmem>> -> memref<1x64xf32, #tpu.memory_space<vmem>>
      %dma_start3A_306 = tpu.memref_squeeze %dma_start3A_305 : memref<1x64xf32, #tpu.memory_space<vmem>> -> memref<64xf32, #tpu.memory_space<vmem>>
      %dma_start3A_307 = arith.constant 0 : i32
      %dma_start3A_308 = tpu.memref_slice %arg5[%squeeze3A_301, %dma_start3A_307] : memref<100000x64xf32, #tpu.memory_space<hbm>> -> memref<1x64xf32, #tpu.memory_space<hbm>>
      %dma_start3A_309 = tpu.memref_squeeze %dma_start3A_308 : memref<1x64xf32, #tpu.memory_space<hbm>> -> memref<64xf32, #tpu.memory_space<hbm>>
      %dma_start3A_310 = arith.constant 0 : i32
      %dma_start3A_311 = tpu.memref_slice %arg13[%add3A_303, %dma_start3A_310] : memref<128x64xf32, #tpu.memory_space<vmem>> -> memref<1x64xf32, #tpu.memory_space<vmem>>
      %dma_start3A_312 = tpu.memref_squeeze %dma_start3A_311 : memref<1x64xf32, #tpu.memory_space<vmem>> -> memref<64xf32, #tpu.memory_space<vmem>>
      %dma_start3A_313 = arith.constant 0 : i32
      %dma_start3A_314 = tpu.memref_slice %arg5[%squeeze3A_301, %dma_start3A_313] : memref<100000x64xf32, #tpu.memory_space<hbm>> -> memref<1x64xf32, #tpu.memory_space<hbm>>
      %dma_start3A_315 = tpu.memref_squeeze %dma_start3A_314 : memref<1x64xf32, #tpu.memory_space<hbm>> -> memref<64xf32, #tpu.memory_space<hbm>>
      tpu.enqueue_dma source(%dma_start3A_315 : memref<64xf32, #tpu.memory_space<hbm>>) target(%dma_start3A_312 : memref<64xf32, #tpu.memory_space<vmem>>) target_semaphore(%arg21 : memref<!tpu.dma_semaphore, #tpu.memory_space<semaphore_mem>>)
      %slice3A_316 = vector.extract_strided_slice %get3A_120 {offsets = [6], sizes = [1], strides = [1]} : vector<16xi32> to vector<1xi32>
      %squeeze3A_317 = vector.extract %slice3A_316[0] : i32 from vector<1xi32>
      %add3A_318 = arith.constant 6 : i32
      %add3A_319 = arith.addi %mul3A_116, %add3A_318 : i32
      %dma_start3A_320 = arith.constant 0 : i32
      %dma_start3A_321 = tpu.memref_slice %arg12[%add3A_319, %dma_start3A_320] : memref<128x64xf32, #tpu.memory_space<vmem>> -> memref<1x64xf32, #tpu.memory_space<vmem>>
      %dma_start3A_322 = tpu.memref_squeeze %dma_start3A_321 : memref<1x64xf32, #tpu.memory_space<vmem>> -> memref<64xf32, #tpu.memory_space<vmem>>
      %dma_start3A_323 = arith.constant 0 : i32
      %dma_start3A_324 = tpu.memref_slice %arg4[%squeeze3A_317, %dma_start3A_323] : memref<100000x64xf32, #tpu.memory_space<hbm>> -> memref<1x64xf32, #tpu.memory_space<hbm>>
      %dma_start3A_325 = tpu.memref_squeeze %dma_start3A_324 : memref<1x64xf32, #tpu.memory_space<hbm>> -> memref<64xf32, #tpu.memory_space<hbm>>
      %dma_start3A_326 = arith.constant 0 : i32
      %dma_start3A_327 = tpu.memref_slice %arg12[%add3A_319, %dma_start3A_326] : memref<128x64xf32, #tpu.memory_space<vmem>> -> memref<1x64xf32, #tpu.memory_space<vmem>>
      %dma_start3A_328 = tpu.memref_squeeze %dma_start3A_327 : memref<1x64xf32, #tpu.memory_space<vmem>> -> memref<64xf32, #tpu.memory_space<vmem>>
      %dma_start3A_329 = arith.constant 0 : i32
      %dma_start3A_330 = tpu.memref_slice %arg4[%squeeze3A_317, %dma_start3A_329] : memref<100000x64xf32, #tpu.memory_space<hbm>> -> memref<1x64xf32, #tpu.memory_space<hbm>>
      %dma_start3A_331 = tpu.memref_squeeze %dma_start3A_330 : memref<1x64xf32, #tpu.memory_space<hbm>> -> memref<64xf32, #tpu.memory_space<hbm>>
      tpu.enqueue_dma source(%dma_start3A_331 : memref<64xf32, #tpu.memory_space<hbm>>) target(%dma_start3A_328 : memref<64xf32, #tpu.memory_space<vmem>>) target_semaphore(%arg21 : memref<!tpu.dma_semaphore, #tpu.memory_space<semaphore_mem>>)
      %slice3A_332 = vector.extract_strided_slice %get3A_125 {offsets = [6], sizes = [1], strides = [1]} : vector<16xi32> to vector<1xi32>
      %squeeze3A_333 = vector.extract %slice3A_332[0] : i32 from vector<1xi32>
      %add3A_334 = arith.constant 6 : i32
      %add3A_335 = arith.addi %mul3A_116, %add3A_334 : i32
      %dma_start3A_336 = arith.constant 0 : i32
      %dma_start3A_337 = tpu.memref_slice %arg13[%add3A_335, %dma_start3A_336] : memref<128x64xf32, #tpu.memory_space<vmem>> -> memref<1x64xf32, #tpu.memory_space<vmem>>
      %dma_start3A_338 = tpu.memref_squeeze %dma_start3A_337 : memref<1x64xf32, #tpu.memory_space<vmem>> -> memref<64xf32, #tpu.memory_space<vmem>>
      %dma_start3A_339 = arith.constant 0 : i32
      %dma_start3A_340 = tpu.memref_slice %arg5[%squeeze3A_333, %dma_start3A_339] : memref<100000x64xf32, #tpu.memory_space<hbm>> -> memref<1x64xf32, #tpu.memory_space<hbm>>
      %dma_start3A_341 = tpu.memref_squeeze %dma_start3A_340 : memref<1x64xf32, #tpu.memory_space<hbm>> -> memref<64xf32, #tpu.memory_space<hbm>>
      %dma_start3A_342 = arith.constant 0 : i32
      %dma_start3A_343 = tpu.memref_slice %arg13[%add3A_335, %dma_start3A_342] : memref<128x64xf32, #tpu.memory_space<vmem>> -> memref<1x64xf32, #tpu.memory_space<vmem>>
      %dma_start3A_344 = tpu.memref_squeeze %dma_start3A_343 : memref<1x64xf32, #tpu.memory_space<vmem>> -> memref<64xf32, #tpu.memory_space<vmem>>
      %dma_start3A_345 = arith.constant 0 : i32
      %dma_start3A_346 = tpu.memref_slice %arg5[%squeeze3A_333, %dma_start3A_345] : memref<100000x64xf32, #tpu.memory_space<hbm>> -> memref<1x64xf32, #tpu.memory_space<hbm>>
      %dma_start3A_347 = tpu.memref_squeeze %dma_start3A_346 : memref<1x64xf32, #tpu.memory_space<hbm>> -> memref<64xf32, #tpu.memory_space<hbm>>
      tpu.enqueue_dma source(%dma_start3A_347 : memref<64xf32, #tpu.memory_space<hbm>>) target(%dma_start3A_344 : memref<64xf32, #tpu.memory_space<vmem>>) target_semaphore(%arg21 : memref<!tpu.dma_semaphore, #tpu.memory_space<semaphore_mem>>)
      %slice3A_348 = vector.extract_strided_slice %get3A_120 {offsets = [7], sizes = [1], strides = [1]} : vector<16xi32> to vector<1xi32>
      %squeeze3A_349 = vector.extract %slice3A_348[0] : i32 from vector<1xi32>
      %add3A_350 = arith.constant 7 : i32
      %add3A_351 = arith.addi %mul3A_116, %add3A_350 : i32
      %dma_start3A_352 = arith.constant 0 : i32
      %dma_start3A_353 = tpu.memref_slice %arg12[%add3A_351, %dma_start3A_352] : memref<128x64xf32, #tpu.memory_space<vmem>> -> memref<1x64xf32, #tpu.memory_space<vmem>>
      %dma_start3A_354 = tpu.memref_squeeze %dma_start3A_353 : memref<1x64xf32, #tpu.memory_space<vmem>> -> memref<64xf32, #tpu.memory_space<vmem>>
      %dma_start3A_355 = arith.constant 0 : i32
      %dma_start3A_356 = tpu.memref_slice %arg4[%squeeze3A_349, %dma_start3A_355] : memref<100000x64xf32, #tpu.memory_space<hbm>> -> memref<1x64xf32, #tpu.memory_space<hbm>>
      %dma_start3A_357 = tpu.memref_squeeze %dma_start3A_356 : memref<1x64xf32, #tpu.memory_space<hbm>> -> memref<64xf32, #tpu.memory_space<hbm>>
      %dma_start3A_358 = arith.constant 0 : i32
      %dma_start3A_359 = tpu.memref_slice %arg12[%add3A_351, %dma_start3A_358] : memref<128x64xf32, #tpu.memory_space<vmem>> -> memref<1x64xf32, #tpu.memory_space<vmem>>
      %dma_start3A_360 = tpu.memref_squeeze %dma_start3A_359 : memref<1x64xf32, #tpu.memory_space<vmem>> -> memref<64xf32, #tpu.memory_space<vmem>>
      %dma_start3A_361 = arith.constant 0 : i32
      %dma_start3A_362 = tpu.memref_slice %arg4[%squeeze3A_349, %dma_start3A_361] : memref<100000x64xf32, #tpu.memory_space<hbm>> -> memref<1x64xf32, #tpu.memory_space<hbm>>
      %dma_start3A_363 = tpu.memref_squeeze %dma_start3A_362 : memref<1x64xf32, #tpu.memory_space<hbm>> -> memref<64xf32, #tpu.memory_space<hbm>>
      tpu.enqueue_dma source(%dma_start3A_363 : memref<64xf32, #tpu.memory_space<hbm>>) target(%dma_start3A_360 : memref<64xf32, #tpu.memory_space<vmem>>) target_semaphore(%arg21 : memref<!tpu.dma_semaphore, #tpu.memory_space<semaphore_mem>>)
      %slice3A_364 = vector.extract_strided_slice %get3A_125 {offsets = [7], sizes = [1], strides = [1]} : vector<16xi32> to vector<1xi32>
      %squeeze3A_365 = vector.extract %slice3A_364[0] : i32 from vector<1xi32>
      %add3A_366 = arith.constant 7 : i32
      %add3A_367 = arith.addi %mul3A_116, %add3A_366 : i32
      %dma_start3A_368 = arith.constant 0 : i32
      %dma_start3A_369 = tpu.memref_slice %arg13[%add3A_367, %dma_start3A_368] : memref<128x64xf32, #tpu.memory_space<vmem>> -> memref<1x64xf32, #tpu.memory_space<vmem>>
      %dma_start3A_370 = tpu.memref_squeeze %dma_start3A_369 : memref<1x64xf32, #tpu.memory_space<vmem>> -> memref<64xf32, #tpu.memory_space<vmem>>
      %dma_start3A_371 = arith.constant 0 : i32
      %dma_start3A_372 = tpu.memref_slice %arg5[%squeeze3A_365, %dma_start3A_371] : memref<100000x64xf32, #tpu.memory_space<hbm>> -> memref<1x64xf32, #tpu.memory_space<hbm>>
      %dma_start3A_373 = tpu.memref_squeeze %dma_start3A_372 : memref<1x64xf32, #tpu.memory_space<hbm>> -> memref<64xf32, #tpu.memory_space<hbm>>
      %dma_start3A_374 = arith.constant 0 : i32
      %dma_start3A_375 = tpu.memref_slice %arg13[%add3A_367, %dma_start3A_374] : memref<128x64xf32, #tpu.memory_space<vmem>> -> memref<1x64xf32, #tpu.memory_space<vmem>>
      %dma_start3A_376 = tpu.memref_squeeze %dma_start3A_375 : memref<1x64xf32, #tpu.memory_space<vmem>> -> memref<64xf32, #tpu.memory_space<vmem>>
      %dma_start3A_377 = arith.constant 0 : i32
      %dma_start3A_378 = tpu.memref_slice %arg5[%squeeze3A_365, %dma_start3A_377] : memref<100000x64xf32, #tpu.memory_space<hbm>> -> memref<1x64xf32, #tpu.memory_space<hbm>>
      %dma_start3A_379 = tpu.memref_squeeze %dma_start3A_378 : memref<1x64xf32, #tpu.memory_space<hbm>> -> memref<64xf32, #tpu.memory_space<hbm>>
      tpu.enqueue_dma source(%dma_start3A_379 : memref<64xf32, #tpu.memory_space<hbm>>) target(%dma_start3A_376 : memref<64xf32, #tpu.memory_space<vmem>>) target_semaphore(%arg21 : memref<!tpu.dma_semaphore, #tpu.memory_space<semaphore_mem>>)
      %slice3A_380 = vector.extract_strided_slice %get3A_120 {offsets = [8], sizes = [1], strides = [1]} : vector<16xi32> to vector<1xi32>
      %squeeze3A_381 = vector.extract %slice3A_380[0] : i32 from vector<1xi32>
      %add3A_382 = arith.constant 8 : i32
      %add3A_383 = arith.addi %mul3A_116, %add3A_382 : i32
      %dma_start3A_384 = arith.constant 0 : i32
      %dma_start3A_385 = tpu.memref_slice %arg12[%add3A_383, %dma_start3A_384] : memref<128x64xf32, #tpu.memory_space<vmem>> -> memref<1x64xf32, #tpu.memory_space<vmem>>
      %dma_start3A_386 = tpu.memref_squeeze %dma_start3A_385 : memref<1x64xf32, #tpu.memory_space<vmem>> -> memref<64xf32, #tpu.memory_space<vmem>>
      %dma_start3A_387 = arith.constant 0 : i32
      %dma_start3A_388 = tpu.memref_slice %arg4[%squeeze3A_381, %dma_start3A_387] : memref<100000x64xf32, #tpu.memory_space<hbm>> -> memref<1x64xf32, #tpu.memory_space<hbm>>
      %dma_start3A_389 = tpu.memref_squeeze %dma_start3A_388 : memref<1x64xf32, #tpu.memory_space<hbm>> -> memref<64xf32, #tpu.memory_space<hbm>>
      %dma_start3A_390 = arith.constant 0 : i32
      %dma_start3A_391 = tpu.memref_slice %arg12[%add3A_383, %dma_start3A_390] : memref<128x64xf32, #tpu.memory_space<vmem>> -> memref<1x64xf32, #tpu.memory_space<vmem>>
      %dma_start3A_392 = tpu.memref_squeeze %dma_start3A_391 : memref<1x64xf32, #tpu.memory_space<vmem>> -> memref<64xf32, #tpu.memory_space<vmem>>
      %dma_start3A_393 = arith.constant 0 : i32
      %dma_start3A_394 = tpu.memref_slice %arg4[%squeeze3A_381, %dma_start3A_393] : memref<100000x64xf32, #tpu.memory_space<hbm>> -> memref<1x64xf32, #tpu.memory_space<hbm>>
      %dma_start3A_395 = tpu.memref_squeeze %dma_start3A_394 : memref<1x64xf32, #tpu.memory_space<hbm>> -> memref<64xf32, #tpu.memory_space<hbm>>
      tpu.enqueue_dma source(%dma_start3A_395 : memref<64xf32, #tpu.memory_space<hbm>>) target(%dma_start3A_392 : memref<64xf32, #tpu.memory_space<vmem>>) target_semaphore(%arg21 : memref<!tpu.dma_semaphore, #tpu.memory_space<semaphore_mem>>)
      %slice3A_396 = vector.extract_strided_slice %get3A_125 {offsets = [8], sizes = [1], strides = [1]} : vector<16xi32> to vector<1xi32>
      %squeeze3A_397 = vector.extract %slice3A_396[0] : i32 from vector<1xi32>
      %add3A_398 = arith.constant 8 : i32
      %add3A_399 = arith.addi %mul3A_116, %add3A_398 : i32
      %dma_start3A_400 = arith.constant 0 : i32
      %dma_start3A_401 = tpu.memref_slice %arg13[%add3A_399, %dma_start3A_400] : memref<128x64xf32, #tpu.memory_space<vmem>> -> memref<1x64xf32, #tpu.memory_space<vmem>>
      %dma_start3A_402 = tpu.memref_squeeze %dma_start3A_401 : memref<1x64xf32, #tpu.memory_space<vmem>> -> memref<64xf32, #tpu.memory_space<vmem>>
      %dma_start3A_403 = arith.constant 0 : i32
      %dma_start3A_404 = tpu.memref_slice %arg5[%squeeze3A_397, %dma_start3A_403] : memref<100000x64xf32, #tpu.memory_space<hbm>> -> memref<1x64xf32, #tpu.memory_space<hbm>>
      %dma_start3A_405 = tpu.memref_squeeze %dma_start3A_404 : memref<1x64xf32, #tpu.memory_space<hbm>> -> memref<64xf32, #tpu.memory_space<hbm>>
      %dma_start3A_406 = arith.constant 0 : i32
      %dma_start3A_407 = tpu.memref_slice %arg13[%add3A_399, %dma_start3A_406] : memref<128x64xf32, #tpu.memory_space<vmem>> -> memref<1x64xf32, #tpu.memory_space<vmem>>
      %dma_start3A_408 = tpu.memref_squeeze %dma_start3A_407 : memref<1x64xf32, #tpu.memory_space<vmem>> -> memref<64xf32, #tpu.memory_space<vmem>>
      %dma_start3A_409 = arith.constant 0 : i32
      %dma_start3A_410 = tpu.memref_slice %arg5[%squeeze3A_397, %dma_start3A_409] : memref<100000x64xf32, #tpu.memory_space<hbm>> -> memref<1x64xf32, #tpu.memory_space<hbm>>
      %dma_start3A_411 = tpu.memref_squeeze %dma_start3A_410 : memref<1x64xf32, #tpu.memory_space<hbm>> -> memref<64xf32, #tpu.memory_space<hbm>>
      tpu.enqueue_dma source(%dma_start3A_411 : memref<64xf32, #tpu.memory_space<hbm>>) target(%dma_start3A_408 : memref<64xf32, #tpu.memory_space<vmem>>) target_semaphore(%arg21 : memref<!tpu.dma_semaphore, #tpu.memory_space<semaphore_mem>>)
      %slice3A_412 = vector.extract_strided_slice %get3A_120 {offsets = [9], sizes = [1], strides = [1]} : vector<16xi32> to vector<1xi32>
      %squeeze3A_413 = vector.extract %slice3A_412[0] : i32 from vector<1xi32>
      %add3A_414 = arith.constant 9 : i32
      %add3A_415 = arith.addi %mul3A_116, %add3A_414 : i32
      %dma_start3A_416 = arith.constant 0 : i32
      %dma_start3A_417 = tpu.memref_slice %arg12[%add3A_415, %dma_start3A_416] : memref<128x64xf32, #tpu.memory_space<vmem>> -> memref<1x64xf32, #tpu.memory_space<vmem>>
      %dma_start3A_418 = tpu.memref_squeeze %dma_start3A_417 : memref<1x64xf32, #tpu.memory_space<vmem>> -> memref<64xf32, #tpu.memory_space<vmem>>
      %dma_start3A_419 = arith.constant 0 : i32
      %dma_start3A_420 = tpu.memref_slice %arg4[%squeeze3A_413, %dma_start3A_419] : memref<100000x64xf32, #tpu.memory_space<hbm>> -> memref<1x64xf32, #tpu.memory_space<hbm>>
      %dma_start3A_421 = tpu.memref_squeeze %dma_start3A_420 : memref<1x64xf32, #tpu.memory_space<hbm>> -> memref<64xf32, #tpu.memory_space<hbm>>
      %dma_start3A_422 = arith.constant 0 : i32
      %dma_start3A_423 = tpu.memref_slice %arg12[%add3A_415, %dma_start3A_422] : memref<128x64xf32, #tpu.memory_space<vmem>> -> memref<1x64xf32, #tpu.memory_space<vmem>>
      %dma_start3A_424 = tpu.memref_squeeze %dma_start3A_423 : memref<1x64xf32, #tpu.memory_space<vmem>> -> memref<64xf32, #tpu.memory_space<vmem>>
      %dma_start3A_425 = arith.constant 0 : i32
      %dma_start3A_426 = tpu.memref_slice %arg4[%squeeze3A_413, %dma_start3A_425] : memref<100000x64xf32, #tpu.memory_space<hbm>> -> memref<1x64xf32, #tpu.memory_space<hbm>>
      %dma_start3A_427 = tpu.memref_squeeze %dma_start3A_426 : memref<1x64xf32, #tpu.memory_space<hbm>> -> memref<64xf32, #tpu.memory_space<hbm>>
      tpu.enqueue_dma source(%dma_start3A_427 : memref<64xf32, #tpu.memory_space<hbm>>) target(%dma_start3A_424 : memref<64xf32, #tpu.memory_space<vmem>>) target_semaphore(%arg21 : memref<!tpu.dma_semaphore, #tpu.memory_space<semaphore_mem>>)
      %slice3A_428 = vector.extract_strided_slice %get3A_125 {offsets = [9], sizes = [1], strides = [1]} : vector<16xi32> to vector<1xi32>
      %squeeze3A_429 = vector.extract %slice3A_428[0] : i32 from vector<1xi32>
      %add3A_430 = arith.constant 9 : i32
      %add3A_431 = arith.addi %mul3A_116, %add3A_430 : i32
      %dma_start3A_432 = arith.constant 0 : i32
      %dma_start3A_433 = tpu.memref_slice %arg13[%add3A_431, %dma_start3A_432] : memref<128x64xf32, #tpu.memory_space<vmem>> -> memref<1x64xf32, #tpu.memory_space<vmem>>
      %dma_start3A_434 = tpu.memref_squeeze %dma_start3A_433 : memref<1x64xf32, #tpu.memory_space<vmem>> -> memref<64xf32, #tpu.memory_space<vmem>>
      %dma_start3A_435 = arith.constant 0 : i32
      %dma_start3A_436 = tpu.memref_slice %arg5[%squeeze3A_429, %dma_start3A_435] : memref<100000x64xf32, #tpu.memory_space<hbm>> -> memref<1x64xf32, #tpu.memory_space<hbm>>
      %dma_start3A_437 = tpu.memref_squeeze %dma_start3A_436 : memref<1x64xf32, #tpu.memory_space<hbm>> -> memref<64xf32, #tpu.memory_space<hbm>>
      %dma_start3A_438 = arith.constant 0 : i32
      %dma_start3A_439 = tpu.memref_slice %arg13[%add3A_431, %dma_start3A_438] : memref<128x64xf32, #tpu.memory_space<vmem>> -> memref<1x64xf32, #tpu.memory_space<vmem>>
      %dma_start3A_440 = tpu.memref_squeeze %dma_start3A_439 : memref<1x64xf32, #tpu.memory_space<vmem>> -> memref<64xf32, #tpu.memory_space<vmem>>
      %dma_start3A_441 = arith.constant 0 : i32
      %dma_start3A_442 = tpu.memref_slice %arg5[%squeeze3A_429, %dma_start3A_441] : memref<100000x64xf32, #tpu.memory_space<hbm>> -> memref<1x64xf32, #tpu.memory_space<hbm>>
      %dma_start3A_443 = tpu.memref_squeeze %dma_start3A_442 : memref<1x64xf32, #tpu.memory_space<hbm>> -> memref<64xf32, #tpu.memory_space<hbm>>
      tpu.enqueue_dma source(%dma_start3A_443 : memref<64xf32, #tpu.memory_space<hbm>>) target(%dma_start3A_440 : memref<64xf32, #tpu.memory_space<vmem>>) target_semaphore(%arg21 : memref<!tpu.dma_semaphore, #tpu.memory_space<semaphore_mem>>)
      %slice3A_444 = vector.extract_strided_slice %get3A_120 {offsets = [10], sizes = [1], strides = [1]} : vector<16xi32> to vector<1xi32>
      %squeeze3A_445 = vector.extract %slice3A_444[0] : i32 from vector<1xi32>
      %add3A_446 = arith.constant 10 : i32
      %add3A_447 = arith.addi %mul3A_116, %add3A_446 : i32
      %dma_start3A_448 = arith.constant 0 : i32
      %dma_start3A_449 = tpu.memref_slice %arg12[%add3A_447, %dma_start3A_448] : memref<128x64xf32, #tpu.memory_space<vmem>> -> memref<1x64xf32, #tpu.memory_space<vmem>>
      %dma_start3A_450 = tpu.memref_squeeze %dma_start3A_449 : memref<1x64xf32, #tpu.memory_space<vmem>> -> memref<64xf32, #tpu.memory_space<vmem>>
      %dma_start3A_451 = arith.constant 0 : i32
      %dma_start3A_452 = tpu.memref_slice %arg4[%squeeze3A_445, %dma_start3A_451] : memref<100000x64xf32, #tpu.memory_space<hbm>> -> memref<1x64xf32, #tpu.memory_space<hbm>>
      %dma_start3A_453 = tpu.memref_squeeze %dma_start3A_452 : memref<1x64xf32, #tpu.memory_space<hbm>> -> memref<64xf32, #tpu.memory_space<hbm>>
      %dma_start3A_454 = arith.constant 0 : i32
      %dma_start3A_455 = tpu.memref_slice %arg12[%add3A_447, %dma_start3A_454] : memref<128x64xf32, #tpu.memory_space<vmem>> -> memref<1x64xf32, #tpu.memory_space<vmem>>
      %dma_start3A_456 = tpu.memref_squeeze %dma_start3A_455 : memref<1x64xf32, #tpu.memory_space<vmem>> -> memref<64xf32, #tpu.memory_space<vmem>>
      %dma_start3A_457 = arith.constant 0 : i32
      %dma_start3A_458 = tpu.memref_slice %arg4[%squeeze3A_445, %dma_start3A_457] : memref<100000x64xf32, #tpu.memory_space<hbm>> -> memref<1x64xf32, #tpu.memory_space<hbm>>
      %dma_start3A_459 = tpu.memref_squeeze %dma_start3A_458 : memref<1x64xf32, #tpu.memory_space<hbm>> -> memref<64xf32, #tpu.memory_space<hbm>>
      tpu.enqueue_dma source(%dma_start3A_459 : memref<64xf32, #tpu.memory_space<hbm>>) target(%dma_start3A_456 : memref<64xf32, #tpu.memory_space<vmem>>) target_semaphore(%arg21 : memref<!tpu.dma_semaphore, #tpu.memory_space<semaphore_mem>>)
      %slice3A_460 = vector.extract_strided_slice %get3A_125 {offsets = [10], sizes = [1], strides = [1]} : vector<16xi32> to vector<1xi32>
      %squeeze3A_461 = vector.extract %slice3A_460[0] : i32 from vector<1xi32>
      %add3A_462 = arith.constant 10 : i32
      %add3A_463 = arith.addi %mul3A_116, %add3A_462 : i32
      %dma_start3A_464 = arith.constant 0 : i32
      %dma_start3A_465 = tpu.memref_slice %arg13[%add3A_463, %dma_start3A_464] : memref<128x64xf32, #tpu.memory_space<vmem>> -> memref<1x64xf32, #tpu.memory_space<vmem>>
      %dma_start3A_466 = tpu.memref_squeeze %dma_start3A_465 : memref<1x64xf32, #tpu.memory_space<vmem>> -> memref<64xf32, #tpu.memory_space<vmem>>
      %dma_start3A_467 = arith.constant 0 : i32
      %dma_start3A_468 = tpu.memref_slice %arg5[%squeeze3A_461, %dma_start3A_467] : memref<100000x64xf32, #tpu.memory_space<hbm>> -> memref<1x64xf32, #tpu.memory_space<hbm>>
      %dma_start3A_469 = tpu.memref_squeeze %dma_start3A_468 : memref<1x64xf32, #tpu.memory_space<hbm>> -> memref<64xf32, #tpu.memory_space<hbm>>
      %dma_start3A_470 = arith.constant 0 : i32
      %dma_start3A_471 = tpu.memref_slice %arg13[%add3A_463, %dma_start3A_470] : memref<128x64xf32, #tpu.memory_space<vmem>> -> memref<1x64xf32, #tpu.memory_space<vmem>>
      %dma_start3A_472 = tpu.memref_squeeze %dma_start3A_471 : memref<1x64xf32, #tpu.memory_space<vmem>> -> memref<64xf32, #tpu.memory_space<vmem>>
      %dma_start3A_473 = arith.constant 0 : i32
      %dma_start3A_474 = tpu.memref_slice %arg5[%squeeze3A_461, %dma_start3A_473] : memref<100000x64xf32, #tpu.memory_space<hbm>> -> memref<1x64xf32, #tpu.memory_space<hbm>>
      %dma_start3A_475 = tpu.memref_squeeze %dma_start3A_474 : memref<1x64xf32, #tpu.memory_space<hbm>> -> memref<64xf32, #tpu.memory_space<hbm>>
      tpu.enqueue_dma source(%dma_start3A_475 : memref<64xf32, #tpu.memory_space<hbm>>) target(%dma_start3A_472 : memref<64xf32, #tpu.memory_space<vmem>>) target_semaphore(%arg21 : memref<!tpu.dma_semaphore, #tpu.memory_space<semaphore_mem>>)
      %slice3A_476 = vector.extract_strided_slice %get3A_120 {offsets = [11], sizes = [1], strides = [1]} : vector<16xi32> to vector<1xi32>
      %squeeze3A_477 = vector.extract %slice3A_476[0] : i32 from vector<1xi32>
      %add3A_478 = arith.constant 11 : i32
      %add3A_479 = arith.addi %mul3A_116, %add3A_478 : i32
      %dma_start3A_480 = arith.constant 0 : i32
      %dma_start3A_481 = tpu.memref_slice %arg12[%add3A_479, %dma_start3A_480] : memref<128x64xf32, #tpu.memory_space<vmem>> -> memref<1x64xf32, #tpu.memory_space<vmem>>
      %dma_start3A_482 = tpu.memref_squeeze %dma_start3A_481 : memref<1x64xf32, #tpu.memory_space<vmem>> -> memref<64xf32, #tpu.memory_space<vmem>>
      %dma_start3A_483 = arith.constant 0 : i32
      %dma_start3A_484 = tpu.memref_slice %arg4[%squeeze3A_477, %dma_start3A_483] : memref<100000x64xf32, #tpu.memory_space<hbm>> -> memref<1x64xf32, #tpu.memory_space<hbm>>
      %dma_start3A_485 = tpu.memref_squeeze %dma_start3A_484 : memref<1x64xf32, #tpu.memory_space<hbm>> -> memref<64xf32, #tpu.memory_space<hbm>>
      %dma_start3A_486 = arith.constant 0 : i32
      %dma_start3A_487 = tpu.memref_slice %arg12[%add3A_479, %dma_start3A_486] : memref<128x64xf32, #tpu.memory_space<vmem>> -> memref<1x64xf32, #tpu.memory_space<vmem>>
      %dma_start3A_488 = tpu.memref_squeeze %dma_start3A_487 : memref<1x64xf32, #tpu.memory_space<vmem>> -> memref<64xf32, #tpu.memory_space<vmem>>
      %dma_start3A_489 = arith.constant 0 : i32
      %dma_start3A_490 = tpu.memref_slice %arg4[%squeeze3A_477, %dma_start3A_489] : memref<100000x64xf32, #tpu.memory_space<hbm>> -> memref<1x64xf32, #tpu.memory_space<hbm>>
      %dma_start3A_491 = tpu.memref_squeeze %dma_start3A_490 : memref<1x64xf32, #tpu.memory_space<hbm>> -> memref<64xf32, #tpu.memory_space<hbm>>
      tpu.enqueue_dma source(%dma_start3A_491 : memref<64xf32, #tpu.memory_space<hbm>>) target(%dma_start3A_488 : memref<64xf32, #tpu.memory_space<vmem>>) target_semaphore(%arg21 : memref<!tpu.dma_semaphore, #tpu.memory_space<semaphore_mem>>)
      %slice3A_492 = vector.extract_strided_slice %get3A_125 {offsets = [11], sizes = [1], strides = [1]} : vector<16xi32> to vector<1xi32>
      %squeeze3A_493 = vector.extract %slice3A_492[0] : i32 from vector<1xi32>
      %add3A_494 = arith.constant 11 : i32
      %add3A_495 = arith.addi %mul3A_116, %add3A_494 : i32
      %dma_start3A_496 = arith.constant 0 : i32
      %dma_start3A_497 = tpu.memref_slice %arg13[%add3A_495, %dma_start3A_496] : memref<128x64xf32, #tpu.memory_space<vmem>> -> memref<1x64xf32, #tpu.memory_space<vmem>>
      %dma_start3A_498 = tpu.memref_squeeze %dma_start3A_497 : memref<1x64xf32, #tpu.memory_space<vmem>> -> memref<64xf32, #tpu.memory_space<vmem>>
      %dma_start3A_499 = arith.constant 0 : i32
      %dma_start3A_500 = tpu.memref_slice %arg5[%squeeze3A_493, %dma_start3A_499] : memref<100000x64xf32, #tpu.memory_space<hbm>> -> memref<1x64xf32, #tpu.memory_space<hbm>>
      %dma_start3A_501 = tpu.memref_squeeze %dma_start3A_500 : memref<1x64xf32, #tpu.memory_space<hbm>> -> memref<64xf32, #tpu.memory_space<hbm>>
      %dma_start3A_502 = arith.constant 0 : i32
      %dma_start3A_503 = tpu.memref_slice %arg13[%add3A_495, %dma_start3A_502] : memref<128x64xf32, #tpu.memory_space<vmem>> -> memref<1x64xf32, #tpu.memory_space<vmem>>
      %dma_start3A_504 = tpu.memref_squeeze %dma_start3A_503 : memref<1x64xf32, #tpu.memory_space<vmem>> -> memref<64xf32, #tpu.memory_space<vmem>>
      %dma_start3A_505 = arith.constant 0 : i32
      %dma_start3A_506 = tpu.memref_slice %arg5[%squeeze3A_493, %dma_start3A_505] : memref<100000x64xf32, #tpu.memory_space<hbm>> -> memref<1x64xf32, #tpu.memory_space<hbm>>
      %dma_start3A_507 = tpu.memref_squeeze %dma_start3A_506 : memref<1x64xf32, #tpu.memory_space<hbm>> -> memref<64xf32, #tpu.memory_space<hbm>>
      tpu.enqueue_dma source(%dma_start3A_507 : memref<64xf32, #tpu.memory_space<hbm>>) target(%dma_start3A_504 : memref<64xf32, #tpu.memory_space<vmem>>) target_semaphore(%arg21 : memref<!tpu.dma_semaphore, #tpu.memory_space<semaphore_mem>>)
      %slice3A_508 = vector.extract_strided_slice %get3A_120 {offsets = [12], sizes = [1], strides = [1]} : vector<16xi32> to vector<1xi32>
      %squeeze3A_509 = vector.extract %slice3A_508[0] : i32 from vector<1xi32>
      %add3A_510 = arith.constant 12 : i32
      %add3A_511 = arith.addi %mul3A_116, %add3A_510 : i32
      %dma_start3A_512 = arith.constant 0 : i32
      %dma_start3A_513 = tpu.memref_slice %arg12[%add3A_511, %dma_start3A_512] : memref<128x64xf32, #tpu.memory_space<vmem>> -> memref<1x64xf32, #tpu.memory_space<vmem>>
      %dma_start3A_514 = tpu.memref_squeeze %dma_start3A_513 : memref<1x64xf32, #tpu.memory_space<vmem>> -> memref<64xf32, #tpu.memory_space<vmem>>
      %dma_start3A_515 = arith.constant 0 : i32
      %dma_start3A_516 = tpu.memref_slice %arg4[%squeeze3A_509, %dma_start3A_515] : memref<100000x64xf32, #tpu.memory_space<hbm>> -> memref<1x64xf32, #tpu.memory_space<hbm>>
      %dma_start3A_517 = tpu.memref_squeeze %dma_start3A_516 : memref<1x64xf32, #tpu.memory_space<hbm>> -> memref<64xf32, #tpu.memory_space<hbm>>
      %dma_start3A_518 = arith.constant 0 : i32
      %dma_start3A_519 = tpu.memref_slice %arg12[%add3A_511, %dma_start3A_518] : memref<128x64xf32, #tpu.memory_space<vmem>> -> memref<1x64xf32, #tpu.memory_space<vmem>>
      %dma_start3A_520 = tpu.memref_squeeze %dma_start3A_519 : memref<1x64xf32, #tpu.memory_space<vmem>> -> memref<64xf32, #tpu.memory_space<vmem>>
      %dma_start3A_521 = arith.constant 0 : i32
      %dma_start3A_522 = tpu.memref_slice %arg4[%squeeze3A_509, %dma_start3A_521] : memref<100000x64xf32, #tpu.memory_space<hbm>> -> memref<1x64xf32, #tpu.memory_space<hbm>>
      %dma_start3A_523 = tpu.memref_squeeze %dma_start3A_522 : memref<1x64xf32, #tpu.memory_space<hbm>> -> memref<64xf32, #tpu.memory_space<hbm>>
      tpu.enqueue_dma source(%dma_start3A_523 : memref<64xf32, #tpu.memory_space<hbm>>) target(%dma_start3A_520 : memref<64xf32, #tpu.memory_space<vmem>>) target_semaphore(%arg21 : memref<!tpu.dma_semaphore, #tpu.memory_space<semaphore_mem>>)
      %slice3A_524 = vector.extract_strided_slice %get3A_125 {offsets = [12], sizes = [1], strides = [1]} : vector<16xi32> to vector<1xi32>
      %squeeze3A_525 = vector.extract %slice3A_524[0] : i32 from vector<1xi32>
      %add3A_526 = arith.constant 12 : i32
      %add3A_527 = arith.addi %mul3A_116, %add3A_526 : i32
      %dma_start3A_528 = arith.constant 0 : i32
      %dma_start3A_529 = tpu.memref_slice %arg13[%add3A_527, %dma_start3A_528] : memref<128x64xf32, #tpu.memory_space<vmem>> -> memref<1x64xf32, #tpu.memory_space<vmem>>
      %dma_start3A_530 = tpu.memref_squeeze %dma_start3A_529 : memref<1x64xf32, #tpu.memory_space<vmem>> -> memref<64xf32, #tpu.memory_space<vmem>>
      %dma_start3A_531 = arith.constant 0 : i32
      %dma_start3A_532 = tpu.memref_slice %arg5[%squeeze3A_525, %dma_start3A_531] : memref<100000x64xf32, #tpu.memory_space<hbm>> -> memref<1x64xf32, #tpu.memory_space<hbm>>
      %dma_start3A_533 = tpu.memref_squeeze %dma_start3A_532 : memref<1x64xf32, #tpu.memory_space<hbm>> -> memref<64xf32, #tpu.memory_space<hbm>>
      %dma_start3A_534 = arith.constant 0 : i32
      %dma_start3A_535 = tpu.memref_slice %arg13[%add3A_527, %dma_start3A_534] : memref<128x64xf32, #tpu.memory_space<vmem>> -> memref<1x64xf32, #tpu.memory_space<vmem>>
      %dma_start3A_536 = tpu.memref_squeeze %dma_start3A_535 : memref<1x64xf32, #tpu.memory_space<vmem>> -> memref<64xf32, #tpu.memory_space<vmem>>
      %dma_start3A_537 = arith.constant 0 : i32
      %dma_start3A_538 = tpu.memref_slice %arg5[%squeeze3A_525, %dma_start3A_537] : memref<100000x64xf32, #tpu.memory_space<hbm>> -> memref<1x64xf32, #tpu.memory_space<hbm>>
      %dma_start3A_539 = tpu.memref_squeeze %dma_start3A_538 : memref<1x64xf32, #tpu.memory_space<hbm>> -> memref<64xf32, #tpu.memory_space<hbm>>
      tpu.enqueue_dma source(%dma_start3A_539 : memref<64xf32, #tpu.memory_space<hbm>>) target(%dma_start3A_536 : memref<64xf32, #tpu.memory_space<vmem>>) target_semaphore(%arg21 : memref<!tpu.dma_semaphore, #tpu.memory_space<semaphore_mem>>)
      %slice3A_540 = vector.extract_strided_slice %get3A_120 {offsets = [13], sizes = [1], strides = [1]} : vector<16xi32> to vector<1xi32>
      %squeeze3A_541 = vector.extract %slice3A_540[0] : i32 from vector<1xi32>
      %add3A_542 = arith.constant 13 : i32
      %add3A_543 = arith.addi %mul3A_116, %add3A_542 : i32
      %dma_start3A_544 = arith.constant 0 : i32
      %dma_start3A_545 = tpu.memref_slice %arg12[%add3A_543, %dma_start3A_544] : memref<128x64xf32, #tpu.memory_space<vmem>> -> memref<1x64xf32, #tpu.memory_space<vmem>>
      %dma_start3A_546 = tpu.memref_squeeze %dma_start3A_545 : memref<1x64xf32, #tpu.memory_space<vmem>> -> memref<64xf32, #tpu.memory_space<vmem>>
      %dma_start3A_547 = arith.constant 0 : i32
      %dma_start3A_548 = tpu.memref_slice %arg4[%squeeze3A_541, %dma_start3A_547] : memref<100000x64xf32, #tpu.memory_space<hbm>> -> memref<1x64xf32, #tpu.memory_space<hbm>>
      %dma_start3A_549 = tpu.memref_squeeze %dma_start3A_548 : memref<1x64xf32, #tpu.memory_space<hbm>> -> memref<64xf32, #tpu.memory_space<hbm>>
      %dma_start3A_550 = arith.constant 0 : i32
      %dma_start3A_551 = tpu.memref_slice %arg12[%add3A_543, %dma_start3A_550] : memref<128x64xf32, #tpu.memory_space<vmem>> -> memref<1x64xf32, #tpu.memory_space<vmem>>
      %dma_start3A_552 = tpu.memref_squeeze %dma_start3A_551 : memref<1x64xf32, #tpu.memory_space<vmem>> -> memref<64xf32, #tpu.memory_space<vmem>>
      %dma_start3A_553 = arith.constant 0 : i32
      %dma_start3A_554 = tpu.memref_slice %arg4[%squeeze3A_541, %dma_start3A_553] : memref<100000x64xf32, #tpu.memory_space<hbm>> -> memref<1x64xf32, #tpu.memory_space<hbm>>
      %dma_start3A_555 = tpu.memref_squeeze %dma_start3A_554 : memref<1x64xf32, #tpu.memory_space<hbm>> -> memref<64xf32, #tpu.memory_space<hbm>>
      tpu.enqueue_dma source(%dma_start3A_555 : memref<64xf32, #tpu.memory_space<hbm>>) target(%dma_start3A_552 : memref<64xf32, #tpu.memory_space<vmem>>) target_semaphore(%arg21 : memref<!tpu.dma_semaphore, #tpu.memory_space<semaphore_mem>>)
      %slice3A_556 = vector.extract_strided_slice %get3A_125 {offsets = [13], sizes = [1], strides = [1]} : vector<16xi32> to vector<1xi32>
      %squeeze3A_557 = vector.extract %slice3A_556[0] : i32 from vector<1xi32>
      %add3A_558 = arith.constant 13 : i32
      %add3A_559 = arith.addi %mul3A_116, %add3A_558 : i32
      %dma_start3A_560 = arith.constant 0 : i32
      %dma_start3A_561 = tpu.memref_slice %arg13[%add3A_559, %dma_start3A_560] : memref<128x64xf32, #tpu.memory_space<vmem>> -> memref<1x64xf32, #tpu.memory_space<vmem>>
      %dma_start3A_562 = tpu.memref_squeeze %dma_start3A_561 : memref<1x64xf32, #tpu.memory_space<vmem>> -> memref<64xf32, #tpu.memory_space<vmem>>
      %dma_start3A_563 = arith.constant 0 : i32
      %dma_start3A_564 = tpu.memref_slice %arg5[%squeeze3A_557, %dma_start3A_563] : memref<100000x64xf32, #tpu.memory_space<hbm>> -> memref<1x64xf32, #tpu.memory_space<hbm>>
      %dma_start3A_565 = tpu.memref_squeeze %dma_start3A_564 : memref<1x64xf32, #tpu.memory_space<hbm>> -> memref<64xf32, #tpu.memory_space<hbm>>
      %dma_start3A_566 = arith.constant 0 : i32
      %dma_start3A_567 = tpu.memref_slice %arg13[%add3A_559, %dma_start3A_566] : memref<128x64xf32, #tpu.memory_space<vmem>> -> memref<1x64xf32, #tpu.memory_space<vmem>>
      %dma_start3A_568 = tpu.memref_squeeze %dma_start3A_567 : memref<1x64xf32, #tpu.memory_space<vmem>> -> memref<64xf32, #tpu.memory_space<vmem>>
      %dma_start3A_569 = arith.constant 0 : i32
      %dma_start3A_570 = tpu.memref_slice %arg5[%squeeze3A_557, %dma_start3A_569] : memref<100000x64xf32, #tpu.memory_space<hbm>> -> memref<1x64xf32, #tpu.memory_space<hbm>>
      %dma_start3A_571 = tpu.memref_squeeze %dma_start3A_570 : memref<1x64xf32, #tpu.memory_space<hbm>> -> memref<64xf32, #tpu.memory_space<hbm>>
      tpu.enqueue_dma source(%dma_start3A_571 : memref<64xf32, #tpu.memory_space<hbm>>) target(%dma_start3A_568 : memref<64xf32, #tpu.memory_space<vmem>>) target_semaphore(%arg21 : memref<!tpu.dma_semaphore, #tpu.memory_space<semaphore_mem>>)
      %slice3A_572 = vector.extract_strided_slice %get3A_120 {offsets = [14], sizes = [1], strides = [1]} : vector<16xi32> to vector<1xi32>
      %squeeze3A_573 = vector.extract %slice3A_572[0] : i32 from vector<1xi32>
      %add3A_574 = arith.constant 14 : i32
      %add3A_575 = arith.addi %mul3A_116, %add3A_574 : i32
      %dma_start3A_576 = arith.constant 0 : i32
      %dma_start3A_577 = tpu.memref_slice %arg12[%add3A_575, %dma_start3A_576] : memref<128x64xf32, #tpu.memory_space<vmem>> -> memref<1x64xf32, #tpu.memory_space<vmem>>
      %dma_start3A_578 = tpu.memref_squeeze %dma_start3A_577 : memref<1x64xf32, #tpu.memory_space<vmem>> -> memref<64xf32, #tpu.memory_space<vmem>>
      %dma_start3A_579 = arith.constant 0 : i32
      %dma_start3A_580 = tpu.memref_slice %arg4[%squeeze3A_573, %dma_start3A_579] : memref<100000x64xf32, #tpu.memory_space<hbm>> -> memref<1x64xf32, #tpu.memory_space<hbm>>
      %dma_start3A_581 = tpu.memref_squeeze %dma_start3A_580 : memref<1x64xf32, #tpu.memory_space<hbm>> -> memref<64xf32, #tpu.memory_space<hbm>>
      %dma_start3A_582 = arith.constant 0 : i32
      %dma_start3A_583 = tpu.memref_slice %arg12[%add3A_575, %dma_start3A_582] : memref<128x64xf32, #tpu.memory_space<vmem>> -> memref<1x64xf32, #tpu.memory_space<vmem>>
      %dma_start3A_584 = tpu.memref_squeeze %dma_start3A_583 : memref<1x64xf32, #tpu.memory_space<vmem>> -> memref<64xf32, #tpu.memory_space<vmem>>
      %dma_start3A_585 = arith.constant 0 : i32
      %dma_start3A_586 = tpu.memref_slice %arg4[%squeeze3A_573, %dma_start3A_585] : memref<100000x64xf32, #tpu.memory_space<hbm>> -> memref<1x64xf32, #tpu.memory_space<hbm>>
      %dma_start3A_587 = tpu.memref_squeeze %dma_start3A_586 : memref<1x64xf32, #tpu.memory_space<hbm>> -> memref<64xf32, #tpu.memory_space<hbm>>
      tpu.enqueue_dma source(%dma_start3A_587 : memref<64xf32, #tpu.memory_space<hbm>>) target(%dma_start3A_584 : memref<64xf32, #tpu.memory_space<vmem>>) target_semaphore(%arg21 : memref<!tpu.dma_semaphore, #tpu.memory_space<semaphore_mem>>)
      %slice3A_588 = vector.extract_strided_slice %get3A_125 {offsets = [14], sizes = [1], strides = [1]} : vector<16xi32> to vector<1xi32>
      %squeeze3A_589 = vector.extract %slice3A_588[0] : i32 from vector<1xi32>
      %add3A_590 = arith.constant 14 : i32
      %add3A_591 = arith.addi %mul3A_116, %add3A_590 : i32
      %dma_start3A_592 = arith.constant 0 : i32
      %dma_start3A_593 = tpu.memref_slice %arg13[%add3A_591, %dma_start3A_592] : memref<128x64xf32, #tpu.memory_space<vmem>> -> memref<1x64xf32, #tpu.memory_space<vmem>>
      %dma_start3A_594 = tpu.memref_squeeze %dma_start3A_593 : memref<1x64xf32, #tpu.memory_space<vmem>> -> memref<64xf32, #tpu.memory_space<vmem>>
      %dma_start3A_595 = arith.constant 0 : i32
      %dma_start3A_596 = tpu.memref_slice %arg5[%squeeze3A_589, %dma_start3A_595] : memref<100000x64xf32, #tpu.memory_space<hbm>> -> memref<1x64xf32, #tpu.memory_space<hbm>>
      %dma_start3A_597 = tpu.memref_squeeze %dma_start3A_596 : memref<1x64xf32, #tpu.memory_space<hbm>> -> memref<64xf32, #tpu.memory_space<hbm>>
      %dma_start3A_598 = arith.constant 0 : i32
      %dma_start3A_599 = tpu.memref_slice %arg13[%add3A_591, %dma_start3A_598] : memref<128x64xf32, #tpu.memory_space<vmem>> -> memref<1x64xf32, #tpu.memory_space<vmem>>
      %dma_start3A_600 = tpu.memref_squeeze %dma_start3A_599 : memref<1x64xf32, #tpu.memory_space<vmem>> -> memref<64xf32, #tpu.memory_space<vmem>>
      %dma_start3A_601 = arith.constant 0 : i32
      %dma_start3A_602 = tpu.memref_slice %arg5[%squeeze3A_589, %dma_start3A_601] : memref<100000x64xf32, #tpu.memory_space<hbm>> -> memref<1x64xf32, #tpu.memory_space<hbm>>
      %dma_start3A_603 = tpu.memref_squeeze %dma_start3A_602 : memref<1x64xf32, #tpu.memory_space<hbm>> -> memref<64xf32, #tpu.memory_space<hbm>>
      tpu.enqueue_dma source(%dma_start3A_603 : memref<64xf32, #tpu.memory_space<hbm>>) target(%dma_start3A_600 : memref<64xf32, #tpu.memory_space<vmem>>) target_semaphore(%arg21 : memref<!tpu.dma_semaphore, #tpu.memory_space<semaphore_mem>>)
      %slice3A_604 = vector.extract_strided_slice %get3A_120 {offsets = [15], sizes = [1], strides = [1]} : vector<16xi32> to vector<1xi32>
      %squeeze3A_605 = vector.extract %slice3A_604[0] : i32 from vector<1xi32>
      %add3A_606 = arith.constant 15 : i32
      %add3A_607 = arith.addi %mul3A_116, %add3A_606 : i32
      %dma_start3A_608 = arith.constant 0 : i32
      %dma_start3A_609 = tpu.memref_slice %arg12[%add3A_607, %dma_start3A_608] : memref<128x64xf32, #tpu.memory_space<vmem>> -> memref<1x64xf32, #tpu.memory_space<vmem>>
      %dma_start3A_610 = tpu.memref_squeeze %dma_start3A_609 : memref<1x64xf32, #tpu.memory_space<vmem>> -> memref<64xf32, #tpu.memory_space<vmem>>
      %dma_start3A_611 = arith.constant 0 : i32
      %dma_start3A_612 = tpu.memref_slice %arg4[%squeeze3A_605, %dma_start3A_611] : memref<100000x64xf32, #tpu.memory_space<hbm>> -> memref<1x64xf32, #tpu.memory_space<hbm>>
      %dma_start3A_613 = tpu.memref_squeeze %dma_start3A_612 : memref<1x64xf32, #tpu.memory_space<hbm>> -> memref<64xf32, #tpu.memory_space<hbm>>
      %dma_start3A_614 = arith.constant 0 : i32
      %dma_start3A_615 = tpu.memref_slice %arg12[%add3A_607, %dma_start3A_614] : memref<128x64xf32, #tpu.memory_space<vmem>> -> memref<1x64xf32, #tpu.memory_space<vmem>>
      %dma_start3A_616 = tpu.memref_squeeze %dma_start3A_615 : memref<1x64xf32, #tpu.memory_space<vmem>> -> memref<64xf32, #tpu.memory_space<vmem>>
      %dma_start3A_617 = arith.constant 0 : i32
      %dma_start3A_618 = tpu.memref_slice %arg4[%squeeze3A_605, %dma_start3A_617] : memref<100000x64xf32, #tpu.memory_space<hbm>> -> memref<1x64xf32, #tpu.memory_space<hbm>>
      %dma_start3A_619 = tpu.memref_squeeze %dma_start3A_618 : memref<1x64xf32, #tpu.memory_space<hbm>> -> memref<64xf32, #tpu.memory_space<hbm>>
      tpu.enqueue_dma source(%dma_start3A_619 : memref<64xf32, #tpu.memory_space<hbm>>) target(%dma_start3A_616 : memref<64xf32, #tpu.memory_space<vmem>>) target_semaphore(%arg21 : memref<!tpu.dma_semaphore, #tpu.memory_space<semaphore_mem>>)
      %slice3A_620 = vector.extract_strided_slice %get3A_125 {offsets = [15], sizes = [1], strides = [1]} : vector<16xi32> to vector<1xi32>
      %squeeze3A_621 = vector.extract %slice3A_620[0] : i32 from vector<1xi32>
      %add3A_622 = arith.constant 15 : i32
      %add3A_623 = arith.addi %mul3A_116, %add3A_622 : i32
      %dma_start3A_624 = arith.constant 0 : i32
      %dma_start3A_625 = tpu.memref_slice %arg13[%add3A_623, %dma_start3A_624] : memref<128x64xf32, #tpu.memory_space<vmem>> -> memref<1x64xf32, #tpu.memory_space<vmem>>
      %dma_start3A_626 = tpu.memref_squeeze %dma_start3A_625 : memref<1x64xf32, #tpu.memory_space<vmem>> -> memref<64xf32, #tpu.memory_space<vmem>>
      %dma_start3A_627 = arith.constant 0 : i32
      %dma_start3A_628 = tpu.memref_slice %arg5[%squeeze3A_621, %dma_start3A_627] : memref<100000x64xf32, #tpu.memory_space<hbm>> -> memref<1x64xf32, #tpu.memory_space<hbm>>
      %dma_start3A_629 = tpu.memref_squeeze %dma_start3A_628 : memref<1x64xf32, #tpu.memory_space<hbm>> -> memref<64xf32, #tpu.memory_space<hbm>>
      %dma_start3A_630 = arith.constant 0 : i32
      %dma_start3A_631 = tpu.memref_slice %arg13[%add3A_623, %dma_start3A_630] : memref<128x64xf32, #tpu.memory_space<vmem>> -> memref<1x64xf32, #tpu.memory_space<vmem>>
      %dma_start3A_632 = tpu.memref_squeeze %dma_start3A_631 : memref<1x64xf32, #tpu.memory_space<vmem>> -> memref<64xf32, #tpu.memory_space<vmem>>
      %dma_start3A_633 = arith.constant 0 : i32
      %dma_start3A_634 = tpu.memref_slice %arg5[%squeeze3A_621, %dma_start3A_633] : memref<100000x64xf32, #tpu.memory_space<hbm>> -> memref<1x64xf32, #tpu.memory_space<hbm>>
      %dma_start3A_635 = tpu.memref_squeeze %dma_start3A_634 : memref<1x64xf32, #tpu.memory_space<hbm>> -> memref<64xf32, #tpu.memory_space<hbm>>
      tpu.enqueue_dma source(%dma_start3A_635 : memref<64xf32, #tpu.memory_space<hbm>>) target(%dma_start3A_632 : memref<64xf32, #tpu.memory_space<vmem>>) target_semaphore(%arg21 : memref<!tpu.dma_semaphore, #tpu.memory_space<semaphore_mem>>)
    }
    %scan3A_52 = arith.constant 8 : i32
    %scan3A_53 = arith.constant 0 : i32
    %scan3A_54 = arith.constant 128 : i32
    %scan3A_55 = arith.addi %scan3A_53, %scan3A_54 : i32
    %scan3A_56 = arith.constant 1 : i32
    %scan3A_57 = scf.for %scan3A_114 = %scan3A_53 to %scan3A_55 step %scan3A_56 iter_args(%scan3A_115 = %scan3A_33) -> (vector<16xf32>)  : i32 {
      %get3A = arith.index_cast %scan3A_114 : i32 to index
      %get3A_116 = arith.constant 0 : index
      %get3A_117 = tpu.vector_load %arg14[%get3A, %get3A_116] {strides = array<i32>} : memref<128x64xf32, #tpu.memory_space<vmem>>, vector<1x16xf32>,
      %get3A_118 = vector.shape_cast %get3A_117 : vector<1x16xf32> to vector<16xf32>
      %get3A_119 = arith.index_cast %scan3A_114 : i32 to index
      %get3A_120 = arith.constant 0 : index
      %get3A_121 = tpu.vector_load %arg15[%get3A_119, %get3A_120] {strides = array<i32>} : memref<128x64xf32, #tpu.memory_space<vmem>>, vector<1x16xf32>,
      %get3A_122 = vector.shape_cast %get3A_121 : vector<1x16xf32> to vector<16xf32>
      %mul3A_123 = arith.mulf %get3A_118, %get3A_122 : vector<16xf32>
      %add3A_124 = arith.addf %scan3A_115, %mul3A_123 : vector<16xf32>
      %get3A_125 = arith.index_cast %scan3A_114 : i32 to index
      %get3A_126 = arith.constant 16 : index
      %get3A_127 = tpu.vector_load %arg14[%get3A_125, %get3A_126] {strides = array<i32>} : memref<128x64xf32, #tpu.memory_space<vmem>>, vector<1x16xf32>,
      %get3A_128 = vector.shape_cast %get3A_127 : vector<1x16xf32> to vector<16xf32>
      %get3A_129 = arith.index_cast %scan3A_114 : i32 to index
      %get3A_130 = arith.constant 16 : index
      %get3A_131 = tpu.vector_load %arg15[%get3A_129, %get3A_130] {strides = array<i32>} : memref<128x64xf32, #tpu.memory_space<vmem>>, vector<1x16xf32>,
      %get3A_132 = vector.shape_cast %get3A_131 : vector<1x16xf32> to vector<16xf32>
      %mul3A_133 = arith.mulf %get3A_128, %get3A_132 : vector<16xf32>
      %add3A_134 = arith.addf %add3A_124, %mul3A_133 : vector<16xf32>
      %get3A_135 = arith.index_cast %scan3A_114 : i32 to index
      %get3A_136 = arith.constant 32 : index
      %get3A_137 = tpu.vector_load %arg14[%get3A_135, %get3A_136] {strides = array<i32>} : memref<128x64xf32, #tpu.memory_space<vmem>>, vector<1x16xf32>,
      %get3A_138 = vector.shape_cast %get3A_137 : vector<1x16xf32> to vector<16xf32>
      %get3A_139 = arith.index_cast %scan3A_114 : i32 to index
      %get3A_140 = arith.constant 32 : index
      %get3A_141 = tpu.vector_load %arg15[%get3A_139, %get3A_140] {strides = array<i32>} : memref<128x64xf32, #tpu.memory_space<vmem>>, vector<1x16xf32>,
      %get3A_142 = vector.shape_cast %get3A_141 : vector<1x16xf32> to vector<16xf32>
      %mul3A_143 = arith.mulf %get3A_138, %get3A_142 : vector<16xf32>
      %add3A_144 = arith.addf %add3A_134, %mul3A_143 : vector<16xf32>
      %get3A_145 = arith.index_cast %scan3A_114 : i32 to index
      %get3A_146 = arith.constant 48 : index
      %get3A_147 = tpu.vector_load %arg14[%get3A_145, %get3A_146] {strides = array<i32>} : memref<128x64xf32, #tpu.memory_space<vmem>>, vector<1x16xf32>,
      %get3A_148 = vector.shape_cast %get3A_147 : vector<1x16xf32> to vector<16xf32>
      %get3A_149 = arith.index_cast %scan3A_114 : i32 to index
      %get3A_150 = arith.constant 48 : index
      %get3A_151 = tpu.vector_load %arg15[%get3A_149, %get3A_150] {strides = array<i32>} : memref<128x64xf32, #tpu.memory_space<vmem>>, vector<1x16xf32>,
      %get3A_152 = vector.shape_cast %get3A_151 : vector<1x16xf32> to vector<16xf32>
      %mul3A_153 = arith.mulf %get3A_148, %get3A_152 : vector<16xf32>
      %add3A_154 = arith.addf %add3A_144, %mul3A_153 : vector<16xf32>
      scf.yield %add3A_154 : vector<16xf32>
    }
    %scan3A_58 = arith.constant 128 : i32
    %dma_wait3A_59 = arith.constant 0 : i32
    %dma_wait3A_60 = arith.constant 0 : i32
    %dma_wait3A_61 = tpu.memref_slice %arg4[%dma_wait3A_59, %dma_wait3A_60] : memref<100000x64xf32, #tpu.memory_space<hbm>> -> memref<128x64xf32, #tpu.memory_space<hbm>>
    %dma_wait3A_62 = arith.constant 0 : i32
    %dma_wait3A_63 = arith.constant 0 : i32
    %dma_wait3A_64 = tpu.memref_slice %arg4[%dma_wait3A_62, %dma_wait3A_63] : memref<100000x64xf32, #tpu.memory_space<hbm>> -> memref<128x64xf32, #tpu.memory_space<hbm>>
    tpu.wait_dma2 semaphore(%arg21 : memref<!tpu.dma_semaphore, #tpu.memory_space<semaphore_mem>>) src(%dma_wait3A_64 : memref<128x64xf32, #tpu.memory_space<hbm>>) dst(%arg12 : memref<128x64xf32, #tpu.memory_space<vmem>>)
    %dma_wait3A_65 = arith.constant 0 : i32
    %dma_wait3A_66 = arith.constant 0 : i32
    %dma_wait3A_67 = tpu.memref_slice %arg5[%dma_wait3A_65, %dma_wait3A_66] : memref<100000x64xf32, #tpu.memory_space<hbm>> -> memref<128x64xf32, #tpu.memory_space<hbm>>
    %dma_wait3A_68 = arith.constant 0 : i32
    %dma_wait3A_69 = arith.constant 0 : i32
    %dma_wait3A_70 = tpu.memref_slice %arg5[%dma_wait3A_68, %dma_wait3A_69] : memref<100000x64xf32, #tpu.memory_space<hbm>> -> memref<128x64xf32, #tpu.memory_space<hbm>>
    tpu.wait_dma2 semaphore(%arg21 : memref<!tpu.dma_semaphore, #tpu.memory_space<semaphore_mem>>) src(%dma_wait3A_70 : memref<128x64xf32, #tpu.memory_space<hbm>>) dst(%arg13 : memref<128x64xf32, #tpu.memory_space<vmem>>)
    %scan3A_71 = arith.constant 0 : i32
    %scan3A_72 = arith.constant 0 : i32
    %scan3A_73 = arith.constant 8 : i32
    %scan3A_74 = arith.addi %scan3A_72, %scan3A_73 : i32
    %scan3A_75 = arith.constant 1 : i32
    scf.for %scan3A_114 = %scan3A_72 to %scan3A_74 step %scan3A_75  : i32 {
      %mul3A_115 = arith.constant 16 : i32
      %mul3A_116 = arith.muli %scan3A_114, %mul3A_115 : i32
      %add3A_117 = arith.constant 384 : i32
      %add3A_118 = arith.addi %add3A_117, %mul3A_116 : i32
      %get3A = arith.index_cast %add3A_118 : i32 to index
      %get3A_119 = tpu.vector_load %arg10[%get3A] {strides = array<i32>} : memref<512xi32, #tpu.memory_space<vmem>>, vector<16xi32>,
      %get3A_120 = vector.shape_cast %get3A_119 : vector<16xi32> to vector<16xi32>
      %add3A_121 = arith.constant 384 : i32
      %add3A_122 = arith.addi %add3A_121, %mul3A_116 : i32
      %get3A_123 = arith.index_cast %add3A_122 : i32 to index
      %get3A_124 = tpu.vector_load %arg11[%get3A_123] {strides = array<i32>} : memref<512xi32, #tpu.memory_space<vmem>>, vector<16xi32>,
      %get3A_125 = vector.shape_cast %get3A_124 : vector<16xi32> to vector<16xi32>
      %slice3A = vector.extract_strided_slice %get3A_120 {offsets = [0], sizes = [1], strides = [1]} : vector<16xi32> to vector<1xi32>
      %squeeze3A = vector.extract %slice3A[0] : i32 from vector<1xi32>
      %add3A_126 = arith.constant 0 : i32
      %add3A_127 = arith.addi %mul3A_116, %add3A_126 : i32
      %dma_start3A_128 = arith.constant 0 : i32
      %dma_start3A_129 = tpu.memref_slice %arg14[%add3A_127, %dma_start3A_128] : memref<128x64xf32, #tpu.memory_space<vmem>> -> memref<1x64xf32, #tpu.memory_space<vmem>>
      %dma_start3A_130 = tpu.memref_squeeze %dma_start3A_129 : memref<1x64xf32, #tpu.memory_space<vmem>> -> memref<64xf32, #tpu.memory_space<vmem>>
      %dma_start3A_131 = arith.constant 0 : i32
      %dma_start3A_132 = tpu.memref_slice %arg4[%squeeze3A, %dma_start3A_131] : memref<100000x64xf32, #tpu.memory_space<hbm>> -> memref<1x64xf32, #tpu.memory_space<hbm>>
      %dma_start3A_133 = tpu.memref_squeeze %dma_start3A_132 : memref<1x64xf32, #tpu.memory_space<hbm>> -> memref<64xf32, #tpu.memory_space<hbm>>
      %dma_start3A_134 = arith.constant 0 : i32
      %dma_start3A_135 = tpu.memref_slice %arg14[%add3A_127, %dma_start3A_134] : memref<128x64xf32, #tpu.memory_space<vmem>> -> memref<1x64xf32, #tpu.memory_space<vmem>>
      %dma_start3A_136 = tpu.memref_squeeze %dma_start3A_135 : memref<1x64xf32, #tpu.memory_space<vmem>> -> memref<64xf32, #tpu.memory_space<vmem>>
      %dma_start3A_137 = arith.constant 0 : i32
      %dma_start3A_138 = tpu.memref_slice %arg4[%squeeze3A, %dma_start3A_137] : memref<100000x64xf32, #tpu.memory_space<hbm>> -> memref<1x64xf32, #tpu.memory_space<hbm>>
      %dma_start3A_139 = tpu.memref_squeeze %dma_start3A_138 : memref<1x64xf32, #tpu.memory_space<hbm>> -> memref<64xf32, #tpu.memory_space<hbm>>
      tpu.enqueue_dma source(%dma_start3A_139 : memref<64xf32, #tpu.memory_space<hbm>>) target(%dma_start3A_136 : memref<64xf32, #tpu.memory_space<vmem>>) target_semaphore(%arg21 : memref<!tpu.dma_semaphore, #tpu.memory_space<semaphore_mem>>)
      %slice3A_140 = vector.extract_strided_slice %get3A_125 {offsets = [0], sizes = [1], strides = [1]} : vector<16xi32> to vector<1xi32>
      %squeeze3A_141 = vector.extract %slice3A_140[0] : i32 from vector<1xi32>
      %add3A_142 = arith.constant 0 : i32
      %add3A_143 = arith.addi %mul3A_116, %add3A_142 : i32
      %dma_start3A_144 = arith.constant 0 : i32
      %dma_start3A_145 = tpu.memref_slice %arg15[%add3A_143, %dma_start3A_144] : memref<128x64xf32, #tpu.memory_space<vmem>> -> memref<1x64xf32, #tpu.memory_space<vmem>>
      %dma_start3A_146 = tpu.memref_squeeze %dma_start3A_145 : memref<1x64xf32, #tpu.memory_space<vmem>> -> memref<64xf32, #tpu.memory_space<vmem>>
      %dma_start3A_147 = arith.constant 0 : i32
      %dma_start3A_148 = tpu.memref_slice %arg5[%squeeze3A_141, %dma_start3A_147] : memref<100000x64xf32, #tpu.memory_space<hbm>> -> memref<1x64xf32, #tpu.memory_space<hbm>>
      %dma_start3A_149 = tpu.memref_squeeze %dma_start3A_148 : memref<1x64xf32, #tpu.memory_space<hbm>> -> memref<64xf32, #tpu.memory_space<hbm>>
      %dma_start3A_150 = arith.constant 0 : i32
      %dma_start3A_151 = tpu.memref_slice %arg15[%add3A_143, %dma_start3A_150] : memref<128x64xf32, #tpu.memory_space<vmem>> -> memref<1x64xf32, #tpu.memory_space<vmem>>
      %dma_start3A_152 = tpu.memref_squeeze %dma_start3A_151 : memref<1x64xf32, #tpu.memory_space<vmem>> -> memref<64xf32, #tpu.memory_space<vmem>>
      %dma_start3A_153 = arith.constant 0 : i32
      %dma_start3A_154 = tpu.memref_slice %arg5[%squeeze3A_141, %dma_start3A_153] : memref<100000x64xf32, #tpu.memory_space<hbm>> -> memref<1x64xf32, #tpu.memory_space<hbm>>
      %dma_start3A_155 = tpu.memref_squeeze %dma_start3A_154 : memref<1x64xf32, #tpu.memory_space<hbm>> -> memref<64xf32, #tpu.memory_space<hbm>>
      tpu.enqueue_dma source(%dma_start3A_155 : memref<64xf32, #tpu.memory_space<hbm>>) target(%dma_start3A_152 : memref<64xf32, #tpu.memory_space<vmem>>) target_semaphore(%arg21 : memref<!tpu.dma_semaphore, #tpu.memory_space<semaphore_mem>>)
      %slice3A_156 = vector.extract_strided_slice %get3A_120 {offsets = [1], sizes = [1], strides = [1]} : vector<16xi32> to vector<1xi32>
      %squeeze3A_157 = vector.extract %slice3A_156[0] : i32 from vector<1xi32>
      %add3A_158 = arith.constant 1 : i32
      %add3A_159 = arith.addi %mul3A_116, %add3A_158 : i32
      %dma_start3A_160 = arith.constant 0 : i32
      %dma_start3A_161 = tpu.memref_slice %arg14[%add3A_159, %dma_start3A_160] : memref<128x64xf32, #tpu.memory_space<vmem>> -> memref<1x64xf32, #tpu.memory_space<vmem>>
      %dma_start3A_162 = tpu.memref_squeeze %dma_start3A_161 : memref<1x64xf32, #tpu.memory_space<vmem>> -> memref<64xf32, #tpu.memory_space<vmem>>
      %dma_start3A_163 = arith.constant 0 : i32
      %dma_start3A_164 = tpu.memref_slice %arg4[%squeeze3A_157, %dma_start3A_163] : memref<100000x64xf32, #tpu.memory_space<hbm>> -> memref<1x64xf32, #tpu.memory_space<hbm>>
      %dma_start3A_165 = tpu.memref_squeeze %dma_start3A_164 : memref<1x64xf32, #tpu.memory_space<hbm>> -> memref<64xf32, #tpu.memory_space<hbm>>
      %dma_start3A_166 = arith.constant 0 : i32
      %dma_start3A_167 = tpu.memref_slice %arg14[%add3A_159, %dma_start3A_166] : memref<128x64xf32, #tpu.memory_space<vmem>> -> memref<1x64xf32, #tpu.memory_space<vmem>>
      %dma_start3A_168 = tpu.memref_squeeze %dma_start3A_167 : memref<1x64xf32, #tpu.memory_space<vmem>> -> memref<64xf32, #tpu.memory_space<vmem>>
      %dma_start3A_169 = arith.constant 0 : i32
      %dma_start3A_170 = tpu.memref_slice %arg4[%squeeze3A_157, %dma_start3A_169] : memref<100000x64xf32, #tpu.memory_space<hbm>> -> memref<1x64xf32, #tpu.memory_space<hbm>>
      %dma_start3A_171 = tpu.memref_squeeze %dma_start3A_170 : memref<1x64xf32, #tpu.memory_space<hbm>> -> memref<64xf32, #tpu.memory_space<hbm>>
      tpu.enqueue_dma source(%dma_start3A_171 : memref<64xf32, #tpu.memory_space<hbm>>) target(%dma_start3A_168 : memref<64xf32, #tpu.memory_space<vmem>>) target_semaphore(%arg21 : memref<!tpu.dma_semaphore, #tpu.memory_space<semaphore_mem>>)
      %slice3A_172 = vector.extract_strided_slice %get3A_125 {offsets = [1], sizes = [1], strides = [1]} : vector<16xi32> to vector<1xi32>
      %squeeze3A_173 = vector.extract %slice3A_172[0] : i32 from vector<1xi32>
      %add3A_174 = arith.constant 1 : i32
      %add3A_175 = arith.addi %mul3A_116, %add3A_174 : i32
      %dma_start3A_176 = arith.constant 0 : i32
      %dma_start3A_177 = tpu.memref_slice %arg15[%add3A_175, %dma_start3A_176] : memref<128x64xf32, #tpu.memory_space<vmem>> -> memref<1x64xf32, #tpu.memory_space<vmem>>
      %dma_start3A_178 = tpu.memref_squeeze %dma_start3A_177 : memref<1x64xf32, #tpu.memory_space<vmem>> -> memref<64xf32, #tpu.memory_space<vmem>>
      %dma_start3A_179 = arith.constant 0 : i32
      %dma_start3A_180 = tpu.memref_slice %arg5[%squeeze3A_173, %dma_start3A_179] : memref<100000x64xf32, #tpu.memory_space<hbm>> -> memref<1x64xf32, #tpu.memory_space<hbm>>
      %dma_start3A_181 = tpu.memref_squeeze %dma_start3A_180 : memref<1x64xf32, #tpu.memory_space<hbm>> -> memref<64xf32, #tpu.memory_space<hbm>>
      %dma_start3A_182 = arith.constant 0 : i32
      %dma_start3A_183 = tpu.memref_slice %arg15[%add3A_175, %dma_start3A_182] : memref<128x64xf32, #tpu.memory_space<vmem>> -> memref<1x64xf32, #tpu.memory_space<vmem>>
      %dma_start3A_184 = tpu.memref_squeeze %dma_start3A_183 : memref<1x64xf32, #tpu.memory_space<vmem>> -> memref<64xf32, #tpu.memory_space<vmem>>
      %dma_start3A_185 = arith.constant 0 : i32
      %dma_start3A_186 = tpu.memref_slice %arg5[%squeeze3A_173, %dma_start3A_185] : memref<100000x64xf32, #tpu.memory_space<hbm>> -> memref<1x64xf32, #tpu.memory_space<hbm>>
      %dma_start3A_187 = tpu.memref_squeeze %dma_start3A_186 : memref<1x64xf32, #tpu.memory_space<hbm>> -> memref<64xf32, #tpu.memory_space<hbm>>
      tpu.enqueue_dma source(%dma_start3A_187 : memref<64xf32, #tpu.memory_space<hbm>>) target(%dma_start3A_184 : memref<64xf32, #tpu.memory_space<vmem>>) target_semaphore(%arg21 : memref<!tpu.dma_semaphore, #tpu.memory_space<semaphore_mem>>)
      %slice3A_188 = vector.extract_strided_slice %get3A_120 {offsets = [2], sizes = [1], strides = [1]} : vector<16xi32> to vector<1xi32>
      %squeeze3A_189 = vector.extract %slice3A_188[0] : i32 from vector<1xi32>
      %add3A_190 = arith.constant 2 : i32
      %add3A_191 = arith.addi %mul3A_116, %add3A_190 : i32
      %dma_start3A_192 = arith.constant 0 : i32
      %dma_start3A_193 = tpu.memref_slice %arg14[%add3A_191, %dma_start3A_192] : memref<128x64xf32, #tpu.memory_space<vmem>> -> memref<1x64xf32, #tpu.memory_space<vmem>>
      %dma_start3A_194 = tpu.memref_squeeze %dma_start3A_193 : memref<1x64xf32, #tpu.memory_space<vmem>> -> memref<64xf32, #tpu.memory_space<vmem>>
      %dma_start3A_195 = arith.constant 0 : i32
      %dma_start3A_196 = tpu.memref_slice %arg4[%squeeze3A_189, %dma_start3A_195] : memref<100000x64xf32, #tpu.memory_space<hbm>> -> memref<1x64xf32, #tpu.memory_space<hbm>>
      %dma_start3A_197 = tpu.memref_squeeze %dma_start3A_196 : memref<1x64xf32, #tpu.memory_space<hbm>> -> memref<64xf32, #tpu.memory_space<hbm>>
      %dma_start3A_198 = arith.constant 0 : i32
      %dma_start3A_199 = tpu.memref_slice %arg14[%add3A_191, %dma_start3A_198] : memref<128x64xf32, #tpu.memory_space<vmem>> -> memref<1x64xf32, #tpu.memory_space<vmem>>
      %dma_start3A_200 = tpu.memref_squeeze %dma_start3A_199 : memref<1x64xf32, #tpu.memory_space<vmem>> -> memref<64xf32, #tpu.memory_space<vmem>>
      %dma_start3A_201 = arith.constant 0 : i32
      %dma_start3A_202 = tpu.memref_slice %arg4[%squeeze3A_189, %dma_start3A_201] : memref<100000x64xf32, #tpu.memory_space<hbm>> -> memref<1x64xf32, #tpu.memory_space<hbm>>
      %dma_start3A_203 = tpu.memref_squeeze %dma_start3A_202 : memref<1x64xf32, #tpu.memory_space<hbm>> -> memref<64xf32, #tpu.memory_space<hbm>>
      tpu.enqueue_dma source(%dma_start3A_203 : memref<64xf32, #tpu.memory_space<hbm>>) target(%dma_start3A_200 : memref<64xf32, #tpu.memory_space<vmem>>) target_semaphore(%arg21 : memref<!tpu.dma_semaphore, #tpu.memory_space<semaphore_mem>>)
      %slice3A_204 = vector.extract_strided_slice %get3A_125 {offsets = [2], sizes = [1], strides = [1]} : vector<16xi32> to vector<1xi32>
      %squeeze3A_205 = vector.extract %slice3A_204[0] : i32 from vector<1xi32>
      %add3A_206 = arith.constant 2 : i32
      %add3A_207 = arith.addi %mul3A_116, %add3A_206 : i32
      %dma_start3A_208 = arith.constant 0 : i32
      %dma_start3A_209 = tpu.memref_slice %arg15[%add3A_207, %dma_start3A_208] : memref<128x64xf32, #tpu.memory_space<vmem>> -> memref<1x64xf32, #tpu.memory_space<vmem>>
      %dma_start3A_210 = tpu.memref_squeeze %dma_start3A_209 : memref<1x64xf32, #tpu.memory_space<vmem>> -> memref<64xf32, #tpu.memory_space<vmem>>
      %dma_start3A_211 = arith.constant 0 : i32
      %dma_start3A_212 = tpu.memref_slice %arg5[%squeeze3A_205, %dma_start3A_211] : memref<100000x64xf32, #tpu.memory_space<hbm>> -> memref<1x64xf32, #tpu.memory_space<hbm>>
      %dma_start3A_213 = tpu.memref_squeeze %dma_start3A_212 : memref<1x64xf32, #tpu.memory_space<hbm>> -> memref<64xf32, #tpu.memory_space<hbm>>
      %dma_start3A_214 = arith.constant 0 : i32
      %dma_start3A_215 = tpu.memref_slice %arg15[%add3A_207, %dma_start3A_214] : memref<128x64xf32, #tpu.memory_space<vmem>> -> memref<1x64xf32, #tpu.memory_space<vmem>>
      %dma_start3A_216 = tpu.memref_squeeze %dma_start3A_215 : memref<1x64xf32, #tpu.memory_space<vmem>> -> memref<64xf32, #tpu.memory_space<vmem>>
      %dma_start3A_217 = arith.constant 0 : i32
      %dma_start3A_218 = tpu.memref_slice %arg5[%squeeze3A_205, %dma_start3A_217] : memref<100000x64xf32, #tpu.memory_space<hbm>> -> memref<1x64xf32, #tpu.memory_space<hbm>>
      %dma_start3A_219 = tpu.memref_squeeze %dma_start3A_218 : memref<1x64xf32, #tpu.memory_space<hbm>> -> memref<64xf32, #tpu.memory_space<hbm>>
      tpu.enqueue_dma source(%dma_start3A_219 : memref<64xf32, #tpu.memory_space<hbm>>) target(%dma_start3A_216 : memref<64xf32, #tpu.memory_space<vmem>>) target_semaphore(%arg21 : memref<!tpu.dma_semaphore, #tpu.memory_space<semaphore_mem>>)
      %slice3A_220 = vector.extract_strided_slice %get3A_120 {offsets = [3], sizes = [1], strides = [1]} : vector<16xi32> to vector<1xi32>
      %squeeze3A_221 = vector.extract %slice3A_220[0] : i32 from vector<1xi32>
      %add3A_222 = arith.constant 3 : i32
      %add3A_223 = arith.addi %mul3A_116, %add3A_222 : i32
      %dma_start3A_224 = arith.constant 0 : i32
      %dma_start3A_225 = tpu.memref_slice %arg14[%add3A_223, %dma_start3A_224] : memref<128x64xf32, #tpu.memory_space<vmem>> -> memref<1x64xf32, #tpu.memory_space<vmem>>
      %dma_start3A_226 = tpu.memref_squeeze %dma_start3A_225 : memref<1x64xf32, #tpu.memory_space<vmem>> -> memref<64xf32, #tpu.memory_space<vmem>>
      %dma_start3A_227 = arith.constant 0 : i32
      %dma_start3A_228 = tpu.memref_slice %arg4[%squeeze3A_221, %dma_start3A_227] : memref<100000x64xf32, #tpu.memory_space<hbm>> -> memref<1x64xf32, #tpu.memory_space<hbm>>
      %dma_start3A_229 = tpu.memref_squeeze %dma_start3A_228 : memref<1x64xf32, #tpu.memory_space<hbm>> -> memref<64xf32, #tpu.memory_space<hbm>>
      %dma_start3A_230 = arith.constant 0 : i32
      %dma_start3A_231 = tpu.memref_slice %arg14[%add3A_223, %dma_start3A_230] : memref<128x64xf32, #tpu.memory_space<vmem>> -> memref<1x64xf32, #tpu.memory_space<vmem>>
      %dma_start3A_232 = tpu.memref_squeeze %dma_start3A_231 : memref<1x64xf32, #tpu.memory_space<vmem>> -> memref<64xf32, #tpu.memory_space<vmem>>
      %dma_start3A_233 = arith.constant 0 : i32
      %dma_start3A_234 = tpu.memref_slice %arg4[%squeeze3A_221, %dma_start3A_233] : memref<100000x64xf32, #tpu.memory_space<hbm>> -> memref<1x64xf32, #tpu.memory_space<hbm>>
      %dma_start3A_235 = tpu.memref_squeeze %dma_start3A_234 : memref<1x64xf32, #tpu.memory_space<hbm>> -> memref<64xf32, #tpu.memory_space<hbm>>
      tpu.enqueue_dma source(%dma_start3A_235 : memref<64xf32, #tpu.memory_space<hbm>>) target(%dma_start3A_232 : memref<64xf32, #tpu.memory_space<vmem>>) target_semaphore(%arg21 : memref<!tpu.dma_semaphore, #tpu.memory_space<semaphore_mem>>)
      %slice3A_236 = vector.extract_strided_slice %get3A_125 {offsets = [3], sizes = [1], strides = [1]} : vector<16xi32> to vector<1xi32>
      %squeeze3A_237 = vector.extract %slice3A_236[0] : i32 from vector<1xi32>
      %add3A_238 = arith.constant 3 : i32
      %add3A_239 = arith.addi %mul3A_116, %add3A_238 : i32
      %dma_start3A_240 = arith.constant 0 : i32
      %dma_start3A_241 = tpu.memref_slice %arg15[%add3A_239, %dma_start3A_240] : memref<128x64xf32, #tpu.memory_space<vmem>> -> memref<1x64xf32, #tpu.memory_space<vmem>>
      %dma_start3A_242 = tpu.memref_squeeze %dma_start3A_241 : memref<1x64xf32, #tpu.memory_space<vmem>> -> memref<64xf32, #tpu.memory_space<vmem>>
      %dma_start3A_243 = arith.constant 0 : i32
      %dma_start3A_244 = tpu.memref_slice %arg5[%squeeze3A_237, %dma_start3A_243] : memref<100000x64xf32, #tpu.memory_space<hbm>> -> memref<1x64xf32, #tpu.memory_space<hbm>>
      %dma_start3A_245 = tpu.memref_squeeze %dma_start3A_244 : memref<1x64xf32, #tpu.memory_space<hbm>> -> memref<64xf32, #tpu.memory_space<hbm>>
      %dma_start3A_246 = arith.constant 0 : i32
      %dma_start3A_247 = tpu.memref_slice %arg15[%add3A_239, %dma_start3A_246] : memref<128x64xf32, #tpu.memory_space<vmem>> -> memref<1x64xf32, #tpu.memory_space<vmem>>
      %dma_start3A_248 = tpu.memref_squeeze %dma_start3A_247 : memref<1x64xf32, #tpu.memory_space<vmem>> -> memref<64xf32, #tpu.memory_space<vmem>>
      %dma_start3A_249 = arith.constant 0 : i32
      %dma_start3A_250 = tpu.memref_slice %arg5[%squeeze3A_237, %dma_start3A_249] : memref<100000x64xf32, #tpu.memory_space<hbm>> -> memref<1x64xf32, #tpu.memory_space<hbm>>
      %dma_start3A_251 = tpu.memref_squeeze %dma_start3A_250 : memref<1x64xf32, #tpu.memory_space<hbm>> -> memref<64xf32, #tpu.memory_space<hbm>>
      tpu.enqueue_dma source(%dma_start3A_251 : memref<64xf32, #tpu.memory_space<hbm>>) target(%dma_start3A_248 : memref<64xf32, #tpu.memory_space<vmem>>) target_semaphore(%arg21 : memref<!tpu.dma_semaphore, #tpu.memory_space<semaphore_mem>>)
      %slice3A_252 = vector.extract_strided_slice %get3A_120 {offsets = [4], sizes = [1], strides = [1]} : vector<16xi32> to vector<1xi32>
      %squeeze3A_253 = vector.extract %slice3A_252[0] : i32 from vector<1xi32>
      %add3A_254 = arith.constant 4 : i32
      %add3A_255 = arith.addi %mul3A_116, %add3A_254 : i32
      %dma_start3A_256 = arith.constant 0 : i32
      %dma_start3A_257 = tpu.memref_slice %arg14[%add3A_255, %dma_start3A_256] : memref<128x64xf32, #tpu.memory_space<vmem>> -> memref<1x64xf32, #tpu.memory_space<vmem>>
      %dma_start3A_258 = tpu.memref_squeeze %dma_start3A_257 : memref<1x64xf32, #tpu.memory_space<vmem>> -> memref<64xf32, #tpu.memory_space<vmem>>
      %dma_start3A_259 = arith.constant 0 : i32
      %dma_start3A_260 = tpu.memref_slice %arg4[%squeeze3A_253, %dma_start3A_259] : memref<100000x64xf32, #tpu.memory_space<hbm>> -> memref<1x64xf32, #tpu.memory_space<hbm>>
      %dma_start3A_261 = tpu.memref_squeeze %dma_start3A_260 : memref<1x64xf32, #tpu.memory_space<hbm>> -> memref<64xf32, #tpu.memory_space<hbm>>
      %dma_start3A_262 = arith.constant 0 : i32
      %dma_start3A_263 = tpu.memref_slice %arg14[%add3A_255, %dma_start3A_262] : memref<128x64xf32, #tpu.memory_space<vmem>> -> memref<1x64xf32, #tpu.memory_space<vmem>>
      %dma_start3A_264 = tpu.memref_squeeze %dma_start3A_263 : memref<1x64xf32, #tpu.memory_space<vmem>> -> memref<64xf32, #tpu.memory_space<vmem>>
      %dma_start3A_265 = arith.constant 0 : i32
      %dma_start3A_266 = tpu.memref_slice %arg4[%squeeze3A_253, %dma_start3A_265] : memref<100000x64xf32, #tpu.memory_space<hbm>> -> memref<1x64xf32, #tpu.memory_space<hbm>>
      %dma_start3A_267 = tpu.memref_squeeze %dma_start3A_266 : memref<1x64xf32, #tpu.memory_space<hbm>> -> memref<64xf32, #tpu.memory_space<hbm>>
      tpu.enqueue_dma source(%dma_start3A_267 : memref<64xf32, #tpu.memory_space<hbm>>) target(%dma_start3A_264 : memref<64xf32, #tpu.memory_space<vmem>>) target_semaphore(%arg21 : memref<!tpu.dma_semaphore, #tpu.memory_space<semaphore_mem>>)
      %slice3A_268 = vector.extract_strided_slice %get3A_125 {offsets = [4], sizes = [1], strides = [1]} : vector<16xi32> to vector<1xi32>
      %squeeze3A_269 = vector.extract %slice3A_268[0] : i32 from vector<1xi32>
      %add3A_270 = arith.constant 4 : i32
      %add3A_271 = arith.addi %mul3A_116, %add3A_270 : i32
      %dma_start3A_272 = arith.constant 0 : i32
      %dma_start3A_273 = tpu.memref_slice %arg15[%add3A_271, %dma_start3A_272] : memref<128x64xf32, #tpu.memory_space<vmem>> -> memref<1x64xf32, #tpu.memory_space<vmem>>
      %dma_start3A_274 = tpu.memref_squeeze %dma_start3A_273 : memref<1x64xf32, #tpu.memory_space<vmem>> -> memref<64xf32, #tpu.memory_space<vmem>>
      %dma_start3A_275 = arith.constant 0 : i32
      %dma_start3A_276 = tpu.memref_slice %arg5[%squeeze3A_269, %dma_start3A_275] : memref<100000x64xf32, #tpu.memory_space<hbm>> -> memref<1x64xf32, #tpu.memory_space<hbm>>
      %dma_start3A_277 = tpu.memref_squeeze %dma_start3A_276 : memref<1x64xf32, #tpu.memory_space<hbm>> -> memref<64xf32, #tpu.memory_space<hbm>>
      %dma_start3A_278 = arith.constant 0 : i32
      %dma_start3A_279 = tpu.memref_slice %arg15[%add3A_271, %dma_start3A_278] : memref<128x64xf32, #tpu.memory_space<vmem>> -> memref<1x64xf32, #tpu.memory_space<vmem>>
      %dma_start3A_280 = tpu.memref_squeeze %dma_start3A_279 : memref<1x64xf32, #tpu.memory_space<vmem>> -> memref<64xf32, #tpu.memory_space<vmem>>
      %dma_start3A_281 = arith.constant 0 : i32
      %dma_start3A_282 = tpu.memref_slice %arg5[%squeeze3A_269, %dma_start3A_281] : memref<100000x64xf32, #tpu.memory_space<hbm>> -> memref<1x64xf32, #tpu.memory_space<hbm>>
      %dma_start3A_283 = tpu.memref_squeeze %dma_start3A_282 : memref<1x64xf32, #tpu.memory_space<hbm>> -> memref<64xf32, #tpu.memory_space<hbm>>
      tpu.enqueue_dma source(%dma_start3A_283 : memref<64xf32, #tpu.memory_space<hbm>>) target(%dma_start3A_280 : memref<64xf32, #tpu.memory_space<vmem>>) target_semaphore(%arg21 : memref<!tpu.dma_semaphore, #tpu.memory_space<semaphore_mem>>)
      %slice3A_284 = vector.extract_strided_slice %get3A_120 {offsets = [5], sizes = [1], strides = [1]} : vector<16xi32> to vector<1xi32>
      %squeeze3A_285 = vector.extract %slice3A_284[0] : i32 from vector<1xi32>
      %add3A_286 = arith.constant 5 : i32
      %add3A_287 = arith.addi %mul3A_116, %add3A_286 : i32
      %dma_start3A_288 = arith.constant 0 : i32
      %dma_start3A_289 = tpu.memref_slice %arg14[%add3A_287, %dma_start3A_288] : memref<128x64xf32, #tpu.memory_space<vmem>> -> memref<1x64xf32, #tpu.memory_space<vmem>>
      %dma_start3A_290 = tpu.memref_squeeze %dma_start3A_289 : memref<1x64xf32, #tpu.memory_space<vmem>> -> memref<64xf32, #tpu.memory_space<vmem>>
      %dma_start3A_291 = arith.constant 0 : i32
      %dma_start3A_292 = tpu.memref_slice %arg4[%squeeze3A_285, %dma_start3A_291] : memref<100000x64xf32, #tpu.memory_space<hbm>> -> memref<1x64xf32, #tpu.memory_space<hbm>>
      %dma_start3A_293 = tpu.memref_squeeze %dma_start3A_292 : memref<1x64xf32, #tpu.memory_space<hbm>> -> memref<64xf32, #tpu.memory_space<hbm>>
      %dma_start3A_294 = arith.constant 0 : i32
      %dma_start3A_295 = tpu.memref_slice %arg14[%add3A_287, %dma_start3A_294] : memref<128x64xf32, #tpu.memory_space<vmem>> -> memref<1x64xf32, #tpu.memory_space<vmem>>
      %dma_start3A_296 = tpu.memref_squeeze %dma_start3A_295 : memref<1x64xf32, #tpu.memory_space<vmem>> -> memref<64xf32, #tpu.memory_space<vmem>>
      %dma_start3A_297 = arith.constant 0 : i32
      %dma_start3A_298 = tpu.memref_slice %arg4[%squeeze3A_285, %dma_start3A_297] : memref<100000x64xf32, #tpu.memory_space<hbm>> -> memref<1x64xf32, #tpu.memory_space<hbm>>
      %dma_start3A_299 = tpu.memref_squeeze %dma_start3A_298 : memref<1x64xf32, #tpu.memory_space<hbm>> -> memref<64xf32, #tpu.memory_space<hbm>>
      tpu.enqueue_dma source(%dma_start3A_299 : memref<64xf32, #tpu.memory_space<hbm>>) target(%dma_start3A_296 : memref<64xf32, #tpu.memory_space<vmem>>) target_semaphore(%arg21 : memref<!tpu.dma_semaphore, #tpu.memory_space<semaphore_mem>>)
      %slice3A_300 = vector.extract_strided_slice %get3A_125 {offsets = [5], sizes = [1], strides = [1]} : vector<16xi32> to vector<1xi32>
      %squeeze3A_301 = vector.extract %slice3A_300[0] : i32 from vector<1xi32>
      %add3A_302 = arith.constant 5 : i32
      %add3A_303 = arith.addi %mul3A_116, %add3A_302 : i32
      %dma_start3A_304 = arith.constant 0 : i32
      %dma_start3A_305 = tpu.memref_slice %arg15[%add3A_303, %dma_start3A_304] : memref<128x64xf32, #tpu.memory_space<vmem>> -> memref<1x64xf32, #tpu.memory_space<vmem>>
      %dma_start3A_306 = tpu.memref_squeeze %dma_start3A_305 : memref<1x64xf32, #tpu.memory_space<vmem>> -> memref<64xf32, #tpu.memory_space<vmem>>
      %dma_start3A_307 = arith.constant 0 : i32
      %dma_start3A_308 = tpu.memref_slice %arg5[%squeeze3A_301, %dma_start3A_307] : memref<100000x64xf32, #tpu.memory_space<hbm>> -> memref<1x64xf32, #tpu.memory_space<hbm>>
      %dma_start3A_309 = tpu.memref_squeeze %dma_start3A_308 : memref<1x64xf32, #tpu.memory_space<hbm>> -> memref<64xf32, #tpu.memory_space<hbm>>
      %dma_start3A_310 = arith.constant 0 : i32
      %dma_start3A_311 = tpu.memref_slice %arg15[%add3A_303, %dma_start3A_310] : memref<128x64xf32, #tpu.memory_space<vmem>> -> memref<1x64xf32, #tpu.memory_space<vmem>>
      %dma_start3A_312 = tpu.memref_squeeze %dma_start3A_311 : memref<1x64xf32, #tpu.memory_space<vmem>> -> memref<64xf32, #tpu.memory_space<vmem>>
      %dma_start3A_313 = arith.constant 0 : i32
      %dma_start3A_314 = tpu.memref_slice %arg5[%squeeze3A_301, %dma_start3A_313] : memref<100000x64xf32, #tpu.memory_space<hbm>> -> memref<1x64xf32, #tpu.memory_space<hbm>>
      %dma_start3A_315 = tpu.memref_squeeze %dma_start3A_314 : memref<1x64xf32, #tpu.memory_space<hbm>> -> memref<64xf32, #tpu.memory_space<hbm>>
      tpu.enqueue_dma source(%dma_start3A_315 : memref<64xf32, #tpu.memory_space<hbm>>) target(%dma_start3A_312 : memref<64xf32, #tpu.memory_space<vmem>>) target_semaphore(%arg21 : memref<!tpu.dma_semaphore, #tpu.memory_space<semaphore_mem>>)
      %slice3A_316 = vector.extract_strided_slice %get3A_120 {offsets = [6], sizes = [1], strides = [1]} : vector<16xi32> to vector<1xi32>
      %squeeze3A_317 = vector.extract %slice3A_316[0] : i32 from vector<1xi32>
      %add3A_318 = arith.constant 6 : i32
      %add3A_319 = arith.addi %mul3A_116, %add3A_318 : i32
      %dma_start3A_320 = arith.constant 0 : i32
      %dma_start3A_321 = tpu.memref_slice %arg14[%add3A_319, %dma_start3A_320] : memref<128x64xf32, #tpu.memory_space<vmem>> -> memref<1x64xf32, #tpu.memory_space<vmem>>
      %dma_start3A_322 = tpu.memref_squeeze %dma_start3A_321 : memref<1x64xf32, #tpu.memory_space<vmem>> -> memref<64xf32, #tpu.memory_space<vmem>>
      %dma_start3A_323 = arith.constant 0 : i32
      %dma_start3A_324 = tpu.memref_slice %arg4[%squeeze3A_317, %dma_start3A_323] : memref<100000x64xf32, #tpu.memory_space<hbm>> -> memref<1x64xf32, #tpu.memory_space<hbm>>
      %dma_start3A_325 = tpu.memref_squeeze %dma_start3A_324 : memref<1x64xf32, #tpu.memory_space<hbm>> -> memref<64xf32, #tpu.memory_space<hbm>>
      %dma_start3A_326 = arith.constant 0 : i32
      %dma_start3A_327 = tpu.memref_slice %arg14[%add3A_319, %dma_start3A_326] : memref<128x64xf32, #tpu.memory_space<vmem>> -> memref<1x64xf32, #tpu.memory_space<vmem>>
      %dma_start3A_328 = tpu.memref_squeeze %dma_start3A_327 : memref<1x64xf32, #tpu.memory_space<vmem>> -> memref<64xf32, #tpu.memory_space<vmem>>
      %dma_start3A_329 = arith.constant 0 : i32
      %dma_start3A_330 = tpu.memref_slice %arg4[%squeeze3A_317, %dma_start3A_329] : memref<100000x64xf32, #tpu.memory_space<hbm>> -> memref<1x64xf32, #tpu.memory_space<hbm>>
      %dma_start3A_331 = tpu.memref_squeeze %dma_start3A_330 : memref<1x64xf32, #tpu.memory_space<hbm>> -> memref<64xf32, #tpu.memory_space<hbm>>
      tpu.enqueue_dma source(%dma_start3A_331 : memref<64xf32, #tpu.memory_space<hbm>>) target(%dma_start3A_328 : memref<64xf32, #tpu.memory_space<vmem>>) target_semaphore(%arg21 : memref<!tpu.dma_semaphore, #tpu.memory_space<semaphore_mem>>)
      %slice3A_332 = vector.extract_strided_slice %get3A_125 {offsets = [6], sizes = [1], strides = [1]} : vector<16xi32> to vector<1xi32>
      %squeeze3A_333 = vector.extract %slice3A_332[0] : i32 from vector<1xi32>
      %add3A_334 = arith.constant 6 : i32
      %add3A_335 = arith.addi %mul3A_116, %add3A_334 : i32
      %dma_start3A_336 = arith.constant 0 : i32
      %dma_start3A_337 = tpu.memref_slice %arg15[%add3A_335, %dma_start3A_336] : memref<128x64xf32, #tpu.memory_space<vmem>> -> memref<1x64xf32, #tpu.memory_space<vmem>>
      %dma_start3A_338 = tpu.memref_squeeze %dma_start3A_337 : memref<1x64xf32, #tpu.memory_space<vmem>> -> memref<64xf32, #tpu.memory_space<vmem>>
      %dma_start3A_339 = arith.constant 0 : i32
      %dma_start3A_340 = tpu.memref_slice %arg5[%squeeze3A_333, %dma_start3A_339] : memref<100000x64xf32, #tpu.memory_space<hbm>> -> memref<1x64xf32, #tpu.memory_space<hbm>>
      %dma_start3A_341 = tpu.memref_squeeze %dma_start3A_340 : memref<1x64xf32, #tpu.memory_space<hbm>> -> memref<64xf32, #tpu.memory_space<hbm>>
      %dma_start3A_342 = arith.constant 0 : i32
      %dma_start3A_343 = tpu.memref_slice %arg15[%add3A_335, %dma_start3A_342] : memref<128x64xf32, #tpu.memory_space<vmem>> -> memref<1x64xf32, #tpu.memory_space<vmem>>
      %dma_start3A_344 = tpu.memref_squeeze %dma_start3A_343 : memref<1x64xf32, #tpu.memory_space<vmem>> -> memref<64xf32, #tpu.memory_space<vmem>>
      %dma_start3A_345 = arith.constant 0 : i32
      %dma_start3A_346 = tpu.memref_slice %arg5[%squeeze3A_333, %dma_start3A_345] : memref<100000x64xf32, #tpu.memory_space<hbm>> -> memref<1x64xf32, #tpu.memory_space<hbm>>
      %dma_start3A_347 = tpu.memref_squeeze %dma_start3A_346 : memref<1x64xf32, #tpu.memory_space<hbm>> -> memref<64xf32, #tpu.memory_space<hbm>>
      tpu.enqueue_dma source(%dma_start3A_347 : memref<64xf32, #tpu.memory_space<hbm>>) target(%dma_start3A_344 : memref<64xf32, #tpu.memory_space<vmem>>) target_semaphore(%arg21 : memref<!tpu.dma_semaphore, #tpu.memory_space<semaphore_mem>>)
      %slice3A_348 = vector.extract_strided_slice %get3A_120 {offsets = [7], sizes = [1], strides = [1]} : vector<16xi32> to vector<1xi32>
      %squeeze3A_349 = vector.extract %slice3A_348[0] : i32 from vector<1xi32>
      %add3A_350 = arith.constant 7 : i32
      %add3A_351 = arith.addi %mul3A_116, %add3A_350 : i32
      %dma_start3A_352 = arith.constant 0 : i32
      %dma_start3A_353 = tpu.memref_slice %arg14[%add3A_351, %dma_start3A_352] : memref<128x64xf32, #tpu.memory_space<vmem>> -> memref<1x64xf32, #tpu.memory_space<vmem>>
      %dma_start3A_354 = tpu.memref_squeeze %dma_start3A_353 : memref<1x64xf32, #tpu.memory_space<vmem>> -> memref<64xf32, #tpu.memory_space<vmem>>
      %dma_start3A_355 = arith.constant 0 : i32
      %dma_start3A_356 = tpu.memref_slice %arg4[%squeeze3A_349, %dma_start3A_355] : memref<100000x64xf32, #tpu.memory_space<hbm>> -> memref<1x64xf32, #tpu.memory_space<hbm>>
      %dma_start3A_357 = tpu.memref_squeeze %dma_start3A_356 : memref<1x64xf32, #tpu.memory_space<hbm>> -> memref<64xf32, #tpu.memory_space<hbm>>
      %dma_start3A_358 = arith.constant 0 : i32
      %dma_start3A_359 = tpu.memref_slice %arg14[%add3A_351, %dma_start3A_358] : memref<128x64xf32, #tpu.memory_space<vmem>> -> memref<1x64xf32, #tpu.memory_space<vmem>>
      %dma_start3A_360 = tpu.memref_squeeze %dma_start3A_359 : memref<1x64xf32, #tpu.memory_space<vmem>> -> memref<64xf32, #tpu.memory_space<vmem>>
      %dma_start3A_361 = arith.constant 0 : i32
      %dma_start3A_362 = tpu.memref_slice %arg4[%squeeze3A_349, %dma_start3A_361] : memref<100000x64xf32, #tpu.memory_space<hbm>> -> memref<1x64xf32, #tpu.memory_space<hbm>>
      %dma_start3A_363 = tpu.memref_squeeze %dma_start3A_362 : memref<1x64xf32, #tpu.memory_space<hbm>> -> memref<64xf32, #tpu.memory_space<hbm>>
      tpu.enqueue_dma source(%dma_start3A_363 : memref<64xf32, #tpu.memory_space<hbm>>) target(%dma_start3A_360 : memref<64xf32, #tpu.memory_space<vmem>>) target_semaphore(%arg21 : memref<!tpu.dma_semaphore, #tpu.memory_space<semaphore_mem>>)
      %slice3A_364 = vector.extract_strided_slice %get3A_125 {offsets = [7], sizes = [1], strides = [1]} : vector<16xi32> to vector<1xi32>
      %squeeze3A_365 = vector.extract %slice3A_364[0] : i32 from vector<1xi32>
      %add3A_366 = arith.constant 7 : i32
      %add3A_367 = arith.addi %mul3A_116, %add3A_366 : i32
      %dma_start3A_368 = arith.constant 0 : i32
      %dma_start3A_369 = tpu.memref_slice %arg15[%add3A_367, %dma_start3A_368] : memref<128x64xf32, #tpu.memory_space<vmem>> -> memref<1x64xf32, #tpu.memory_space<vmem>>
      %dma_start3A_370 = tpu.memref_squeeze %dma_start3A_369 : memref<1x64xf32, #tpu.memory_space<vmem>> -> memref<64xf32, #tpu.memory_space<vmem>>
      %dma_start3A_371 = arith.constant 0 : i32
      %dma_start3A_372 = tpu.memref_slice %arg5[%squeeze3A_365, %dma_start3A_371] : memref<100000x64xf32, #tpu.memory_space<hbm>> -> memref<1x64xf32, #tpu.memory_space<hbm>>
      %dma_start3A_373 = tpu.memref_squeeze %dma_start3A_372 : memref<1x64xf32, #tpu.memory_space<hbm>> -> memref<64xf32, #tpu.memory_space<hbm>>
      %dma_start3A_374 = arith.constant 0 : i32
      %dma_start3A_375 = tpu.memref_slice %arg15[%add3A_367, %dma_start3A_374] : memref<128x64xf32, #tpu.memory_space<vmem>> -> memref<1x64xf32, #tpu.memory_space<vmem>>
      %dma_start3A_376 = tpu.memref_squeeze %dma_start3A_375 : memref<1x64xf32, #tpu.memory_space<vmem>> -> memref<64xf32, #tpu.memory_space<vmem>>
      %dma_start3A_377 = arith.constant 0 : i32
      %dma_start3A_378 = tpu.memref_slice %arg5[%squeeze3A_365, %dma_start3A_377] : memref<100000x64xf32, #tpu.memory_space<hbm>> -> memref<1x64xf32, #tpu.memory_space<hbm>>
      %dma_start3A_379 = tpu.memref_squeeze %dma_start3A_378 : memref<1x64xf32, #tpu.memory_space<hbm>> -> memref<64xf32, #tpu.memory_space<hbm>>
      tpu.enqueue_dma source(%dma_start3A_379 : memref<64xf32, #tpu.memory_space<hbm>>) target(%dma_start3A_376 : memref<64xf32, #tpu.memory_space<vmem>>) target_semaphore(%arg21 : memref<!tpu.dma_semaphore, #tpu.memory_space<semaphore_mem>>)
      %slice3A_380 = vector.extract_strided_slice %get3A_120 {offsets = [8], sizes = [1], strides = [1]} : vector<16xi32> to vector<1xi32>
      %squeeze3A_381 = vector.extract %slice3A_380[0] : i32 from vector<1xi32>
      %add3A_382 = arith.constant 8 : i32
      %add3A_383 = arith.addi %mul3A_116, %add3A_382 : i32
      %dma_start3A_384 = arith.constant 0 : i32
      %dma_start3A_385 = tpu.memref_slice %arg14[%add3A_383, %dma_start3A_384] : memref<128x64xf32, #tpu.memory_space<vmem>> -> memref<1x64xf32, #tpu.memory_space<vmem>>
      %dma_start3A_386 = tpu.memref_squeeze %dma_start3A_385 : memref<1x64xf32, #tpu.memory_space<vmem>> -> memref<64xf32, #tpu.memory_space<vmem>>
      %dma_start3A_387 = arith.constant 0 : i32
      %dma_start3A_388 = tpu.memref_slice %arg4[%squeeze3A_381, %dma_start3A_387] : memref<100000x64xf32, #tpu.memory_space<hbm>> -> memref<1x64xf32, #tpu.memory_space<hbm>>
      %dma_start3A_389 = tpu.memref_squeeze %dma_start3A_388 : memref<1x64xf32, #tpu.memory_space<hbm>> -> memref<64xf32, #tpu.memory_space<hbm>>
      %dma_start3A_390 = arith.constant 0 : i32
      %dma_start3A_391 = tpu.memref_slice %arg14[%add3A_383, %dma_start3A_390] : memref<128x64xf32, #tpu.memory_space<vmem>> -> memref<1x64xf32, #tpu.memory_space<vmem>>
      %dma_start3A_392 = tpu.memref_squeeze %dma_start3A_391 : memref<1x64xf32, #tpu.memory_space<vmem>> -> memref<64xf32, #tpu.memory_space<vmem>>
      %dma_start3A_393 = arith.constant 0 : i32
      %dma_start3A_394 = tpu.memref_slice %arg4[%squeeze3A_381, %dma_start3A_393] : memref<100000x64xf32, #tpu.memory_space<hbm>> -> memref<1x64xf32, #tpu.memory_space<hbm>>
      %dma_start3A_395 = tpu.memref_squeeze %dma_start3A_394 : memref<1x64xf32, #tpu.memory_space<hbm>> -> memref<64xf32, #tpu.memory_space<hbm>>
      tpu.enqueue_dma source(%dma_start3A_395 : memref<64xf32, #tpu.memory_space<hbm>>) target(%dma_start3A_392 : memref<64xf32, #tpu.memory_space<vmem>>) target_semaphore(%arg21 : memref<!tpu.dma_semaphore, #tpu.memory_space<semaphore_mem>>)
      %slice3A_396 = vector.extract_strided_slice %get3A_125 {offsets = [8], sizes = [1], strides = [1]} : vector<16xi32> to vector<1xi32>
      %squeeze3A_397 = vector.extract %slice3A_396[0] : i32 from vector<1xi32>
      %add3A_398 = arith.constant 8 : i32
      %add3A_399 = arith.addi %mul3A_116, %add3A_398 : i32
      %dma_start3A_400 = arith.constant 0 : i32
      %dma_start3A_401 = tpu.memref_slice %arg15[%add3A_399, %dma_start3A_400] : memref<128x64xf32, #tpu.memory_space<vmem>> -> memref<1x64xf32, #tpu.memory_space<vmem>>
      %dma_start3A_402 = tpu.memref_squeeze %dma_start3A_401 : memref<1x64xf32, #tpu.memory_space<vmem>> -> memref<64xf32, #tpu.memory_space<vmem>>
      %dma_start3A_403 = arith.constant 0 : i32
      %dma_start3A_404 = tpu.memref_slice %arg5[%squeeze3A_397, %dma_start3A_403] : memref<100000x64xf32, #tpu.memory_space<hbm>> -> memref<1x64xf32, #tpu.memory_space<hbm>>
      %dma_start3A_405 = tpu.memref_squeeze %dma_start3A_404 : memref<1x64xf32, #tpu.memory_space<hbm>> -> memref<64xf32, #tpu.memory_space<hbm>>
      %dma_start3A_406 = arith.constant 0 : i32
      %dma_start3A_407 = tpu.memref_slice %arg15[%add3A_399, %dma_start3A_406] : memref<128x64xf32, #tpu.memory_space<vmem>> -> memref<1x64xf32, #tpu.memory_space<vmem>>
      %dma_start3A_408 = tpu.memref_squeeze %dma_start3A_407 : memref<1x64xf32, #tpu.memory_space<vmem>> -> memref<64xf32, #tpu.memory_space<vmem>>
      %dma_start3A_409 = arith.constant 0 : i32
      %dma_start3A_410 = tpu.memref_slice %arg5[%squeeze3A_397, %dma_start3A_409] : memref<100000x64xf32, #tpu.memory_space<hbm>> -> memref<1x64xf32, #tpu.memory_space<hbm>>
      %dma_start3A_411 = tpu.memref_squeeze %dma_start3A_410 : memref<1x64xf32, #tpu.memory_space<hbm>> -> memref<64xf32, #tpu.memory_space<hbm>>
      tpu.enqueue_dma source(%dma_start3A_411 : memref<64xf32, #tpu.memory_space<hbm>>) target(%dma_start3A_408 : memref<64xf32, #tpu.memory_space<vmem>>) target_semaphore(%arg21 : memref<!tpu.dma_semaphore, #tpu.memory_space<semaphore_mem>>)
      %slice3A_412 = vector.extract_strided_slice %get3A_120 {offsets = [9], sizes = [1], strides = [1]} : vector<16xi32> to vector<1xi32>
      %squeeze3A_413 = vector.extract %slice3A_412[0] : i32 from vector<1xi32>
      %add3A_414 = arith.constant 9 : i32
      %add3A_415 = arith.addi %mul3A_116, %add3A_414 : i32
      %dma_start3A_416 = arith.constant 0 : i32
      %dma_start3A_417 = tpu.memref_slice %arg14[%add3A_415, %dma_start3A_416] : memref<128x64xf32, #tpu.memory_space<vmem>> -> memref<1x64xf32, #tpu.memory_space<vmem>>
      %dma_start3A_418 = tpu.memref_squeeze %dma_start3A_417 : memref<1x64xf32, #tpu.memory_space<vmem>> -> memref<64xf32, #tpu.memory_space<vmem>>
      %dma_start3A_419 = arith.constant 0 : i32
      %dma_start3A_420 = tpu.memref_slice %arg4[%squeeze3A_413, %dma_start3A_419] : memref<100000x64xf32, #tpu.memory_space<hbm>> -> memref<1x64xf32, #tpu.memory_space<hbm>>
      %dma_start3A_421 = tpu.memref_squeeze %dma_start3A_420 : memref<1x64xf32, #tpu.memory_space<hbm>> -> memref<64xf32, #tpu.memory_space<hbm>>
      %dma_start3A_422 = arith.constant 0 : i32
      %dma_start3A_423 = tpu.memref_slice %arg14[%add3A_415, %dma_start3A_422] : memref<128x64xf32, #tpu.memory_space<vmem>> -> memref<1x64xf32, #tpu.memory_space<vmem>>
      %dma_start3A_424 = tpu.memref_squeeze %dma_start3A_423 : memref<1x64xf32, #tpu.memory_space<vmem>> -> memref<64xf32, #tpu.memory_space<vmem>>
      %dma_start3A_425 = arith.constant 0 : i32
      %dma_start3A_426 = tpu.memref_slice %arg4[%squeeze3A_413, %dma_start3A_425] : memref<100000x64xf32, #tpu.memory_space<hbm>> -> memref<1x64xf32, #tpu.memory_space<hbm>>
      %dma_start3A_427 = tpu.memref_squeeze %dma_start3A_426 : memref<1x64xf32, #tpu.memory_space<hbm>> -> memref<64xf32, #tpu.memory_space<hbm>>
      tpu.enqueue_dma source(%dma_start3A_427 : memref<64xf32, #tpu.memory_space<hbm>>) target(%dma_start3A_424 : memref<64xf32, #tpu.memory_space<vmem>>) target_semaphore(%arg21 : memref<!tpu.dma_semaphore, #tpu.memory_space<semaphore_mem>>)
      %slice3A_428 = vector.extract_strided_slice %get3A_125 {offsets = [9], sizes = [1], strides = [1]} : vector<16xi32> to vector<1xi32>
      %squeeze3A_429 = vector.extract %slice3A_428[0] : i32 from vector<1xi32>
      %add3A_430 = arith.constant 9 : i32
      %add3A_431 = arith.addi %mul3A_116, %add3A_430 : i32
      %dma_start3A_432 = arith.constant 0 : i32
      %dma_start3A_433 = tpu.memref_slice %arg15[%add3A_431, %dma_start3A_432] : memref<128x64xf32, #tpu.memory_space<vmem>> -> memref<1x64xf32, #tpu.memory_space<vmem>>
      %dma_start3A_434 = tpu.memref_squeeze %dma_start3A_433 : memref<1x64xf32, #tpu.memory_space<vmem>> -> memref<64xf32, #tpu.memory_space<vmem>>
      %dma_start3A_435 = arith.constant 0 : i32
      %dma_start3A_436 = tpu.memref_slice %arg5[%squeeze3A_429, %dma_start3A_435] : memref<100000x64xf32, #tpu.memory_space<hbm>> -> memref<1x64xf32, #tpu.memory_space<hbm>>
      %dma_start3A_437 = tpu.memref_squeeze %dma_start3A_436 : memref<1x64xf32, #tpu.memory_space<hbm>> -> memref<64xf32, #tpu.memory_space<hbm>>
      %dma_start3A_438 = arith.constant 0 : i32
      %dma_start3A_439 = tpu.memref_slice %arg15[%add3A_431, %dma_start3A_438] : memref<128x64xf32, #tpu.memory_space<vmem>> -> memref<1x64xf32, #tpu.memory_space<vmem>>
      %dma_start3A_440 = tpu.memref_squeeze %dma_start3A_439 : memref<1x64xf32, #tpu.memory_space<vmem>> -> memref<64xf32, #tpu.memory_space<vmem>>
      %dma_start3A_441 = arith.constant 0 : i32
      %dma_start3A_442 = tpu.memref_slice %arg5[%squeeze3A_429, %dma_start3A_441] : memref<100000x64xf32, #tpu.memory_space<hbm>> -> memref<1x64xf32, #tpu.memory_space<hbm>>
      %dma_start3A_443 = tpu.memref_squeeze %dma_start3A_442 : memref<1x64xf32, #tpu.memory_space<hbm>> -> memref<64xf32, #tpu.memory_space<hbm>>
      tpu.enqueue_dma source(%dma_start3A_443 : memref<64xf32, #tpu.memory_space<hbm>>) target(%dma_start3A_440 : memref<64xf32, #tpu.memory_space<vmem>>) target_semaphore(%arg21 : memref<!tpu.dma_semaphore, #tpu.memory_space<semaphore_mem>>)
      %slice3A_444 = vector.extract_strided_slice %get3A_120 {offsets = [10], sizes = [1], strides = [1]} : vector<16xi32> to vector<1xi32>
      %squeeze3A_445 = vector.extract %slice3A_444[0] : i32 from vector<1xi32>
      %add3A_446 = arith.constant 10 : i32
      %add3A_447 = arith.addi %mul3A_116, %add3A_446 : i32
      %dma_start3A_448 = arith.constant 0 : i32
      %dma_start3A_449 = tpu.memref_slice %arg14[%add3A_447, %dma_start3A_448] : memref<128x64xf32, #tpu.memory_space<vmem>> -> memref<1x64xf32, #tpu.memory_space<vmem>>
      %dma_start3A_450 = tpu.memref_squeeze %dma_start3A_449 : memref<1x64xf32, #tpu.memory_space<vmem>> -> memref<64xf32, #tpu.memory_space<vmem>>
      %dma_start3A_451 = arith.constant 0 : i32
      %dma_start3A_452 = tpu.memref_slice %arg4[%squeeze3A_445, %dma_start3A_451] : memref<100000x64xf32, #tpu.memory_space<hbm>> -> memref<1x64xf32, #tpu.memory_space<hbm>>
      %dma_start3A_453 = tpu.memref_squeeze %dma_start3A_452 : memref<1x64xf32, #tpu.memory_space<hbm>> -> memref<64xf32, #tpu.memory_space<hbm>>
      %dma_start3A_454 = arith.constant 0 : i32
      %dma_start3A_455 = tpu.memref_slice %arg14[%add3A_447, %dma_start3A_454] : memref<128x64xf32, #tpu.memory_space<vmem>> -> memref<1x64xf32, #tpu.memory_space<vmem>>
      %dma_start3A_456 = tpu.memref_squeeze %dma_start3A_455 : memref<1x64xf32, #tpu.memory_space<vmem>> -> memref<64xf32, #tpu.memory_space<vmem>>
      %dma_start3A_457 = arith.constant 0 : i32
      %dma_start3A_458 = tpu.memref_slice %arg4[%squeeze3A_445, %dma_start3A_457] : memref<100000x64xf32, #tpu.memory_space<hbm>> -> memref<1x64xf32, #tpu.memory_space<hbm>>
      %dma_start3A_459 = tpu.memref_squeeze %dma_start3A_458 : memref<1x64xf32, #tpu.memory_space<hbm>> -> memref<64xf32, #tpu.memory_space<hbm>>
      tpu.enqueue_dma source(%dma_start3A_459 : memref<64xf32, #tpu.memory_space<hbm>>) target(%dma_start3A_456 : memref<64xf32, #tpu.memory_space<vmem>>) target_semaphore(%arg21 : memref<!tpu.dma_semaphore, #tpu.memory_space<semaphore_mem>>)
      %slice3A_460 = vector.extract_strided_slice %get3A_125 {offsets = [10], sizes = [1], strides = [1]} : vector<16xi32> to vector<1xi32>
      %squeeze3A_461 = vector.extract %slice3A_460[0] : i32 from vector<1xi32>
      %add3A_462 = arith.constant 10 : i32
      %add3A_463 = arith.addi %mul3A_116, %add3A_462 : i32
      %dma_start3A_464 = arith.constant 0 : i32
      %dma_start3A_465 = tpu.memref_slice %arg15[%add3A_463, %dma_start3A_464] : memref<128x64xf32, #tpu.memory_space<vmem>> -> memref<1x64xf32, #tpu.memory_space<vmem>>
      %dma_start3A_466 = tpu.memref_squeeze %dma_start3A_465 : memref<1x64xf32, #tpu.memory_space<vmem>> -> memref<64xf32, #tpu.memory_space<vmem>>
      %dma_start3A_467 = arith.constant 0 : i32
      %dma_start3A_468 = tpu.memref_slice %arg5[%squeeze3A_461, %dma_start3A_467] : memref<100000x64xf32, #tpu.memory_space<hbm>> -> memref<1x64xf32, #tpu.memory_space<hbm>>
      %dma_start3A_469 = tpu.memref_squeeze %dma_start3A_468 : memref<1x64xf32, #tpu.memory_space<hbm>> -> memref<64xf32, #tpu.memory_space<hbm>>
      %dma_start3A_470 = arith.constant 0 : i32
      %dma_start3A_471 = tpu.memref_slice %arg15[%add3A_463, %dma_start3A_470] : memref<128x64xf32, #tpu.memory_space<vmem>> -> memref<1x64xf32, #tpu.memory_space<vmem>>
      %dma_start3A_472 = tpu.memref_squeeze %dma_start3A_471 : memref<1x64xf32, #tpu.memory_space<vmem>> -> memref<64xf32, #tpu.memory_space<vmem>>
      %dma_start3A_473 = arith.constant 0 : i32
      %dma_start3A_474 = tpu.memref_slice %arg5[%squeeze3A_461, %dma_start3A_473] : memref<100000x64xf32, #tpu.memory_space<hbm>> -> memref<1x64xf32, #tpu.memory_space<hbm>>
      %dma_start3A_475 = tpu.memref_squeeze %dma_start3A_474 : memref<1x64xf32, #tpu.memory_space<hbm>> -> memref<64xf32, #tpu.memory_space<hbm>>
      tpu.enqueue_dma source(%dma_start3A_475 : memref<64xf32, #tpu.memory_space<hbm>>) target(%dma_start3A_472 : memref<64xf32, #tpu.memory_space<vmem>>) target_semaphore(%arg21 : memref<!tpu.dma_semaphore, #tpu.memory_space<semaphore_mem>>)
      %slice3A_476 = vector.extract_strided_slice %get3A_120 {offsets = [11], sizes = [1], strides = [1]} : vector<16xi32> to vector<1xi32>
      %squeeze3A_477 = vector.extract %slice3A_476[0] : i32 from vector<1xi32>
      %add3A_478 = arith.constant 11 : i32
      %add3A_479 = arith.addi %mul3A_116, %add3A_478 : i32
      %dma_start3A_480 = arith.constant 0 : i32
      %dma_start3A_481 = tpu.memref_slice %arg14[%add3A_479, %dma_start3A_480] : memref<128x64xf32, #tpu.memory_space<vmem>> -> memref<1x64xf32, #tpu.memory_space<vmem>>
      %dma_start3A_482 = tpu.memref_squeeze %dma_start3A_481 : memref<1x64xf32, #tpu.memory_space<vmem>> -> memref<64xf32, #tpu.memory_space<vmem>>
      %dma_start3A_483 = arith.constant 0 : i32
      %dma_start3A_484 = tpu.memref_slice %arg4[%squeeze3A_477, %dma_start3A_483] : memref<100000x64xf32, #tpu.memory_space<hbm>> -> memref<1x64xf32, #tpu.memory_space<hbm>>
      %dma_start3A_485 = tpu.memref_squeeze %dma_start3A_484 : memref<1x64xf32, #tpu.memory_space<hbm>> -> memref<64xf32, #tpu.memory_space<hbm>>
      %dma_start3A_486 = arith.constant 0 : i32
      %dma_start3A_487 = tpu.memref_slice %arg14[%add3A_479, %dma_start3A_486] : memref<128x64xf32, #tpu.memory_space<vmem>> -> memref<1x64xf32, #tpu.memory_space<vmem>>
      %dma_start3A_488 = tpu.memref_squeeze %dma_start3A_487 : memref<1x64xf32, #tpu.memory_space<vmem>> -> memref<64xf32, #tpu.memory_space<vmem>>
      %dma_start3A_489 = arith.constant 0 : i32
      %dma_start3A_490 = tpu.memref_slice %arg4[%squeeze3A_477, %dma_start3A_489] : memref<100000x64xf32, #tpu.memory_space<hbm>> -> memref<1x64xf32, #tpu.memory_space<hbm>>
      %dma_start3A_491 = tpu.memref_squeeze %dma_start3A_490 : memref<1x64xf32, #tpu.memory_space<hbm>> -> memref<64xf32, #tpu.memory_space<hbm>>
      tpu.enqueue_dma source(%dma_start3A_491 : memref<64xf32, #tpu.memory_space<hbm>>) target(%dma_start3A_488 : memref<64xf32, #tpu.memory_space<vmem>>) target_semaphore(%arg21 : memref<!tpu.dma_semaphore, #tpu.memory_space<semaphore_mem>>)
      %slice3A_492 = vector.extract_strided_slice %get3A_125 {offsets = [11], sizes = [1], strides = [1]} : vector<16xi32> to vector<1xi32>
      %squeeze3A_493 = vector.extract %slice3A_492[0] : i32 from vector<1xi32>
      %add3A_494 = arith.constant 11 : i32
      %add3A_495 = arith.addi %mul3A_116, %add3A_494 : i32
      %dma_start3A_496 = arith.constant 0 : i32
      %dma_start3A_497 = tpu.memref_slice %arg15[%add3A_495, %dma_start3A_496] : memref<128x64xf32, #tpu.memory_space<vmem>> -> memref<1x64xf32, #tpu.memory_space<vmem>>
      %dma_start3A_498 = tpu.memref_squeeze %dma_start3A_497 : memref<1x64xf32, #tpu.memory_space<vmem>> -> memref<64xf32, #tpu.memory_space<vmem>>
      %dma_start3A_499 = arith.constant 0 : i32
      %dma_start3A_500 = tpu.memref_slice %arg5[%squeeze3A_493, %dma_start3A_499] : memref<100000x64xf32, #tpu.memory_space<hbm>> -> memref<1x64xf32, #tpu.memory_space<hbm>>
      %dma_start3A_501 = tpu.memref_squeeze %dma_start3A_500 : memref<1x64xf32, #tpu.memory_space<hbm>> -> memref<64xf32, #tpu.memory_space<hbm>>
      %dma_start3A_502 = arith.constant 0 : i32
      %dma_start3A_503 = tpu.memref_slice %arg15[%add3A_495, %dma_start3A_502] : memref<128x64xf32, #tpu.memory_space<vmem>> -> memref<1x64xf32, #tpu.memory_space<vmem>>
      %dma_start3A_504 = tpu.memref_squeeze %dma_start3A_503 : memref<1x64xf32, #tpu.memory_space<vmem>> -> memref<64xf32, #tpu.memory_space<vmem>>
      %dma_start3A_505 = arith.constant 0 : i32
      %dma_start3A_506 = tpu.memref_slice %arg5[%squeeze3A_493, %dma_start3A_505] : memref<100000x64xf32, #tpu.memory_space<hbm>> -> memref<1x64xf32, #tpu.memory_space<hbm>>
      %dma_start3A_507 = tpu.memref_squeeze %dma_start3A_506 : memref<1x64xf32, #tpu.memory_space<hbm>> -> memref<64xf32, #tpu.memory_space<hbm>>
      tpu.enqueue_dma source(%dma_start3A_507 : memref<64xf32, #tpu.memory_space<hbm>>) target(%dma_start3A_504 : memref<64xf32, #tpu.memory_space<vmem>>) target_semaphore(%arg21 : memref<!tpu.dma_semaphore, #tpu.memory_space<semaphore_mem>>)
      %slice3A_508 = vector.extract_strided_slice %get3A_120 {offsets = [12], sizes = [1], strides = [1]} : vector<16xi32> to vector<1xi32>
      %squeeze3A_509 = vector.extract %slice3A_508[0] : i32 from vector<1xi32>
      %add3A_510 = arith.constant 12 : i32
      %add3A_511 = arith.addi %mul3A_116, %add3A_510 : i32
      %dma_start3A_512 = arith.constant 0 : i32
      %dma_start3A_513 = tpu.memref_slice %arg14[%add3A_511, %dma_start3A_512] : memref<128x64xf32, #tpu.memory_space<vmem>> -> memref<1x64xf32, #tpu.memory_space<vmem>>
      %dma_start3A_514 = tpu.memref_squeeze %dma_start3A_513 : memref<1x64xf32, #tpu.memory_space<vmem>> -> memref<64xf32, #tpu.memory_space<vmem>>
      %dma_start3A_515 = arith.constant 0 : i32
      %dma_start3A_516 = tpu.memref_slice %arg4[%squeeze3A_509, %dma_start3A_515] : memref<100000x64xf32, #tpu.memory_space<hbm>> -> memref<1x64xf32, #tpu.memory_space<hbm>>
      %dma_start3A_517 = tpu.memref_squeeze %dma_start3A_516 : memref<1x64xf32, #tpu.memory_space<hbm>> -> memref<64xf32, #tpu.memory_space<hbm>>
      %dma_start3A_518 = arith.constant 0 : i32
      %dma_start3A_519 = tpu.memref_slice %arg14[%add3A_511, %dma_start3A_518] : memref<128x64xf32, #tpu.memory_space<vmem>> -> memref<1x64xf32, #tpu.memory_space<vmem>>
      %dma_start3A_520 = tpu.memref_squeeze %dma_start3A_519 : memref<1x64xf32, #tpu.memory_space<vmem>> -> memref<64xf32, #tpu.memory_space<vmem>>
      %dma_start3A_521 = arith.constant 0 : i32
      %dma_start3A_522 = tpu.memref_slice %arg4[%squeeze3A_509, %dma_start3A_521] : memref<100000x64xf32, #tpu.memory_space<hbm>> -> memref<1x64xf32, #tpu.memory_space<hbm>>
      %dma_start3A_523 = tpu.memref_squeeze %dma_start3A_522 : memref<1x64xf32, #tpu.memory_space<hbm>> -> memref<64xf32, #tpu.memory_space<hbm>>
      tpu.enqueue_dma source(%dma_start3A_523 : memref<64xf32, #tpu.memory_space<hbm>>) target(%dma_start3A_520 : memref<64xf32, #tpu.memory_space<vmem>>) target_semaphore(%arg21 : memref<!tpu.dma_semaphore, #tpu.memory_space<semaphore_mem>>)
      %slice3A_524 = vector.extract_strided_slice %get3A_125 {offsets = [12], sizes = [1], strides = [1]} : vector<16xi32> to vector<1xi32>
      %squeeze3A_525 = vector.extract %slice3A_524[0] : i32 from vector<1xi32>
      %add3A_526 = arith.constant 12 : i32
      %add3A_527 = arith.addi %mul3A_116, %add3A_526 : i32
      %dma_start3A_528 = arith.constant 0 : i32
      %dma_start3A_529 = tpu.memref_slice %arg15[%add3A_527, %dma_start3A_528] : memref<128x64xf32, #tpu.memory_space<vmem>> -> memref<1x64xf32, #tpu.memory_space<vmem>>
      %dma_start3A_530 = tpu.memref_squeeze %dma_start3A_529 : memref<1x64xf32, #tpu.memory_space<vmem>> -> memref<64xf32, #tpu.memory_space<vmem>>
      %dma_start3A_531 = arith.constant 0 : i32
      %dma_start3A_532 = tpu.memref_slice %arg5[%squeeze3A_525, %dma_start3A_531] : memref<100000x64xf32, #tpu.memory_space<hbm>> -> memref<1x64xf32, #tpu.memory_space<hbm>>
      %dma_start3A_533 = tpu.memref_squeeze %dma_start3A_532 : memref<1x64xf32, #tpu.memory_space<hbm>> -> memref<64xf32, #tpu.memory_space<hbm>>
      %dma_start3A_534 = arith.constant 0 : i32
      %dma_start3A_535 = tpu.memref_slice %arg15[%add3A_527, %dma_start3A_534] : memref<128x64xf32, #tpu.memory_space<vmem>> -> memref<1x64xf32, #tpu.memory_space<vmem>>
      %dma_start3A_536 = tpu.memref_squeeze %dma_start3A_535 : memref<1x64xf32, #tpu.memory_space<vmem>> -> memref<64xf32, #tpu.memory_space<vmem>>
      %dma_start3A_537 = arith.constant 0 : i32
      %dma_start3A_538 = tpu.memref_slice %arg5[%squeeze3A_525, %dma_start3A_537] : memref<100000x64xf32, #tpu.memory_space<hbm>> -> memref<1x64xf32, #tpu.memory_space<hbm>>
      %dma_start3A_539 = tpu.memref_squeeze %dma_start3A_538 : memref<1x64xf32, #tpu.memory_space<hbm>> -> memref<64xf32, #tpu.memory_space<hbm>>
      tpu.enqueue_dma source(%dma_start3A_539 : memref<64xf32, #tpu.memory_space<hbm>>) target(%dma_start3A_536 : memref<64xf32, #tpu.memory_space<vmem>>) target_semaphore(%arg21 : memref<!tpu.dma_semaphore, #tpu.memory_space<semaphore_mem>>)
      %slice3A_540 = vector.extract_strided_slice %get3A_120 {offsets = [13], sizes = [1], strides = [1]} : vector<16xi32> to vector<1xi32>
      %squeeze3A_541 = vector.extract %slice3A_540[0] : i32 from vector<1xi32>
      %add3A_542 = arith.constant 13 : i32
      %add3A_543 = arith.addi %mul3A_116, %add3A_542 : i32
      %dma_start3A_544 = arith.constant 0 : i32
      %dma_start3A_545 = tpu.memref_slice %arg14[%add3A_543, %dma_start3A_544] : memref<128x64xf32, #tpu.memory_space<vmem>> -> memref<1x64xf32, #tpu.memory_space<vmem>>
      %dma_start3A_546 = tpu.memref_squeeze %dma_start3A_545 : memref<1x64xf32, #tpu.memory_space<vmem>> -> memref<64xf32, #tpu.memory_space<vmem>>
      %dma_start3A_547 = arith.constant 0 : i32
      %dma_start3A_548 = tpu.memref_slice %arg4[%squeeze3A_541, %dma_start3A_547] : memref<100000x64xf32, #tpu.memory_space<hbm>> -> memref<1x64xf32, #tpu.memory_space<hbm>>
      %dma_start3A_549 = tpu.memref_squeeze %dma_start3A_548 : memref<1x64xf32, #tpu.memory_space<hbm>> -> memref<64xf32, #tpu.memory_space<hbm>>
      %dma_start3A_550 = arith.constant 0 : i32
      %dma_start3A_551 = tpu.memref_slice %arg14[%add3A_543, %dma_start3A_550] : memref<128x64xf32, #tpu.memory_space<vmem>> -> memref<1x64xf32, #tpu.memory_space<vmem>>
      %dma_start3A_552 = tpu.memref_squeeze %dma_start3A_551 : memref<1x64xf32, #tpu.memory_space<vmem>> -> memref<64xf32, #tpu.memory_space<vmem>>
      %dma_start3A_553 = arith.constant 0 : i32
      %dma_start3A_554 = tpu.memref_slice %arg4[%squeeze3A_541, %dma_start3A_553] : memref<100000x64xf32, #tpu.memory_space<hbm>> -> memref<1x64xf32, #tpu.memory_space<hbm>>
      %dma_start3A_555 = tpu.memref_squeeze %dma_start3A_554 : memref<1x64xf32, #tpu.memory_space<hbm>> -> memref<64xf32, #tpu.memory_space<hbm>>
      tpu.enqueue_dma source(%dma_start3A_555 : memref<64xf32, #tpu.memory_space<hbm>>) target(%dma_start3A_552 : memref<64xf32, #tpu.memory_space<vmem>>) target_semaphore(%arg21 : memref<!tpu.dma_semaphore, #tpu.memory_space<semaphore_mem>>)
      %slice3A_556 = vector.extract_strided_slice %get3A_125 {offsets = [13], sizes = [1], strides = [1]} : vector<16xi32> to vector<1xi32>
      %squeeze3A_557 = vector.extract %slice3A_556[0] : i32 from vector<1xi32>
      %add3A_558 = arith.constant 13 : i32
      %add3A_559 = arith.addi %mul3A_116, %add3A_558 : i32
      %dma_start3A_560 = arith.constant 0 : i32
      %dma_start3A_561 = tpu.memref_slice %arg15[%add3A_559, %dma_start3A_560] : memref<128x64xf32, #tpu.memory_space<vmem>> -> memref<1x64xf32, #tpu.memory_space<vmem>>
      %dma_start3A_562 = tpu.memref_squeeze %dma_start3A_561 : memref<1x64xf32, #tpu.memory_space<vmem>> -> memref<64xf32, #tpu.memory_space<vmem>>
      %dma_start3A_563 = arith.constant 0 : i32
      %dma_start3A_564 = tpu.memref_slice %arg5[%squeeze3A_557, %dma_start3A_563] : memref<100000x64xf32, #tpu.memory_space<hbm>> -> memref<1x64xf32, #tpu.memory_space<hbm>>
      %dma_start3A_565 = tpu.memref_squeeze %dma_start3A_564 : memref<1x64xf32, #tpu.memory_space<hbm>> -> memref<64xf32, #tpu.memory_space<hbm>>
      %dma_start3A_566 = arith.constant 0 : i32
      %dma_start3A_567 = tpu.memref_slice %arg15[%add3A_559, %dma_start3A_566] : memref<128x64xf32, #tpu.memory_space<vmem>> -> memref<1x64xf32, #tpu.memory_space<vmem>>
      %dma_start3A_568 = tpu.memref_squeeze %dma_start3A_567 : memref<1x64xf32, #tpu.memory_space<vmem>> -> memref<64xf32, #tpu.memory_space<vmem>>
      %dma_start3A_569 = arith.constant 0 : i32
      %dma_start3A_570 = tpu.memref_slice %arg5[%squeeze3A_557, %dma_start3A_569] : memref<100000x64xf32, #tpu.memory_space<hbm>> -> memref<1x64xf32, #tpu.memory_space<hbm>>
      %dma_start3A_571 = tpu.memref_squeeze %dma_start3A_570 : memref<1x64xf32, #tpu.memory_space<hbm>> -> memref<64xf32, #tpu.memory_space<hbm>>
      tpu.enqueue_dma source(%dma_start3A_571 : memref<64xf32, #tpu.memory_space<hbm>>) target(%dma_start3A_568 : memref<64xf32, #tpu.memory_space<vmem>>) target_semaphore(%arg21 : memref<!tpu.dma_semaphore, #tpu.memory_space<semaphore_mem>>)
      %slice3A_572 = vector.extract_strided_slice %get3A_120 {offsets = [14], sizes = [1], strides = [1]} : vector<16xi32> to vector<1xi32>
      %squeeze3A_573 = vector.extract %slice3A_572[0] : i32 from vector<1xi32>
      %add3A_574 = arith.constant 14 : i32
      %add3A_575 = arith.addi %mul3A_116, %add3A_574 : i32
      %dma_start3A_576 = arith.constant 0 : i32
      %dma_start3A_577 = tpu.memref_slice %arg14[%add3A_575, %dma_start3A_576] : memref<128x64xf32, #tpu.memory_space<vmem>> -> memref<1x64xf32, #tpu.memory_space<vmem>>
      %dma_start3A_578 = tpu.memref_squeeze %dma_start3A_577 : memref<1x64xf32, #tpu.memory_space<vmem>> -> memref<64xf32, #tpu.memory_space<vmem>>
      %dma_start3A_579 = arith.constant 0 : i32
      %dma_start3A_580 = tpu.memref_slice %arg4[%squeeze3A_573, %dma_start3A_579] : memref<100000x64xf32, #tpu.memory_space<hbm>> -> memref<1x64xf32, #tpu.memory_space<hbm>>
      %dma_start3A_581 = tpu.memref_squeeze %dma_start3A_580 : memref<1x64xf32, #tpu.memory_space<hbm>> -> memref<64xf32, #tpu.memory_space<hbm>>
      %dma_start3A_582 = arith.constant 0 : i32
      %dma_start3A_583 = tpu.memref_slice %arg14[%add3A_575, %dma_start3A_582] : memref<128x64xf32, #tpu.memory_space<vmem>> -> memref<1x64xf32, #tpu.memory_space<vmem>>
      %dma_start3A_584 = tpu.memref_squeeze %dma_start3A_583 : memref<1x64xf32, #tpu.memory_space<vmem>> -> memref<64xf32, #tpu.memory_space<vmem>>
      %dma_start3A_585 = arith.constant 0 : i32
      %dma_start3A_586 = tpu.memref_slice %arg4[%squeeze3A_573, %dma_start3A_585] : memref<100000x64xf32, #tpu.memory_space<hbm>> -> memref<1x64xf32, #tpu.memory_space<hbm>>
      %dma_start3A_587 = tpu.memref_squeeze %dma_start3A_586 : memref<1x64xf32, #tpu.memory_space<hbm>> -> memref<64xf32, #tpu.memory_space<hbm>>
      tpu.enqueue_dma source(%dma_start3A_587 : memref<64xf32, #tpu.memory_space<hbm>>) target(%dma_start3A_584 : memref<64xf32, #tpu.memory_space<vmem>>) target_semaphore(%arg21 : memref<!tpu.dma_semaphore, #tpu.memory_space<semaphore_mem>>)
      %slice3A_588 = vector.extract_strided_slice %get3A_125 {offsets = [14], sizes = [1], strides = [1]} : vector<16xi32> to vector<1xi32>
      %squeeze3A_589 = vector.extract %slice3A_588[0] : i32 from vector<1xi32>
      %add3A_590 = arith.constant 14 : i32
      %add3A_591 = arith.addi %mul3A_116, %add3A_590 : i32
      %dma_start3A_592 = arith.constant 0 : i32
      %dma_start3A_593 = tpu.memref_slice %arg15[%add3A_591, %dma_start3A_592] : memref<128x64xf32, #tpu.memory_space<vmem>> -> memref<1x64xf32, #tpu.memory_space<vmem>>
      %dma_start3A_594 = tpu.memref_squeeze %dma_start3A_593 : memref<1x64xf32, #tpu.memory_space<vmem>> -> memref<64xf32, #tpu.memory_space<vmem>>
      %dma_start3A_595 = arith.constant 0 : i32
      %dma_start3A_596 = tpu.memref_slice %arg5[%squeeze3A_589, %dma_start3A_595] : memref<100000x64xf32, #tpu.memory_space<hbm>> -> memref<1x64xf32, #tpu.memory_space<hbm>>
      %dma_start3A_597 = tpu.memref_squeeze %dma_start3A_596 : memref<1x64xf32, #tpu.memory_space<hbm>> -> memref<64xf32, #tpu.memory_space<hbm>>
      %dma_start3A_598 = arith.constant 0 : i32
      %dma_start3A_599 = tpu.memref_slice %arg15[%add3A_591, %dma_start3A_598] : memref<128x64xf32, #tpu.memory_space<vmem>> -> memref<1x64xf32, #tpu.memory_space<vmem>>
      %dma_start3A_600 = tpu.memref_squeeze %dma_start3A_599 : memref<1x64xf32, #tpu.memory_space<vmem>> -> memref<64xf32, #tpu.memory_space<vmem>>
      %dma_start3A_601 = arith.constant 0 : i32
      %dma_start3A_602 = tpu.memref_slice %arg5[%squeeze3A_589, %dma_start3A_601] : memref<100000x64xf32, #tpu.memory_space<hbm>> -> memref<1x64xf32, #tpu.memory_space<hbm>>
      %dma_start3A_603 = tpu.memref_squeeze %dma_start3A_602 : memref<1x64xf32, #tpu.memory_space<hbm>> -> memref<64xf32, #tpu.memory_space<hbm>>
      tpu.enqueue_dma source(%dma_start3A_603 : memref<64xf32, #tpu.memory_space<hbm>>) target(%dma_start3A_600 : memref<64xf32, #tpu.memory_space<vmem>>) target_semaphore(%arg21 : memref<!tpu.dma_semaphore, #tpu.memory_space<semaphore_mem>>)
      %slice3A_604 = vector.extract_strided_slice %get3A_120 {offsets = [15], sizes = [1], strides = [1]} : vector<16xi32> to vector<1xi32>
      %squeeze3A_605 = vector.extract %slice3A_604[0] : i32 from vector<1xi32>
      %add3A_606 = arith.constant 15 : i32
      %add3A_607 = arith.addi %mul3A_116, %add3A_606 : i32
      %dma_start3A_608 = arith.constant 0 : i32
      %dma_start3A_609 = tpu.memref_slice %arg14[%add3A_607, %dma_start3A_608] : memref<128x64xf32, #tpu.memory_space<vmem>> -> memref<1x64xf32, #tpu.memory_space<vmem>>
      %dma_start3A_610 = tpu.memref_squeeze %dma_start3A_609 : memref<1x64xf32, #tpu.memory_space<vmem>> -> memref<64xf32, #tpu.memory_space<vmem>>
      %dma_start3A_611 = arith.constant 0 : i32
      %dma_start3A_612 = tpu.memref_slice %arg4[%squeeze3A_605, %dma_start3A_611] : memref<100000x64xf32, #tpu.memory_space<hbm>> -> memref<1x64xf32, #tpu.memory_space<hbm>>
      %dma_start3A_613 = tpu.memref_squeeze %dma_start3A_612 : memref<1x64xf32, #tpu.memory_space<hbm>> -> memref<64xf32, #tpu.memory_space<hbm>>
      %dma_start3A_614 = arith.constant 0 : i32
      %dma_start3A_615 = tpu.memref_slice %arg14[%add3A_607, %dma_start3A_614] : memref<128x64xf32, #tpu.memory_space<vmem>> -> memref<1x64xf32, #tpu.memory_space<vmem>>
      %dma_start3A_616 = tpu.memref_squeeze %dma_start3A_615 : memref<1x64xf32, #tpu.memory_space<vmem>> -> memref<64xf32, #tpu.memory_space<vmem>>
      %dma_start3A_617 = arith.constant 0 : i32
      %dma_start3A_618 = tpu.memref_slice %arg4[%squeeze3A_605, %dma_start3A_617] : memref<100000x64xf32, #tpu.memory_space<hbm>> -> memref<1x64xf32, #tpu.memory_space<hbm>>
      %dma_start3A_619 = tpu.memref_squeeze %dma_start3A_618 : memref<1x64xf32, #tpu.memory_space<hbm>> -> memref<64xf32, #tpu.memory_space<hbm>>
      tpu.enqueue_dma source(%dma_start3A_619 : memref<64xf32, #tpu.memory_space<hbm>>) target(%dma_start3A_616 : memref<64xf32, #tpu.memory_space<vmem>>) target_semaphore(%arg21 : memref<!tpu.dma_semaphore, #tpu.memory_space<semaphore_mem>>)
      %slice3A_620 = vector.extract_strided_slice %get3A_125 {offsets = [15], sizes = [1], strides = [1]} : vector<16xi32> to vector<1xi32>
      %squeeze3A_621 = vector.extract %slice3A_620[0] : i32 from vector<1xi32>
      %add3A_622 = arith.constant 15 : i32
      %add3A_623 = arith.addi %mul3A_116, %add3A_622 : i32
      %dma_start3A_624 = arith.constant 0 : i32
      %dma_start3A_625 = tpu.memref_slice %arg15[%add3A_623, %dma_start3A_624] : memref<128x64xf32, #tpu.memory_space<vmem>> -> memref<1x64xf32, #tpu.memory_space<vmem>>
      %dma_start3A_626 = tpu.memref_squeeze %dma_start3A_625 : memref<1x64xf32, #tpu.memory_space<vmem>> -> memref<64xf32, #tpu.memory_space<vmem>>
      %dma_start3A_627 = arith.constant 0 : i32
      %dma_start3A_628 = tpu.memref_slice %arg5[%squeeze3A_621, %dma_start3A_627] : memref<100000x64xf32, #tpu.memory_space<hbm>> -> memref<1x64xf32, #tpu.memory_space<hbm>>
      %dma_start3A_629 = tpu.memref_squeeze %dma_start3A_628 : memref<1x64xf32, #tpu.memory_space<hbm>> -> memref<64xf32, #tpu.memory_space<hbm>>
      %dma_start3A_630 = arith.constant 0 : i32
      %dma_start3A_631 = tpu.memref_slice %arg15[%add3A_623, %dma_start3A_630] : memref<128x64xf32, #tpu.memory_space<vmem>> -> memref<1x64xf32, #tpu.memory_space<vmem>>
      %dma_start3A_632 = tpu.memref_squeeze %dma_start3A_631 : memref<1x64xf32, #tpu.memory_space<vmem>> -> memref<64xf32, #tpu.memory_space<vmem>>
      %dma_start3A_633 = arith.constant 0 : i32
      %dma_start3A_634 = tpu.memref_slice %arg5[%squeeze3A_621, %dma_start3A_633] : memref<100000x64xf32, #tpu.memory_space<hbm>> -> memref<1x64xf32, #tpu.memory_space<hbm>>
      %dma_start3A_635 = tpu.memref_squeeze %dma_start3A_634 : memref<1x64xf32, #tpu.memory_space<hbm>> -> memref<64xf32, #tpu.memory_space<hbm>>
      tpu.enqueue_dma source(%dma_start3A_635 : memref<64xf32, #tpu.memory_space<hbm>>) target(%dma_start3A_632 : memref<64xf32, #tpu.memory_space<vmem>>) target_semaphore(%arg21 : memref<!tpu.dma_semaphore, #tpu.memory_space<semaphore_mem>>)
    }
    %scan3A_76 = arith.constant 8 : i32
    %scan3A_77 = arith.constant 0 : i32
    %scan3A_78 = arith.constant 128 : i32
    %scan3A_79 = arith.addi %scan3A_77, %scan3A_78 : i32
    %scan3A_80 = arith.constant 1 : i32
    %scan3A_81 = scf.for %scan3A_114 = %scan3A_77 to %scan3A_79 step %scan3A_80 iter_args(%scan3A_115 = %scan3A_57) -> (vector<16xf32>)  : i32 {
      %get3A = arith.index_cast %scan3A_114 : i32 to index
      %get3A_116 = arith.constant 0 : index
      %get3A_117 = tpu.vector_load %arg12[%get3A, %get3A_116] {strides = array<i32>} : memref<128x64xf32, #tpu.memory_space<vmem>>, vector<1x16xf32>,
      %get3A_118 = vector.shape_cast %get3A_117 : vector<1x16xf32> to vector<16xf32>
      %get3A_119 = arith.index_cast %scan3A_114 : i32 to index
      %get3A_120 = arith.constant 0 : index
      %get3A_121 = tpu.vector_load %arg13[%get3A_119, %get3A_120] {strides = array<i32>} : memref<128x64xf32, #tpu.memory_space<vmem>>, vector<1x16xf32>,
      %get3A_122 = vector.shape_cast %get3A_121 : vector<1x16xf32> to vector<16xf32>
      %mul3A_123 = arith.mulf %get3A_118, %get3A_122 : vector<16xf32>
      %add3A_124 = arith.addf %scan3A_115, %mul3A_123 : vector<16xf32>
      %get3A_125 = arith.index_cast %scan3A_114 : i32 to index
      %get3A_126 = arith.constant 16 : index
      %get3A_127 = tpu.vector_load %arg12[%get3A_125, %get3A_126] {strides = array<i32>} : memref<128x64xf32, #tpu.memory_space<vmem>>, vector<1x16xf32>,
      %get3A_128 = vector.shape_cast %get3A_127 : vector<1x16xf32> to vector<16xf32>
      %get3A_129 = arith.index_cast %scan3A_114 : i32 to index
      %get3A_130 = arith.constant 16 : index
      %get3A_131 = tpu.vector_load %arg13[%get3A_129, %get3A_130] {strides = array<i32>} : memref<128x64xf32, #tpu.memory_space<vmem>>, vector<1x16xf32>,
      %get3A_132 = vector.shape_cast %get3A_131 : vector<1x16xf32> to vector<16xf32>
      %mul3A_133 = arith.mulf %get3A_128, %get3A_132 : vector<16xf32>
      %add3A_134 = arith.addf %add3A_124, %mul3A_133 : vector<16xf32>
      %get3A_135 = arith.index_cast %scan3A_114 : i32 to index
      %get3A_136 = arith.constant 32 : index
      %get3A_137 = tpu.vector_load %arg12[%get3A_135, %get3A_136] {strides = array<i32>} : memref<128x64xf32, #tpu.memory_space<vmem>>, vector<1x16xf32>,
      %get3A_138 = vector.shape_cast %get3A_137 : vector<1x16xf32> to vector<16xf32>
      %get3A_139 = arith.index_cast %scan3A_114 : i32 to index
      %get3A_140 = arith.constant 32 : index
      %get3A_141 = tpu.vector_load %arg13[%get3A_139, %get3A_140] {strides = array<i32>} : memref<128x64xf32, #tpu.memory_space<vmem>>, vector<1x16xf32>,
      %get3A_142 = vector.shape_cast %get3A_141 : vector<1x16xf32> to vector<16xf32>
      %mul3A_143 = arith.mulf %get3A_138, %get3A_142 : vector<16xf32>
      %add3A_144 = arith.addf %add3A_134, %mul3A_143 : vector<16xf32>
      %get3A_145 = arith.index_cast %scan3A_114 : i32 to index
      %get3A_146 = arith.constant 48 : index
      %get3A_147 = tpu.vector_load %arg12[%get3A_145, %get3A_146] {strides = array<i32>} : memref<128x64xf32, #tpu.memory_space<vmem>>, vector<1x16xf32>,
      %get3A_148 = vector.shape_cast %get3A_147 : vector<1x16xf32> to vector<16xf32>
      %get3A_149 = arith.index_cast %scan3A_114 : i32 to index
      %get3A_150 = arith.constant 48 : index
      %get3A_151 = tpu.vector_load %arg13[%get3A_149, %get3A_150] {strides = array<i32>} : memref<128x64xf32, #tpu.memory_space<vmem>>, vector<1x16xf32>,
      %get3A_152 = vector.shape_cast %get3A_151 : vector<1x16xf32> to vector<16xf32>
      %mul3A_153 = arith.mulf %get3A_148, %get3A_152 : vector<16xf32>
      %add3A_154 = arith.addf %add3A_144, %mul3A_153 : vector<16xf32>
      scf.yield %add3A_154 : vector<16xf32>
    }
    %scan3A_82 = arith.constant 128 : i32
    %dma_wait3A_83 = arith.constant 0 : i32
    %dma_wait3A_84 = arith.constant 0 : i32
    %dma_wait3A_85 = tpu.memref_slice %arg4[%dma_wait3A_83, %dma_wait3A_84] : memref<100000x64xf32, #tpu.memory_space<hbm>> -> memref<128x64xf32, #tpu.memory_space<hbm>>
    %dma_wait3A_86 = arith.constant 0 : i32
    %dma_wait3A_87 = arith.constant 0 : i32
    %dma_wait3A_88 = tpu.memref_slice %arg4[%dma_wait3A_86, %dma_wait3A_87] : memref<100000x64xf32, #tpu.memory_space<hbm>> -> memref<128x64xf32, #tpu.memory_space<hbm>>
    tpu.wait_dma2 semaphore(%arg21 : memref<!tpu.dma_semaphore, #tpu.memory_space<semaphore_mem>>) src(%dma_wait3A_88 : memref<128x64xf32, #tpu.memory_space<hbm>>) dst(%arg14 : memref<128x64xf32, #tpu.memory_space<vmem>>)
    %dma_wait3A_89 = arith.constant 0 : i32
    %dma_wait3A_90 = arith.constant 0 : i32
    %dma_wait3A_91 = tpu.memref_slice %arg5[%dma_wait3A_89, %dma_wait3A_90] : memref<100000x64xf32, #tpu.memory_space<hbm>> -> memref<128x64xf32, #tpu.memory_space<hbm>>
    %dma_wait3A_92 = arith.constant 0 : i32
    %dma_wait3A_93 = arith.constant 0 : i32
    %dma_wait3A_94 = tpu.memref_slice %arg5[%dma_wait3A_92, %dma_wait3A_93] : memref<100000x64xf32, #tpu.memory_space<hbm>> -> memref<128x64xf32, #tpu.memory_space<hbm>>
    tpu.wait_dma2 semaphore(%arg21 : memref<!tpu.dma_semaphore, #tpu.memory_space<semaphore_mem>>) src(%dma_wait3A_94 : memref<128x64xf32, #tpu.memory_space<hbm>>) dst(%arg15 : memref<128x64xf32, #tpu.memory_space<vmem>>)
    %scan3A_95 = arith.constant 0 : i32
    %scan3A_96 = arith.constant 128 : i32
    %scan3A_97 = arith.addi %scan3A_95, %scan3A_96 : i32
    %scan3A_98 = arith.constant 1 : i32
    %scan3A_99 = scf.for %scan3A_114 = %scan3A_95 to %scan3A_97 step %scan3A_98 iter_args(%scan3A_115 = %scan3A_81) -> (vector<16xf32>)  : i32 {
      %get3A = arith.index_cast %scan3A_114 : i32 to index
      %get3A_116 = arith.constant 0 : index
      %get3A_117 = tpu.vector_load %arg14[%get3A, %get3A_116] {strides = array<i32>} : memref<128x64xf32, #tpu.memory_space<vmem>>, vector<1x16xf32>,
      %get3A_118 = vector.shape_cast %get3A_117 : vector<1x16xf32> to vector<16xf32>
      %get3A_119 = arith.index_cast %scan3A_114 : i32 to index
      %get3A_120 = arith.constant 0 : index
      %get3A_121 = tpu.vector_load %arg15[%get3A_119, %get3A_120] {strides = array<i32>} : memref<128x64xf32, #tpu.memory_space<vmem>>, vector<1x16xf32>,
      %get3A_122 = vector.shape_cast %get3A_121 : vector<1x16xf32> to vector<16xf32>
      %mul3A_123 = arith.mulf %get3A_118, %get3A_122 : vector<16xf32>
      %add3A_124 = arith.addf %scan3A_115, %mul3A_123 : vector<16xf32>
      %get3A_125 = arith.index_cast %scan3A_114 : i32 to index
      %get3A_126 = arith.constant 16 : index
      %get3A_127 = tpu.vector_load %arg14[%get3A_125, %get3A_126] {strides = array<i32>} : memref<128x64xf32, #tpu.memory_space<vmem>>, vector<1x16xf32>,
      %get3A_128 = vector.shape_cast %get3A_127 : vector<1x16xf32> to vector<16xf32>
      %get3A_129 = arith.index_cast %scan3A_114 : i32 to index
      %get3A_130 = arith.constant 16 : index
      %get3A_131 = tpu.vector_load %arg15[%get3A_129, %get3A_130] {strides = array<i32>} : memref<128x64xf32, #tpu.memory_space<vmem>>, vector<1x16xf32>,
      %get3A_132 = vector.shape_cast %get3A_131 : vector<1x16xf32> to vector<16xf32>
      %mul3A_133 = arith.mulf %get3A_128, %get3A_132 : vector<16xf32>
      %add3A_134 = arith.addf %add3A_124, %mul3A_133 : vector<16xf32>
      %get3A_135 = arith.index_cast %scan3A_114 : i32 to index
      %get3A_136 = arith.constant 32 : index
      %get3A_137 = tpu.vector_load %arg14[%get3A_135, %get3A_136] {strides = array<i32>} : memref<128x64xf32, #tpu.memory_space<vmem>>, vector<1x16xf32>,
      %get3A_138 = vector.shape_cast %get3A_137 : vector<1x16xf32> to vector<16xf32>
      %get3A_139 = arith.index_cast %scan3A_114 : i32 to index
      %get3A_140 = arith.constant 32 : index
      %get3A_141 = tpu.vector_load %arg15[%get3A_139, %get3A_140] {strides = array<i32>} : memref<128x64xf32, #tpu.memory_space<vmem>>, vector<1x16xf32>,
      %get3A_142 = vector.shape_cast %get3A_141 : vector<1x16xf32> to vector<16xf32>
      %mul3A_143 = arith.mulf %get3A_138, %get3A_142 : vector<16xf32>
      %add3A_144 = arith.addf %add3A_134, %mul3A_143 : vector<16xf32>
      %get3A_145 = arith.index_cast %scan3A_114 : i32 to index
      %get3A_146 = arith.constant 48 : index
      %get3A_147 = tpu.vector_load %arg14[%get3A_145, %get3A_146] {strides = array<i32>} : memref<128x64xf32, #tpu.memory_space<vmem>>, vector<1x16xf32>,
      %get3A_148 = vector.shape_cast %get3A_147 : vector<1x16xf32> to vector<16xf32>
      %get3A_149 = arith.index_cast %scan3A_114 : i32 to index
      %get3A_150 = arith.constant 48 : index
      %get3A_151 = tpu.vector_load %arg15[%get3A_149, %get3A_150] {strides = array<i32>} : memref<128x64xf32, #tpu.memory_space<vmem>>, vector<1x16xf32>,
      %get3A_152 = vector.shape_cast %get3A_151 : vector<1x16xf32> to vector<16xf32>
      %mul3A_153 = arith.mulf %get3A_148, %get3A_152 : vector<16xf32>
      %add3A_154 = arith.addf %add3A_144, %mul3A_153 : vector<16xf32>
      scf.yield %add3A_154 : vector<16xf32>
    }
    %scan3A_100 = arith.constant 128 : i32
    %swap3A = arith.constant 0 : index
    %swap3A_101 = tpu.vector_load %arg19[%swap3A] {strides = array<i32>} : memref<16xf32, #tpu.memory_space<vmem>>, vector<16xf32>,
    %swap3A_102 = vector.shape_cast %swap3A_101 : vector<16xf32> to vector<16xf32>
    %swap3A_103 = vector.shape_cast %scan3A_99 : vector<16xf32> to vector<16xf32>
    tpu.vector_store %arg19[%swap3A], %swap3A_103 {strides = array<i32>} : memref<16xf32, #tpu.memory_space<vmem>>, vector<16xf32>,
    "tpu.region"() ({
      %run_scoped3A = tpu.sem_alloc : memref<!tpu.dma_semaphore, #tpu.memory_space<semaphore_mem>>
      %dma_start3A_114 = arith.constant 0 : i32
      %dma_start3A_115 = tpu.memref_slice %arg8[%add3A, %dma_start3A_114] : memref<32x16xf32, #tpu.memory_space<hbm>> -> memref<1x16xf32, #tpu.memory_space<hbm>>
      %dma_start3A_116 = tpu.memref_squeeze %dma_start3A_115 : memref<1x16xf32, #tpu.memory_space<hbm>> -> memref<16xf32, #tpu.memory_space<hbm>>
      %dma_start3A_117 = arith.constant 0 : i32
      %dma_start3A_118 = tpu.memref_slice %arg8[%add3A, %dma_start3A_117] : memref<32x16xf32, #tpu.memory_space<hbm>> -> memref<1x16xf32, #tpu.memory_space<hbm>>
      %dma_start3A_119 = tpu.memref_squeeze %dma_start3A_118 : memref<1x16xf32, #tpu.memory_space<hbm>> -> memref<16xf32, #tpu.memory_space<hbm>>
      tpu.enqueue_dma source(%arg19 : memref<16xf32, #tpu.memory_space<vmem>>) target(%dma_start3A_119 : memref<16xf32, #tpu.memory_space<hbm>>) target_semaphore(%run_scoped3A : memref<!tpu.dma_semaphore, #tpu.memory_space<semaphore_mem>>)
      %dma_wait3A_120 = arith.constant 0 : i32
      %dma_wait3A_121 = tpu.memref_slice %arg8[%add3A, %dma_wait3A_120] : memref<32x16xf32, #tpu.memory_space<hbm>> -> memref<1x16xf32, #tpu.memory_space<hbm>>
      %dma_wait3A_122 = tpu.memref_squeeze %dma_wait3A_121 : memref<1x16xf32, #tpu.memory_space<hbm>> -> memref<16xf32, #tpu.memory_space<hbm>>
      %dma_wait3A_123 = arith.constant 0 : i32
      %dma_wait3A_124 = tpu.memref_slice %arg8[%add3A, %dma_wait3A_123] : memref<32x16xf32, #tpu.memory_space<hbm>> -> memref<1x16xf32, #tpu.memory_space<hbm>>
      %dma_wait3A_125 = tpu.memref_squeeze %dma_wait3A_124 : memref<1x16xf32, #tpu.memory_space<hbm>> -> memref<16xf32, #tpu.memory_space<hbm>>
      tpu.wait_dma2 semaphore(%run_scoped3A : memref<!tpu.dma_semaphore, #tpu.memory_space<semaphore_mem>>) src(%arg19 : memref<16xf32, #tpu.memory_space<vmem>>) dst(%dma_wait3A_125 : memref<16xf32, #tpu.memory_space<hbm>>)
      tpu.yield
    }) : () -> ()
    %dma_wait3A_104 = arith.constant 0 : i32
    %dma_wait3A_105 = tpu.memref_slice %arg6[%dma_wait3A_104] : memref<100000xf32, #tpu.memory_space<hbm>> -> memref<100000xf32, #tpu.memory_space<hbm>>
    tpu.wait_indirect_dma semaphore(%arg20 : memref<!tpu.dma_semaphore, #tpu.memory_space<semaphore_mem>>) src(%dma_wait3A_105 : memref<100000xf32, #tpu.memory_space<hbm>>) dst(%arg16 : memref<512xf32, #tpu.memory_space<vmem>>)
    %dma_wait3A_106 = arith.constant 0 : i32
    %dma_wait3A_107 = tpu.memref_slice %arg7[%dma_wait3A_106] : memref<100000xf32, #tpu.memory_space<hbm>> -> memref<100000xf32, #tpu.memory_space<hbm>>
    tpu.wait_indirect_dma semaphore(%arg20 : memref<!tpu.dma_semaphore, #tpu.memory_space<semaphore_mem>>) src(%dma_wait3A_107 : memref<100000xf32, #tpu.memory_space<hbm>>) dst(%arg17 : memref<512xf32, #tpu.memory_space<vmem>>)
    %scan3A_108 = arith.constant 0 : i32
    %scan3A_109 = arith.constant 0 : i32
    %scan3A_110 = arith.constant 32 : i32
    %scan3A_111 = arith.addi %scan3A_109, %scan3A_110 : i32
    %scan3A_112 = arith.constant 1 : i32
    scf.for %scan3A_114 = %scan3A_109 to %scan3A_111 step %scan3A_112  : i32 {
      %mul3A_115 = arith.constant 16 : i32
      %mul3A_116 = arith.muli %scan3A_114, %mul3A_115 : i32
      %multiple_of3A = tpu.assume_multiple %mul3A_116, 16 : i32
      %get3A = arith.index_cast %multiple_of3A : i32 to index
      %get3A_117 = tpu.vector_load %arg16[%get3A] {strides = array<i32>} : memref<512xf32, #tpu.memory_space<vmem>>, vector<16xf32>,
      %get3A_118 = vector.shape_cast %get3A_117 : vector<16xf32> to vector<16xf32>
      %get3A_119 = arith.index_cast %multiple_of3A : i32 to index
      %get3A_120 = tpu.vector_load %arg17[%get3A_119] {strides = array<i32>} : memref<512xf32, #tpu.memory_space<vmem>>, vector<16xf32>,
      %get3A_121 = vector.shape_cast %get3A_120 : vector<16xf32> to vector<16xf32>
      %add3A_122 = arith.addf %get3A_118, %get3A_121 : vector<16xf32>
      %swap3A_123 = arith.index_cast %multiple_of3A : i32 to index
      %swap3A_124 = tpu.vector_load %arg18[%swap3A_123] {strides = array<i32>} : memref<512xf32, #tpu.memory_space<vmem>>, vector<16xf32>,
      %swap3A_125 = vector.shape_cast %swap3A_124 : vector<16xf32> to vector<16xf32>
      %swap3A_126 = vector.shape_cast %add3A_122 : vector<16xf32> to vector<16xf32>
      tpu.vector_store %arg18[%swap3A_123], %swap3A_126 {strides = array<i32>} : memref<512xf32, #tpu.memory_space<vmem>>, vector<16xf32>,
    }
    %scan3A_113 = arith.constant 32 : i32
    "tpu.region"() ({
      %run_scoped3A = tpu.sem_alloc : memref<!tpu.dma_semaphore, #tpu.memory_space<semaphore_mem>>
      %dma_start3A_114 = tpu.memref_slice %arg9[%mul3A_2] : memref<16384xf32, #tpu.memory_space<hbm>> -> memref<512xf32, #tpu.memory_space<hbm>>
      %dma_start3A_115 = tpu.memref_slice %arg9[%mul3A_2] : memref<16384xf32, #tpu.memory_space<hbm>> -> memref<512xf32, #tpu.memory_space<hbm>>
      tpu.enqueue_dma source(%arg18 : memref<512xf32, #tpu.memory_space<vmem>>) target(%dma_start3A_115 : memref<512xf32, #tpu.memory_space<hbm>>) target_semaphore(%run_scoped3A : memref<!tpu.dma_semaphore, #tpu.memory_space<semaphore_mem>>)
      %dma_wait3A_116 = tpu.memref_slice %arg9[%mul3A_2] : memref<16384xf32, #tpu.memory_space<hbm>> -> memref<512xf32, #tpu.memory_space<hbm>>
      %dma_wait3A_117 = tpu.memref_slice %arg9[%mul3A_2] : memref<16384xf32, #tpu.memory_space<hbm>> -> memref<512xf32, #tpu.memory_space<hbm>>
      tpu.wait_dma2 semaphore(%run_scoped3A : memref<!tpu.dma_semaphore, #tpu.memory_space<semaphore_mem>>) src(%arg18 : memref<512xf32, #tpu.memory_space<vmem>>) dst(%dma_wait3A_117 : memref<512xf32, #tpu.memory_space<hbm>>)
      tpu.yield
    }) : () -> ()
    return
  }
}

module attributes {stable_mosaic.version = 14 : i64} {
  func.func @_finalize_body(%arg0: memref<32x16xf32, #tpu.memory_space<vmem>>, %arg1: memref<128x128xf32, #tpu.memory_space<vmem>>, %arg2: memref<128x128xf32, #tpu.memory_space<vmem>>) attributes {dimension_semantics = [], scalar_prefetch = 0 : i64, scratch_operands = 0 : i64, tpu.core_type = #tpu.core_type<tc>} {
    %get3A = arith.constant 0 : index
    %get3A_0 = arith.constant 0 : index
    %get3A_1 = vector.load %arg0[%get3A, %get3A_0] : memref<32x16xf32, #tpu.memory_space<vmem>>, vector<32x16xf32>
    %reduce_sum3A = vector.shape_cast %get3A_1 : vector<32x16xf32> to vector<1x32x16xf32>
    %reduce_sum3A_2 = arith.constant dense<0.000000e+00> : vector<1xf32>
    %reduce_sum3A_3 = vector.multi_reduction <add>, %reduce_sum3A, %reduce_sum3A_2 [1, 2] : vector<1x32x16xf32> to vector<1xf32>
    %reduce_sum3A_4 = vector.shape_cast %reduce_sum3A_3 : vector<1xf32> to vector<1x1x1xf32>
    %reduce_sum3A_5 = vector.extract %reduce_sum3A_4[0, 0, 0] : f32 from vector<1x1x1xf32>
    %get3A_6 = arith.constant 0 : index
    %get3A_7 = arith.constant 0 : index
    %get3A_8 = vector.load %arg1[%get3A_6, %get3A_7] : memref<128x128xf32, #tpu.memory_space<vmem>>, vector<128x128xf32>
    %add3A = vector.broadcast %reduce_sum3A_5 : f32 to vector<128x128xf32>
    %add3A_9 = arith.addf %get3A_8, %add3A : vector<128x128xf32>
    %neg3A = arith.constant 0.000000e+00 : f32
    %neg3A_10 = vector.broadcast %neg3A : f32 to vector<128x128xf32>
    %neg3A_11 = arith.subf %neg3A_10, %add3A_9 : vector<128x128xf32>
    %exp3A = math.exp %neg3A_11 : vector<128x128xf32>
    %add3A_12 = arith.constant 1.000000e+00 : f32
    %add3A_13 = vector.broadcast %add3A_12 : f32 to vector<128x128xf32>
    %add3A_14 = arith.addf %add3A_13, %exp3A : vector<128x128xf32>
    %div3A = arith.constant 1.000000e+00 : f32
    %div3A_15 = vector.broadcast %div3A : f32 to vector<128x128xf32>
    %div3A_16 = arith.divf %div3A_15, %add3A_14 : vector<128x128xf32>
    %swap3A = arith.constant 0 : index
    %swap3A_17 = arith.constant 0 : index
    %swap3A_18 = vector.load %arg2[%swap3A, %swap3A_17] : memref<128x128xf32, #tpu.memory_space<vmem>>, vector<128x128xf32>
    tpu.vector_store %arg2[%swap3A, %swap3A_17], %div3A_16 {strides = array<i32>} : memref<128x128xf32, #tpu.memory_space<vmem>>, vector<128x128xf32>,
    return
  }
}

</mosaic_0001>

<sc_bundles>
// kernel: kernel.4.cloned.1.call-start
scs
__scs_entry_jumppad:
0x0: {  	(pc) =	sbr.rel $0x88, $3  }
0x1: {  	(tag) =	ssettag $0x0;
	lr =	simm.s32 $0x1  }
0x2: {  	[smem:$0x3F9C] =	sst lr;
	_ =	strace $0xD0000000  }
0x3: {  	_ = 	snop  }
0x4: {  	_ = 	snop  }
0x5: {  	_ = 	snop  }
0x6: {  	_ = 	snop  }
0x7: {  	_ = 	snop  }
__scs_overlays_trampoline_lowered:
0x8: {  	[smem:$0x3FAB] =	sst s0  }
0x9: {  	[smem:$0x3FAC] =	sst s1  }
0xa: {  	[smem:$0x3FAD] =	sst s2  }
0xb: {  	[smem:$0x3FAE] =	sst s3  }
0xc: {  	[smem:$0x3FAF] =	sst s4  }
0xd: {  	[smem:$0x3FB0] =	sst s5  }
0xe: {  	[smem:$0x3FB1] =	sst s6  }
0xf: {  	[smem:$0x3FB2] =	sst s7  }
0x10: {  	[smem:$0x3FB3] =	sst s8  }
0x11: {  	[smem:$0x3FB4] =	sst s9;
	s0 =	simm.s32 @!p0 $0x0  }
0x12: {  	s1 =	sld [smem:$0x3F9A];
	s0 =	simm.s32 @p0 $0x1  }
0x13: {  	[smem:$0x3FB5] =	sst s0;
	s0 =	simm.s32 @!p1 $0x0  }
0x14: {  	s2 =	sld [smem:$0x3F99];
	s0 =	simm.s32 @p1 $0x1  }
0x15: {  	[smem:$0x3FB6] =	sst s0;
	s0 =	simm.s32 @!p2 $0x0  }
0x16: {  	s3 =	sld [smem:$0x3FDB];
	s0 =	simm.s32 @p2 $0x1  }
0x17: {  	s4 =	simm.s32 $0x1BF5;
	[smem:$0x3FB8] =	sst s0  }
0x18: {  	s0 =	sld [smem:$0x3F9B];
	_ =	swait.ge [sflag:s4], $0x0  }
0x19: {  	s7 =	sld [smem:$0x3F9C]  }
0x1a: {  	s8 =	sadd.s32 $0xFFFFE003, lr  }
0x1b: {  	s9 =	sadd.s32 $0xFFFFFEF7, lr;
	s5 =	simm.s32 $0xFFFFFFFF;
	p2 =	slt.u32 s8, $0xFFFFF086  }
0x1c: {  	p1 =	slt.u32 s9, $0xF7A;
	s5 =	simm.s32 @!p2 $0x0  }
0x1d: {  	s5 =	simm.s32 @p1 $0x1;
	p0 =	seq.s32 s7, s2  }
0x1e: {  	s7 =	smul.u32 @!p0 $0xF7A, s2;
	p2 =	seq.s32 @!p0 s5, $0x0  }
0x1f: {  	s9 =	smul.u32 $0xF7A, s1;
	s8 =	simm.s32 @!p0 $0x1BF5;
	p2 =	por !p2, p0  }
0x20: {  	[sflag:s8] =	ssyncset.s32 @!p0 $0xFFFFF086;
	s6 =	sadd.s32 @!p0 s3, s7;
	s7 =	simm.s32 @!p0 $0x108  }
0x21: {  	s3 =	sadd.s32 s3, s9;
	s6 =	sadd.s32 @!p0 $0x88, s6;
	s7 =	simm.s32 @p2 $0x1082  }
0x22: {  	[simem:s7], [sflag:s8] =	dma.local @!p0 [hbm:s6], $0xF7A  }
0x23: {  	s9 =	sor.u32 $0xD0000000, s2;
	s6 =	simm.s32 $0x108;
	_ =	swait.ge @!p0 [sflag:s8], $0x0  }
0x24: {  	s3 =	sadd.s32 $0x88, s3;
	s6 =	simm.s32 @!p1 $0x1082;
	[sflag:s4] =	ssyncset.s32 $0xFFFFF086  }
0x25: {  	[simem:s6], [sflag:s4] =	dma.local [hbm:s3], $0xF7A  }
0x26: {  	[smem:$0x3F9C] =	sst s1;
	(tag) =	ssettag s2;
	_ =	strace s9  }
0x27: {  	s1 =	sld [smem:$0x3FAC]  }
0x28: {  	s2 =	sld [smem:$0x3FAD]  }
0x29: {  	s4 =	sld [smem:$0x3FAF]  }
0x2a: {  	p0 =	seq.s32 s5, $0x0;
	s5 =	sld [smem:$0x3FB0]  }
0x2b: {  	s6 =	sld [smem:$0x3FB1]  }
0x2c: {  	s7 =	sld [smem:$0x3FB2]  }
0x2d: {  	s3 =	simm.s32 $0x108;
	s8 =	sld [smem:$0x3FB3]  }
0x2e: {  	s3 =	simm.s32 @!p0 $0x1082;
	s9 =	sld [smem:$0x3FB4]  }
0x2f: {  	lr =	sadd.s32 s0, s3;
	s0 =	sld [smem:$0x3FAB]  }
0x30: {  	s3 =	sld [smem:$0x3FAE]  }
0x31: {  	[smem:$0x3FB7] =	sst s10  }
0x32: {  	s10 =	sld [smem:$0x3FB5];
	_ =	sdelay $0x3  }
0x33: {  	p0 =	seq.s32 s10, $0x1;
	s10 =	sld [smem:$0x3FB7];
	_ =	sdelay $0x3  }
0x34: {  	[smem:$0x3FB7] =	sst s10  }
0x35: {  	s10 =	sld [smem:$0x3FB6];
	_ =	sdelay $0x3  }
0x36: {  	p1 =	seq.s32 s10, $0x1;
	s10 =	sld [smem:$0x3FB7];
	_ =	sdelay $0x3  }
0x37: {  	[smem:$0x3FB7] =	sst s10  }
0x38: {  	s10 =	sld [smem:$0x3FB8]  }
0x39: {  	_ = 	snop;
	(pc) =	sbr.ind lr, $3  }
0x3a: {  	_ = 	snop  }
0x3b: {  	_ = 	snop  }
0x3c: {  	p2 =	seq.s32 s10, $0x1;
	s10 =	sld [smem:$0x3FB7]  }
0x3d: {  	_ =	shalt  }
0x3e: {  	_ =	shalt  }
0x3f: {  	_ =	shalt  }
0x40: {  	_ =	shalt  }
0x41: {  	_ =	shalt  }
0x42: {  	_ =	shalt  }
0x43: {  	_ =	shalt  }
0x44: {  	_ =	shalt  }
0x45: {  	_ =	shalt  }
0x46: {  	_ =	shalt  }
0x47: {  	_ =	shalt  }
0x48: {  	_ =	shalt  }
0x49: {  	_ =	shalt  }
0x4a: {  	_ =	shalt  }
0x4b: {  	_ =	shalt  }
0x4c: {  	_ =	shalt  }
0x4d: {  	_ =	shalt  }
0x4e: {  	_ =	shalt  }
0x4f: {  	_ =	shalt  }
0x50: {  	_ =	shalt  }
0x51: {  	_ =	shalt  }
0x52: {  	_ =	shalt  }
0x53: {  	_ =	shalt  }
0x54: {  	_ =	shalt  }
0x55: {  	_ =	shalt  }
0x56: {  	_ =	shalt  }
0x57: {  	_ =	shalt  }
0x58: {  	_ =	shalt  }
0x59: {  	_ =	shalt  }
0x5a: {  	_ =	shalt  }
0x5b: {  	_ =	shalt  }
0x5c: {  	_ =	shalt  }
0x5d: {  	_ =	shalt  }
0x5e: {  	_ =	shalt  }
0x5f: {  	_ =	shalt  }
0x60: {  	_ =	shalt  }
0x61: {  	_ =	shalt  }
0x62: {  	_ =	shalt  }
0x63: {  	_ =	shalt  }
0x64: {  	_ =	shalt  }
0x65: {  	_ =	shalt  }
0x66: {  	_ =	shalt  }
0x67: {  	_ =	shalt  }
0x68: {  	_ =	shalt  }
0x69: {  	_ =	shalt  }
0x6a: {  	_ =	shalt  }
0x6b: {  	_ =	shalt  }
0x6c: {  	_ =	shalt  }
0x6d: {  	_ =	shalt  }
0x6e: {  	_ =	shalt  }
0x6f: {  	_ =	shalt  }
0x70: {  	_ =	shalt  }
0x71: {  	_ =	shalt  }
0x72: {  	_ =	shalt  }
0x73: {  	_ =	shalt  }
0x74: {  	_ =	shalt  }
0x75: {  	_ =	shalt  }
0x76: {  	_ =	shalt  }
0x77: {  	_ =	shalt  }
0x78: {  	_ =	shalt  }
0x79: {  	_ =	shalt  }
0x7a: {  	_ =	shalt  }
0x7b: {  	_ =	shalt  }
0x7c: {  	_ =	shalt  }
0x7d: {  	_ =	shalt  }
0x7e: {  	_ =	shalt  }
0x7f: {  	_ =	shalt  }
0x80: {  	_ =	shalt  }
0x81: {  	_ =	shalt  }
0x82: {  	_ =	shalt  }
0x83: {  	_ =	shalt  }
0x84: {  	_ =	shalt  }
0x85: {  	_ =	shalt  }
0x86: {  	_ =	shalt  }
0x87: {  	_ =	shalt  }
.Lfunc_end0:
.L_simem_size_0:
called_computation_lowered:
.L_overlay_start_0:
0x88: {  	s2 =	sld [smem:$0x3FD9]  }
0x89: {  	s3 =	sld [smem:$0x3FFE];
	_ =	sdelay $0x1  }
0x8a: {  	s1 =	srdreg.scid  }
0x8b: {  	s0 =	sand.u32 $0x1, s1  }
0x8c: {  	s17 =	sshll.u32 s0, $0xA;
	s2 =	sadd.s32 s3, s2  }
0x8d: {  	s2 =	sadd.s32 s2, s17  }
0x8e: {  	[smem:$0x3FC3] =	sst s2  }
0x8f: {  	_ = 	snop  }
0x90: {  	s2 =	sld [smem:$0x3FD0];
	(tm) =	ssettm $0x1  }
0x91: {  	s18 =	sld [smem:$0x3FFB];
	_ =	sdelay $0x3  }
0x92: {  	_ =	strace s18  }
0x93: {  	s3 =	sld [smem:$0x3FFC];
	_ =	sdelay $0x3  }
0x94: {  	_ =	strace s3  }
0x95: {  	s3 =	sld [smem:$0x3FFD];
	_ =	sdelay $0x3  }
0x96: {  	_ =	strace s3  }
0x97: {  	_ =	strace $0x8FFFFFFF  }
0x98: {  	s19 =	sld [smem:$0x3FDB];
	_ =	sdelay $0x1  }
0x99: {  	s4 =	simm.s32 $_scs_section_size  }
0x9a: {  	s5 =	simm.s32 $_size__tile_overlayer_lowered;
	s6 =	simm.s32 $_tile_overlayer_lowered  }
0x9b: {  	s22 =	simm.s32 $0x1BFF;
	s21 =	sshll.u32 s6, $0x1;
	s3 =	sadd.s32 s4, s19  }
0x9c: {  	s7 =	simm.s32 $0x0;
	s20 =	sshll.u32 s5, $0x1;
	s5 =	sadd.s32 s21, s3  }
0x9d: {  	[timem:s7], [sflag:s22] =	dma.local [hbm:s5], s20  }
0x9e: {  	_ =	swait.ge [sflag:s22], s20  }
0x9f: {  	s4 =	ssub.s32 $0x0, s20;
	[sflag:s22] =	ssyncset.done $0x0  }
0xa0: {  	[sflag:s22] =	ssyncadd.s32 s4;
	_ =	sdelay $0x1  }
0xa1: {  	s23 =	simm.s32 $0x1B8B  }
0xa2: {  	_ =	swait.ge [sflag:s23], $0x1  }
0xa3: {  	[sflag:s23] =	ssyncset.done $0x0  }
0xa4: {  	s25 =	simm.s32 $0x1B8E;
	s24 =	sld [smem:$0x3FFE];
	[sflag:s23] =	ssyncadd.s32 $0xFFFFFFFF  }
0xa5: {  	s26 =	simm.s32 $execute0_lowered;
	[smem:$0x3FD2] =	sst s25  }
0xa6: {  	s5 =	sshll.u32 s26, $0x1;
	_ =	strace $0x80000046;
	[dreg:$0x1] =	wrdreg $0xFFFFFFFF  }
0xa7: {  	s28 =	simm.s32 $_size_execute0_lowered;
	s3 =	sadd.s32 s3, s5;
	[dreg:$0x0] =	wrdreg $0x0  }
0xa8: {  	s5 =	sshll.u32 s28, $0x1;
	[dreg:$0x2] =	wrdreg s3  }
0xa9: {  	[dreg:$0x3] =	wrdreg s5  }
0xaa: {  	[dreg:$0x4] =	wrdreg $0xC0  }
0xab: {  	_ =	task [dreg:s7], $0x5FFFF  }
0xac: {  	[dreg:$0x1] =	wrdreg $0xFFFFFFFF  }
0xad: {  	[dreg:$0x0] =	wrdreg $0x60  }
0xae: {  	[dreg:$0x2] =	wrdreg s24  }
0xaf: {  	[dreg:$0x3] =	wrdreg s2  }
0xb0: {  	[dreg:$0x4] =	wrdreg $0x9  }
0xb1: {  	_ =	task.clear_ibuf [dreg:s7], $0x5FFFF;
	_ =	strace $0x90000046  }
0xb2: {  	s29 =	simm.s32 $0x9;
	_ =	strace $0x80000048  }
0xb3: {  	_ =	swait.ge [sflag:s29], $0x1  }
0xb4: {  	[sflag:s29] =	ssyncadd.s32 $0xFFFFFFFF  }
0xb5: {  	_ =	strace $0x90000048  }
0xb6: {  	_ =	sfence  }
0xb7: {  	s30 =	sld [smem:$0x0];
	_ =	sdelay $0x2  }
0xb8: {  	s31 =	sshll.u32 s1, $0xD;
	s1 =	sshrl.u32 s1, $0x2  }
0xb9: {  	s3 =	sand.u32 $0x4000, s31;
	s1 =	sadd.s32 s1, s30  }
0xba: {  	s0 =	sor.u32 s3, s0;
	s1 =	sshll.u32 s1, $0x11  }
0xbb: {  	s0 =	sor.u32 s1, s0  }
0xbc: {  	s0 =	sadd.s32 $0x8F2B, s0  }
0xbd: {  	[sflag:s0] =	ssyncadd.remote.s32 $0x1  }
0xbe: {  	_ =	sfence.sel $0xFFFF  }
0xbf: {  	[dreg:$0x0] =	wrdreg $0xFFFFFFFF;
	(pc) =	sbr.abs _section_cstart, $3  }
0xc0: {  	[dreg:$0x1] =	wrdreg $0xFFFFFFFF  }
0xc1: {  	_ =	task.clear_ibuf [dreg:s7], $0x2FFFF;
	_ =	strace $0x9FFFFFFF  }
0xc2: {  	(tm) =	ssettm $0x7FFFFFFF  }
0xc3: {  	_ =	shalt  }
tec
execute0_lowered:
.L_overlay_start_1:
0x0: {  	(tag) =	ssettag $0x1  }
0x1: {  	s0 =	rddreg [dreg:$0x0]  }
0x2: {  	s1 =	rddreg [dreg:$0x1];
	s12 =	simm.s32 $0x0;
	s2 =	srdreg.scid  }
0x3: {  	s4 =	stileid.u32;
	[smem:$0x7FF] =	sst s12  }
0x4: {  	s3 =	sadd.s32 $0x8C00, s0;
	s2 =	sand.u32 $0x1, s2;
	s5 =	sshll.u32 s4, $0x1  }
0x5: {  	s4 =	sadd.s32 $0x18F600, s0;
	s6 =	sadd.s32 $0x2800, s0;
	s26 =	sadd.s32 $0x5A00, s0  }
0x6: {  	_ =	strace $0x80000047;
	[smem:$0x7F7] =	sst s6;
	s5 =	sor.u32 s2, s5  }
0x7: {  	[smem:$0x7F8] =	sst s26;
	s2 =	ssub.s32 $0x2, s2;
	s28 =	sshll.u32 s5, $0x6  }
0x8: {  	s5 =	sshll.u32 s5, $0x4;
	s7 =	sadd.s32 s28, s0;
	s1 =	sadd.s32 s1, s28  }
0x9: {  	s0 =	sadd.s32 s5, s0;
	s29 =	sadd.s32 $0x2000, s7;
	[smem:$0x7FA] =	sst s1  }
0xa: {  	s8 =	sshrl.u32 s2, $0x1;
	s0 =	sadd.s32 $0x316800, s0;
	[smem:$0x7F9] =	sst s29  }
0xb: {  	s2 =	ssub.s32 s2, s8;
	s30 =	sadd.s32 $0x316000, s7;
	[smem:$0x7FB] =	sst s0  }
0xc: {  	s31 =	smax.u32 s2, $0x1;
	[smem:$0x7FC] =	sst s30  }
0xd: {  	s5 =	simm.s32 $0x3;
	s1 =	simm.s32 $0x0;
	[smem:$0x7FD] =	sst s31  }
.LBB2_1:
0xe: {  	s0 =	sld [smem:$0x7F9];
	_ =	sdelay $0x1  }
0xf: {  	[smem:$0x7F6] =	sst s1  }
0x10: {  	[tilespmem:s12], [sflag:$0x3] =	stream.linear.gather [hbm4b:s0+s12], $0x200, $0x38;
	[tilespmem:$0x10A80] =	vst v63  }
0x11: {  	_ =	swait.ge [sflag:s5], $0x200  }
0x12: {  	s21 =	sld [smem:$0x7FA]  }
0x13: {  	[sflag:s5] =	ssyncset.done $0x0  }
0x14: {  	s20 =	simm.s32 $0x200;
	[sflag:s5] =	ssyncadd.s32 $0xFFFFFE00  }
0x15: {  	[tilespmem:s20], [sflag:$0x3] =	stream.linear.gather [hbm4b:s21+s12], $0x200, $0x38;
	[tilespmem:$0x10A80] =	vst v63  }
0x16: {  	_ =	swait.ge [sflag:s5], $0x200  }
0x17: {  	s22 =	sld [smem:$0x7F7]  }
0x18: {  	[sflag:s5] =	ssyncset.done $0x0  }
0x19: {  	s2 =	simm.s32 $0x10400;
	s23 =	sld [smem:$0x7F8];
	[sflag:s5] =	ssyncadd.s32 $0xFFFFFE00  }
0x1a: {  	[tilespmem:s2], [sflag:$0x1] =	stream.indirect.gather [hbm4b:s22+s20], $0x1, s12, s20, $0xb8;
	[tilespmem:$0x10A80] =	vst v63  }
0x1b: {  	s24 =	simm.s32 $0x10600  }
0x1c: {  	[tilespmem:s24], [sflag:$0x1] =	stream.indirect.gather [hbm4b:s23+s20], $0x1, s20, s20, $0xb8;
	[tilespmem:$0x10A80] =	vst v63  }
0x1d: {  	v0 =	vld [tilespmem:s12+$0x0];
	_ =	sdelay $0x1  }
0x1e: {  	v2 =	vld [tilespmem:s20+$0x0];
	_ =	sdelay $0x2  }
0x1f: {  	v1 =	vshll.u32 v0, $0x4  }
0x20: {  	(v2sf) =	vpush v1, $0x0  }
0x21: {  	v63 =	vshll.u32 v2, $0x4  }
0x22: {  	(v2sf) =	vpush v63, $0x0;
	_ =	sdelay $0x1  }
0x23: {  	(v2sf) =	vpush v1, $0x1  }
0x24: {  	(v2sf) =	vpush v63, $0x1;
	_ =	sdelay $0x2  }
0x25: {  	(v2sf) =	vpush v1, $0x2;
	_ =	sdelay $0x1  }
0x26: {  	(v2sf) =	vpush v63, $0x2  }
0x27: {  	s25 =	simm.s32 $0x4400  }
0x28: {  	s6 =	simm.s32 $0x400;
	s8 =	simm.s32 $0x600;
	s9 =	simm.s32 $0x580;
	(v2sf) =	vpush v1, $0x3  }
0x29: {  	s15 =	simm.s32 $0x4480;
	s17 =	simm.s32 $0x500;
	s28 =	simm.s32 $0xA80  }
0x2a: {  	s30 =	simm.s32 $0xA00;
	s29 =	simm.s32 $0xB00;
	s0 =	simm.s32 $0x4900  }
0x2b: {  	s21 =	simm.s32 $0x2000;
	s5 =	simm.s32 $0x880;
	s7 =	spop (v2sf)  }
0x2c: {  	s2 =	simm.s32 $0x680;
	s22 =	simm.s32 $0x4500;
	(v2sf) =	vpush v63, $0x3;
	s7 =	sand.u32 $0x1FFFFFF0, s7  }
0x2d: {  	s20 =	simm.s32 $0x0;
	s10 =	spop (v2sf);
	s7 =	sadd.s32 s3, s7  }
0x2e: {  	(v2sf) =	vpush v1, $0x4;
	[tilespmem:s6], [sflag:$0x2] =	stream.linear.gather [hbm4b:s7+s12], $0x80, $0x38;
	[tilespmem:$0x10A80] =	vst v63  }
0x2f: {  	(v2sf) =	vpush v63, $0x4;
	s26 =	sand.u32 $0x1FFFFFF0, s10;
	s31 =	spop (v2sf);
	s6 =	simm.s32 $0x4580  }
0x30: {  	s7 =	sadd.s32 s4, s26;
	s10 =	sand.u32 $0x1FFFFFF0, s31;
	s11 =	spop (v2sf)  }
0x31: {  	(v2sf) =	vpush v1, $0x5;
	s26 =	simm.s32 $0x4600;
	s13 =	sadd.s32 s3, s10;
	s14 =	sand.u32 $0x1FFFFFF0, s11  }
0x32: {  	[tilespmem:s25], [sflag:$0x2] =	stream.linear.gather [hbm4b:s7+s12], $0x80, $0x38;
	[tilespmem:$0x10A80] =	vst v63  }
0x33: {  	s16 =	spop (v2sf);
	(v2sf) =	vpush v63, $0x5;
	s11 =	simm.s32 $0x780;
	s7 =	simm.s32 $0x480  }
0x34: {  	(v2sf) =	vpush v1, $0x6;
	[tilespmem:s7], [sflag:$0x2] =	stream.linear.gather [hbm4b:s13+s12], $0x80, $0x38;
	[tilespmem:$0x10A80] =	vst v63  }
0x35: {  	s10 =	sadd.s32 s4, s14;
	s18 =	spop (v2sf);
	s7 =	sand.u32 $0x1FFFFFF0, s16  }
0x36: {  	[tilespmem:s15], [sflag:$0x2] =	stream.linear.gather [hbm4b:s10+s12], $0x80, $0x38;
	[tilespmem:$0x10A80] =	vst v63  }
0x37: {  	s19 =	spop (v2sf);
	s7 =	sadd.s32 s3, s7;
	s10 =	sand.u32 $0x1FFFFFF0, s18  }
0x38: {  	(v2sf) =	vpush v63, $0x6;
	[tilespmem:s17], [sflag:$0x2] =	stream.linear.gather [hbm4b:s7+s12], $0x80, $0x38;
	[tilespmem:$0x10A80] =	vst v63  }
0x39: {  	s24 =	sand.u32 $0x1FFFFFF0, s19;
	s13 =	simm.s32 $0x4A00;
	s23 =	sadd.s32 s4, s10  }
0x3a: {  	[tilespmem:s22], [sflag:$0x2] =	stream.linear.gather [hbm4b:s23+s12], $0x80, $0x38;
	[tilespmem:$0x10A80] =	vst v63  }
0x3b: {  	s15 =	simm.s32 $0x4680;
	s10 =	sadd.s32 s3, s24;
	s25 =	spop (v2sf)  }
0x3c: {  	(v2sf) =	vpush v1, $0x7;
	[tilespmem:s9], [sflag:$0x2] =	stream.linear.gather [hbm4b:s10+s12], $0x80, $0x38;
	[tilespmem:$0x10A80] =	vst v63  }
0x3d: {  	s17 =	simm.s32 $0x700;
	s7 =	sand.u32 $0x1FFFFFF0, s25;
	s31 =	spop (v2sf)  }
0x3e: {  	s7 =	sadd.s32 s4, s7;
	s10 =	sand.u32 $0x1FFFFFF0, s31;
	s1 =	spop (v2sf)  }
0x3f: {  	(v2sf) =	vpush v63, $0x7;
	[tilespmem:s6], [sflag:$0x2] =	stream.linear.gather [hbm4b:s7+s12], $0x80, $0x38;
	[tilespmem:$0x10A80] =	vst v63  }
0x40: {  	(v2sf) =	vpush v1, $0x8;
	s10 =	sadd.s32 s3, s10;
	s14 =	sand.u32 $0x1FFFFFF0, s1;
	s16 =	spop (v2sf)  }
0x41: {  	[tilespmem:s8], [sflag:$0x2] =	stream.linear.gather [hbm4b:s10+s12], $0x80, $0x38;
	[tilespmem:$0x10A80] =	vst v63  }
0x42: {  	(v2sf) =	vpush v63, $0x8;
	s7 =	sadd.s32 s4, s14;
	s18 =	spop (v2sf);
	s8 =	sand.u32 $0x1FFFFFF0, s16  }
0x43: {  	s9 =	sand.u32 $0x1FFFFFF0, s18;
	s19 =	spop (v2sf);
	s10 =	simm.s32 $0x4A80  }
0x44: {  	(v2sf) =	vpush v1, $0x9;
	[tilespmem:s26], [sflag:$0x2] =	stream.linear.gather [hbm4b:s7+s12], $0x80, $0x38;
	[tilespmem:$0x10A80] =	vst v63  }
0x45: {  	s16 =	simm.s32 $0x4780;
	s18 =	simm.s32 $0x800;
	s8 =	sadd.s32 s3, s8  }
0x46: {  	(v2sf) =	vpush v63, $0x9;
	[tilespmem:s2], [sflag:$0x2] =	stream.linear.gather [hbm4b:s8+s12], $0x80, $0x38;
	[tilespmem:$0x10A80] =	vst v63  }
0x47: {  	s22 =	sadd.s32 s4, s9;
	s23 =	sand.u32 $0x1FFFFFF0, s19;
	s24 =	spop (v2sf)  }
0x48: {  	(v2sf) =	vpush v1, $0xA;
	[tilespmem:s15], [sflag:$0x2] =	stream.linear.gather [hbm4b:s22+s12], $0x80, $0x38;
	[tilespmem:$0x10A80] =	vst v63  }
0x49: {  	s25 =	sadd.s32 s3, s23;
	s26 =	simm.s32 $0x4700;
	s6 =	sand.u32 $0x1FFFFFF0, s24  }
0x4a: {  	(v2sf) =	vpush v63, $0xA;
	[tilespmem:s17], [sflag:$0x2] =	stream.linear.gather [hbm4b:s25+s12], $0x80, $0x38;
	[tilespmem:$0x10A80] =	vst v63  }
0x4b: {  	s23 =	simm.s32 $0x4800;
	s6 =	sadd.s32 s4, s6;
	s31 =	spop (v2sf)  }
0x4c: {  	(v2sf) =	vpush v1, $0xB;
	[tilespmem:s26], [sflag:$0x2] =	stream.linear.gather [hbm4b:s6+s12], $0x80, $0x38;
	[tilespmem:$0x10A80] =	vst v63  }
0x4d: {  	s2 =	simm.s32 $0x4980;
	s26 =	simm.s32 $0x4880;
	s8 =	sand.u32 $0x1FFFFFF0, s31  }
0x4e: {  	s6 =	simm.s32 $0x4B00;
	s1 =	spop (v2sf);
	(v2sf) =	vpush v63, $0xB;
	s14 =	sadd.s32 s3, s8  }
0x4f: {  	s15 =	sand.u32 $0x1FFFFFF0, s1;
	s17 =	spop (v2sf);
	s1 =	simm.s32 $0x900  }
0x50: {  	[tilespmem:s11], [sflag:$0x2] =	stream.linear.gather [hbm4b:s14+s12], $0x80, $0x38;
	[tilespmem:$0x10A80] =	vst v63  }
0x51: {  	s8 =	sadd.s32 s4, s15;
	s7 =	sand.u32 $0x1FFFFFF0, s17;
	s19 =	spop (v2sf)  }
0x52: {  	(v2sf) =	vpush v1, $0xC;
	[tilespmem:s16], [sflag:$0x2] =	stream.linear.gather [hbm4b:s8+s12], $0x80, $0x38;
	[tilespmem:$0x10A80] =	vst v63  }
0x53: {  	s7 =	sadd.s32 s3, s7;
	s22 =	spop (v2sf);
	s8 =	sand.u32 $0x1FFFFFF0, s19  }
0x54: {  	(v2sf) =	vpush v63, $0xC;
	[tilespmem:s18], [sflag:$0x2] =	stream.linear.gather [hbm4b:s7+s12], $0x80, $0x38;
	[tilespmem:$0x10A80] =	vst v63  }
0x55: {  	s25 =	sand.u32 $0x1FFFFFF0, s22;
	s31 =	spop (v2sf);
	s24 =	sadd.s32 s4, s8  }
0x56: {  	[tilespmem:s23], [sflag:$0x2] =	stream.linear.gather [hbm4b:s24+s12], $0x80, $0x38;
	[tilespmem:$0x10A80] =	vst v63  }
0x57: {  	s8 =	sadd.s32 s3, s25;
	s9 =	spop (v2sf);
	s7 =	sand.u32 $0x1FFFFFF0, s31  }
0x58: {  	[tilespmem:s5], [sflag:$0x2] =	stream.linear.gather [hbm4b:s8+s12], $0x80, $0x38;
	[tilespmem:$0x10A80] =	vst v63  }
0x59: {  	s11 =	spop (v2sf);
	s7 =	sadd.s32 s4, s7;
	s8 =	sand.u32 $0x1FFFFFF0, s9  }
0x5a: {  	[tilespmem:s26], [sflag:$0x2] =	stream.linear.gather [hbm4b:s7+s12], $0x80, $0x38;
	[tilespmem:$0x10A80] =	vst v63  }
0x5b: {  	s15 =	sand.u32 $0x1FFFFFF0, s11;
	s14 =	sadd.s32 s3, s8;
	s16 =	spop (v2sf)  }
0x5c: {  	[tilespmem:s1], [sflag:$0x2] =	stream.linear.gather [hbm4b:s14+s12], $0x80, $0x38;
	[tilespmem:$0x10A80] =	vst v63  }
0x5d: {  	s17 =	sadd.s32 s4, s15;
	s18 =	sand.u32 $0x1FFFFFF0, s16;
	s19 =	spop (v2sf)  }
0x5e: {  	(v2sf) =	vpush v1, $0xD;
	[tilespmem:s0], [sflag:$0x2] =	stream.linear.gather [hbm4b:s17+s12], $0x80, $0x38;
	[tilespmem:$0x10A80] =	vst v63  }
0x5f: {  	s22 =	simm.s32 $0x980;
	(v2sf) =	vpush v63, $0xD;
	s23 =	sadd.s32 s3, s18;
	s24 =	sand.u32 $0x1FFFFFF0, s19  }
0x60: {  	(v2sf) =	vpush v1, $0xE;
	[tilespmem:s22], [sflag:$0x2] =	stream.linear.gather [hbm4b:s23+s12], $0x80, $0x38;
	[tilespmem:$0x10A80] =	vst v63  }
0x61: {  	s25 =	simm.s32 $0x10;
	s26 =	sadd.s32 s4, s24;
	(v2sf) =	vpush v63, $0xE;
	s31 =	spop (v2sf)  }
0x62: {  	(v2sf) =	vpush v1, $0xF;
	[tilespmem:s2], [sflag:$0x2] =	stream.linear.gather [hbm4b:s26+s12], $0x80, $0x38;
	[tilespmem:$0x10A80] =	vst v63  }
0x63: {  	s0 =	sand.u32 $0x1FFFFFF0, s31;
	(v2sf) =	vpush v63, $0xF;
	s26 =	simm.s32 $0x210;
	s2 =	spop (v2sf)  }
.LBB2_2:
0x64: {  	_ =	sdelay $0x4  }
0x65: {  	s0 =	sadd.s32 s3, s0;
	s2 =	sand.u32 $0x1FFFFFF0, s2  }
0x66: {  	[tilespmem:s30], [sflag:$0x2] =	stream.linear.gather [hbm4b:s0+s12], $0x80, $0x38;
	[tilespmem:$0x10A80] =	vst v63  }
0x67: {  	s7 =	sadd.s32 s4, s2  }
0x68: {  	[tilespmem:s13], [sflag:$0x2] =	stream.linear.gather [hbm4b:s7+s12], $0x80, $0x38;
	[tilespmem:$0x10A80] =	vst v63  }
0x69: {  	s5 =	spop (v2sf)  }
0x6a: {  	s8 =	sand.u32 $0x1FFFFFF0, s5;
	s9 =	spop (v2sf)  }
0x6b: {  	s11 =	sadd.s32 s3, s8;
	s1 =	sand.u32 $0x1FFFFFF0, s9;
	s13 =	spop (v2sf)  }
0x6c: {  	[tilespmem:s28], [sflag:$0x2] =	stream.linear.gather [hbm4b:s11+s12], $0x80, $0x38;
	[tilespmem:$0x10A80] =	vst v63  }
0x6d: {  	s14 =	sadd.s32 s4, s1;
	s15 =	sand.u32 $0x1FFFFFF0, s13;
	s16 =	spop (v2sf)  }
0x6e: {  	[tilespmem:s10], [sflag:$0x2] =	stream.linear.gather [hbm4b:s14+s12], $0x80, $0x38;
	[tilespmem:$0x10A80] =	vst v63  }
0x6f: {  	s17 =	sadd.s32 s3, s15;
	s18 =	sand.u32 $0x1FFFFFF0, s16;
	s19 =	spop (v2sf)  }
0x70: {  	[tilespmem:s29], [sflag:$0x2] =	stream.linear.gather [hbm4b:s17+s12], $0x80, $0x38;
	[tilespmem:$0x10A80] =	vst v63  }
0x71: {  	s22 =	sadd.s32 s4, s18;
	s23 =	sand.u32 $0x1FFFFFF0, s19;
	s24 =	spop (v2sf)  }
0x72: {  	[tilespmem:s6], [sflag:$0x2] =	stream.linear.gather [hbm4b:s22+s12], $0x80, $0x38;
	[tilespmem:$0x10A80] =	vst v63  }
0x73: {  	s31 =	sadd.s32 $0xB80, s20;
	s1 =	sadd.s32 s3, s23;
	s2 =	sand.u32 $0x1FFFFFF0, s24  }
0x74: {  	[tilespmem:s31], [sflag:$0x2] =	stream.linear.gather [hbm4b:s1+s12], $0x80, $0x38;
	[tilespmem:$0x10A80] =	vst v63  }
0x75: {  	s5 =	sadd.s32 $0x4B80, s20;
	s6 =	sadd.s32 s4, s2  }
0x76: {  	[tilespmem:s5], [sflag:$0x2] =	stream.linear.gather [hbm4b:s6+s12], $0x80, $0x38;
	[tilespmem:$0x10A80] =	vst v63  }
0x77: {  	v0 =	vld [tilespmem:s25+$0x0]  }
0x78: {  	v2 =	vld [tilespmem:s26+$0x0];
	_ =	sdelay $0x3  }
0x79: {  	v1 =	vshll.u32 v0, $0x4  }
0x7a: {  	s7 =	smov.u32 s21;
	v63 =	vshll.u32 v2, $0x4;
	(v2sf) =	vpush v1, $0x0  }
0x7b: {  	s20 =	sshra.s32 s7, $0x2;
	(v2sf) =	vpush v63, $0x0  }
0x7c: {  	p0 =	sne.s32 s21, $0xE000;
	s0 =	sadd.s32 $0x680, s20;
	(v2sf) =	vpush v1, $0x1  }
0x7d: {  	s21 =	sadd.s32 $0x2000, s21;
	s8 =	sadd.s32 $0x880, s20;
	[smem:$0x7F3] =	sst s0  }
0x7e: {  	s9 =	sadd.s32 $0x4900, s20;
	s7 =	sadd.s32 $0x700, s20;
	[dreg:$0xb] =	wrdreg s8;
	(v2sf) =	vpush v63, $0x1  }
0x7f: {  	s30 =	sadd.s32 $0xA00, s20;
	[dreg:$0x3] =	wrdreg s9;
	s0 =	sadd.s32 $0x500, s20  }
0x80: {  	s28 =	sadd.s32 $0xA80, s20;
	s11 =	sadd.s32 $0x4680, s20;
	s9 =	sadd.s32 $0x4700, s20;
	(v2sf) =	vpush v1, $0x2  }
0x81: {  	s13 =	sadd.s32 $0x4880, s20;
	s8 =	sadd.s32 $0x780, s20;
	s15 =	sadd.s32 $0x580, s20;
	(v2sf) =	vpush v63, $0x2  }
0x82: {  	[dreg:$0x13] =	wrdreg s13;
	s16 =	sadd.s32 $0x4800, s20;
	s13 =	sadd.s32 $0x480, s20  }
0x83: {  	s19 =	sadd.s32 $0x4580, s20;
	s10 =	sadd.s32 $0x4980, s20;
	[dreg:$0x18] =	wrdreg s16;
	(v2sf) =	vpush v1, $0x3  }
0x84: {  	s18 =	simm.s32 $0x0;
	s14 =	sadd.s32 $0x900, s20;
	[dreg:$0x7] =	wrdreg s10  }
0x85: {  	s10 =	sadd.s32 $0x4A80, s20;
	[dreg:$0xf] =	wrdreg s14;
	s23 =	sadd.s32 $0x4780, s20  }
0x86: {  	s24 =	sadd.s32 $0x800, s20;
	s17 =	sadd.s32 $0x600, s20;
	[smem:$0x7F4] =	sst s23  }
0x87: {  	[smem:$0x7F5] =	sst s24;
	s29 =	sadd.s32 $0xB00, s20;
	s22 =	sadd.s32 $0x4400, s20;
	(v2sf) =	vpush v63, $0x3  }
0x88: {  	s2 =	sadd.s32 $0x4500, s20;
	s1 =	sadd.s32 $0x400, s20;
	s31 =	sadd.s32 $0x4480, s20  }
0x89: {  	s5 =	sadd.s32 $0x4A00, s20;
	s12 =	sadd.s32 $0x4600, s20;
	(v2sf) =	vpush v1, $0x4;
	s16 =	spop (v2sf)  }
0x8a: {  	s6 =	sadd.s32 $0x4B00, s20;
	s14 =	sand.u32 $0x1FFFFFF0, s16;
	s23 =	spop (v2sf)  }
0x8b: {  	(v2sf) =	vpush v63, $0x4;
	s14 =	sadd.s32 s3, s14;
	s23 =	sand.u32 $0x1FFFFFF0, s23;
	s24 =	spop (v2sf)  }
0x8c: {  	[tilespmem:s1], [sflag:$0x2] =	stream.linear.gather [hbm4b:s14+s18], $0x80, $0x38;
	[tilespmem:$0x10A80] =	vst v63  }
0x8d: {  	(v2sf) =	vpush v1, $0x5;
	s14 =	sadd.s32 s4, s23;
	s23 =	sand.u32 $0x1FFFFFF0, s24;
	s24 =	spop (v2sf)  }
0x8e: {  	[tilespmem:s22], [sflag:$0x2] =	stream.linear.gather [hbm4b:s14+s18], $0x80, $0x38;
	[tilespmem:$0x10A80] =	vst v63  }
0x8f: {  	s22 =	sadd.s32 s3, s23;
	s23 =	sand.u32 $0x1FFFFFF0, s24;
	s24 =	spop (v2sf)  }
0x90: {  	(v2sf) =	vpush v63, $0x5;
	s14 =	sadd.s32 s4, s23;
	s23 =	sand.u32 $0x1FFFFFF0, s24;
	s24 =	spop (v2sf)  }
0x91: {  	[tilespmem:s13], [sflag:$0x2] =	stream.linear.gather [hbm4b:s22+s18], $0x80, $0x38;
	[tilespmem:$0x10A80] =	vst v63  }
0x92: {  	s25 =	sadd.s32 $0x10, s25;
	s26 =	sadd.s32 $0x10, s26;
	(v2sf) =	vpush v1, $0x6;
	s22 =	spop (v2sf)  }
0x93: {  	(v2sf) =	vpush v63, $0x6;
	[tilespmem:s31], [sflag:$0x2] =	stream.linear.gather [hbm4b:s14+s18], $0x80, $0x38;
	[tilespmem:$0x10A80] =	vst v63  }
0x94: {  	s13 =	sadd.s32 s3, s23;
	s14 =	sand.u32 $0x1FFFFFF0, s24;
	s24 =	sand.u32 $0x1FFFFFF0, s22  }
0x95: {  	(v2sf) =	vpush v1, $0x7;
	[tilespmem:s0], [sflag:$0x2] =	stream.linear.gather [hbm4b:s13+s18], $0x80, $0x38;
	[tilespmem:$0x10A80] =	vst v63  }
0x96: {  	s31 =	spop (v2sf);
	s23 =	sadd.s32 s4, s14;
	s1 =	sadd.s32 s3, s24  }
0x97: {  	(v2sf) =	vpush v63, $0x7;
	[tilespmem:s2], [sflag:$0x2] =	stream.linear.gather [hbm4b:s23+s18], $0x80, $0x38;
	[tilespmem:$0x10A80] =	vst v63  }
0x98: {  	s13 =	smov.u32 s5;
	s5 =	spop (v2sf);
	s2 =	sand.u32 $0x1FFFFFF0, s31  }
0x99: {  	(v2sf) =	vpush v1, $0x8;
	[tilespmem:s15], [sflag:$0x2] =	stream.linear.gather [hbm4b:s1+s18], $0x80, $0x38;
	[tilespmem:$0x10A80] =	vst v63  }
0x9a: {  	s14 =	sadd.s32 s4, s2;
	s15 =	sand.u32 $0x1FFFFFF0, s5;
	s22 =	spop (v2sf)  }
0x9b: {  	[tilespmem:s19], [sflag:$0x2] =	stream.linear.gather [hbm4b:s14+s18], $0x80, $0x38;
	[tilespmem:$0x10A80] =	vst v63  }
0x9c: {  	s16 =	sadd.s32 $0x980, s20;
	s23 =	sadd.s32 s3, s15;
	s31 =	spop (v2sf)  }
0x9d: {  	(v2sf) =	vpush v63, $0x8;
	s24 =	sand.u32 $0x1FFFFFF0, s22;
	s22 =	sld [smem:$0x7F3];
	s14 =	sand.u32 $0x1FFFFFF0, s31  }
0x9e: {  	(v2sf) =	vpush v1, $0x9;
	[tilespmem:s17], [sflag:$0x2] =	stream.linear.gather [hbm4b:s23+s18], $0x80, $0x38;
	[tilespmem:$0x10A80] =	vst v63  }
0x9f: {  	s5 =	sadd.s32 s4, s24;
	s15 =	spop (v2sf);
	s17 =	sadd.s32 s3, s14  }
0xa0: {  	[tilespmem:s12], [sflag:$0x2] =	stream.linear.gather [hbm4b:s5+s18], $0x80, $0x38;
	[tilespmem:$0x10A80] =	vst v63  }
0xa1: {  	s19 =	spop (v2sf);
	s12 =	simm.s32 $0x0;
	s18 =	sand.u32 $0x1FFFFFF0, s15  }
0xa2: {  	(v2sf) =	vpush v63, $0x9;
	s24 =	sand.u32 $0x1FFFFFF0, s19;
	s31 =	spop (v2sf);
	s23 =	sadd.s32 s4, s18  }
0xa3: {  	[tilespmem:s22], [sflag:$0x2] =	stream.linear.gather [hbm4b:s17+s12], $0x80, $0x38;
	[tilespmem:$0x10A80] =	vst v63  }
0xa4: {  	(v2sf) =	vpush v1, $0xA;
	s1 =	sadd.s32 s3, s24;
	s2 =	sand.u32 $0x1FFFFFF0, s31;
	s5 =	spop (v2sf)  }
0xa5: {  	[tilespmem:s11], [sflag:$0x2] =	stream.linear.gather [hbm4b:s23+s12], $0x80, $0x38;
	[tilespmem:$0x10A80] =	vst v63  }
0xa6: {  	(v2sf) =	vpush v63, $0xA;
	s31 =	sld [smem:$0x7F4];
	s14 =	sand.u32 $0x1FFFFFF0, s5;
	s15 =	spop (v2sf)  }
0xa7: {  	[tilespmem:s7], [sflag:$0x2] =	stream.linear.gather [hbm4b:s1+s12], $0x80, $0x38;
	[tilespmem:$0x10A80] =	vst v63  }
0xa8: {  	s17 =	sadd.s32 s3, s14;
	s11 =	sadd.s32 s4, s2;
	s19 =	spop (v2sf)  }
0xa9: {  	[tilespmem:s9], [sflag:$0x2] =	stream.linear.gather [hbm4b:s11+s12], $0x80, $0x38;
	[tilespmem:$0x10A80] =	vst v63  }
0xaa: {  	(v2sf) =	vpush v1, $0xB;
	s18 =	sand.u32 $0x1FFFFFF0, s15;
	s15 =	rddreg [dreg:$0x18];
	s23 =	sand.u32 $0x1FFFFFF0, s19  }
0xab: {  	[tilespmem:s8], [sflag:$0x2] =	stream.linear.gather [hbm4b:s17+s12], $0x80, $0x38;
	[tilespmem:$0x10A80] =	vst v63  }
0xac: {  	(v2sf) =	vpush v63, $0xB;
	s22 =	sadd.s32 s4, s18;
	s1 =	sadd.s32 s3, s23;
	s24 =	spop (v2sf)  }
0xad: {  	(v2sf) =	vpush v1, $0xC;
	s8 =	sld [smem:$0x7F5];
	s2 =	sand.u32 $0x1FFFFFF0, s24;
	s7 =	spop (v2sf)  }
0xae: {  	[tilespmem:s31], [sflag:$0x2] =	stream.linear.gather [hbm4b:s22+s12], $0x80, $0x38;
	[tilespmem:$0x10A80] =	vst v63  }
0xaf: {  	(v2sf) =	vpush v63, $0xC;
	s9 =	sadd.s32 s4, s2;
	s11 =	sand.u32 $0x1FFFFFF0, s7;
	s22 =	rddreg [dreg:$0xb]  }
0xb0: {  	[tilespmem:s8], [sflag:$0x2] =	stream.linear.gather [hbm4b:s1+s12], $0x80, $0x38;
	[tilespmem:$0x10A80] =	vst v63  }
0xb1: {  	s14 =	spop (v2sf);
	s7 =	rddreg [dreg:$0x13];
	s17 =	sadd.s32 s3, s11  }
0xb2: {  	[tilespmem:s15], [sflag:$0x2] =	stream.linear.gather [hbm4b:s9+s12], $0x80, $0x38;
	[tilespmem:$0x10A80] =	vst v63  }
0xb3: {  	s18 =	sand.u32 $0x1FFFFFF0, s14;
	s14 =	rddreg [dreg:$0xf];
	s19 =	spop (v2sf)  }
0xb4: {  	[tilespmem:s22], [sflag:$0x2] =	stream.linear.gather [hbm4b:s17+s12], $0x80, $0x38;
	[tilespmem:$0x10A80] =	vst v63  }
0xb5: {  	s23 =	sadd.s32 s4, s18;
	s24 =	sand.u32 $0x1FFFFFF0, s19;
	s31 =	spop (v2sf)  }
0xb6: {  	[tilespmem:s7], [sflag:$0x2] =	stream.linear.gather [hbm4b:s23+s12], $0x80, $0x38;
	[tilespmem:$0x10A80] =	vst v63  }
0xb7: {  	s19 =	rddreg [dreg:$0x3];
	s8 =	sadd.s32 s3, s24;
	s9 =	sand.u32 $0x1FFFFFF0, s31  }
0xb8: {  	[tilespmem:s14], [sflag:$0x2] =	stream.linear.gather [hbm4b:s8+s12], $0x80, $0x38;
	[tilespmem:$0x10A80] =	vst v63  }
0xb9: {  	s11 =	spop (v2sf);
	s31 =	rddreg [dreg:$0x7];
	s15 =	sadd.s32 s4, s9  }
0xba: {  	(v2sf) =	vpush v1, $0xD;
	[tilespmem:s19], [sflag:$0x2] =	stream.linear.gather [hbm4b:s15+s12], $0x80, $0x38;
	[tilespmem:$0x10A80] =	vst v63  }
.Ltmp0:
0xbb: {  	(v2sf) =	vpush v63, $0xD;
	s17 =	sand.u32 $0x1FFFFFF0, s11;
	s18 =	spop (v2sf);
	(pc) =	sbr.rel @p0 .LBB2_2-.Ltmp0, $4  }
0xbc: {  	(v2sf) =	vpush v1, $0xE;
	s22 =	sadd.s32 s3, s17;
	s23 =	sand.u32 $0x1FFFFFF0, s18;
	s24 =	spop (v2sf)  }
0xbd: {  	(v2sf) =	vpush v63, $0xE;
	[tilespmem:s16], [sflag:$0x2] =	stream.linear.gather [hbm4b:s22+s12], $0x80, $0x38;
	[tilespmem:$0x10A80] =	vst v63  }
0xbe: {  	(v2sf) =	vpush v1, $0xF;
	s1 =	sadd.s32 s4, s23;
	s0 =	sand.u32 $0x1FFFFFF0, s24;
	s2 =	spop (v2sf)  }
0xbf: {  	(v2sf) =	vpush v63, $0xF;
	[tilespmem:s31], [sflag:$0x2] =	stream.linear.gather [hbm4b:s1+s12], $0x80, $0x38;
	[tilespmem:$0x10A80] =	vst v63  }
0xc0: {  	_ =	sdelay $0x4  }
0xc1: {  	s0 =	sadd.s32 s3, s0;
	s1 =	sand.u32 $0x1FFFFFF0, s2  }
0xc2: {  	[tilespmem:s30], [sflag:$0x2] =	stream.linear.gather [hbm4b:s0+s12], $0x80, $0x38;
	[tilespmem:$0x10A80] =	vst v63  }
0xc3: {  	s24 =	sadd.s32 s4, s1  }
0xc4: {  	[tilespmem:s13], [sflag:$0x2] =	stream.linear.gather [hbm4b:s24+s12], $0x80, $0x38;
	[tilespmem:$0x10A80] =	vst v63  }
0xc5: {  	s23 =	spop (v2sf)  }
0xc6: {  	s25 =	sand.u32 $0x1FFFFFF0, s23;
	s26 =	spop (v2sf)  }
0xc7: {  	s1 =	sadd.s32 s3, s25;
	s5 =	sand.u32 $0x1FFFFFF0, s26;
	s7 =	spop (v2sf)  }
0xc8: {  	[tilespmem:s28], [sflag:$0x2] =	stream.linear.gather [hbm4b:s1+s12], $0x80, $0x38;
	[tilespmem:$0x10A80] =	vst v63  }
0xc9: {  	s8 =	sadd.s32 s4, s5;
	s9 =	sand.u32 $0x1FFFFFF0, s7;
	s11 =	spop (v2sf)  }
0xca: {  	[tilespmem:s10], [sflag:$0x2] =	stream.linear.gather [hbm4b:s8+s12], $0x80, $0x38;
	[tilespmem:$0x10A80] =	vst v63  }
0xcb: {  	s13 =	sadd.s32 s3, s9;
	s14 =	sand.u32 $0x1FFFFFF0, s11;
	s15 =	spop (v2sf)  }
0xcc: {  	[tilespmem:s29], [sflag:$0x2] =	stream.linear.gather [hbm4b:s13+s12], $0x80, $0x38;
	[tilespmem:$0x10A80] =	vst v63  }
0xcd: {  	s16 =	sadd.s32 s4, s14;
	s17 =	sand.u32 $0x1FFFFFF0, s15;
	s18 =	spop (v2sf)  }
0xce: {  	[tilespmem:s6], [sflag:$0x2] =	stream.linear.gather [hbm4b:s16+s12], $0x80, $0x38;
	[tilespmem:$0x10A80] =	vst v63  }
0xcf: {  	s19 =	sadd.s32 $0xB80, s20;
	s1 =	sadd.s32 s3, s17;
	s2 =	sand.u32 $0x1FFFFFF0, s18  }
0xd0: {  	[tilespmem:s19], [sflag:$0x2] =	stream.linear.gather [hbm4b:s1+s12], $0x80, $0x38;
	[tilespmem:$0x10A80] =	vst v63  }
0xd1: {  	s21 =	sadd.s32 $0x4B80, s20;
	s23 =	simm.s32 $0x2;
	s22 =	sadd.s32 s4, s2  }
0xd2: {  	[tilespmem:s21], [sflag:$0x2] =	stream.linear.gather [hbm4b:s22+s12], $0x80, $0x38;
	[tilespmem:$0x10A80] =	vst v63  }
0xd3: {  	_ =	swait.ge [sflag:s23], $0x4000  }
0xd4: {  	[sflag:s23] =	ssyncset.done $0x0  }
0xd5: {  	[sflag:s23] =	ssyncadd.s32 $0xFFFFC000  }
0xd6: {  	_ =	swait.ge [sflag:s23], $0x4000  }
0xd7: {  	[sflag:s23] =	ssyncset.done $0x0  }
0xd8: {  	s24 =	simm.s32 $0x80;
	[sflag:s23] =	ssyncadd.s32 $0xFFFFC000  }
0xd9: {  	s25 =	simm.s32 $0x280;
	v0 =	vld [tilespmem:s24+$0x0]  }
0xda: {  	v2 =	vld [tilespmem:s25+$0x0];
	_ =	sdelay $0x3  }
0xdb: {  	v1 =	vshll.u32 v0, $0x4  }
0xdc: {  	v63 =	vshll.u32 v2, $0x4;
	(v2sf) =	vpush v1, $0x0  }
0xdd: {  	(v2sf) =	vpush v63, $0x0  }
0xde: {  	(v2sf) =	vpush v1, $0x1;
	_ =	sdelay $0x1  }
0xdf: {  	(v2sf) =	vpush v63, $0x1  }
0xe0: {  	(v2sf) =	vpush v1, $0x2;
	_ =	sdelay $0x1  }
0xe1: {  	(v2sf) =	vpush v63, $0x2;
	_ =	sdelay $0x1  }
0xe2: {  	(v2sf) =	vpush v1, $0x3  }
0xe3: {  	s20 =	simm.s32 $0x0;
	s31 =	simm.s32 $0x8A00  }
0xe4: {  	s0 =	simm.s32 $0xC900;
	s30 =	simm.s32 $0x8B00;
	s26 =	simm.s32 $0xC400  }
0xe5: {  	s5 =	simm.s32 $0x8680;
	s28 =	simm.s32 $0x90;
	s9 =	simm.s32 $0x8580  }
0xe6: {  	s8 =	simm.s32 $0x8600;
	s2 =	simm.s32 $0x8880;
	s29 =	simm.s32 $0xCB00;
	(v2sf) =	vpush v63, $0x3  }
0xe7: {  	s6 =	simm.s32 $0xC580;
	s16 =	simm.s32 $0x8480;
	s19 =	simm.s32 $0xC480  }
0xe8: {  	s22 =	simm.s32 $0x2000;
	s21 =	simm.s32 $0x0;
	s7 =	spop (v2sf)  }
0xe9: {  	s12 =	simm.s32 $0x8400;
	s7 =	sand.u32 $0x1FFFFFF0, s7;
	s13 =	spop (v2sf)  }
0xea: {  	s24 =	simm.s32 $0x8500;
	(v2sf) =	vpush v1, $0x4;
	s7 =	sadd.s32 s3, s7;
	s15 =	spop (v2sf)  }
0xeb: {  	(v2sf) =	vpush v63, $0x4;
	[tilespmem:s12], [sflag:$0x2] =	stream.linear.gather [hbm4b:s7+s20], $0x80, $0x38;
	[tilespmem:$0x10A80] =	vst v63  }
0xec: {  	s14 =	sand.u32 $0x1FFFFFF0, s13;
	s10 =	sand.u32 $0x1FFFFFF0, s15;
	s11 =	spop (v2sf)  }
0xed: {  	s7 =	sadd.s32 s4, s14;
	(v2sf) =	vpush v1, $0x5;
	s17 =	sadd.s32 s3, s10;
	s23 =	spop (v2sf)  }
0xee: {  	[tilespmem:s26], [sflag:$0x2] =	stream.linear.gather [hbm4b:s7+s20], $0x80, $0x38;
	[tilespmem:$0x10A80] =	vst v63  }
0xef: {  	s18 =	sand.u32 $0x1FFFFFF0, s11;
	s11 =	simm.s32 $0xCA00;
	s25 =	spop (v2sf)  }
0xf0: {  	(v2sf) =	vpush v63, $0x5;
	[tilespmem:s16], [sflag:$0x2] =	stream.linear.gather [hbm4b:s17+s20], $0x80, $0x38;
	[tilespmem:$0x10A80] =	vst v63  }
0xf1: {  	s10 =	sadd.s32 s4, s18;
	(v2sf) =	vpush v1, $0x6;
	s7 =	sand.u32 $0x1FFFFFF0, s23;
	s26 =	spop (v2sf)  }
0xf2: {  	[tilespmem:s19], [sflag:$0x2] =	stream.linear.gather [hbm4b:s10+s20], $0x80, $0x38;
	[tilespmem:$0x10A80] =	vst v63  }
0xf3: {  	s7 =	sadd.s32 s3, s7;
	(v2sf) =	vpush v63, $0x6;
	s13 =	sand.u32 $0x1FFFFFF0, s26;
	s10 =	sand.u32 $0x1FFFFFF0, s25  }
0xf4: {  	[tilespmem:s24], [sflag:$0x2] =	stream.linear.gather [hbm4b:s7+s20], $0x80, $0x38;
	[tilespmem:$0x10A80] =	vst v63  }
0xf5: {  	s14 =	spop (v2sf);
	s12 =	sadd.s32 s4, s10;
	s7 =	simm.s32 $0xC500  }
0xf6: {  	(v2sf) =	vpush v1, $0x7;
	[tilespmem:s7], [sflag:$0x2] =	stream.linear.gather [hbm4b:s12+s20], $0x80, $0x38;
	[tilespmem:$0x10A80] =	vst v63  }
0xf7: {  	s16 =	simm.s32 $0xC600;
	s15 =	sadd.s32 s3, s13;
	s1 =	sand.u32 $0x1FFFFFF0, s14  }
0xf8: {  	[tilespmem:s9], [sflag:$0x2] =	stream.linear.gather [hbm4b:s15+s20], $0x80, $0x38;
	[tilespmem:$0x10A80] =	vst v63  }
0xf9: {  	s26 =	simm.s32 $0x8700;
	s1 =	sadd.s32 s4, s1;
	s17 =	spop (v2sf)  }
0xfa: {  	(v2sf) =	vpush v63, $0x7;
	s24 =	simm.s32 $0xC680;
	s9 =	sand.u32 $0x1FFFFFF0, s17;
	s18 =	spop (v2sf)  }
0xfb: {  	[tilespmem:s6], [sflag:$0x2] =	stream.linear.gather [hbm4b:s1+s20], $0x80, $0x38;
	[tilespmem:$0x10A80] =	vst v63  }
0xfc: {  	s12 =	simm.s32 $0x8A80;
	(v2sf) =	vpush v1, $0x8;
	s19 =	sadd.s32 s3, s9;
	s25 =	spop (v2sf)  }
0xfd: {  	[tilespmem:s8], [sflag:$0x2] =	stream.linear.gather [hbm4b:s19+s20], $0x80, $0x38;
	[tilespmem:$0x10A80] =	vst v63  }
0xfe: {  	(v2sf) =	vpush v63, $0x8;
	s23 =	sand.u32 $0x1FFFFFF0, s18;
	s18 =	simm.s32 $0xC700;
	s9 =	sand.u32 $0x1FFFFFF0, s25  }
0xff: {  	s6 =	sadd.s32 s4, s23;
	s10 =	spop (v2sf);
	s7 =	sadd.s32 s3, s9  }
0x100: {  	(v2sf) =	vpush v1, $0x9;
	s8 =	sand.u32 $0x1FFFFFF0, s10;
	s13 =	spop (v2sf);
	s10 =	simm.s32 $0xC980  }
0x101: {  	(v2sf) =	vpush v63, $0x9;
	[tilespmem:s16], [sflag:$0x2] =	stream.linear.gather [hbm4b:s6+s20], $0x80, $0x38;
	[tilespmem:$0x10A80] =	vst v63  }
0x102: {  	s14 =	sadd.s32 s4, s8;
	s15 =	sand.u32 $0x1FFFFFF0, s13;
	s16 =	spop (v2sf)  }
0x103: {  	(v2sf) =	vpush v1, $0xA;
	s8 =	simm.s32 $0xC780;
	s13 =	simm.s32 $0x8800;
	s17 =	sadd.s32 s3, s15  }
0x104: {  	[tilespmem:s5], [sflag:$0x2] =	stream.linear.gather [hbm4b:s7+s20], $0x80, $0x38;
	[tilespmem:$0x10A80] =	vst v63  }
0x105: {  	(v2sf) =	vpush v63, $0xA;
	s1 =	sand.u32 $0x1FFFFFF0, s16;
	s19 =	spop (v2sf);
	s16 =	simm.s32 $0xC800  }
0x106: {  	[tilespmem:s24], [sflag:$0x2] =	stream.linear.gather [hbm4b:s14+s20], $0x80, $0x38;
	[tilespmem:$0x10A80] =	vst v63  }
0x107: {  	s5 =	simm.s32 $0xCA80;
	s1 =	sadd.s32 s4, s1;
	s7 =	sand.u32 $0x1FFFFFF0, s19  }
0x108: {  	[tilespmem:s26], [sflag:$0x2] =	stream.linear.gather [hbm4b:s17+s20], $0x80, $0x38;
	[tilespmem:$0x10A80] =	vst v63  }
0x109: {  	(v2sf) =	vpush v1, $0xB;
	s23 =	spop (v2sf);
	s19 =	simm.s32 $0xC880;
	s25 =	sadd.s32 s3, s7  }
0x10a: {  	[tilespmem:s18], [sflag:$0x2] =	stream.linear.gather [hbm4b:s1+s20], $0x80, $0x38;
	[tilespmem:$0x10A80] =	vst v63  }
0x10b: {  	(v2sf) =	vpush v63, $0xB;
	s24 =	simm.s32 $0x8780;
	s26 =	sand.u32 $0x1FFFFFF0, s23;
	s9 =	spop (v2sf)  }
0x10c: {  	[tilespmem:s24], [sflag:$0x2] =	stream.linear.gather [hbm4b:s25+s20], $0x80, $0x38;
	[tilespmem:$0x10A80] =	vst v63  }
0x10d: {  	s7 =	sadd.s32 s4, s26;
	s6 =	sand.u32 $0x1FFFFFF0, s9;
	s14 =	spop (v2sf);
	(v2sf) =	vpush v1, $0xC  }
0x10e: {  	[tilespmem:s8], [sflag:$0x2] =	stream.linear.gather [hbm4b:s7+s20], $0x80, $0x38;
	[tilespmem:$0x10A80] =	vst v63  }
0x10f: {  	s24 =	simm.s32 $0x8900;
	s6 =	sadd.s32 s3, s6;
	s15 =	spop (v2sf);
	(v2sf) =	vpush v63, $0xC  }
0x110: {  	s7 =	sand.u32 $0x1FFFFFF0, s14;
	s18 =	sand.u32 $0x1FFFFFF0, s15;
	s23 =	spop (v2sf)  }
0x111: {  	[tilespmem:s13], [sflag:$0x2] =	stream.linear.gather [hbm4b:s6+s20], $0x80, $0x38;
	[tilespmem:$0x10A80] =	vst v63  }
0x112: {  	s17 =	sadd.s32 s4, s7;
	s7 =	sadd.s32 s3, s18;
	s25 =	spop (v2sf)  }
0x113: {  	[tilespmem:s16], [sflag:$0x2] =	stream.linear.gather [hbm4b:s17+s20], $0x80, $0x38;
	[tilespmem:$0x10A80] =	vst v63  }
0x114: {  	s6 =	sand.u32 $0x1FFFFFF0, s23;
	s18 =	simm.s32 $0x8980;
	s26 =	spop (v2sf)  }
0x115: {  	[tilespmem:s2], [sflag:$0x2] =	stream.linear.gather [hbm4b:s7+s20], $0x80, $0x38;
	[tilespmem:$0x10A80] =	vst v63  }
0x116: {  	s6 =	sadd.s32 s4, s6;
	s13 =	sand.u32 $0x1FFFFFF0, s26;
	s7 =	sand.u32 $0x1FFFFFF0, s25  }
0x117: {  	[tilespmem:s19], [sflag:$0x2] =	stream.linear.gather [hbm4b:s6+s20], $0x80, $0x38;
	[tilespmem:$0x10A80] =	vst v63  }
0x118: {  	s14 =	spop (v2sf);
	s26 =	simm.s32 $0x290;
	s9 =	sadd.s32 s3, s7  }
0x119: {  	[tilespmem:s24], [sflag:$0x2] =	stream.linear.gather [hbm4b:s9+s20], $0x80, $0x38;
	[tilespmem:$0x10A80] =	vst v63  }
0x11a: {  	(v2sf) =	vpush v1, $0xD;
	s15 =	sadd.s32 s4, s13;
	s16 =	sand.u32 $0x1FFFFFF0, s14;
	s17 =	spop (v2sf)  }
0x11b: {  	(v2sf) =	vpush v63, $0xD;
	[tilespmem:s0], [sflag:$0x2] =	stream.linear.gather [hbm4b:s15+s20], $0x80, $0x38;
	[tilespmem:$0x10A80] =	vst v63  }
0x11c: {  	s23 =	sand.u32 $0x1FFFFFF0, s17;
	(v2sf) =	vpush v1, $0xE;
	s19 =	sadd.s32 s3, s16;
	s25 =	spop (v2sf)  }
0x11d: {  	(v2sf) =	vpush v63, $0xE;
	[tilespmem:s18], [sflag:$0x2] =	stream.linear.gather [hbm4b:s19+s20], $0x80, $0x38;
	[tilespmem:$0x10A80] =	vst v63  }
0x11e: {  	(v2sf) =	vpush v1, $0xF;
	s24 =	sadd.s32 s4, s23;
	s0 =	sand.u32 $0x1FFFFFF0, s25;
	s1 =	spop (v2sf)  }
0x11f: {  	(v2sf) =	vpush v63, $0xF;
	[tilespmem:s10], [sflag:$0x2] =	stream.linear.gather [hbm4b:s24+s20], $0x80, $0x38;
	[tilespmem:$0x10A80] =	vst v63  }
.LBB2_4:
0x120: {  	_ =	sdelay $0x4  }
0x121: {  	s0 =	sadd.s32 s3, s0;
	s1 =	sand.u32 $0x1FFFFFF0, s1  }
0x122: {  	[tilespmem:s31], [sflag:$0x2] =	stream.linear.gather [hbm4b:s0+s20], $0x80, $0x38;
	[tilespmem:$0x10A80] =	vst v63  }
0x123: {  	s6 =	sadd.s32 s4, s1  }
0x124: {  	[tilespmem:s11], [sflag:$0x2] =	stream.linear.gather [hbm4b:s6+s20], $0x80, $0x38;
	[tilespmem:$0x10A80] =	vst v63  }
0x125: {  	s2 =	spop (v2sf)  }
0x126: {  	s7 =	sand.u32 $0x1FFFFFF0, s2;
	s8 =	spop (v2sf)  }
0x127: {  	s9 =	sadd.s32 s3, s7;
	s10 =	sand.u32 $0x1FFFFFF0, s8;
	s11 =	spop (v2sf)  }
0x128: {  	[tilespmem:s12], [sflag:$0x2] =	stream.linear.gather [hbm4b:s9+s20], $0x80, $0x38;
	[tilespmem:$0x10A80] =	vst v63  }
0x129: {  	s13 =	sadd.s32 s4, s10;
	s14 =	sand.u32 $0x1FFFFFF0, s11;
	s15 =	spop (v2sf)  }
0x12a: {  	[tilespmem:s5], [sflag:$0x2] =	stream.linear.gather [hbm4b:s13+s20], $0x80, $0x38;
	[tilespmem:$0x10A80] =	vst v63  }
0x12b: {  	s16 =	sadd.s32 s3, s14;
	s17 =	sand.u32 $0x1FFFFFF0, s15;
	s18 =	spop (v2sf)  }
0x12c: {  	[tilespmem:s30], [sflag:$0x2] =	stream.linear.gather [hbm4b:s16+s20], $0x80, $0x38;
	[tilespmem:$0x10A80] =	vst v63  }
0x12d: {  	s19 =	sadd.s32 s4, s17;
	s23 =	sand.u32 $0x1FFFFFF0, s18;
	s24 =	spop (v2sf)  }
0x12e: {  	[tilespmem:s29], [sflag:$0x2] =	stream.linear.gather [hbm4b:s19+s20], $0x80, $0x38;
	[tilespmem:$0x10A80] =	vst v63  }
0x12f: {  	s25 =	sadd.s32 $0x8B80, s21;
	s1 =	sadd.s32 s3, s23;
	s2 =	sand.u32 $0x1FFFFFF0, s24  }
0x130: {  	[tilespmem:s25], [sflag:$0x2] =	stream.linear.gather [hbm4b:s1+s20], $0x80, $0x38;
	[tilespmem:$0x10A80] =	vst v63  }
0x131: {  	s5 =	sadd.s32 $0xCB80, s21;
	s6 =	sadd.s32 s4, s2  }
0x132: {  	[tilespmem:s5], [sflag:$0x2] =	stream.linear.gather [hbm4b:s6+s20], $0x80, $0x38;
	[tilespmem:$0x10A80] =	vst v63  }
0x133: {  	v0 =	vld [tilespmem:s28+$0x0];
	_ =	sdelay $0x1  }
0x134: {  	v2 =	vld [tilespmem:s26+$0x0];
	_ =	sdelay $0x2  }
0x135: {  	v1 =	vshll.u32 v0, $0x4  }
0x136: {  	(v2sf) =	vpush v1, $0x0  }
0x137: {  	v63 =	vshll.u32 v2, $0x4  }
0x138: {  	s7 =	smov.u32 s22;
	(v2sf) =	vpush v63, $0x0  }
0x139: {  	p0 =	sne.s32 s22, $0xE000;
	s22 =	sadd.s32 $0x2000, s22;
	s21 =	sshra.s32 s7, $0x2;
	(v2sf) =	vpush v1, $0x1  }
0x13a: {  	s7 =	sadd.s32 $0x8680, s21;
	s0 =	sadd.s32 $0x8880, s21;
	s14 =	sadd.s32 $0x8400, s21  }
0x13b: {  	s8 =	sadd.s32 $0xC900, s21;
	s15 =	sadd.s32 $0xC580, s21;
	s9 =	sadd.s32 $0xCA00, s21;
	(v2sf) =	vpush v63, $0x1  }
0x13c: {  	s23 =	sadd.s32 $0x8500, s21;
	s12 =	sadd.s32 $0x8A80, s21;
	s13 =	sadd.s32 $0xC480, s21  }
0x13d: {  	s17 =	sadd.s32 $0xC680, s21;
	s11 =	sadd.s32 $0x8700, s21;
	[dreg:$0xc] =	wrdreg s0;
	(v2sf) =	vpush v1, $0x2  }
0x13e: {  	s10 =	sadd.s32 $0xC980, s21;
	s18 =	sadd.s32 $0xC800, s21;
	[dreg:$0x4] =	wrdreg s8  }
0x13f: {  	s31 =	sadd.s32 $0x8A00, s21;
	s2 =	sadd.s32 $0x8580, s21;
	[dreg:$0x1e] =	wrdreg s9;
	(v2sf) =	vpush v63, $0x2  }
0x140: {  	s0 =	sadd.s32 $0xC500, s21;
	[dreg:$0x8] =	wrdreg s10;
	s10 =	sadd.s32 $0xC700, s21  }
0x141: {  	s8 =	sadd.s32 $0xC880, s21;
	s16 =	sadd.s32 $0x8900, s21;
	[dreg:$0x19] =	wrdreg s18;
	(v2sf) =	vpush v1, $0x3  }
0x142: {  	s9 =	sadd.s32 $0x8780, s21;
	s18 =	sadd.s32 $0x8800, s21;
	[dreg:$0x14] =	wrdreg s8  }
0x143: {  	s30 =	sadd.s32 $0x8B00, s21;
	[dreg:$0x10] =	wrdreg s16;
	s16 =	sadd.s32 $0x8480, s21;
	(v2sf) =	vpush v63, $0x3  }
0x144: {  	s8 =	sadd.s32 $0xC780, s21;
	[smem:$0x7F2] =	sst s18;
	s19 =	sadd.s32 $0xC600, s21  }
0x145: {  	s29 =	sadd.s32 $0xCB00, s21;
	s1 =	sadd.s32 $0xC400, s21;
	(v2sf) =	vpush v1, $0x4;
	s24 =	spop (v2sf)  }
0x146: {  	s6 =	sadd.s32 $0x8600, s21;
	s18 =	sand.u32 $0x1FFFFFF0, s24;
	s24 =	sadd.s32 $0x8980, s21  }
0x147: {  	s5 =	sadd.s32 $0xCA80, s21;
	s25 =	spop (v2sf);
	(v2sf) =	vpush v63, $0x4;
	[dreg:$0x17] =	wrdreg s24  }
0x148: {  	s18 =	sadd.s32 s3, s18;
	s24 =	sand.u32 $0x1FFFFFF0, s25;
	s25 =	spop (v2sf)  }
0x149: {  	(v2sf) =	vpush v1, $0x5;
	[tilespmem:s14], [sflag:$0x2] =	stream.linear.gather [hbm4b:s18+s20], $0x80, $0x38;
	[tilespmem:$0x10A80] =	vst v63  }
0x14a: {  	s18 =	sadd.s32 s4, s24;
	s24 =	sand.u32 $0x1FFFFFF0, s25;
	s25 =	spop (v2sf)  }
0x14b: {  	(v2sf) =	vpush v63, $0x5;
	[tilespmem:s1], [sflag:$0x2] =	stream.linear.gather [hbm4b:s18+s20], $0x80, $0x38;
	[tilespmem:$0x10A80] =	vst v63  }
0x14c: {  	s18 =	sadd.s32 s3, s24;
	s24 =	sand.u32 $0x1FFFFFF0, s25;
	s25 =	spop (v2sf)  }
0x14d: {  	(v2sf) =	vpush v1, $0x6;
	[tilespmem:s16], [sflag:$0x2] =	stream.linear.gather [hbm4b:s18+s20], $0x80, $0x38;
	[tilespmem:$0x10A80] =	vst v63  }
0x14e: {  	s16 =	sadd.s32 s4, s24;
	s24 =	sand.u32 $0x1FFFFFF0, s25;
	s25 =	spop (v2sf);
	(v2sf) =	vpush v63, $0x6  }
0x14f: {  	[tilespmem:s13], [sflag:$0x2] =	stream.linear.gather [hbm4b:s16+s20], $0x80, $0x38;
	[tilespmem:$0x10A80] =	vst v63  }
0x150: {  	s18 =	sadd.s32 s3, s24;
	s24 =	sand.u32 $0x1FFFFFF0, s25;
	s25 =	spop (v2sf);
	(v2sf) =	vpush v1, $0x7  }
0x151: {  	[tilespmem:s23], [sflag:$0x2] =	stream.linear.gather [hbm4b:s18+s20], $0x80, $0x38;
	[tilespmem:$0x10A80] =	vst v63  }
0x152: {  	s13 =	sadd.s32 s4, s24;
	s16 =	sand.u32 $0x1FFFFFF0, s25;
	s18 =	spop (v2sf)  }
0x153: {  	[tilespmem:s0], [sflag:$0x2] =	stream.linear.gather [hbm4b:s13+s20], $0x80, $0x38;
	[tilespmem:$0x10A80] =	vst v63  }
0x154: {  	(v2sf) =	vpush v63, $0x7;
	s23 =	sadd.s32 s3, s16;
	s24 =	sand.u32 $0x1FFFFFF0, s18;
	s25 =	spop (v2sf)  }
0x155: {  	[tilespmem:s2], [sflag:$0x2] =	stream.linear.gather [hbm4b:s23+s20], $0x80, $0x38;
	[tilespmem:$0x10A80] =	vst v63  }
0x156: {  	(v2sf) =	vpush v1, $0x8;
	s14 =	sadd.s32 s4, s24;
	s16 =	sand.u32 $0x1FFFFFF0, s25;
	s18 =	spop (v2sf)  }
0x157: {  	[tilespmem:s15], [sflag:$0x2] =	stream.linear.gather [hbm4b:s14+s20], $0x80, $0x38;
	[tilespmem:$0x10A80] =	vst v63  }
0x158: {  	s23 =	sadd.s32 s3, s16;
	s24 =	sand.u32 $0x1FFFFFF0, s18;
	s25 =	spop (v2sf)  }
0x159: {  	[tilespmem:s6], [sflag:$0x2] =	stream.linear.gather [hbm4b:s23+s20], $0x80, $0x38;
	[tilespmem:$0x10A80] =	vst v63  }
0x15a: {  	s26 =	sadd.s32 $0x10, s26;
	(v2sf) =	vpush v63, $0x8;
	s13 =	sadd.s32 s4, s24;
	s15 =	spop (v2sf)  }
0x15b: {  	(v2sf) =	vpush v1, $0x9;
	[tilespmem:s19], [sflag:$0x2] =	stream.linear.gather [hbm4b:s13+s20], $0x80, $0x38;
	[tilespmem:$0x10A80] =	vst v63  }
0x15c: {  	s28 =	sadd.s32 $0x10, s28;
	s14 =	sand.u32 $0x1FFFFFF0, s25;
	(v2sf) =	vpush v63, $0x9;
	s19 =	spop (v2sf)  }
0x15d: {  	s16 =	sadd.s32 s3, s14;
	s18 =	sand.u32 $0x1FFFFFF0, s15;
	s25 =	spop (v2sf)  }
0x15e: {  	[tilespmem:s7], [sflag:$0x2] =	stream.linear.gather [hbm4b:s16+s20], $0x80, $0x38;
	[tilespmem:$0x10A80] =	vst v63  }
0x15f: {  	s23 =	sadd.s32 s4, s18;
	s24 =	sand.u32 $0x1FFFFFF0, s19;
	s13 =	spop (v2sf)  }
0x160: {  	(v2sf) =	vpush v1, $0xA;
	[tilespmem:s17], [sflag:$0x2] =	stream.linear.gather [hbm4b:s23+s20], $0x80, $0x38;
	[tilespmem:$0x10A80] =	vst v63  }
0x161: {  	s6 =	sadd.s32 s3, s24;
	s7 =	sand.u32 $0x1FFFFFF0, s25;
	s15 =	sand.u32 $0x1FFFFFF0, s13  }
0x162: {  	(v2sf) =	vpush v63, $0xA;
	[tilespmem:s11], [sflag:$0x2] =	stream.linear.gather [hbm4b:s6+s20], $0x80, $0x38;
	[tilespmem:$0x10A80] =	vst v63  }
0x163: {  	s14 =	sadd.s32 s4, s7;
	s17 =	sadd.s32 s3, s15;
	s16 =	spop (v2sf)  }
0x164: {  	(v2sf) =	vpush v1, $0xB;
	[tilespmem:s10], [sflag:$0x2] =	stream.linear.gather [hbm4b:s14+s20], $0x80, $0x38;
	[tilespmem:$0x10A80] =	vst v63  }
0x165: {  	s11 =	rddreg [dreg:$0x1e];
	s18 =	sand.u32 $0x1FFFFFF0, s16;
	s19 =	spop (v2sf)  }
0x166: {  	[tilespmem:s9], [sflag:$0x2] =	stream.linear.gather [hbm4b:s17+s20], $0x80, $0x38;
	[tilespmem:$0x10A80] =	vst v63  }
0x167: {  	s23 =	sadd.s32 s4, s18;
	s24 =	sand.u32 $0x1FFFFFF0, s19;
	s18 =	rddreg [dreg:$0xc]  }
0x168: {  	(v2sf) =	vpush v63, $0xB;
	[tilespmem:s8], [sflag:$0x2] =	stream.linear.gather [hbm4b:s23+s20], $0x80, $0x38;
	[tilespmem:$0x10A80] =	vst v63  }
0x169: {  	(v2sf) =	vpush v1, $0xC;
	s1 =	sadd.s32 s3, s24;
	s25 =	spop (v2sf);
	s8 =	sld [smem:$0x7F2]  }
0x16a: {  	s14 =	rddreg [dreg:$0x19];
	s2 =	sand.u32 $0x1FFFFFF0, s25;
	s7 =	spop (v2sf)  }
0x16b: {  	(v2sf) =	vpush v63, $0xC;
	s25 =	rddreg [dreg:$0x14];
	s10 =	sand.u32 $0x1FFFFFF0, s7;
	s13 =	spop (v2sf)  }
0x16c: {  	[tilespmem:s8], [sflag:$0x2] =	stream.linear.gather [hbm4b:s1+s20], $0x80, $0x38;
	[tilespmem:$0x10A80] =	vst v63  }
0x16d: {  	s9 =	sadd.s32 s4, s2;
	s15 =	sadd.s32 s3, s10;
	s16 =	sand.u32 $0x1FFFFFF0, s13  }
0x16e: {  	[tilespmem:s14], [sflag:$0x2] =	stream.linear.gather [hbm4b:s9+s20], $0x80, $0x38;
	[tilespmem:$0x10A80] =	vst v63  }
0x16f: {  	s10 =	rddreg [dreg:$0x10];
	s19 =	sadd.s32 s4, s16;
	s17 =	spop (v2sf)  }
0x170: {  	[tilespmem:s18], [sflag:$0x2] =	stream.linear.gather [hbm4b:s15+s20], $0x80, $0x38;
	[tilespmem:$0x10A80] =	vst v63  }
0x171: {  	s16 =	rddreg [dreg:$0x4];
	s23 =	sand.u32 $0x1FFFFFF0, s17;
	s24 =	spop (v2sf)  }
0x172: {  	[tilespmem:s25], [sflag:$0x2] =	stream.linear.gather [hbm4b:s19+s20], $0x80, $0x38;
	[tilespmem:$0x10A80] =	vst v63  }
0x173: {  	s7 =	sadd.s32 s3, s23;
	s8 =	sand.u32 $0x1FFFFFF0, s24;
	s9 =	spop (v2sf)  }
0x174: {  	[tilespmem:s10], [sflag:$0x2] =	stream.linear.gather [hbm4b:s7+s20], $0x80, $0x38;
	[tilespmem:$0x10A80] =	vst v63  }
0x175: {  	s23 =	rddreg [dreg:$0x17];
	s13 =	sadd.s32 s4, s8;
	s14 =	sand.u32 $0x1FFFFFF0, s9  }
0x176: {  	(v2sf) =	vpush v1, $0xD;
	[tilespmem:s16], [sflag:$0x2] =	stream.linear.gather [hbm4b:s13+s20], $0x80, $0x38;
	[tilespmem:$0x10A80] =	vst v63  }
.Ltmp1:
0x177: {  	(v2sf) =	vpush v63, $0xD;
	s17 =	sadd.s32 s3, s14;
	s15 =	spop (v2sf);
	(pc) =	sbr.rel @p0 .LBB2_4-.Ltmp1, $4  }
0x178: {  	(v2sf) =	vpush v1, $0xE;
	s18 =	sand.u32 $0x1FFFFFF0, s15;
	s19 =	spop (v2sf);
	s25 =	rddreg [dreg:$0x8]  }
0x179: {  	(v2sf) =	vpush v63, $0xE;
	[tilespmem:s23], [sflag:$0x2] =	stream.linear.gather [hbm4b:s17+s20], $0x80, $0x38;
	[tilespmem:$0x10A80] =	vst v63  }
0x17a: {  	(v2sf) =	vpush v1, $0xF;
	s24 =	sadd.s32 s4, s18;
	s0 =	sand.u32 $0x1FFFFFF0, s19;
	s1 =	spop (v2sf)  }
0x17b: {  	(v2sf) =	vpush v63, $0xF;
	[tilespmem:s25], [sflag:$0x2] =	stream.linear.gather [hbm4b:s24+s20], $0x80, $0x38;
	[tilespmem:$0x10A80] =	vst v63  }
0x17c: {  	_ =	sdelay $0x4  }
0x17d: {  	s0 =	sadd.s32 s3, s0;
	s1 =	sand.u32 $0x1FFFFFF0, s1  }
0x17e: {  	[tilespmem:s31], [sflag:$0x2] =	stream.linear.gather [hbm4b:s0+s20], $0x80, $0x38;
	[tilespmem:$0x10A80] =	vst v63  }
0x17f: {  	s8 =	sadd.s32 s4, s1  }
0x180: {  	[tilespmem:s11], [sflag:$0x2] =	stream.linear.gather [hbm4b:s8+s20], $0x80, $0x38;
	[tilespmem:$0x10A80] =	vst v63  }
0x181: {  	s2 =	spop (v2sf)  }
0x182: {  	s9 =	sand.u32 $0x1FFFFFF0, s2;
	s10 =	spop (v2sf)  }
0x183: {  	s13 =	sadd.s32 s3, s9;
	s14 =	sand.u32 $0x1FFFFFF0, s10;
	s15 =	spop (v2sf)  }
0x184: {  	[tilespmem:s12], [sflag:$0x2] =	stream.linear.gather [hbm4b:s13+s20], $0x80, $0x38;
	[tilespmem:$0x10A80] =	vst v63  }
0x185: {  	s16 =	sadd.s32 s4, s14;
	s17 =	sand.u32 $0x1FFFFFF0, s15;
	s18 =	spop (v2sf)  }
0x186: {  	[tilespmem:s5], [sflag:$0x2] =	stream.linear.gather [hbm4b:s16+s20], $0x80, $0x38;
	[tilespmem:$0x10A80] =	vst v63  }
0x187: {  	s19 =	sadd.s32 s3, s17;
	s22 =	sand.u32 $0x1FFFFFF0, s18;
	s23 =	spop (v2sf)  }
0x188: {  	[tilespmem:s30], [sflag:$0x2] =	stream.linear.gather [hbm4b:s19+s20], $0x80, $0x38;
	[tilespmem:$0x10A80] =	vst v63  }
0x189: {  	s24 =	sadd.s32 s4, s22;
	s25 =	sand.u32 $0x1FFFFFF0, s23;
	s26 =	spop (v2sf)  }
0x18a: {  	[tilespmem:s29], [sflag:$0x2] =	stream.linear.gather [hbm4b:s24+s20], $0x80, $0x38;
	[tilespmem:$0x10A80] =	vst v63  }
0x18b: {  	s28 =	sadd.s32 $0x8B80, s21;
	s1 =	sadd.s32 s3, s25;
	s2 =	sand.u32 $0x1FFFFFF0, s26  }
0x18c: {  	[tilespmem:s28], [sflag:$0x2] =	stream.linear.gather [hbm4b:s1+s20], $0x80, $0x38;
	[tilespmem:$0x10A80] =	vst v63  }
0x18d: {  	s31 =	simm.s32 $0x0;
	s30 =	sadd.s32 s4, s2;
	s29 =	sadd.s32 $0xCB80, s21  }
0x18e: {  	[tilespmem:s29], [sflag:$0x2] =	stream.linear.gather [hbm4b:s30+s20], $0x80, $0x38;
	[tilespmem:$0x10A80] =	vst v63  }
0x18f: {  	v0 =	vld [tilespmem:s31+$0x400]  }
0x190: {  	v1 =	vld [tilespmem:s31+$0x4400]  }
0x191: {  	v5 =	vld [tilespmem:s31+$0x410]  }
0x192: {  	v6 =	vld [tilespmem:s31+$0x4410]  }
0x193: {  	v2 =	vld [tilespmem:s31+$0x420]  }
0x194: {  	v4 =	vld [tilespmem:s31+$0x4420]  }
0x195: {  	v3 =	vld [tilespmem:s31+$0x4430];
	v7 =	vmul.f32 v1, v0  }
0x196: {  	v8 =	vimm.f32 $0.0e+00;
	s0 =	simm.s32 $0x80;
	v0 =	vld [tilespmem:s31+$0x430]  }
0x197: {  	s1 =	simm.s32 $0x400;
	v1 =	vld [tilespmem:s0+$0x400];
	v15 =	vmul.f32 v6, v5;
	v14 =	vadd.f32 v7, v8  }
.LBB2_6:
0x198: {  	p0 =	sne.s32 s1, $0xFE00;
	v5 =	vld [tilespmem:s0+$0x4400]  }
0x199: {  	v6 =	vld [tilespmem:s0+$0x410];
	v7 =	vadd.f32 v15, v14;
	v4 =	vmul.f32 v4, v2  }
0x19a: {  	v8 =	vld [tilespmem:s0+$0x4410]  }
.Ltmp2:
0x19b: {  	v2 =	vld [tilespmem:s0+$0x420];
	v7 =	vadd.f32 v4, v7;
	v3 =	vmul.f32 v3, v0;
	(pc) =	sbr.rel @p0 .LBB2_6-.Ltmp2, $4  }
0x19c: {  	v4 =	vld [tilespmem:s0+$0x4420]  }
0x19d: {  	v5 =	vmul.f32 v5, v1;
	v0 =	vld [tilespmem:s0+$0x430];
	v7 =	vadd.f32 v3, v7  }
0x19e: {  	v3 =	vld [tilespmem:s0+$0x4430];
	s0 =	sshra.s32 s1, $0x2  }
0x19f: {  	s1 =	sadd.s32 $0x200, s1;
	v1 =	vld [tilespmem:s0+$0x400];
	v14 =	vadd.f32 v5, v7;
	v15 =	vmul.f32 v8, v6  }
0x1a0: {  	v13 =	vld [tilespmem:s0+$0x4400]  }
0x1a1: {  	v11 =	vld [tilespmem:s0+$0x410]  }
0x1a2: {  	v12 =	vld [tilespmem:s0+$0x4410]  }
0x1a3: {  	v8 =	vld [tilespmem:s0+$0x420]  }
0x1a4: {  	v9 =	vld [tilespmem:s0+$0x4420]  }
0x1a5: {  	v5 =	vld [tilespmem:s0+$0x430];
	s23 =	simm.s32 $0x2  }
0x1a6: {  	v6 =	vld [tilespmem:s0+$0x4430];
	_ =	swait.ge [sflag:s23], $0x4000  }
0x1a7: {  	[sflag:s23] =	ssyncset.done $0x0  }
0x1a8: {  	[sflag:s23] =	ssyncadd.s32 $0xFFFFC000  }
0x1a9: {  	_ =	swait.ge [sflag:s23], $0x4000  }
0x1aa: {  	[sflag:s23] =	ssyncset.done $0x0  }
0x1ab: {  	s24 =	simm.s32 $0x100;
	[sflag:s23] =	ssyncadd.s32 $0xFFFFC000  }
0x1ac: {  	s25 =	simm.s32 $0x300;
	v7 =	vld [tilespmem:s24+$0x0]  }
0x1ad: {  	v16 =	vld [tilespmem:s25+$0x0];
	_ =	sdelay $0x3  }
0x1ae: {  	v10 =	vshll.u32 v7, $0x4  }
0x1af: {  	v63 =	vshll.u32 v16, $0x4;
	(v2sf) =	vpush v10, $0x0  }
0x1b0: {  	(v2sf) =	vpush v63, $0x0  }
0x1b1: {  	(v2sf) =	vpush v10, $0x1;
	_ =	sdelay $0x1  }
0x1b2: {  	(v2sf) =	vpush v63, $0x1  }
0x1b3: {  	(v2sf) =	vpush v10, $0x2;
	_ =	sdelay $0x1  }
0x1b4: {  	(v2sf) =	vpush v63, $0x2;
	_ =	sdelay $0x1  }
0x1b5: {  	(v2sf) =	vpush v10, $0x3  }
0x1b6: {  	s20 =	simm.s32 $0x0;
	s22 =	simm.s32 $0x2000  }
0x1b7: {  	s21 =	simm.s32 $0x0;
	s1 =	simm.s32 $0x4400;
	s2 =	simm.s32 $0x680  }
0x1b8: {  	s5 =	simm.s32 $0x880;
	s6 =	simm.s32 $0x400;
	s8 =	simm.s32 $0x600  }
0x1b9: {  	s0 =	simm.s32 $0x4900;
	s9 =	simm.s32 $0x580;
	s12 =	simm.s32 $0x4480  }
0x1ba: {  	s14 =	simm.s32 $0x500;
	s17 =	simm.s32 $0x4500;
	s31 =	simm.s32 $0xA00  }
0x1bb: {  	s28 =	simm.s32 $0x110;
	s30 =	simm.s32 $0xB00;
	s7 =	spop (v2sf);
	(v2sf) =	vpush v63, $0x3  }
0x1bc: {  	s25 =	simm.s32 $0x4600;
	s7 =	sand.u32 $0x1FFFFFF0, s7;
	s10 =	spop (v2sf)  }
0x1bd: {  	(v2sf) =	vpush v10, $0x4;
	s7 =	sadd.s32 s3, s7;
	s26 =	sand.u32 $0x1FFFFFF0, s10;
	s29 =	spop (v2sf)  }
0x1be: {  	(v2sf) =	vpush v63, $0x4;
	[tilespmem:s6], [sflag:$0x2] =	stream.linear.gather [hbm4b:s7+s20], $0x80, $0x38;
	[tilespmem:$0x10A80] =	vst v63  }
0x1bf: {  	s6 =	simm.s32 $0x4580;
	s10 =	sand.u32 $0x1FFFFFF0, s29;
	s11 =	spop (v2sf)  }
0x1c0: {  	s7 =	sadd.s32 s4, s26;
	(v2sf) =	vpush v10, $0x5;
	s10 =	sadd.s32 s3, s10;
	s13 =	spop (v2sf)  }
0x1c1: {  	[tilespmem:s1], [sflag:$0x2] =	stream.linear.gather [hbm4b:s7+s20], $0x80, $0x38;
	[tilespmem:$0x10A80] =	vst v63  }
0x1c2: {  	s11 =	sand.u32 $0x1FFFFFF0, s11;
	(v2sf) =	vpush v63, $0x5;
	s7 =	simm.s32 $0x480;
	s15 =	spop (v2sf)  }
0x1c3: {  	(v2sf) =	vpush v10, $0x6;
	[tilespmem:s7], [sflag:$0x2] =	stream.linear.gather [hbm4b:s10+s20], $0x80, $0x38;
	[tilespmem:$0x10A80] =	vst v63  }
0x1c4: {  	s16 =	spop (v2sf);
	s10 =	sadd.s32 s4, s11;
	s7 =	sand.u32 $0x1FFFFFF0, s13  }
0x1c5: {  	[tilespmem:s12], [sflag:$0x2] =	stream.linear.gather [hbm4b:s10+s20], $0x80, $0x38;
	[tilespmem:$0x10A80] =	vst v63  }
0x1c6: {  	s19 =	sand.u32 $0x1FFFFFF0, s16;
	s7 =	sadd.s32 s3, s7;
	s10 =	sand.u32 $0x1FFFFFF0, s15  }
0x1c7: {  	(v2sf) =	vpush v63, $0x6;
	[tilespmem:s14], [sflag:$0x2] =	stream.linear.gather [hbm4b:s7+s20], $0x80, $0x38;
	[tilespmem:$0x10A80] =	vst v63  }
0x1c8: {  	s11 =	simm.s32 $0x4A00;
	s24 =	sadd.s32 s3, s19;
	s18 =	sadd.s32 s4, s10  }
0x1c9: {  	[tilespmem:s17], [sflag:$0x2] =	stream.linear.gather [hbm4b:s18+s20], $0x80, $0x38;
	[tilespmem:$0x10A80] =	vst v63  }
0x1ca: {  	s12 =	simm.s32 $0xA80;
	s10 =	simm.s32 $0x4680;
	s23 =	spop (v2sf)  }
0x1cb: {  	(v2sf) =	vpush v10, $0x7;
	[tilespmem:s9], [sflag:$0x2] =	stream.linear.gather [hbm4b:s24+s20], $0x80, $0x38;
	[tilespmem:$0x10A80] =	vst v63  }
0x1cc: {  	s14 =	simm.s32 $0x700;
	s1 =	sand.u32 $0x1FFFFFF0, s23;
	s26 =	spop (v2sf)  }
0x1cd: {  	(v2sf) =	vpush v63, $0x7;
	s1 =	sadd.s32 s4, s1;
	s9 =	sand.u32 $0x1FFFFFF0, s26;
	s29 =	spop (v2sf)  }
0x1ce: {  	(v2sf) =	vpush v10, $0x8;
	[tilespmem:s6], [sflag:$0x2] =	stream.linear.gather [hbm4b:s1+s20], $0x80, $0x38;
	[tilespmem:$0x10A80] =	vst v63  }
0x1cf: {  	s6 =	sadd.s32 s3, s9;
	s9 =	sand.u32 $0x1FFFFFF0, s29;
	s13 =	spop (v2sf)  }
0x1d0: {  	(v2sf) =	vpush v63, $0x8;
	[tilespmem:s8], [sflag:$0x2] =	stream.linear.gather [hbm4b:s6+s20], $0x80, $0x38;
	[tilespmem:$0x10A80] =	vst v63  }
0x1d1: {  	(v2sf) =	vpush v10, $0x9;
	s15 =	sand.u32 $0x1FFFFFF0, s13;
	s16 =	spop (v2sf);
	s6 =	sadd.s32 s4, s9  }
0x1d2: {  	s7 =	sadd.s32 s3, s15;
	s8 =	sand.u32 $0x1FFFFFF0, s16;
	s17 =	spop (v2sf)  }
0x1d3: {  	(v2sf) =	vpush v63, $0x9;
	[tilespmem:s25], [sflag:$0x2] =	stream.linear.gather [hbm4b:s6+s20], $0x80, $0x38;
	[tilespmem:$0x10A80] =	vst v63  }
0x1d4: {  	s9 =	simm.s32 $0x4A80;
	s16 =	simm.s32 $0x800;
	s19 =	sand.u32 $0x1FFFFFF0, s17;
	(v2sf) =	vpush v10, $0xA  }
0x1d5: {  	[tilespmem:s2], [sflag:$0x2] =	stream.linear.gather [hbm4b:s7+s20], $0x80, $0x38;
	[tilespmem:$0x10A80] =	vst v63  }
0x1d6: {  	s18 =	sadd.s32 s4, s8;
	s23 =	spop (v2sf);
	s24 =	sadd.s32 s3, s19;
	(v2sf) =	vpush v63, $0xA  }
0x1d7: {  	[tilespmem:s10], [sflag:$0x2] =	stream.linear.gather [hbm4b:s18+s20], $0x80, $0x38;
	[tilespmem:$0x10A80] =	vst v63  }
0x1d8: {  	s25 =	simm.s32 $0x4700;
	s1 =	sand.u32 $0x1FFFFFF0, s23;
	s6 =	simm.s32 $0x780  }
0x1d9: {  	[tilespmem:s14], [sflag:$0x2] =	stream.linear.gather [hbm4b:s24+s20], $0x80, $0x38;
	[tilespmem:$0x10A80] =	vst v63  }
0x1da: {  	s19 =	simm.s32 $0x4800;
	s1 =	sadd.s32 s4, s1;
	s26 =	spop (v2sf)  }
0x1db: {  	[tilespmem:s25], [sflag:$0x2] =	stream.linear.gather [hbm4b:s1+s20], $0x80, $0x38;
	[tilespmem:$0x10A80] =	vst v63  }
0x1dc: {  	s2 =	simm.s32 $0x4980;
	(v2sf) =	vpush v10, $0xB;
	s7 =	sand.u32 $0x1FFFFFF0, s26;
	s29 =	spop (v2sf)  }
0x1dd: {  	s14 =	simm.s32 $0x4780;
	s10 =	sadd.s32 s3, s7;
	s15 =	spop (v2sf)  }
0x1de: {  	(v2sf) =	vpush v63, $0xB;
	[tilespmem:s6], [sflag:$0x2] =	stream.linear.gather [hbm4b:s10+s20], $0x80, $0x38;
	[tilespmem:$0x10A80] =	vst v63  }
0x1df: {  	s25 =	simm.s32 $0x4880;
	s13 =	sand.u32 $0x1FFFFFF0, s29;
	s17 =	spop (v2sf)  }
0x1e0: {  	s7 =	sadd.s32 s4, s13;
	s6 =	sand.u32 $0x1FFFFFF0, s15;
	(v2sf) =	vpush v10, $0xC;
	s18 =	spop (v2sf)  }
0x1e1: {  	[tilespmem:s14], [sflag:$0x2] =	stream.linear.gather [hbm4b:s7+s20], $0x80, $0x38;
	[tilespmem:$0x10A80] =	vst v63  }
0x1e2: {  	s29 =	simm.s32 $0x900;
	s6 =	sadd.s32 s3, s6;
	(v2sf) =	vpush v63, $0xC;
	s26 =	spop (v2sf)  }
0x1e3: {  	s7 =	sand.u32 $0x1FFFFFF0, s17;
	s24 =	sand.u32 $0x1FFFFFF0, s18;
	s8 =	spop (v2sf)  }
0x1e4: {  	[tilespmem:s16], [sflag:$0x2] =	stream.linear.gather [hbm4b:s6+s20], $0x80, $0x38;
	[tilespmem:$0x10A80] =	vst v63  }
0x1e5: {  	s23 =	sadd.s32 s4, s7;
	s7 =	sadd.s32 s3, s24;
	s10 =	spop (v2sf)  }
0x1e6: {  	v14 =	vadd.f32 v15, v14;
	v2 =	vmul.f32 v4, v2;
	[tilespmem:s19], [sflag:$0x2] =	stream.linear.gather [hbm4b:s23+s20], $0x80, $0x38;
	[tilespmem:$0x10A80] =	vst v63  }
0x1e7: {  	s6 =	sand.u32 $0x1FFFFFF0, s26;
	s26 =	simm.s32 $0x310;
	s14 =	sand.u32 $0x1FFFFFF0, s10  }
0x1e8: {  	v2 =	vadd.f32 v2, v14;
	v0 =	vmul.f32 v3, v0;
	[tilespmem:s5], [sflag:$0x2] =	stream.linear.gather [hbm4b:s7+s20], $0x80, $0x38;
	[tilespmem:$0x10A80] =	vst v63  }
0x1e9: {  	s6 =	sadd.s32 s4, s6;
	s16 =	sadd.s32 s4, s14;
	s7 =	sand.u32 $0x1FFFFFF0, s8  }
0x1ea: {  	v1 =	vmul.f32 v13, v1;
	v0 =	vadd.f32 v0, v2;
	[tilespmem:s25], [sflag:$0x2] =	stream.linear.gather [hbm4b:s6+s20], $0x80, $0x38;
	[tilespmem:$0x10A80] =	vst v63  }
0x1eb: {  	s19 =	simm.s32 $0x980;
	s13 =	sadd.s32 s3, s7;
	s15 =	spop (v2sf)  }
0x1ec: {  	v0 =	vadd.f32 v1, v0;
	v1 =	vmul.f32 v12, v11;
	[tilespmem:s29], [sflag:$0x2] =	stream.linear.gather [hbm4b:s13+s20], $0x80, $0x38;
	[tilespmem:$0x10A80] =	vst v63  }
0x1ed: {  	s5 =	simm.s32 $0x4B00;
	(v2sf) =	vpush v10, $0xD;
	s17 =	sand.u32 $0x1FFFFFF0, s15;
	s18 =	spop (v2sf)  }
0x1ee: {  	v0 =	vadd.f32 v1, v0;
	v1 =	vmul.f32 v9, v8;
	(v2sf) =	vpush v63, $0xD;
	[tilespmem:s0], [sflag:$0x2] =	stream.linear.gather [hbm4b:s16+s20], $0x80, $0x38;
	[tilespmem:$0x10A80] =	vst v63  }
0x1ef: {  	s23 =	sadd.s32 s3, s17;
	s24 =	sand.u32 $0x1FFFFFF0, s18;
	(v2sf) =	vpush v10, $0xE;
	s29 =	spop (v2sf)  }
0x1f0: {  	v0 =	vadd.f32 v1, v0;
	v1 =	vmul.f32 v6, v5;
	(v2sf) =	vpush v63, $0xE;
	[tilespmem:s19], [sflag:$0x2] =	stream.linear.gather [hbm4b:s23+s20], $0x80, $0x38;
	[tilespmem:$0x10A80] =	vst v63  }
0x1f1: {  	s25 =	sadd.s32 s4, s24;
	(v2sf) =	vpush v10, $0xF;
	s0 =	sand.u32 $0x1FFFFFF0, s29;
	s1 =	spop (v2sf)  }
0x1f2: {  	v0 =	vadd.f32 v1, v0;
	(v2sf) =	vpush v63, $0xF;
	[tilespmem:s2], [sflag:$0x2] =	stream.linear.gather [hbm4b:s25+s20], $0x80, $0x38;
	[tilespmem:$0x10A80] =	vst v63  }
.LBB2_8:
0x1f3: {  	_ =	sdelay $0x4  }
0x1f4: {  	s0 =	sadd.s32 s3, s0;
	s1 =	sand.u32 $0x1FFFFFF0, s1  }
0x1f5: {  	[tilespmem:s31], [sflag:$0x2] =	stream.linear.gather [hbm4b:s0+s20], $0x80, $0x38;
	[tilespmem:$0x10A80] =	vst v63  }
0x1f6: {  	s24 =	sadd.s32 s4, s1  }
0x1f7: {  	[tilespmem:s11], [sflag:$0x2] =	stream.linear.gather [hbm4b:s24+s20], $0x80, $0x38;
	[tilespmem:$0x10A80] =	vst v63  }
0x1f8: {  	s2 =	spop (v2sf)  }
0x1f9: {  	s25 =	sand.u32 $0x1FFFFFF0, s2;
	s29 =	spop (v2sf)  }
0x1fa: {  	s1 =	sadd.s32 s3, s25;
	s2 =	sand.u32 $0x1FFFFFF0, s29;
	s6 =	spop (v2sf)  }
0x1fb: {  	[tilespmem:s12], [sflag:$0x2] =	stream.linear.gather [hbm4b:s1+s20], $0x80, $0x38;
	[tilespmem:$0x10A80] =	vst v63  }
0x1fc: {  	s7 =	sadd.s32 s4, s2;
	s8 =	sand.u32 $0x1FFFFFF0, s6;
	s10 =	spop (v2sf)  }
0x1fd: {  	[tilespmem:s9], [sflag:$0x2] =	stream.linear.gather [hbm4b:s7+s20], $0x80, $0x38;
	[tilespmem:$0x10A80] =	vst v63  }
0x1fe: {  	s11 =	sadd.s32 s3, s8;
	s12 =	sand.u32 $0x1FFFFFF0, s10;
	s13 =	spop (v2sf)  }
0x1ff: {  	[tilespmem:s30], [sflag:$0x2] =	stream.linear.gather [hbm4b:s11+s20], $0x80, $0x38;
	[tilespmem:$0x10A80] =	vst v63  }
0x200: {  	s14 =	sadd.s32 s4, s12;
	s15 =	sand.u32 $0x1FFFFFF0, s13;
	s16 =	spop (v2sf)  }
0x201: {  	[tilespmem:s5], [sflag:$0x2] =	stream.linear.gather [hbm4b:s14+s20], $0x80, $0x38;
	[tilespmem:$0x10A80] =	vst v63  }
0x202: {  	s17 =	sadd.s32 $0xB80, s21;
	s1 =	sadd.s32 s3, s15;
	s2 =	sand.u32 $0x1FFFFFF0, s16  }
0x203: {  	[tilespmem:s17], [sflag:$0x2] =	stream.linear.gather [hbm4b:s1+s20], $0x80, $0x38;
	[tilespmem:$0x10A80] =	vst v63  }
0x204: {  	s18 =	sadd.s32 $0x4B80, s21;
	s19 =	sadd.s32 s4, s2  }
0x205: {  	[tilespmem:s18], [sflag:$0x2] =	stream.linear.gather [hbm4b:s19+s20], $0x80, $0x38;
	[tilespmem:$0x10A80] =	vst v63  }
0x206: {  	v1 =	vld [tilespmem:s28+$0x0]  }
0x207: {  	v3 =	vld [tilespmem:s26+$0x0];
	_ =	sdelay $0x3  }
0x208: {  	v2 =	vshll.u32 v1, $0x4  }
0x209: {  	s21 =	smov.u32 s22;
	v1 =	vshll.u32 v3, $0x4;
	(v2sf) =	vpush v2, $0x0  }
0x20a: {  	s21 =	sshra.s32 s21, $0x2;
	(v2sf) =	vpush v1, $0x0  }
0x20b: {  	p0 =	sne.s32 s22, $0xE000;
	s0 =	sadd.s32 $0x880, s21;
	(v2sf) =	vpush v2, $0x1  }
0x20c: {  	s22 =	sadd.s32 $0x2000, s22;
	s23 =	sadd.s32 $0x4900, s21;
	[dreg:$0xd] =	wrdreg s0  }
0x20d: {  	s31 =	sadd.s32 $0xA00, s21;
	[dreg:$0x5] =	wrdreg s23;
	s24 =	sadd.s32 $0x4A00, s21;
	(v2sf) =	vpush v1, $0x1  }
0x20e: {  	s23 =	sadd.s32 $0x500, s21;
	[dreg:$0x1c] =	wrdreg s24;
	s25 =	sadd.s32 $0x4980, s21  }
0x20f: {  	s0 =	sadd.s32 $0x4500, s21;
	s29 =	sadd.s32 $0x4A80, s21;
	[dreg:$0x9] =	wrdreg s25;
	(v2sf) =	vpush v2, $0x2  }
0x210: {  	s6 =	sadd.s32 $0x600, s21;
	[dreg:$0x1f] =	wrdreg s29;
	s10 =	sadd.s32 $0x4700, s21  }
0x211: {  	s8 =	sadd.s32 $0x4880, s21;
	s7 =	sadd.s32 $0x680, s21;
	s12 =	sadd.s32 $0xA80, s21;
	(v2sf) =	vpush v1, $0x2  }
0x212: {  	s13 =	sadd.s32 $0x4480, s21;
	[dreg:$0x15] =	wrdreg s8;
	s9 =	sadd.s32 $0x900, s21  }
0x213: {  	s8 =	sadd.s32 $0x4780, s21;
	s15 =	sadd.s32 $0x4580, s21;
	[dreg:$0x11] =	wrdreg s9;
	(v2sf) =	vpush v2, $0x3  }
0x214: {  	s9 =	sadd.s32 $0x780, s21;
	s16 =	sadd.s32 $0x4800, s21;
	s2 =	sadd.s32 $0x580, s21  }
0x215: {  	s11 =	sadd.s32 $0x700, s21;
	[dreg:$0x1a] =	wrdreg s16;
	s16 =	sadd.s32 $0x480, s21;
	(v2sf) =	vpush v1, $0x3  }
0x216: {  	s30 =	sadd.s32 $0xB00, s21;
	s14 =	sadd.s32 $0x400, s21;
	s5 =	sadd.s32 $0x4B00, s21  }
0x217: {  	s1 =	sadd.s32 $0x4400, s21;
	s17 =	sadd.s32 $0x4680, s21;
	s18 =	sadd.s32 $0x800, s21;
	(v2sf) =	vpush v2, $0x4  }
0x218: {  	s19 =	sadd.s32 $0x4600, s21;
	[smem:$0x7F1] =	sst s18;
	s18 =	spop (v2sf)  }
0x219: {  	s26 =	sadd.s32 $0x10, s26;
	s24 =	sand.u32 $0x1FFFFFF0, s18;
	s25 =	spop (v2sf);
	(v2sf) =	vpush v1, $0x4  }
0x21a: {  	s24 =	sadd.s32 s3, s24;
	s25 =	sand.u32 $0x1FFFFFF0, s25;
	s29 =	spop (v2sf)  }
0x21b: {  	(v2sf) =	vpush v2, $0x5;
	[tilespmem:s14], [sflag:$0x2] =	stream.linear.gather [hbm4b:s24+s20], $0x80, $0x38;
	[tilespmem:$0x10A80] =	vst v63  }
0x21c: {  	s24 =	sadd.s32 s4, s25;
	s25 =	sand.u32 $0x1FFFFFF0, s29;
	s29 =	spop (v2sf)  }
0x21d: {  	(v2sf) =	vpush v1, $0x5;
	[tilespmem:s1], [sflag:$0x2] =	stream.linear.gather [hbm4b:s24+s20], $0x80, $0x38;
	[tilespmem:$0x10A80] =	vst v63  }
0x21e: {  	s24 =	sadd.s32 s3, s25;
	s25 =	sand.u32 $0x1FFFFFF0, s29;
	s29 =	spop (v2sf);
	(v2sf) =	vpush v2, $0x6  }
0x21f: {  	[tilespmem:s16], [sflag:$0x2] =	stream.linear.gather [hbm4b:s24+s20], $0x80, $0x38;
	[tilespmem:$0x10A80] =	vst v63  }
0x220: {  	s16 =	sadd.s32 s4, s25;
	s25 =	sand.u32 $0x1FFFFFF0, s29;
	s29 =	spop (v2sf);
	(v2sf) =	vpush v1, $0x6  }
0x221: {  	[tilespmem:s13], [sflag:$0x2] =	stream.linear.gather [hbm4b:s16+s20], $0x80, $0x38;
	[tilespmem:$0x10A80] =	vst v63  }
0x222: {  	s24 =	sadd.s32 s3, s25;
	s25 =	sand.u32 $0x1FFFFFF0, s29;
	s29 =	spop (v2sf);
	(v2sf) =	vpush v2, $0x7  }
0x223: {  	[tilespmem:s23], [sflag:$0x2] =	stream.linear.gather [hbm4b:s24+s20], $0x80, $0x38;
	[tilespmem:$0x10A80] =	vst v63  }
0x224: {  	s13 =	sadd.s32 s4, s25;
	s16 =	sand.u32 $0x1FFFFFF0, s29;
	s23 =	spop (v2sf)  }
0x225: {  	(v2sf) =	vpush v1, $0x7;
	[tilespmem:s0], [sflag:$0x2] =	stream.linear.gather [hbm4b:s13+s20], $0x80, $0x38;
	[tilespmem:$0x10A80] =	vst v63  }
0x226: {  	s24 =	sadd.s32 s3, s16;
	s25 =	sand.u32 $0x1FFFFFF0, s23;
	s29 =	spop (v2sf)  }
0x227: {  	(v2sf) =	vpush v2, $0x8;
	[tilespmem:s2], [sflag:$0x2] =	stream.linear.gather [hbm4b:s24+s20], $0x80, $0x38;
	[tilespmem:$0x10A80] =	vst v63  }
0x228: {  	s14 =	sadd.s32 s4, s25;
	s16 =	sand.u32 $0x1FFFFFF0, s29;
	s23 =	spop (v2sf)  }
0x229: {  	[tilespmem:s15], [sflag:$0x2] =	stream.linear.gather [hbm4b:s14+s20], $0x80, $0x38;
	[tilespmem:$0x10A80] =	vst v63  }
0x22a: {  	s28 =	sadd.s32 $0x10, s28;
	s24 =	sadd.s32 s3, s16;
	s29 =	spop (v2sf)  }
0x22b: {  	(v2sf) =	vpush v1, $0x8;
	[tilespmem:s6], [sflag:$0x2] =	stream.linear.gather [hbm4b:s24+s20], $0x80, $0x38;
	[tilespmem:$0x10A80] =	vst v63  }
0x22c: {  	s18 =	sadd.s32 $0x980, s21;
	s25 =	sand.u32 $0x1FFFFFF0, s23;
	(v2sf) =	vpush v2, $0x9;
	s6 =	spop (v2sf)  }
0x22d: {  	s1 =	sadd.s32 s4, s25;
	s2 =	sand.u32 $0x1FFFFFF0, s29;
	s15 =	spop (v2sf)  }
0x22e: {  	[tilespmem:s19], [sflag:$0x2] =	stream.linear.gather [hbm4b:s1+s20], $0x80, $0x38;
	[tilespmem:$0x10A80] =	vst v63  }
0x22f: {  	s13 =	sadd.s32 s3, s2;
	s14 =	sand.u32 $0x1FFFFFF0, s6;
	s23 =	spop (v2sf)  }
0x230: {  	(v2sf) =	vpush v1, $0x9;
	[tilespmem:s7], [sflag:$0x2] =	stream.linear.gather [hbm4b:s13+s20], $0x80, $0x38;
	[tilespmem:$0x10A80] =	vst v63  }
0x231: {  	s16 =	sadd.s32 s4, s14;
	s19 =	sand.u32 $0x1FFFFFF0, s15;
	s29 =	spop (v2sf)  }
0x232: {  	(v2sf) =	vpush v2, $0xA;
	s24 =	sadd.s32 s3, s19;
	s25 =	sand.u32 $0x1FFFFFF0, s23;
	s7 =	sand.u32 $0x1FFFFFF0, s29  }
0x233: {  	[tilespmem:s17], [sflag:$0x2] =	stream.linear.gather [hbm4b:s16+s20], $0x80, $0x38;
	[tilespmem:$0x10A80] =	vst v63  }
0x234: {  	(v2sf) =	vpush v1, $0xA;
	s6 =	sadd.s32 s4, s25;
	s14 =	sadd.s32 s3, s7;
	s13 =	spop (v2sf)  }
0x235: {  	[tilespmem:s11], [sflag:$0x2] =	stream.linear.gather [hbm4b:s24+s20], $0x80, $0x38;
	[tilespmem:$0x10A80] =	vst v63  }
0x236: {  	(v2sf) =	vpush v2, $0xB;
	s7 =	sld [smem:$0x7F1];
	s15 =	sand.u32 $0x1FFFFFF0, s13;
	s16 =	spop (v2sf)  }
0x237: {  	[tilespmem:s10], [sflag:$0x2] =	stream.linear.gather [hbm4b:s6+s20], $0x80, $0x38;
	[tilespmem:$0x10A80] =	vst v63  }
0x238: {  	s11 =	rddreg [dreg:$0x1c];
	s17 =	sadd.s32 s4, s15;
	s19 =	sand.u32 $0x1FFFFFF0, s16  }
0x239: {  	[tilespmem:s9], [sflag:$0x2] =	stream.linear.gather [hbm4b:s14+s20], $0x80, $0x38;
	[tilespmem:$0x10A80] =	vst v63  }
0x23a: {  	(v2sf) =	vpush v1, $0xB;
	s24 =	sadd.s32 s3, s19;
	s19 =	rddreg [dreg:$0xd];
	s23 =	spop (v2sf)  }
0x23b: {  	(v2sf) =	vpush v2, $0xC;
	s9 =	rddreg [dreg:$0x1f];
	s25 =	sand.u32 $0x1FFFFFF0, s23;
	s29 =	spop (v2sf)  }
0x23c: {  	[tilespmem:s8], [sflag:$0x2] =	stream.linear.gather [hbm4b:s17+s20], $0x80, $0x38;
	[tilespmem:$0x10A80] =	vst v63  }
0x23d: {  	(v2sf) =	vpush v1, $0xC;
	s14 =	rddreg [dreg:$0x1a];
	s8 =	sadd.s32 s4, s25;
	s10 =	sand.u32 $0x1FFFFFF0, s29  }
0x23e: {  	[tilespmem:s7], [sflag:$0x2] =	stream.linear.gather [hbm4b:s24+s20], $0x80, $0x38;
	[tilespmem:$0x10A80] =	vst v63  }
0x23f: {  	s29 =	rddreg [dreg:$0x15];
	s13 =	spop (v2sf);
	s15 =	sadd.s32 s3, s10  }
0x240: {  	[tilespmem:s14], [sflag:$0x2] =	stream.linear.gather [hbm4b:s8+s20], $0x80, $0x38;
	[tilespmem:$0x10A80] =	vst v63  }
0x241: {  	s16 =	sand.u32 $0x1FFFFFF0, s13;
	s17 =	spop (v2sf);
	s13 =	rddreg [dreg:$0x11]  }
0x242: {  	[tilespmem:s19], [sflag:$0x2] =	stream.linear.gather [hbm4b:s15+s20], $0x80, $0x38;
	[tilespmem:$0x10A80] =	vst v63  }
0x243: {  	s23 =	sadd.s32 s4, s16;
	s24 =	sand.u32 $0x1FFFFFF0, s17;
	s25 =	spop (v2sf)  }
0x244: {  	[tilespmem:s29], [sflag:$0x2] =	stream.linear.gather [hbm4b:s23+s20], $0x80, $0x38;
	[tilespmem:$0x10A80] =	vst v63  }
0x245: {  	s7 =	sadd.s32 s3, s24;
	s8 =	sand.u32 $0x1FFFFFF0, s25;
	s10 =	spop (v2sf)  }
0x246: {  	[tilespmem:s13], [sflag:$0x2] =	stream.linear.gather [hbm4b:s7+s20], $0x80, $0x38;
	[tilespmem:$0x10A80] =	vst v63  }
0x247: {  	s17 =	rddreg [dreg:$0x5];
	s14 =	sadd.s32 s4, s8;
	s15 =	sand.u32 $0x1FFFFFF0, s10  }
0x248: {  	(v2sf) =	vpush v2, $0xD;
	[tilespmem:s17], [sflag:$0x2] =	stream.linear.gather [hbm4b:s14+s20], $0x80, $0x38;
	[tilespmem:$0x10A80] =	vst v63  }
.Ltmp3:
0x249: {  	(v2sf) =	vpush v1, $0xD;
	s19 =	sadd.s32 s3, s15;
	s16 =	spop (v2sf);
	(pc) =	sbr.rel @p0 .LBB2_8-.Ltmp3, $4  }
0x24a: {  	(v2sf) =	vpush v2, $0xE;
	s29 =	rddreg [dreg:$0x9];
	s23 =	sand.u32 $0x1FFFFFF0, s16;
	s24 =	spop (v2sf)  }
0x24b: {  	(v2sf) =	vpush v1, $0xE;
	[tilespmem:s18], [sflag:$0x2] =	stream.linear.gather [hbm4b:s19+s20], $0x80, $0x38;
	[tilespmem:$0x10A80] =	vst v63  }
0x24c: {  	(v2sf) =	vpush v2, $0xF;
	s25 =	sadd.s32 s4, s23;
	s0 =	sand.u32 $0x1FFFFFF0, s24;
	s1 =	spop (v2sf)  }
0x24d: {  	(v2sf) =	vpush v1, $0xF;
	[tilespmem:s29], [sflag:$0x2] =	stream.linear.gather [hbm4b:s25+s20], $0x80, $0x38;
	[tilespmem:$0x10A80] =	vst v63  }
0x24e: {  	_ =	sdelay $0x4  }
0x24f: {  	s0 =	sadd.s32 s3, s0;
	s1 =	sand.u32 $0x1FFFFFF0, s1  }
0x250: {  	[tilespmem:s31], [sflag:$0x2] =	stream.linear.gather [hbm4b:s0+s20], $0x80, $0x38;
	[tilespmem:$0x10A80] =	vst v63  }
0x251: {  	s7 =	sadd.s32 s4, s1  }
0x252: {  	[tilespmem:s11], [sflag:$0x2] =	stream.linear.gather [hbm4b:s7+s20], $0x80, $0x38;
	[tilespmem:$0x10A80] =	vst v63  }
0x253: {  	s2 =	spop (v2sf)  }
0x254: {  	s8 =	sand.u32 $0x1FFFFFF0, s2;
	s10 =	spop (v2sf)  }
0x255: {  	s13 =	sadd.s32 s3, s8;
	s14 =	sand.u32 $0x1FFFFFF0, s10;
	s15 =	spop (v2sf)  }
0x256: {  	[tilespmem:s12], [sflag:$0x2] =	stream.linear.gather [hbm4b:s13+s20], $0x80, $0x38;
	[tilespmem:$0x10A80] =	vst v63  }
0x257: {  	s16 =	sadd.s32 s4, s14;
	s17 =	sand.u32 $0x1FFFFFF0, s15;
	s18 =	spop (v2sf)  }
0x258: {  	[tilespmem:s9], [sflag:$0x2] =	stream.linear.gather [hbm4b:s16+s20], $0x80, $0x38;
	[tilespmem:$0x10A80] =	vst v63  }
0x259: {  	s19 =	sadd.s32 s3, s17;
	s22 =	sand.u32 $0x1FFFFFF0, s18;
	s23 =	spop (v2sf)  }
0x25a: {  	[tilespmem:s30], [sflag:$0x2] =	stream.linear.gather [hbm4b:s19+s20], $0x80, $0x38;
	[tilespmem:$0x10A80] =	vst v63  }
0x25b: {  	s24 =	sadd.s32 s4, s22;
	s25 =	sand.u32 $0x1FFFFFF0, s23;
	s26 =	spop (v2sf)  }
0x25c: {  	[tilespmem:s5], [sflag:$0x2] =	stream.linear.gather [hbm4b:s24+s20], $0x80, $0x38;
	[tilespmem:$0x10A80] =	vst v63  }
0x25d: {  	s28 =	sadd.s32 $0xB80, s21;
	s1 =	sadd.s32 s3, s25;
	s2 =	sand.u32 $0x1FFFFFF0, s26  }
0x25e: {  	[tilespmem:s28], [sflag:$0x2] =	stream.linear.gather [hbm4b:s1+s20], $0x80, $0x38;
	[tilespmem:$0x10A80] =	vst v63  }
0x25f: {  	s29 =	sadd.s32 $0x4B80, s21;
	s31 =	simm.s32 $0x0;
	s30 =	sadd.s32 s4, s2  }
0x260: {  	[tilespmem:s29], [sflag:$0x2] =	stream.linear.gather [hbm4b:s30+s20], $0x80, $0x38;
	[tilespmem:$0x10A80] =	vst v63  }
0x261: {  	v1 =	vld [tilespmem:s31+$0x8400]  }
0x262: {  	v2 =	vld [tilespmem:s31+$0xC400]  }
0x263: {  	v6 =	vld [tilespmem:s31+$0x8410]  }
0x264: {  	v7 =	vld [tilespmem:s31+$0xC410]  }
0x265: {  	v3 =	vld [tilespmem:s31+$0x8420]  }
0x266: {  	v5 =	vld [tilespmem:s31+$0xC420]  }
0x267: {  	v4 =	vld [tilespmem:s31+$0xC430];
	v8 =	vmul.f32 v2, v1  }
0x268: {  	s0 =	simm.s32 $0x80;
	v1 =	vld [tilespmem:s31+$0x8430]  }
0x269: {  	s1 =	simm.s32 $0x400;
	v2 =	vld [tilespmem:s0+$0x8400];
	v15 =	vmul.f32 v7, v6;
	v14 =	vadd.f32 v8, v0  }
.LBB2_10:
0x26a: {  	p0 =	sne.s32 s1, $0xFE00;
	v0 =	vld [tilespmem:s0+$0xC400]  }
0x26b: {  	v6 =	vld [tilespmem:s0+$0x8410];
	v7 =	vadd.f32 v15, v14;
	v5 =	vmul.f32 v5, v3  }
0x26c: {  	v8 =	vld [tilespmem:s0+$0xC410]  }
.Ltmp4:
0x26d: {  	v3 =	vld [tilespmem:s0+$0x8420];
	v7 =	vadd.f32 v5, v7;
	v4 =	vmul.f32 v4, v1;
	(pc) =	sbr.rel @p0 .LBB2_10-.Ltmp4, $4  }
0x26e: {  	v5 =	vld [tilespmem:s0+$0xC420]  }
0x26f: {  	v0 =	vmul.f32 v0, v2;
	v1 =	vld [tilespmem:s0+$0x8430];
	v7 =	vadd.f32 v4, v7  }
0x270: {  	v4 =	vld [tilespmem:s0+$0xC430];
	s0 =	sshra.s32 s1, $0x2  }
0x271: {  	s1 =	sadd.s32 $0x200, s1;
	v2 =	vld [tilespmem:s0+$0x8400];
	v14 =	vadd.f32 v0, v7;
	v15 =	vmul.f32 v8, v6  }
0x272: {  	v13 =	vld [tilespmem:s0+$0xC400]  }
0x273: {  	v11 =	vld [tilespmem:s0+$0x8410]  }
0x274: {  	v12 =	vld [tilespmem:s0+$0xC410]  }
0x275: {  	v8 =	vld [tilespmem:s0+$0x8420]  }
0x276: {  	v9 =	vld [tilespmem:s0+$0xC420]  }
0x277: {  	v0 =	vld [tilespmem:s0+$0x8430];
	s23 =	simm.s32 $0x2  }
0x278: {  	v6 =	vld [tilespmem:s0+$0xC430];
	_ =	swait.ge [sflag:s23], $0x4000  }
0x279: {  	[sflag:s23] =	ssyncset.done $0x0  }
0x27a: {  	[sflag:s23] =	ssyncadd.s32 $0xFFFFC000  }
0x27b: {  	_ =	swait.ge [sflag:s23], $0x4000  }
0x27c: {  	[sflag:s23] =	ssyncset.done $0x0  }
0x27d: {  	s24 =	simm.s32 $0x180;
	[sflag:s23] =	ssyncadd.s32 $0xFFFFC000  }
0x27e: {  	s25 =	simm.s32 $0x380;
	v7 =	vld [tilespmem:s24+$0x0]  }
0x27f: {  	v16 =	vld [tilespmem:s25+$0x0];
	_ =	sdelay $0x3  }
0x280: {  	v10 =	vshll.u32 v7, $0x4  }
0x281: {  	v63 =	vshll.u32 v16, $0x4;
	(v2sf) =	vpush v10, $0x0  }
0x282: {  	(v2sf) =	vpush v63, $0x0  }
0x283: {  	(v2sf) =	vpush v10, $0x1;
	_ =	sdelay $0x1  }
0x284: {  	(v2sf) =	vpush v63, $0x1  }
0x285: {  	(v2sf) =	vpush v10, $0x2;
	_ =	sdelay $0x1  }
0x286: {  	(v2sf) =	vpush v63, $0x2;
	_ =	sdelay $0x1  }
0x287: {  	(v2sf) =	vpush v10, $0x3  }
0x288: {  	s20 =	simm.s32 $0x0;
	s22 =	simm.s32 $0x2000  }
0x289: {  	s21 =	simm.s32 $0x0;
	s1 =	simm.s32 $0xC400;
	s2 =	simm.s32 $0x8680  }
0x28a: {  	s5 =	simm.s32 $0x8880;
	s6 =	simm.s32 $0x8400;
	s8 =	simm.s32 $0x8600  }
0x28b: {  	s0 =	simm.s32 $0xC900;
	s9 =	simm.s32 $0x8580;
	s12 =	simm.s32 $0xC480  }
0x28c: {  	s14 =	simm.s32 $0x8500;
	s17 =	simm.s32 $0xC500;
	s31 =	simm.s32 $0x8A00  }
0x28d: {  	s28 =	simm.s32 $0x190;
	s30 =	simm.s32 $0x8B00;
	s7 =	spop (v2sf);
	(v2sf) =	vpush v63, $0x3  }
0x28e: {  	s25 =	simm.s32 $0xC600;
	s7 =	sand.u32 $0x1FFFFFF0, s7;
	s10 =	spop (v2sf)  }
0x28f: {  	(v2sf) =	vpush v10, $0x4;
	s7 =	sadd.s32 s3, s7;
	s26 =	sand.u32 $0x1FFFFFF0, s10;
	s29 =	spop (v2sf)  }
0x290: {  	(v2sf) =	vpush v63, $0x4;
	[tilespmem:s6], [sflag:$0x2] =	stream.linear.gather [hbm4b:s7+s20], $0x80, $0x38;
	[tilespmem:$0x10A80] =	vst v63  }
0x291: {  	s6 =	simm.s32 $0xC580;
	s10 =	sand.u32 $0x1FFFFFF0, s29;
	s11 =	spop (v2sf)  }
0x292: {  	s7 =	sadd.s32 s4, s26;
	(v2sf) =	vpush v10, $0x5;
	s10 =	sadd.s32 s3, s10;
	s13 =	spop (v2sf)  }
0x293: {  	[tilespmem:s1], [sflag:$0x2] =	stream.linear.gather [hbm4b:s7+s20], $0x80, $0x38;
	[tilespmem:$0x10A80] =	vst v63  }
0x294: {  	s11 =	sand.u32 $0x1FFFFFF0, s11;
	(v2sf) =	vpush v63, $0x5;
	s7 =	simm.s32 $0x8480;
	s15 =	spop (v2sf)  }
0x295: {  	(v2sf) =	vpush v10, $0x6;
	[tilespmem:s7], [sflag:$0x2] =	stream.linear.gather [hbm4b:s10+s20], $0x80, $0x38;
	[tilespmem:$0x10A80] =	vst v63  }
0x296: {  	s16 =	spop (v2sf);
	s10 =	sadd.s32 s4, s11;
	s7 =	sand.u32 $0x1FFFFFF0, s13  }
0x297: {  	[tilespmem:s12], [sflag:$0x2] =	stream.linear.gather [hbm4b:s10+s20], $0x80, $0x38;
	[tilespmem:$0x10A80] =	vst v63  }
0x298: {  	s19 =	sand.u32 $0x1FFFFFF0, s16;
	s7 =	sadd.s32 s3, s7;
	s10 =	sand.u32 $0x1FFFFFF0, s15  }
0x299: {  	(v2sf) =	vpush v63, $0x6;
	[tilespmem:s14], [sflag:$0x2] =	stream.linear.gather [hbm4b:s7+s20], $0x80, $0x38;
	[tilespmem:$0x10A80] =	vst v63  }
0x29a: {  	s11 =	simm.s32 $0xCA00;
	s24 =	sadd.s32 s3, s19;
	s18 =	sadd.s32 s4, s10  }
0x29b: {  	[tilespmem:s17], [sflag:$0x2] =	stream.linear.gather [hbm4b:s18+s20], $0x80, $0x38;
	[tilespmem:$0x10A80] =	vst v63  }
0x29c: {  	s12 =	simm.s32 $0x8A80;
	s10 =	simm.s32 $0xC680;
	s23 =	spop (v2sf)  }
0x29d: {  	(v2sf) =	vpush v10, $0x7;
	[tilespmem:s9], [sflag:$0x2] =	stream.linear.gather [hbm4b:s24+s20], $0x80, $0x38;
	[tilespmem:$0x10A80] =	vst v63  }
0x29e: {  	s14 =	simm.s32 $0x8700;
	s1 =	sand.u32 $0x1FFFFFF0, s23;
	s26 =	spop (v2sf)  }
0x29f: {  	(v2sf) =	vpush v63, $0x7;
	s1 =	sadd.s32 s4, s1;
	s9 =	sand.u32 $0x1FFFFFF0, s26;
	s29 =	spop (v2sf)  }
0x2a0: {  	(v2sf) =	vpush v10, $0x8;
	[tilespmem:s6], [sflag:$0x2] =	stream.linear.gather [hbm4b:s1+s20], $0x80, $0x38;
	[tilespmem:$0x10A80] =	vst v63  }
0x2a1: {  	s6 =	sadd.s32 s3, s9;
	s9 =	sand.u32 $0x1FFFFFF0, s29;
	s13 =	spop (v2sf)  }
0x2a2: {  	(v2sf) =	vpush v63, $0x8;
	[tilespmem:s8], [sflag:$0x2] =	stream.linear.gather [hbm4b:s6+s20], $0x80, $0x38;
	[tilespmem:$0x10A80] =	vst v63  }
0x2a3: {  	(v2sf) =	vpush v10, $0x9;
	s15 =	sand.u32 $0x1FFFFFF0, s13;
	s16 =	spop (v2sf);
	s6 =	sadd.s32 s4, s9  }
0x2a4: {  	s7 =	sadd.s32 s3, s15;
	s8 =	sand.u32 $0x1FFFFFF0, s16;
	s17 =	spop (v2sf)  }
0x2a5: {  	(v2sf) =	vpush v63, $0x9;
	[tilespmem:s25], [sflag:$0x2] =	stream.linear.gather [hbm4b:s6+s20], $0x80, $0x38;
	[tilespmem:$0x10A80] =	vst v63  }
0x2a6: {  	s9 =	simm.s32 $0xCA80;
	s16 =	simm.s32 $0x8800;
	s19 =	sand.u32 $0x1FFFFFF0, s17;
	(v2sf) =	vpush v10, $0xA  }
0x2a7: {  	[tilespmem:s2], [sflag:$0x2] =	stream.linear.gather [hbm4b:s7+s20], $0x80, $0x38;
	[tilespmem:$0x10A80] =	vst v63  }
0x2a8: {  	s18 =	sadd.s32 s4, s8;
	s23 =	spop (v2sf);
	s24 =	sadd.s32 s3, s19;
	(v2sf) =	vpush v63, $0xA  }
0x2a9: {  	[tilespmem:s10], [sflag:$0x2] =	stream.linear.gather [hbm4b:s18+s20], $0x80, $0x38;
	[tilespmem:$0x10A80] =	vst v63  }
0x2aa: {  	s25 =	simm.s32 $0xC700;
	s1 =	sand.u32 $0x1FFFFFF0, s23;
	s6 =	simm.s32 $0x8780  }
0x2ab: {  	[tilespmem:s14], [sflag:$0x2] =	stream.linear.gather [hbm4b:s24+s20], $0x80, $0x38;
	[tilespmem:$0x10A80] =	vst v63  }
0x2ac: {  	s19 =	simm.s32 $0xC800;
	s1 =	sadd.s32 s4, s1;
	s26 =	spop (v2sf)  }
0x2ad: {  	[tilespmem:s25], [sflag:$0x2] =	stream.linear.gather [hbm4b:s1+s20], $0x80, $0x38;
	[tilespmem:$0x10A80] =	vst v63  }
0x2ae: {  	s2 =	simm.s32 $0xC980;
	(v2sf) =	vpush v10, $0xB;
	s7 =	sand.u32 $0x1FFFFFF0, s26;
	s29 =	spop (v2sf)  }
0x2af: {  	s14 =	simm.s32 $0xC780;
	s10 =	sadd.s32 s3, s7;
	s15 =	spop (v2sf)  }
0x2b0: {  	(v2sf) =	vpush v63, $0xB;
	[tilespmem:s6], [sflag:$0x2] =	stream.linear.gather [hbm4b:s10+s20], $0x80, $0x38;
	[tilespmem:$0x10A80] =	vst v63  }
0x2b1: {  	s25 =	simm.s32 $0xC880;
	s13 =	sand.u32 $0x1FFFFFF0, s29;
	s17 =	spop (v2sf)  }
0x2b2: {  	s7 =	sadd.s32 s4, s13;
	s6 =	sand.u32 $0x1FFFFFF0, s15;
	(v2sf) =	vpush v10, $0xC;
	s18 =	spop (v2sf)  }
0x2b3: {  	[tilespmem:s14], [sflag:$0x2] =	stream.linear.gather [hbm4b:s7+s20], $0x80, $0x38;
	[tilespmem:$0x10A80] =	vst v63  }
0x2b4: {  	s29 =	simm.s32 $0x8900;
	s6 =	sadd.s32 s3, s6;
	(v2sf) =	vpush v63, $0xC;
	s26 =	spop (v2sf)  }
0x2b5: {  	s7 =	sand.u32 $0x1FFFFFF0, s17;
	s24 =	sand.u32 $0x1FFFFFF0, s18;
	s8 =	spop (v2sf)  }
0x2b6: {  	[tilespmem:s16], [sflag:$0x2] =	stream.linear.gather [hbm4b:s6+s20], $0x80, $0x38;
	[tilespmem:$0x10A80] =	vst v63  }
0x2b7: {  	s23 =	sadd.s32 s4, s7;
	s7 =	sadd.s32 s3, s24;
	s10 =	spop (v2sf)  }
0x2b8: {  	v14 =	vadd.f32 v15, v14;
	v3 =	vmul.f32 v5, v3;
	[tilespmem:s19], [sflag:$0x2] =	stream.linear.gather [hbm4b:s23+s20], $0x80, $0x38;
	[tilespmem:$0x10A80] =	vst v63  }
0x2b9: {  	s6 =	sand.u32 $0x1FFFFFF0, s26;
	s26 =	simm.s32 $0x390;
	s14 =	sand.u32 $0x1FFFFFF0, s10  }
0x2ba: {  	v3 =	vadd.f32 v3, v14;
	v1 =	vmul.f32 v4, v1;
	[tilespmem:s5], [sflag:$0x2] =	stream.linear.gather [hbm4b:s7+s20], $0x80, $0x38;
	[tilespmem:$0x10A80] =	vst v63  }
0x2bb: {  	s6 =	sadd.s32 s4, s6;
	s16 =	sadd.s32 s4, s14;
	s7 =	sand.u32 $0x1FFFFFF0, s8  }
0x2bc: {  	v2 =	vmul.f32 v13, v2;
	v1 =	vadd.f32 v1, v3;
	[tilespmem:s25], [sflag:$0x2] =	stream.linear.gather [hbm4b:s6+s20], $0x80, $0x38;
	[tilespmem:$0x10A80] =	vst v63  }
0x2bd: {  	s19 =	simm.s32 $0x8980;
	s13 =	sadd.s32 s3, s7;
	s15 =	spop (v2sf)  }
0x2be: {  	v1 =	vadd.f32 v2, v1;
	v2 =	vmul.f32 v12, v11;
	[tilespmem:s29], [sflag:$0x2] =	stream.linear.gather [hbm4b:s13+s20], $0x80, $0x38;
	[tilespmem:$0x10A80] =	vst v63  }
0x2bf: {  	s5 =	simm.s32 $0xCB00;
	(v2sf) =	vpush v10, $0xD;
	s17 =	sand.u32 $0x1FFFFFF0, s15;
	s18 =	spop (v2sf)  }
0x2c0: {  	v1 =	vadd.f32 v2, v1;
	v2 =	vmul.f32 v9, v8;
	(v2sf) =	vpush v63, $0xD;
	[tilespmem:s0], [sflag:$0x2] =	stream.linear.gather [hbm4b:s16+s20], $0x80, $0x38;
	[tilespmem:$0x10A80] =	vst v63  }
0x2c1: {  	s23 =	sadd.s32 s3, s17;
	s24 =	sand.u32 $0x1FFFFFF0, s18;
	(v2sf) =	vpush v10, $0xE;
	s29 =	spop (v2sf)  }
0x2c2: {  	v0 =	vmul.f32 v6, v0;
	v1 =	vadd.f32 v2, v1;
	(v2sf) =	vpush v63, $0xE;
	[tilespmem:s19], [sflag:$0x2] =	stream.linear.gather [hbm4b:s23+s20], $0x80, $0x38;
	[tilespmem:$0x10A80] =	vst v63  }
0x2c3: {  	s25 =	sadd.s32 s4, s24;
	(v2sf) =	vpush v10, $0xF;
	s0 =	sand.u32 $0x1FFFFFF0, s29;
	s1 =	spop (v2sf)  }
0x2c4: {  	v0 =	vadd.f32 v0, v1;
	(v2sf) =	vpush v63, $0xF;
	[tilespmem:s2], [sflag:$0x2] =	stream.linear.gather [hbm4b:s25+s20], $0x80, $0x38;
	[tilespmem:$0x10A80] =	vst v63  }
.LBB2_12:
0x2c5: {  	_ =	sdelay $0x4  }
0x2c6: {  	s0 =	sadd.s32 s3, s0;
	s1 =	sand.u32 $0x1FFFFFF0, s1  }
0x2c7: {  	[tilespmem:s31], [sflag:$0x2] =	stream.linear.gather [hbm4b:s0+s20], $0x80, $0x38;
	[tilespmem:$0x10A80] =	vst v63  }
0x2c8: {  	s24 =	sadd.s32 s4, s1  }
0x2c9: {  	[tilespmem:s11], [sflag:$0x2] =	stream.linear.gather [hbm4b:s24+s20], $0x80, $0x38;
	[tilespmem:$0x10A80] =	vst v63  }
0x2ca: {  	s2 =	spop (v2sf)  }
0x2cb: {  	s25 =	sand.u32 $0x1FFFFFF0, s2;
	s29 =	spop (v2sf)  }
0x2cc: {  	s1 =	sadd.s32 s3, s25;
	s2 =	sand.u32 $0x1FFFFFF0, s29;
	s6 =	spop (v2sf)  }
0x2cd: {  	[tilespmem:s12], [sflag:$0x2] =	stream.linear.gather [hbm4b:s1+s20], $0x80, $0x38;
	[tilespmem:$0x10A80] =	vst v63  }
0x2ce: {  	s7 =	sadd.s32 s4, s2;
	s8 =	sand.u32 $0x1FFFFFF0, s6;
	s10 =	spop (v2sf)  }
0x2cf: {  	[tilespmem:s9], [sflag:$0x2] =	stream.linear.gather [hbm4b:s7+s20], $0x80, $0x38;
	[tilespmem:$0x10A80] =	vst v63  }
0x2d0: {  	s11 =	sadd.s32 s3, s8;
	s12 =	sand.u32 $0x1FFFFFF0, s10;
	s13 =	spop (v2sf)  }
0x2d1: {  	[tilespmem:s30], [sflag:$0x2] =	stream.linear.gather [hbm4b:s11+s20], $0x80, $0x38;
	[tilespmem:$0x10A80] =	vst v63  }
0x2d2: {  	s14 =	sadd.s32 s4, s12;
	s15 =	sand.u32 $0x1FFFFFF0, s13;
	s16 =	spop (v2sf)  }
0x2d3: {  	[tilespmem:s5], [sflag:$0x2] =	stream.linear.gather [hbm4b:s14+s20], $0x80, $0x38;
	[tilespmem:$0x10A80] =	vst v63  }
0x2d4: {  	s17 =	sadd.s32 $0x8B80, s21;
	s1 =	sadd.s32 s3, s15;
	s2 =	sand.u32 $0x1FFFFFF0, s16  }
0x2d5: {  	[tilespmem:s17], [sflag:$0x2] =	stream.linear.gather [hbm4b:s1+s20], $0x80, $0x38;
	[tilespmem:$0x10A80] =	vst v63  }
0x2d6: {  	s18 =	sadd.s32 $0xCB80, s21;
	s19 =	sadd.s32 s4, s2  }
0x2d7: {  	[tilespmem:s18], [sflag:$0x2] =	stream.linear.gather [hbm4b:s19+s20], $0x80, $0x38;
	[tilespmem:$0x10A80] =	vst v63  }
0x2d8: {  	v1 =	vld [tilespmem:s28+$0x0]  }
0x2d9: {  	v3 =	vld [tilespmem:s26+$0x0];
	_ =	sdelay $0x3  }
0x2da: {  	v2 =	vshll.u32 v1, $0x4  }
0x2db: {  	s21 =	smov.u32 s22;
	v1 =	vshll.u32 v3, $0x4;
	(v2sf) =	vpush v2, $0x0  }
0x2dc: {  	s21 =	sshra.s32 s21, $0x2;
	(v2sf) =	vpush v1, $0x0  }
0x2dd: {  	p0 =	sne.s32 s22, $0xE000;
	s0 =	sadd.s32 $0x8880, s21;
	(v2sf) =	vpush v2, $0x1  }
0x2de: {  	s22 =	sadd.s32 $0x2000, s22;
	s23 =	sadd.s32 $0xC900, s21;
	[dreg:$0xe] =	wrdreg s0  }
0x2df: {  	s31 =	sadd.s32 $0x8A00, s21;
	[dreg:$0x6] =	wrdreg s23;
	s24 =	sadd.s32 $0xCA00, s21;
	(v2sf) =	vpush v1, $0x1  }
0x2e0: {  	s23 =	sadd.s32 $0x8500, s21;
	[dreg:$0x1d] =	wrdreg s24;
	s25 =	sadd.s32 $0xC980, s21  }
0x2e1: {  	s0 =	sadd.s32 $0xC500, s21;
	s29 =	sadd.s32 $0xCA80, s21;
	[dreg:$0xa] =	wrdreg s25;
	(v2sf) =	vpush v2, $0x2  }
0x2e2: {  	s6 =	sadd.s32 $0x8600, s21;
	[smem:$0x7EF] =	sst s29;
	s10 =	sadd.s32 $0xC700, s21  }
0x2e3: {  	s8 =	sadd.s32 $0xC880, s21;
	s7 =	sadd.s32 $0x8680, s21;
	s12 =	sadd.s32 $0x8A80, s21;
	(v2sf) =	vpush v1, $0x2  }
0x2e4: {  	s13 =	sadd.s32 $0xC480, s21;
	[dreg:$0x16] =	wrdreg s8;
	s9 =	sadd.s32 $0x8900, s21  }
0x2e5: {  	s8 =	sadd.s32 $0xC780, s21;
	s15 =	sadd.s32 $0xC580, s21;
	[dreg:$0x12] =	wrdreg s9;
	(v2sf) =	vpush v2, $0x3  }
0x2e6: {  	s9 =	sadd.s32 $0x8780, s21;
	s16 =	sadd.s32 $0xC800, s21;
	s2 =	sadd.s32 $0x8580, s21  }
0x2e7: {  	s11 =	sadd.s32 $0x8700, s21;
	[dreg:$0x1b] =	wrdreg s16;
	s16 =	sadd.s32 $0x8480, s21;
	(v2sf) =	vpush v1, $0x3  }
0x2e8: {  	s30 =	sadd.s32 $0x8B00, s21;
	s14 =	sadd.s32 $0x8400, s21;
	s5 =	sadd.s32 $0xCB00, s21  }
0x2e9: {  	s1 =	sadd.s32 $0xC400, s21;
	s17 =	sadd.s32 $0xC680, s21;
	s18 =	sadd.s32 $0x8800, s21;
	(v2sf) =	vpush v2, $0x4  }
0x2ea: {  	s19 =	sadd.s32 $0xC600, s21;
	[smem:$0x7F0] =	sst s18;
	s18 =	spop (v2sf)  }
0x2eb: {  	s26 =	sadd.s32 $0x10, s26;
	s24 =	sand.u32 $0x1FFFFFF0, s18;
	s25 =	spop (v2sf);
	(v2sf) =	vpush v1, $0x4  }
0x2ec: {  	s24 =	sadd.s32 s3, s24;
	s25 =	sand.u32 $0x1FFFFFF0, s25;
	s29 =	spop (v2sf)  }
0x2ed: {  	(v2sf) =	vpush v2, $0x5;
	[tilespmem:s14], [sflag:$0x2] =	stream.linear.gather [hbm4b:s24+s20], $0x80, $0x38;
	[tilespmem:$0x10A80] =	vst v63  }
0x2ee: {  	s24 =	sadd.s32 s4, s25;
	s25 =	sand.u32 $0x1FFFFFF0, s29;
	s29 =	spop (v2sf)  }
0x2ef: {  	(v2sf) =	vpush v1, $0x5;
	[tilespmem:s1], [sflag:$0x2] =	stream.linear.gather [hbm4b:s24+s20], $0x80, $0x38;
	[tilespmem:$0x10A80] =	vst v63  }
0x2f0: {  	s24 =	sadd.s32 s3, s25;
	s25 =	sand.u32 $0x1FFFFFF0, s29;
	s29 =	spop (v2sf);
	(v2sf) =	vpush v2, $0x6  }
0x2f1: {  	[tilespmem:s16], [sflag:$0x2] =	stream.linear.gather [hbm4b:s24+s20], $0x80, $0x38;
	[tilespmem:$0x10A80] =	vst v63  }
0x2f2: {  	s16 =	sadd.s32 s4, s25;
	s25 =	sand.u32 $0x1FFFFFF0, s29;
	s29 =	spop (v2sf);
	(v2sf) =	vpush v1, $0x6  }
0x2f3: {  	[tilespmem:s13], [sflag:$0x2] =	stream.linear.gather [hbm4b:s16+s20], $0x80, $0x38;
	[tilespmem:$0x10A80] =	vst v63  }
0x2f4: {  	s24 =	sadd.s32 s3, s25;
	s25 =	sand.u32 $0x1FFFFFF0, s29;
	s29 =	spop (v2sf);
	(v2sf) =	vpush v2, $0x7  }
0x2f5: {  	[tilespmem:s23], [sflag:$0x2] =	stream.linear.gather [hbm4b:s24+s20], $0x80, $0x38;
	[tilespmem:$0x10A80] =	vst v63  }
0x2f6: {  	s13 =	sadd.s32 s4, s25;
	s16 =	sand.u32 $0x1FFFFFF0, s29;
	s23 =	spop (v2sf)  }
0x2f7: {  	(v2sf) =	vpush v1, $0x7;
	[tilespmem:s0], [sflag:$0x2] =	stream.linear.gather [hbm4b:s13+s20], $0x80, $0x38;
	[tilespmem:$0x10A80] =	vst v63  }
0x2f8: {  	s24 =	sadd.s32 s3, s16;
	s25 =	sand.u32 $0x1FFFFFF0, s23;
	s29 =	spop (v2sf)  }
0x2f9: {  	(v2sf) =	vpush v2, $0x8;
	[tilespmem:s2], [sflag:$0x2] =	stream.linear.gather [hbm4b:s24+s20], $0x80, $0x38;
	[tilespmem:$0x10A80] =	vst v63  }
0x2fa: {  	s14 =	sadd.s32 s4, s25;
	s16 =	sand.u32 $0x1FFFFFF0, s29;
	s23 =	spop (v2sf)  }
0x2fb: {  	[tilespmem:s15], [sflag:$0x2] =	stream.linear.gather [hbm4b:s14+s20], $0x80, $0x38;
	[tilespmem:$0x10A80] =	vst v63  }
0x2fc: {  	s28 =	sadd.s32 $0x10, s28;
	s24 =	sadd.s32 s3, s16;
	s29 =	spop (v2sf)  }
0x2fd: {  	(v2sf) =	vpush v1, $0x8;
	[tilespmem:s6], [sflag:$0x2] =	stream.linear.gather [hbm4b:s24+s20], $0x80, $0x38;
	[tilespmem:$0x10A80] =	vst v63  }
0x2fe: {  	s18 =	sadd.s32 $0x8980, s21;
	s25 =	sand.u32 $0x1FFFFFF0, s23;
	(v2sf) =	vpush v2, $0x9;
	s6 =	spop (v2sf)  }
0x2ff: {  	s1 =	sadd.s32 s4, s25;
	s2 =	sand.u32 $0x1FFFFFF0, s29;
	s15 =	spop (v2sf)  }
0x300: {  	[tilespmem:s19], [sflag:$0x2] =	stream.linear.gather [hbm4b:s1+s20], $0x80, $0x38;
	[tilespmem:$0x10A80] =	vst v63  }
0x301: {  	s13 =	sadd.s32 s3, s2;
	s14 =	sand.u32 $0x1FFFFFF0, s6;
	s23 =	spop (v2sf)  }
0x302: {  	(v2sf) =	vpush v1, $0x9;
	[tilespmem:s7], [sflag:$0x2] =	stream.linear.gather [hbm4b:s13+s20], $0x80, $0x38;
	[tilespmem:$0x10A80] =	vst v63  }
0x303: {  	s16 =	sadd.s32 s4, s14;
	s19 =	sand.u32 $0x1FFFFFF0, s15;
	s29 =	spop (v2sf)  }
0x304: {  	(v2sf) =	vpush v2, $0xA;
	s24 =	sadd.s32 s3, s19;
	s25 =	sand.u32 $0x1FFFFFF0, s23;
	s7 =	sand.u32 $0x1FFFFFF0, s29  }
0x305: {  	[tilespmem:s17], [sflag:$0x2] =	stream.linear.gather [hbm4b:s16+s20], $0x80, $0x38;
	[tilespmem:$0x10A80] =	vst v63  }
0x306: {  	(v2sf) =	vpush v1, $0xA;
	s6 =	sadd.s32 s4, s25;
	s14 =	sadd.s32 s3, s7;
	s13 =	spop (v2sf)  }
0x307: {  	[tilespmem:s11], [sflag:$0x2] =	stream.linear.gather [hbm4b:s24+s20], $0x80, $0x38;
	[tilespmem:$0x10A80] =	vst v63  }
0x308: {  	(v2sf) =	vpush v2, $0xB;
	s7 =	sld [smem:$0x7F0];
	s15 =	sand.u32 $0x1FFFFFF0, s13;
	s16 =	spop (v2sf)  }
0x309: {  	[tilespmem:s10], [sflag:$0x2] =	stream.linear.gather [hbm4b:s6+s20], $0x80, $0x38;
	[tilespmem:$0x10A80] =	vst v63  }
0x30a: {  	s11 =	rddreg [dreg:$0x1d];
	s17 =	sadd.s32 s4, s15;
	s19 =	sand.u32 $0x1FFFFFF0, s16  }
0x30b: {  	[tilespmem:s9], [sflag:$0x2] =	stream.linear.gather [hbm4b:s14+s20], $0x80, $0x38;
	[tilespmem:$0x10A80] =	vst v63  }
0x30c: {  	(v2sf) =	vpush v1, $0xB;
	s24 =	sadd.s32 s3, s19;
	s19 =	rddreg [dreg:$0xe];
	s23 =	spop (v2sf)  }
0x30d: {  	(v2sf) =	vpush v2, $0xC;
	s9 =	sld [smem:$0x7EF];
	s25 =	sand.u32 $0x1FFFFFF0, s23;
	s29 =	spop (v2sf)  }
0x30e: {  	[tilespmem:s8], [sflag:$0x2] =	stream.linear.gather [hbm4b:s17+s20], $0x80, $0x38;
	[tilespmem:$0x10A80] =	vst v63  }
0x30f: {  	(v2sf) =	vpush v1, $0xC;
	s14 =	rddreg [dreg:$0x1b];
	s8 =	sadd.s32 s4, s25;
	s10 =	sand.u32 $0x1FFFFFF0, s29  }
0x310: {  	[tilespmem:s7], [sflag:$0x2] =	stream.linear.gather [hbm4b:s24+s20], $0x80, $0x38;
	[tilespmem:$0x10A80] =	vst v63  }
0x311: {  	s29 =	rddreg [dreg:$0x16];
	s13 =	spop (v2sf);
	s15 =	sadd.s32 s3, s10  }
0x312: {  	[tilespmem:s14], [sflag:$0x2] =	stream.linear.gather [hbm4b:s8+s20], $0x80, $0x38;
	[tilespmem:$0x10A80] =	vst v63  }
0x313: {  	s16 =	sand.u32 $0x1FFFFFF0, s13;
	s17 =	spop (v2sf);
	s13 =	rddreg [dreg:$0x12]  }
0x314: {  	[tilespmem:s19], [sflag:$0x2] =	stream.linear.gather [hbm4b:s15+s20], $0x80, $0x38;
	[tilespmem:$0x10A80] =	vst v63  }
0x315: {  	s23 =	sadd.s32 s4, s16;
	s24 =	sand.u32 $0x1FFFFFF0, s17;
	s25 =	spop (v2sf)  }
0x316: {  	[tilespmem:s29], [sflag:$0x2] =	stream.linear.gather [hbm4b:s23+s20], $0x80, $0x38;
	[tilespmem:$0x10A80] =	vst v63  }
0x317: {  	s7 =	sadd.s32 s3, s24;
	s8 =	sand.u32 $0x1FFFFFF0, s25;
	s10 =	spop (v2sf)  }
0x318: {  	[tilespmem:s13], [sflag:$0x2] =	stream.linear.gather [hbm4b:s7+s20], $0x80, $0x38;
	[tilespmem:$0x10A80] =	vst v63  }
0x319: {  	s17 =	rddreg [dreg:$0x6];
	s14 =	sadd.s32 s4, s8;
	s15 =	sand.u32 $0x1FFFFFF0, s10  }
0x31a: {  	(v2sf) =	vpush v2, $0xD;
	[tilespmem:s17], [sflag:$0x2] =	stream.linear.gather [hbm4b:s14+s20], $0x80, $0x38;
	[tilespmem:$0x10A80] =	vst v63  }
.Ltmp5:
0x31b: {  	(v2sf) =	vpush v1, $0xD;
	s19 =	sadd.s32 s3, s15;
	s16 =	spop (v2sf);
	(pc) =	sbr.rel @p0 .LBB2_12-.Ltmp5, $4  }
0x31c: {  	(v2sf) =	vpush v2, $0xE;
	s29 =	rddreg [dreg:$0xa];
	s23 =	sand.u32 $0x1FFFFFF0, s16;
	s24 =	spop (v2sf)  }
0x31d: {  	(v2sf) =	vpush v1, $0xE;
	[tilespmem:s18], [sflag:$0x2] =	stream.linear.gather [hbm4b:s19+s20], $0x80, $0x38;
	[tilespmem:$0x10A80] =	vst v63  }
0x31e: {  	(v2sf) =	vpush v2, $0xF;
	s25 =	sadd.s32 s4, s23;
	s0 =	sand.u32 $0x1FFFFFF0, s24;
	s1 =	spop (v2sf)  }
0x31f: {  	(v2sf) =	vpush v1, $0xF;
	[tilespmem:s29], [sflag:$0x2] =	stream.linear.gather [hbm4b:s25+s20], $0x80, $0x38;
	[tilespmem:$0x10A80] =	vst v63  }
0x320: {  	_ =	sdelay $0x4  }
0x321: {  	s0 =	sadd.s32 s3, s0;
	s1 =	sand.u32 $0x1FFFFFF0, s1  }
0x322: {  	[tilespmem:s31], [sflag:$0x2] =	stream.linear.gather [hbm4b:s0+s20], $0x80, $0x38;
	[tilespmem:$0x10A80] =	vst v63  }
0x323: {  	s7 =	sadd.s32 s4, s1  }
0x324: {  	[tilespmem:s11], [sflag:$0x2] =	stream.linear.gather [hbm4b:s7+s20], $0x80, $0x38;
	[tilespmem:$0x10A80] =	vst v63  }
0x325: {  	s2 =	spop (v2sf)  }
0x326: {  	s8 =	sand.u32 $0x1FFFFFF0, s2;
	s10 =	spop (v2sf)  }
0x327: {  	s13 =	sadd.s32 s3, s8;
	s14 =	sand.u32 $0x1FFFFFF0, s10;
	s15 =	spop (v2sf)  }
0x328: {  	[tilespmem:s12], [sflag:$0x2] =	stream.linear.gather [hbm4b:s13+s20], $0x80, $0x38;
	[tilespmem:$0x10A80] =	vst v63  }
0x329: {  	s16 =	sadd.s32 s4, s14;
	s17 =	sand.u32 $0x1FFFFFF0, s15;
	s18 =	spop (v2sf)  }
0x32a: {  	[tilespmem:s9], [sflag:$0x2] =	stream.linear.gather [hbm4b:s16+s20], $0x80, $0x38;
	[tilespmem:$0x10A80] =	vst v63  }
0x32b: {  	s19 =	sadd.s32 s3, s17;
	s22 =	sand.u32 $0x1FFFFFF0, s18;
	s23 =	spop (v2sf)  }
0x32c: {  	[tilespmem:s30], [sflag:$0x2] =	stream.linear.gather [hbm4b:s19+s20], $0x80, $0x38;
	[tilespmem:$0x10A80] =	vst v63  }
0x32d: {  	s24 =	sadd.s32 s4, s22;
	s25 =	sand.u32 $0x1FFFFFF0, s23;
	s26 =	spop (v2sf)  }
0x32e: {  	[tilespmem:s5], [sflag:$0x2] =	stream.linear.gather [hbm4b:s24+s20], $0x80, $0x38;
	[tilespmem:$0x10A80] =	vst v63  }
0x32f: {  	s28 =	sadd.s32 $0x8B80, s21;
	s1 =	sadd.s32 s3, s25;
	s2 =	sand.u32 $0x1FFFFFF0, s26  }
0x330: {  	[tilespmem:s28], [sflag:$0x2] =	stream.linear.gather [hbm4b:s1+s20], $0x80, $0x38;
	[tilespmem:$0x10A80] =	vst v63  }
0x331: {  	s29 =	sadd.s32 $0xCB80, s21;
	s31 =	simm.s32 $0x0;
	s30 =	sadd.s32 s4, s2  }
0x332: {  	[tilespmem:s29], [sflag:$0x2] =	stream.linear.gather [hbm4b:s30+s20], $0x80, $0x38;
	[tilespmem:$0x10A80] =	vst v63  }
0x333: {  	v2 =	vld [tilespmem:s31+$0x400]  }
0x334: {  	v3 =	vld [tilespmem:s31+$0x4400]  }
0x335: {  	v6 =	vld [tilespmem:s31+$0x410]  }
0x336: {  	v7 =	vld [tilespmem:s31+$0x4410]  }
0x337: {  	v1 =	vld [tilespmem:s31+$0x420]  }
0x338: {  	v4 =	vld [tilespmem:s31+$0x4420]  }
0x339: {  	v5 =	vld [tilespmem:s31+$0x4430];
	v8 =	vmul.f32 v3, v2  }
0x33a: {  	s0 =	simm.s32 $0x80;
	v2 =	vld [tilespmem:s31+$0x430]  }
0x33b: {  	s1 =	simm.s32 $0x400;
	v3 =	vld [tilespmem:s0+$0x400];
	v6 =	vmul.f32 v7, v6;
	v0 =	vadd.f32 v8, v0  }
.LBB2_14:
0x33c: {  	p0 =	sne.s32 s1, $0xFE00;
	v7 =	vld [tilespmem:s0+$0x4400]  }
0x33d: {  	v8 =	vld [tilespmem:s0+$0x410];
	v0 =	vadd.f32 v6, v0;
	v4 =	vmul.f32 v4, v1  }
0x33e: {  	v6 =	vld [tilespmem:s0+$0x4410]  }
.Ltmp6:
0x33f: {  	v1 =	vld [tilespmem:s0+$0x420];
	v0 =	vadd.f32 v4, v0;
	v5 =	vmul.f32 v5, v2;
	(pc) =	sbr.rel @p0 .LBB2_14-.Ltmp6, $4  }
0x340: {  	v4 =	vld [tilespmem:s0+$0x4420]  }
0x341: {  	v7 =	vmul.f32 v7, v3;
	v2 =	vld [tilespmem:s0+$0x430];
	v0 =	vadd.f32 v5, v0  }
0x342: {  	v5 =	vld [tilespmem:s0+$0x4430];
	s0 =	sshra.s32 s1, $0x2  }
0x343: {  	s1 =	sadd.s32 $0x200, s1;
	v3 =	vld [tilespmem:s0+$0x400];
	v0 =	vadd.f32 v7, v0;
	v6 =	vmul.f32 v6, v8  }
0x344: {  	v7 =	vld [tilespmem:s0+$0x4400]  }
0x345: {  	v8 =	vld [tilespmem:s0+$0x410]  }
0x346: {  	v9 =	vld [tilespmem:s0+$0x4410]  }
0x347: {  	v10 =	vld [tilespmem:s0+$0x420]  }
0x348: {  	v11 =	vld [tilespmem:s0+$0x4420]  }
0x349: {  	v12 =	vld [tilespmem:s0+$0x430];
	s31 =	simm.s32 $0x2  }
0x34a: {  	v13 =	vld [tilespmem:s0+$0x4430];
	v0 =	vadd.f32 v6, v0;
	v1 =	vmul.f32 v4, v1;
	_ =	swait.ge [sflag:s31], $0x4000  }
0x34b: {  	[sflag:s31] =	ssyncset.done $0x0  }
0x34c: {  	v0 =	vadd.f32 v1, v0;
	v1 =	vmul.f32 v5, v2;
	[sflag:s31] =	ssyncadd.s32 $0xFFFFC000  }
0x34d: {  	_ =	swait.ge [sflag:s31], $0x4000  }
0x34e: {  	v2 =	vmul.f32 v7, v3;
	v0 =	vadd.f32 v1, v0;
	[sflag:s31] =	ssyncset.done $0x0  }
0x34f: {  	s1 =	simm.s32 $0x0;
	[sflag:s31] =	ssyncadd.s32 $0xFFFFC000  }
0x350: {  	v1 =	vmul.f32 v9, v8;
	v0 =	vadd.f32 v2, v0;
	v2 =	vld [tilespmem:s1+$0x8400]  }
0x351: {  	v4 =	vld [tilespmem:s1+$0xC400]  }
0x352: {  	v6 =	vld [tilespmem:s1+$0x8410];
	v0 =	vadd.f32 v1, v0;
	v1 =	vmul.f32 v11, v10  }
0x353: {  	v7 =	vld [tilespmem:s1+$0xC410]  }
0x354: {  	v5 =	vmul.f32 v13, v12;
	v3 =	vld [tilespmem:s1+$0xC420];
	v1 =	vadd.f32 v1, v0  }
0x355: {  	v0 =	vld [tilespmem:s1+$0x8420]  }
0x356: {  	v8 =	vmul.f32 v4, v2;
	v4 =	vld [tilespmem:s1+$0xC430];
	v5 =	vadd.f32 v5, v1  }
0x357: {  	s0 =	simm.s32 $0x80;
	v1 =	vld [tilespmem:s1+$0x8430]  }
0x358: {  	s12 =	simm.s32 $0x0;
	s5 =	simm.s32 $0x3;
	v2 =	vld [tilespmem:s0+$0x8400];
	v6 =	vmul.f32 v7, v6;
	s1 =	simm.s32 $0x400;
	v5 =	vadd.f32 v8, v5  }
.LBB2_16:
0x359: {  	p0 =	sne.s32 s1, $0xFE00;
	v7 =	vld [tilespmem:s0+$0xC400]  }
0x35a: {  	v8 =	vld [tilespmem:s0+$0x8410];
	v5 =	vadd.f32 v6, v5;
	v3 =	vmul.f32 v3, v0  }
0x35b: {  	v6 =	vld [tilespmem:s0+$0xC410]  }
.Ltmp7:
0x35c: {  	v0 =	vld [tilespmem:s0+$0x8420];
	v5 =	vadd.f32 v3, v5;
	v4 =	vmul.f32 v4, v1;
	(pc) =	sbr.rel @p0 .LBB2_16-.Ltmp7, $4  }
0x35d: {  	v3 =	vld [tilespmem:s0+$0xC420]  }
0x35e: {  	v7 =	vmul.f32 v7, v2;
	v1 =	vld [tilespmem:s0+$0x8430];
	v5 =	vadd.f32 v4, v5  }
0x35f: {  	v4 =	vld [tilespmem:s0+$0xC430];
	s0 =	sshra.s32 s1, $0x2  }
0x360: {  	s1 =	sadd.s32 $0x200, s1;
	v2 =	vld [tilespmem:s0+$0x8400];
	v5 =	vadd.f32 v7, v5;
	v6 =	vmul.f32 v6, v8  }
0x361: {  	v7 =	vld [tilespmem:s0+$0xC400]  }
0x362: {  	v8 =	vld [tilespmem:s0+$0x8410];
	v5 =	vadd.f32 v6, v5;
	v0 =	vmul.f32 v3, v0  }
0x363: {  	v3 =	vld [tilespmem:s0+$0xC410]  }
0x364: {  	v61 =	vld [tilespmem:s0+$0x8420];
	v0 =	vadd.f32 v0, v5;
	v1 =	vmul.f32 v4, v1  }
0x365: {  	v62 =	vld [tilespmem:s0+$0xC420]  }
0x366: {  	v63 =	vld [tilespmem:s0+$0x8430];
	v2 =	vmul.f32 v7, v2;
	v0 =	vadd.f32 v1, v0  }
0x367: {  	v1 =	vld [tilespmem:s0+$0xC430]  }
0x368: {  	v0 =	vadd.f32 v2, v0;
	v2 =	vmul.f32 v3, v8;
	_ =	sdelay $0x1  }
0x369: {  	v0 =	vadd.f32 v2, v0;
	v2 =	vmul.f32 v62, v61;
	_ =	sdelay $0x1  }
0x36a: {  	v1 =	vmul.f32 v1, v63;
	v0 =	vadd.f32 v2, v0;
	_ =	sdelay $0x1  }
0x36b: {  	s1 =	sld [smem:$0x7FB];
	v0 =	vadd.f32 v1, v0;
	_ =	sdelay $0x1  }
0x36c: {  	s30 =	simm.s32 $0x0;
	s2 =	simm.s32 $0x10A00;
	[tilespmem:$0x10A00] =	vst v0  }
0x36d: {  	[hbm4b:s1+s30] =	stream.linear.scatter [tilespmem:s2], [sflag:$0x3], $0x80, $0x38;
	[tilespmem:$0x10A80] =	vst v63  }
0x36e: {  	_ =	swait.ge [sflag:s5], $0x80  }
0x36f: {  	[sflag:s5] =	ssyncset.done $0x0  }
0x370: {  	s31 =	simm.s32 $0x1;
	[sflag:s5] =	ssyncadd.s32 $0xFFFFFF80  }
0x371: {  	_ =	swait.ge [sflag:s31], $0x200  }
0x372: {  	[sflag:s31] =	ssyncset.done $0x0  }
0x373: {  	[sflag:s31] =	ssyncadd.s32 $0xFFFFFE00  }
0x374: {  	_ =	swait.ge [sflag:s31], $0x200  }
0x375: {  	[sflag:s31] =	ssyncset.done $0x0  }
0x376: {  	s0 =	simm.s32 $0x0;
	[sflag:s31] =	ssyncadd.s32 $0xFFFFFE00  }
0x377: {  	v0 =	vld [tilespmem:s0+$0x10400]  }
0x378: {  	s1 =	simm.s32 $0x40;
	v1 =	vld [tilespmem:s0+$0x10600]  }
.LBB2_18:
0x379: {  	_ = 	snop  }
0x37a: {  	p0 =	sne.s32 s1, $0x7C0  }
.Ltmp8:
0x37b: {  	_ = 	snop;
	(pc) =	sbr.rel @p0 .LBB2_18-.Ltmp8, $4  }
0x37c: {  	_ = 	snop  }
0x37d: {  	s2 =	sshra.s32 s1, $0x2;
	v2 =	vadd.f32 v1, v0  }
0x37e: {  	v0 =	vld [tilespmem:s2+$0x10400]  }
0x37f: {  	s1 =	sadd.s32 $0x40, s1;
	v1 =	vld [tilespmem:s2+$0x10600];
	[tilespmem:s0+$0x10800] =	vst v2;
	s0 =	smov.u32 s2  }
0x380: {  	_ =	sdelay $0x3  }
0x381: {  	s29 =	sld [smem:$0x7FC];
	v0 =	vadd.f32 v1, v0;
	_ =	sdelay $0x1  }
0x382: {  	s1 =	simm.s32 $0x10800;
	[tilespmem:s0+$0x10800] =	vst v0  }
0x383: {  	[hbm4b:s29+s12] =	stream.linear.scatter [tilespmem:s1], [sflag:$0x3], $0x200, $0x38;
	[tilespmem:$0x10A80] =	vst v63  }
0x384: {  	_ =	swait.ge [sflag:s5], $0x200  }
0x385: {  	s30 =	sld [smem:$0x7F6]  }
0x386: {  	s31 =	sld [smem:$0x7FD];
	_ =	sdelay $0x1  }
0x387: {  	s1 =	sadd.s32 $0x1, s30  }
0x388: {  	p0 =	sne.s32 s1, s31  }
.Ltmp9:
0x389: {  	_ = 	snop;
	(pc) =	sbr.rel @p0 .LBB2_1-.Ltmp9, $3  }
0x38a: {  	_ =	sdelay $0x1  }
0x38b: {  	[sflag:s5] =	ssyncset.done $0x0  }
0x38c: {  	[sflag:s5] =	ssyncadd.s32 $0xFFFFFE00  }
0x38d: {  	_ =	sfence.sel $0x180000  }
0x38e: {  	[bflag:$0x0] =	sbarrier.arrive $0xFFFF  }
0x38f: {  	_ =	strace $0x90000047  }
0x390: {  	s0 =	stileid.u32;
	[bflag:$0x2] =	sbarrier.arrive $0xFFFF  }
0x391: {  	p0 =	sne.s32 s0, $0x0;
	s0 =	rddreg [dreg:$0x2]  }
0x392: {  	s0 =	sadd.s32 @!p0 $0x100000, s0  }
0x393: {  	[sflag:s0] =	ssyncadd.tile.s32 @!p0 $0x1;
	_ =	shalt  }
.Lfunc_end2:
_tile_overlayer_lowered:
.L_overlay_start_2:
0x394: {  	(tag) =	ssettag $0x2  }
0x395: {  	s0 =	rddreg [dreg:$0x0];
	s2 =	stileid.u32  }
0x396: {  	s1 =	rddreg [dreg:$0x1];
	p0 =	sne.s32 s2, $0x0  }
0x397: {  	s3 =	rddreg [dreg:$0x2];
	[bflag:$0x3] =	sbarrier.arrive $0xFFFF;
	s2 =	simm.s32 @!p0 $0x1C03  }
0x398: {  	[timem:s3], [sflag:s2] =	dma.local @!p0 [hbm:s0], s1  }
0x399: {  	s0 =	simm.s32 @!p0 $0x3  }
0x39a: {  	_ =	swait.ge @!p0 [sflag:s0], s1  }
0x39b: {  	s1 =	ssub.s32 @!p0 $0x0, s1;
	[sflag:s0] =	ssyncset.done @!p0 $0x0  }
0x39c: {  	[sflag:s0] =	ssyncadd.s32 @!p0 s1  }
0x39d: {  	[bflag:$0x3] =	sbarrier.arrive $0xFFFF  }
0x39e: {  	_ =	shalt  }

</sc_bundles>
